<compile_context>
chip_gen: v7x
topology: tpu7x:2x2x1
jax: 0.10.2.dev20260603
libtpu: 0.0.44.dev20260713+nightly
codegen_flags: <defaults>
</compile_context>

<pallas_src>
import jax
import jax.numpy as jnp
from jax import lax
from jax.experimental import pallas as pl
from jax.experimental.pallas import tpu as pltpu
from jax.experimental.pallas import tpu_sc as plsc

N_NODES = 10000
N_EDGES = 320000
D_IN = 128
D_HID = 256
D_EMB = 128

_NC, _NS = 2, 16
_NW = _NC * _NS
_EPW = N_EDGES // _NW
_C = 80
_NCHUNK = _EPW // _C
_RPT = 624
_RTAIL = N_NODES - _NS * _RPT
_RSTG = 48
_NSTG = _RPT // _RSTG

_MESH = plsc.VectorSubcoreMesh(
    core_axis_name="c", subcore_axis_name="s", num_cores=_NC,
    num_subcores=_NS)


def _seg_partial_body(feat, src, dst, zrow, part_out,
                      agg_sh, src_v, dst_v, rows_v, sem):
    c = lax.axis_index("c")
    s = lax.axis_index("s")
    r0 = s * _RPT
    t0 = _NS * _RPT
    zbuf = rows_v.at[pl.ds(0, _RSTG)]
    pltpu.sync_copy(zrow, zbuf)
    for r in range(_NSTG):
        pltpu.sync_copy(zbuf, agg_sh.at[pl.ds(r0 + r * _RSTG, _RSTG)])

    @pl.when(s == _NS - 1)
    def _():
        pltpu.sync_copy(rows_v.at[pl.ds(0, _RTAIL)],
                        agg_sh.at[pl.ds(t0, _RTAIL)])

    plsc.subcore_barrier()

    ebase = (c * _NS + s) * _EPW

    @pl.loop(0, _NCHUNK)
    def _chunk(i):
        b = ebase + i * _C
        pltpu.sync_copy(src.at[pl.ds(b, _C)], src_v)
        pltpu.sync_copy(dst.at[pl.ds(b, _C)], dst_v)
        pltpu.async_copy(feat.at[src_v], rows_v, sem).wait()
        pltpu.sync_copy(rows_v, agg_sh.at[dst_v], add=True)

    plsc.subcore_barrier()
    for r in range(_NSTG):
        o = r0 + r * _RSTG
        pltpu.sync_copy(agg_sh.at[pl.ds(o, _RSTG)], zbuf)
        pltpu.sync_copy(zbuf, part_out.at[c, pl.ds(o, _RSTG)])

    @pl.when(s == _NS - 1)
    def _():
        pltpu.sync_copy(agg_sh.at[pl.ds(t0, _RTAIL)],
                        rows_v.at[pl.ds(0, _RTAIL)])
        pltpu.sync_copy(rows_v.at[pl.ds(0, _RTAIL)],
                        part_out.at[c, pl.ds(t0, _RTAIL)])


_seg_partial = pl.kernel(
    _seg_partial_body,
    out_type=(jax.ShapeDtypeStruct((_NC, N_NODES, D_IN), jnp.float32),),
    mesh=_MESH,
    scratch_types=(pltpu.VMEM_SHARED((N_NODES, D_IN), jnp.float32),
                   pltpu.VMEM((_C,), jnp.int32),
                   pltpu.VMEM((_C,), jnp.int32),
                   pltpu.VMEM((_C, D_IN), jnp.float32),
                   pltpu.SemaphoreType.DMA),
    name="sc_seg_partial")


def _cnt_partial_body(dst, ones, zrow, cnt_out,
                      cnt_sh, dst_v, ones_v, zbuf, sem):
    c = lax.axis_index("c")
    s = lax.axis_index("s")
    r0 = s * _RPT
    t0 = _NS * _RPT
    pltpu.sync_copy(zrow, zbuf)
    pltpu.sync_copy(ones, ones_v)
    for r in range(_NSTG):
        pltpu.sync_copy(zbuf, cnt_sh.at[pl.ds(r0 + r * _RSTG, _RSTG)])

    @pl.when(s == _NS - 1)
    def _():
        pltpu.sync_copy(zbuf.at[pl.ds(0, _RTAIL)],
                        cnt_sh.at[pl.ds(t0, _RTAIL)])

    plsc.subcore_barrier()

    ebase = (c * _NS + s) * _EPW

    @pl.loop(0, _NCHUNK)
    def _chunk(i):
        b = ebase + i * _C
        pltpu.sync_copy(dst.at[pl.ds(b, _C)], dst_v)
        pltpu.sync_copy(ones_v, cnt_sh.at[dst_v], add=True)

    plsc.subcore_barrier()
    for r in range(_NSTG):
        o = r0 + r * _RSTG
        pltpu.sync_copy(cnt_sh.at[pl.ds(o, _RSTG)], zbuf)
        pltpu.sync_copy(zbuf, cnt_out.at[c, pl.ds(o, _RSTG)])

    @pl.when(s == _NS - 1)
    def _():
        pltpu.sync_copy(cnt_sh.at[pl.ds(t0, _RTAIL)],
                        zbuf.at[pl.ds(0, _RTAIL)])
        pltpu.sync_copy(zbuf.at[pl.ds(0, _RTAIL)],
                        cnt_out.at[c, pl.ds(t0, _RTAIL)])


_cnt_partial = pl.kernel(
    _cnt_partial_body,
    out_type=(jax.ShapeDtypeStruct((_NC, N_NODES, D_IN), jnp.float32),),
    mesh=_MESH,
    scratch_types=(pltpu.VMEM_SHARED((N_NODES, D_IN), jnp.float32),
                   pltpu.VMEM((_C,), jnp.int32),
                   pltpu.VMEM((_C, D_IN), jnp.float32),
                   pltpu.VMEM((_RSTG, D_IN), jnp.float32),
                   pltpu.SemaphoreType.DMA),
    name="sc_cnt_partial")


_BR = 1000
_NBLK = N_NODES // _BR


def _tc_pre_bn_body(p0, p1, c0, c1, x, W1l, b1l, W1r,
                    hpre_out, invcnt_out, stats_out, acc):
    i = pl.program_id(0)
    cnt = c0[0][:, 0:1] + c1[0][:, 0:1]
    inv = 1.0 / jnp.maximum(cnt, 1.0)
    agg = (p0[0] + p1[0]) * inv
    hp = agg @ W1l[...] + b1l[...] + x[...] @ W1r[...]
    hpre_out[...] = hp
    invcnt_out[...] = jnp.broadcast_to(inv, (inv.shape[0], 8))

    @pl.when(i == 0)
    def _():
        acc[...] = jnp.zeros_like(acc)

    acc[0:1, :] = acc[0:1, :] + jnp.sum(hp, axis=0, keepdims=True)
    acc[1:2, :] = acc[1:2, :] + jnp.sum(hp * hp, axis=0, keepdims=True)

    @pl.when(i == _NBLK - 1)
    def _():
        stats_out[...] = acc[...]


def _tc_bn_g_body(hpre, stats, bn_g, bn_b, W2l, W2r, g_out, r2_out):
    mu = stats[0:1, :] / float(N_NODES)
    var = stats[1:2, :] / float(N_NODES) - mu * mu
    scale = bn_g[...] / jnp.sqrt(var + 1e-5)
    h = jnp.maximum((hpre[...] - mu) * scale + bn_b[...], 0.0)
    g_out[...] = h @ W2l[...]
    r2_out[...] = h @ W2r[...]


def _tc_head_body(p0, p1, invcnt, r2, b2l, Wp1, bp1, Wp2, bp2,
                  emb_out, proj_out):
    inv = invcnt[:, 0:1]
    emb = (p0[0] + p1[0]) * inv + b2l[...] + r2[...]
    emb_out[...] = emb
    t = jnp.maximum(emb @ Wp1[...] + bp1[...], 0.0)
    proj_out[...] = t @ Wp2[...] + bp2[...]


def _full(shape):
    return pl.BlockSpec(shape, lambda i: (0,) * len(shape))


def _rows(width):
    return pl.BlockSpec((_BR, width), lambda i: (i, 0))


def _part(width):
    return [pl.BlockSpec((1, _BR, width), lambda i: (0, i, 0)),
            pl.BlockSpec((1, _BR, width), lambda i: (1, i, 0))]


def kernel(x, edge_index, W1l, b1l, W1r, bn_g, bn_b, W2l, b2l, W2r,
           Wp1, bp1, Wp2, bp2):
    src = edge_index[0]
    dst = edge_index[1]

    zrow = jnp.zeros((_RSTG, D_IN), jnp.float32)
    ones = jnp.ones((_C, D_IN), jnp.float32)
    part1, = _seg_partial(x, src, dst, zrow)
    cntp, = _cnt_partial(dst, ones, zrow)

    hpre, invcnt, stats = pl.pallas_call(
        _tc_pre_bn_body,
        grid=(_NBLK,),
        in_specs=[*_part(D_IN), *_part(D_IN), _rows(D_IN),
                  _full((D_IN, D_HID)), _full((1, D_HID)),
                  _full((D_IN, D_HID))],
        out_specs=[_rows(D_HID), _rows(8), _full((8, D_HID))],
        out_shape=[jax.ShapeDtypeStruct((N_NODES, D_HID), jnp.float32),
                   jax.ShapeDtypeStruct((N_NODES, 8), jnp.float32),
                   jax.ShapeDtypeStruct((8, D_HID), jnp.float32)],
        scratch_shapes=[pltpu.VMEM((8, D_HID), jnp.float32)],
    )(part1, part1, cntp, cntp, x, W1l, b1l.reshape(1, -1), W1r)

    g, r2 = pl.pallas_call(
        _tc_bn_g_body,
        grid=(_NBLK,),
        in_specs=[_rows(D_HID), _full((8, D_HID)), _full((1, D_HID)),
                  _full((1, D_HID)), _full((D_HID, D_EMB)),
                  _full((D_HID, D_EMB))],
        out_specs=[_rows(D_EMB), _rows(D_EMB)],
        out_shape=[jax.ShapeDtypeStruct((N_NODES, D_EMB), jnp.float32),
                   jax.ShapeDtypeStruct((N_NODES, D_EMB), jnp.float32)],
    )(hpre, stats, bn_g.reshape(1, -1), bn_b.reshape(1, -1), W2l, W2r)

    part2, = _seg_partial(g, src, dst, zrow)

    dp1 = Wp1.shape[1]
    dp2 = Wp2.shape[1]
    emb, proj = pl.pallas_call(
        _tc_head_body,
        grid=(_NBLK,),
        in_specs=[*_part(D_EMB), _rows(8), _rows(D_EMB),
                  _full((1, D_EMB)), _full((D_EMB, dp1)), _full((1, dp1)),
                  _full((dp1, dp2)), _full((1, dp2))],
        out_specs=[_rows(D_EMB), _rows(dp2)],
        out_shape=[jax.ShapeDtypeStruct((N_NODES, D_EMB), jnp.float32),
                   jax.ShapeDtypeStruct((N_NODES, dp2), jnp.float32)],
    )(part2, part2, invcnt, r2, b2l.reshape(1, -1), Wp1,
      bp1.reshape(1, -1), Wp2, bp2.reshape(1, -1))

    return emb, proj

# --- scband reference (transcript-rebuilt; emitter-appended) ---
"""Pipeline reference for scband-graph-sagecontrastive-48318382080416 (READ-ONLY COPY).

The authoritative reference and input builder live on the scoring server;
editing this copy changes nothing except your own understanding.
"""

import jax, jax.numpy as jnp
import numpy as np

N_NODES = 10000
N_EDGES = 320000
D_IN = 128
D_HID = 256
D_EMB = 128
D_PROJ = 64


def setup_inputs(seed: int = 0) -> dict:
    key = jax.random.key(seed)
    ks = jax.random.split(key, 16)
    x = jax.random.normal(ks[0], (N_NODES, D_IN), dtype=jnp.float32)
    edge_index = jax.random.randint(ks[1], (2, N_EDGES), 0, N_NODES, dtype=jnp.int64 if jax.config.jax_enable_x64 else jnp.int32).astype(jnp.int32)
    def glorot(k, fan_in, fan_out):
        scale = jnp.sqrt(6.0 / (fan_in + fan_out))
        return jax.random.uniform(k, (fan_in, fan_out), minval=-scale, maxval=scale, dtype=jnp.float32)
    return {
        'x': x,
        'edge_index': edge_index,
        'W1l': glorot(ks[2], D_IN, D_HID), 'b1l': jnp.zeros((D_HID,), jnp.float32), 'W1r': glorot(ks[3], D_IN, D_HID),
        'bn_g': jnp.ones((D_HID,), jnp.float32), 'bn_b': jnp.zeros((D_HID,), jnp.float32),
        'W2l': glorot(ks[4], D_HID, D_EMB), 'b2l': jnp.zeros((D_EMB,), jnp.float32), 'W2r': glorot(ks[5], D_HID, D_EMB),
        'Wp1': glorot(ks[6], D_EMB, D_HID // 2), 'bp1': jnp.zeros((D_HID // 2,), jnp.float32),
        'Wp2': glorot(ks[7], D_HID // 2, D_PROJ), 'bp2': jnp.zeros((D_PROJ,), jnp.float32),
    }


def _sage_conv(x, src, dst, Wl, bl, Wr, num_nodes):
    # PyG SAGEConv with mean aggregation: out = lin_l(mean_j x_j) + lin_r(x_i)
    msg = jnp.take(x, src, axis=0)
    agg = jax.ops.segment_sum(msg, dst, num_segments=num_nodes)
    cnt = jax.ops.segment_sum(jnp.ones((src.shape[0],), jnp.float32), dst, num_segments=num_nodes)
    agg = agg / jnp.maximum(cnt, 1.0)[:, None]
    return agg @ Wl + bl + x @ Wr


def reference(x, edge_index, W1l, b1l, W1r, bn_g, bn_b, W2l, b2l, W2r, Wp1, bp1, Wp2, bp2):
    src = edge_index[0]
    dst = edge_index[1]
    n = x.shape[0]
    h = _sage_conv(x, src, dst, W1l, b1l, W1r, n)
    # BatchNorm1d (training mode, batch statistics)
    mu = jnp.mean(h, axis=0)
    var = jnp.var(h, axis=0)
    h = (h - mu) / jnp.sqrt(var + 1e-5) * bn_g + bn_b
    h = jax.nn.relu(h)
    # dropout is identity in deterministic reference (eval mode)
    emb = _sage_conv(h, src, dst, W2l, b2l, W2r, n)
    proj = jax.nn.relu(emb @ Wp1 + bp1) @ Wp2 + bp2
    return emb, proj

if __name__ == "__main__":
    import jax
    _d = setup_inputs()
    print(jax.jit(kernel)(*tuple(_d.values())))

</pallas_src>

<mosaic_0001>
#map = affine_map<(d0, d1) -> (0)>
#map1 = affine_map<(d0, d1) -> (0, 0)>
#map2 = affine_map<(d0, d1) -> (0, 0, 0)>
module attributes {stable_mosaic.version = 14 : i64} {
  func.func @sc_cnt_partial(%arg0: i32, %arg1: i32, %arg2: memref<320000xi32, #tpu.memory_space<hbm>>, %arg3: memref<80x128xf32, #tpu.memory_space<hbm>>, %arg4: memref<48x128xf32, #tpu.memory_space<hbm>>, %arg5: memref<2x10000x128xf32, #tpu.memory_space<hbm>>, %arg6: memref<10000x128xf32, #tpu.memory_space<vmem_shared>>, %arg7: memref<80xi32, #tpu.memory_space<vmem>>, %arg8: memref<80x128xf32, #tpu.memory_space<vmem>>, %arg9: memref<48x128xf32, #tpu.memory_space<vmem>>, %arg10: memref<!tpu.dma_semaphore, #tpu.memory_space<semaphore_mem>>) attributes {dimension_semantics = [#tpu.dimension_semantics<core_parallel>, #tpu.dimension_semantics<subcore_parallel>], iteration_bounds = array<i64: 2, 16>, scalar_prefetch = 0 : i64, scratch_operands = 5 : i64, tpu.core_type = #tpu.core_type<sc_vector_subcore>, window_params = [{transform_indices = #map}, {transform_indices = #map1}, {transform_indices = #map1}, {transform_indices = #map2}]} {
    %mul3A = arith.constant 624 : i32
    %mul3A_0 = arith.muli %arg1, %mul3A : i32
    "tpu.region"() ({
      %run_scoped3A = tpu.sem_alloc : memref<!tpu.dma_semaphore, #tpu.memory_space<semaphore_mem>>
      tpu.enqueue_dma source(%arg4 : memref<48x128xf32, #tpu.memory_space<hbm>>) target(%arg9 : memref<48x128xf32, #tpu.memory_space<vmem>>) target_semaphore(%run_scoped3A : memref<!tpu.dma_semaphore, #tpu.memory_space<semaphore_mem>>)
      tpu.wait_dma2 semaphore(%run_scoped3A : memref<!tpu.dma_semaphore, #tpu.memory_space<semaphore_mem>>) src(%arg4 : memref<48x128xf32, #tpu.memory_space<hbm>>) dst(%arg9 : memref<48x128xf32, #tpu.memory_space<vmem>>)
      tpu.yield
    }) : () -> ()
    "tpu.region"() ({
      %run_scoped3A = tpu.sem_alloc : memref<!tpu.dma_semaphore, #tpu.memory_space<semaphore_mem>>
      tpu.enqueue_dma source(%arg3 : memref<80x128xf32, #tpu.memory_space<hbm>>) target(%arg8 : memref<80x128xf32, #tpu.memory_space<vmem>>) target_semaphore(%run_scoped3A : memref<!tpu.dma_semaphore, #tpu.memory_space<semaphore_mem>>)
      tpu.wait_dma2 semaphore(%run_scoped3A : memref<!tpu.dma_semaphore, #tpu.memory_space<semaphore_mem>>) src(%arg3 : memref<80x128xf32, #tpu.memory_space<hbm>>) dst(%arg8 : memref<80x128xf32, #tpu.memory_space<vmem>>)
      tpu.yield
    }) : () -> ()
    %add3A = arith.constant 0 : i32
    %add3A_1 = arith.addi %mul3A_0, %add3A : i32
    "tpu.region"() ({
      %run_scoped3A = tpu.sem_alloc : memref<!tpu.dma_semaphore, #tpu.memory_space<semaphore_mem>>
      %dma_start3A = arith.constant 0 : i32
      %dma_start3A_69 = tpu.memref_slice %arg6[%add3A_1, %dma_start3A] : memref<10000x128xf32, #tpu.memory_space<vmem_shared>> -> memref<48x128xf32, #tpu.memory_space<vmem_shared>>
      %dma_start3A_70 = arith.constant 0 : i32
      %dma_start3A_71 = tpu.memref_slice %arg6[%add3A_1, %dma_start3A_70] : memref<10000x128xf32, #tpu.memory_space<vmem_shared>> -> memref<48x128xf32, #tpu.memory_space<vmem_shared>>
      tpu.enqueue_dma source(%arg9 : memref<48x128xf32, #tpu.memory_space<vmem>>) target(%dma_start3A_71 : memref<48x128xf32, #tpu.memory_space<vmem_shared>>) target_semaphore(%run_scoped3A : memref<!tpu.dma_semaphore, #tpu.memory_space<semaphore_mem>>)
      %dma_wait3A = arith.constant 0 : i32
      %dma_wait3A_72 = tpu.memref_slice %arg6[%add3A_1, %dma_wait3A] : memref<10000x128xf32, #tpu.memory_space<vmem_shared>> -> memref<48x128xf32, #tpu.memory_space<vmem_shared>>
      %dma_wait3A_73 = arith.constant 0 : i32
      %dma_wait3A_74 = tpu.memref_slice %arg6[%add3A_1, %dma_wait3A_73] : memref<10000x128xf32, #tpu.memory_space<vmem_shared>> -> memref<48x128xf32, #tpu.memory_space<vmem_shared>>
      tpu.wait_dma2 semaphore(%run_scoped3A : memref<!tpu.dma_semaphore, #tpu.memory_space<semaphore_mem>>) src(%arg9 : memref<48x128xf32, #tpu.memory_space<vmem>>) dst(%dma_wait3A_74 : memref<48x128xf32, #tpu.memory_space<vmem_shared>>)
      tpu.yield
    }) : () -> ()
    %add3A_2 = arith.constant 48 : i32
    %add3A_3 = arith.addi %mul3A_0, %add3A_2 : i32
    "tpu.region"() ({
      %run_scoped3A = tpu.sem_alloc : memref<!tpu.dma_semaphore, #tpu.memory_space<semaphore_mem>>
      %dma_start3A = arith.constant 0 : i32
      %dma_start3A_69 = tpu.memref_slice %arg6[%add3A_3, %dma_start3A] : memref<10000x128xf32, #tpu.memory_space<vmem_shared>> -> memref<48x128xf32, #tpu.memory_space<vmem_shared>>
      %dma_start3A_70 = arith.constant 0 : i32
      %dma_start3A_71 = tpu.memref_slice %arg6[%add3A_3, %dma_start3A_70] : memref<10000x128xf32, #tpu.memory_space<vmem_shared>> -> memref<48x128xf32, #tpu.memory_space<vmem_shared>>
      tpu.enqueue_dma source(%arg9 : memref<48x128xf32, #tpu.memory_space<vmem>>) target(%dma_start3A_71 : memref<48x128xf32, #tpu.memory_space<vmem_shared>>) target_semaphore(%run_scoped3A : memref<!tpu.dma_semaphore, #tpu.memory_space<semaphore_mem>>)
      %dma_wait3A = arith.constant 0 : i32
      %dma_wait3A_72 = tpu.memref_slice %arg6[%add3A_3, %dma_wait3A] : memref<10000x128xf32, #tpu.memory_space<vmem_shared>> -> memref<48x128xf32, #tpu.memory_space<vmem_shared>>
      %dma_wait3A_73 = arith.constant 0 : i32
      %dma_wait3A_74 = tpu.memref_slice %arg6[%add3A_3, %dma_wait3A_73] : memref<10000x128xf32, #tpu.memory_space<vmem_shared>> -> memref<48x128xf32, #tpu.memory_space<vmem_shared>>
      tpu.wait_dma2 semaphore(%run_scoped3A : memref<!tpu.dma_semaphore, #tpu.memory_space<semaphore_mem>>) src(%arg9 : memref<48x128xf32, #tpu.memory_space<vmem>>) dst(%dma_wait3A_74 : memref<48x128xf32, #tpu.memory_space<vmem_shared>>)
      tpu.yield
    }) : () -> ()
    %add3A_4 = arith.constant 96 : i32
    %add3A_5 = arith.addi %mul3A_0, %add3A_4 : i32
    "tpu.region"() ({
      %run_scoped3A = tpu.sem_alloc : memref<!tpu.dma_semaphore, #tpu.memory_space<semaphore_mem>>
      %dma_start3A = arith.constant 0 : i32
      %dma_start3A_69 = tpu.memref_slice %arg6[%add3A_5, %dma_start3A] : memref<10000x128xf32, #tpu.memory_space<vmem_shared>> -> memref<48x128xf32, #tpu.memory_space<vmem_shared>>
      %dma_start3A_70 = arith.constant 0 : i32
      %dma_start3A_71 = tpu.memref_slice %arg6[%add3A_5, %dma_start3A_70] : memref<10000x128xf32, #tpu.memory_space<vmem_shared>> -> memref<48x128xf32, #tpu.memory_space<vmem_shared>>
      tpu.enqueue_dma source(%arg9 : memref<48x128xf32, #tpu.memory_space<vmem>>) target(%dma_start3A_71 : memref<48x128xf32, #tpu.memory_space<vmem_shared>>) target_semaphore(%run_scoped3A : memref<!tpu.dma_semaphore, #tpu.memory_space<semaphore_mem>>)
      %dma_wait3A = arith.constant 0 : i32
      %dma_wait3A_72 = tpu.memref_slice %arg6[%add3A_5, %dma_wait3A] : memref<10000x128xf32, #tpu.memory_space<vmem_shared>> -> memref<48x128xf32, #tpu.memory_space<vmem_shared>>
      %dma_wait3A_73 = arith.constant 0 : i32
      %dma_wait3A_74 = tpu.memref_slice %arg6[%add3A_5, %dma_wait3A_73] : memref<10000x128xf32, #tpu.memory_space<vmem_shared>> -> memref<48x128xf32, #tpu.memory_space<vmem_shared>>
      tpu.wait_dma2 semaphore(%run_scoped3A : memref<!tpu.dma_semaphore, #tpu.memory_space<semaphore_mem>>) src(%arg9 : memref<48x128xf32, #tpu.memory_space<vmem>>) dst(%dma_wait3A_74 : memref<48x128xf32, #tpu.memory_space<vmem_shared>>)
      tpu.yield
    }) : () -> ()
    %add3A_6 = arith.constant 144 : i32
    %add3A_7 = arith.addi %mul3A_0, %add3A_6 : i32
    "tpu.region"() ({
      %run_scoped3A = tpu.sem_alloc : memref<!tpu.dma_semaphore, #tpu.memory_space<semaphore_mem>>
      %dma_start3A = arith.constant 0 : i32
      %dma_start3A_69 = tpu.memref_slice %arg6[%add3A_7, %dma_start3A] : memref<10000x128xf32, #tpu.memory_space<vmem_shared>> -> memref<48x128xf32, #tpu.memory_space<vmem_shared>>
      %dma_start3A_70 = arith.constant 0 : i32
      %dma_start3A_71 = tpu.memref_slice %arg6[%add3A_7, %dma_start3A_70] : memref<10000x128xf32, #tpu.memory_space<vmem_shared>> -> memref<48x128xf32, #tpu.memory_space<vmem_shared>>
      tpu.enqueue_dma source(%arg9 : memref<48x128xf32, #tpu.memory_space<vmem>>) target(%dma_start3A_71 : memref<48x128xf32, #tpu.memory_space<vmem_shared>>) target_semaphore(%run_scoped3A : memref<!tpu.dma_semaphore, #tpu.memory_space<semaphore_mem>>)
      %dma_wait3A = arith.constant 0 : i32
      %dma_wait3A_72 = tpu.memref_slice %arg6[%add3A_7, %dma_wait3A] : memref<10000x128xf32, #tpu.memory_space<vmem_shared>> -> memref<48x128xf32, #tpu.memory_space<vmem_shared>>
      %dma_wait3A_73 = arith.constant 0 : i32
      %dma_wait3A_74 = tpu.memref_slice %arg6[%add3A_7, %dma_wait3A_73] : memref<10000x128xf32, #tpu.memory_space<vmem_shared>> -> memref<48x128xf32, #tpu.memory_space<vmem_shared>>
      tpu.wait_dma2 semaphore(%run_scoped3A : memref<!tpu.dma_semaphore, #tpu.memory_space<semaphore_mem>>) src(%arg9 : memref<48x128xf32, #tpu.memory_space<vmem>>) dst(%dma_wait3A_74 : memref<48x128xf32, #tpu.memory_space<vmem_shared>>)
      tpu.yield
    }) : () -> ()
    %add3A_8 = arith.constant 192 : i32
    %add3A_9 = arith.addi %mul3A_0, %add3A_8 : i32
    "tpu.region"() ({
      %run_scoped3A = tpu.sem_alloc : memref<!tpu.dma_semaphore, #tpu.memory_space<semaphore_mem>>
      %dma_start3A = arith.constant 0 : i32
      %dma_start3A_69 = tpu.memref_slice %arg6[%add3A_9, %dma_start3A] : memref<10000x128xf32, #tpu.memory_space<vmem_shared>> -> memref<48x128xf32, #tpu.memory_space<vmem_shared>>
      %dma_start3A_70 = arith.constant 0 : i32
      %dma_start3A_71 = tpu.memref_slice %arg6[%add3A_9, %dma_start3A_70] : memref<10000x128xf32, #tpu.memory_space<vmem_shared>> -> memref<48x128xf32, #tpu.memory_space<vmem_shared>>
      tpu.enqueue_dma source(%arg9 : memref<48x128xf32, #tpu.memory_space<vmem>>) target(%dma_start3A_71 : memref<48x128xf32, #tpu.memory_space<vmem_shared>>) target_semaphore(%run_scoped3A : memref<!tpu.dma_semaphore, #tpu.memory_space<semaphore_mem>>)
      %dma_wait3A = arith.constant 0 : i32
      %dma_wait3A_72 = tpu.memref_slice %arg6[%add3A_9, %dma_wait3A] : memref<10000x128xf32, #tpu.memory_space<vmem_shared>> -> memref<48x128xf32, #tpu.memory_space<vmem_shared>>
      %dma_wait3A_73 = arith.constant 0 : i32
      %dma_wait3A_74 = tpu.memref_slice %arg6[%add3A_9, %dma_wait3A_73] : memref<10000x128xf32, #tpu.memory_space<vmem_shared>> -> memref<48x128xf32, #tpu.memory_space<vmem_shared>>
      tpu.wait_dma2 semaphore(%run_scoped3A : memref<!tpu.dma_semaphore, #tpu.memory_space<semaphore_mem>>) src(%arg9 : memref<48x128xf32, #tpu.memory_space<vmem>>) dst(%dma_wait3A_74 : memref<48x128xf32, #tpu.memory_space<vmem_shared>>)
      tpu.yield
    }) : () -> ()
    %add3A_10 = arith.constant 240 : i32
    %add3A_11 = arith.addi %mul3A_0, %add3A_10 : i32
    "tpu.region"() ({
      %run_scoped3A = tpu.sem_alloc : memref<!tpu.dma_semaphore, #tpu.memory_space<semaphore_mem>>
      %dma_start3A = arith.constant 0 : i32
      %dma_start3A_69 = tpu.memref_slice %arg6[%add3A_11, %dma_start3A] : memref<10000x128xf32, #tpu.memory_space<vmem_shared>> -> memref<48x128xf32, #tpu.memory_space<vmem_shared>>
      %dma_start3A_70 = arith.constant 0 : i32
      %dma_start3A_71 = tpu.memref_slice %arg6[%add3A_11, %dma_start3A_70] : memref<10000x128xf32, #tpu.memory_space<vmem_shared>> -> memref<48x128xf32, #tpu.memory_space<vmem_shared>>
      tpu.enqueue_dma source(%arg9 : memref<48x128xf32, #tpu.memory_space<vmem>>) target(%dma_start3A_71 : memref<48x128xf32, #tpu.memory_space<vmem_shared>>) target_semaphore(%run_scoped3A : memref<!tpu.dma_semaphore, #tpu.memory_space<semaphore_mem>>)
      %dma_wait3A = arith.constant 0 : i32
      %dma_wait3A_72 = tpu.memref_slice %arg6[%add3A_11, %dma_wait3A] : memref<10000x128xf32, #tpu.memory_space<vmem_shared>> -> memref<48x128xf32, #tpu.memory_space<vmem_shared>>
      %dma_wait3A_73 = arith.constant 0 : i32
      %dma_wait3A_74 = tpu.memref_slice %arg6[%add3A_11, %dma_wait3A_73] : memref<10000x128xf32, #tpu.memory_space<vmem_shared>> -> memref<48x128xf32, #tpu.memory_space<vmem_shared>>
      tpu.wait_dma2 semaphore(%run_scoped3A : memref<!tpu.dma_semaphore, #tpu.memory_space<semaphore_mem>>) src(%arg9 : memref<48x128xf32, #tpu.memory_space<vmem>>) dst(%dma_wait3A_74 : memref<48x128xf32, #tpu.memory_space<vmem_shared>>)
      tpu.yield
    }) : () -> ()
    %add3A_12 = arith.constant 288 : i32
    %add3A_13 = arith.addi %mul3A_0, %add3A_12 : i32
    "tpu.region"() ({
      %run_scoped3A = tpu.sem_alloc : memref<!tpu.dma_semaphore, #tpu.memory_space<semaphore_mem>>
      %dma_start3A = arith.constant 0 : i32
      %dma_start3A_69 = tpu.memref_slice %arg6[%add3A_13, %dma_start3A] : memref<10000x128xf32, #tpu.memory_space<vmem_shared>> -> memref<48x128xf32, #tpu.memory_space<vmem_shared>>
      %dma_start3A_70 = arith.constant 0 : i32
      %dma_start3A_71 = tpu.memref_slice %arg6[%add3A_13, %dma_start3A_70] : memref<10000x128xf32, #tpu.memory_space<vmem_shared>> -> memref<48x128xf32, #tpu.memory_space<vmem_shared>>
      tpu.enqueue_dma source(%arg9 : memref<48x128xf32, #tpu.memory_space<vmem>>) target(%dma_start3A_71 : memref<48x128xf32, #tpu.memory_space<vmem_shared>>) target_semaphore(%run_scoped3A : memref<!tpu.dma_semaphore, #tpu.memory_space<semaphore_mem>>)
      %dma_wait3A = arith.constant 0 : i32
      %dma_wait3A_72 = tpu.memref_slice %arg6[%add3A_13, %dma_wait3A] : memref<10000x128xf32, #tpu.memory_space<vmem_shared>> -> memref<48x128xf32, #tpu.memory_space<vmem_shared>>
      %dma_wait3A_73 = arith.constant 0 : i32
      %dma_wait3A_74 = tpu.memref_slice %arg6[%add3A_13, %dma_wait3A_73] : memref<10000x128xf32, #tpu.memory_space<vmem_shared>> -> memref<48x128xf32, #tpu.memory_space<vmem_shared>>
      tpu.wait_dma2 semaphore(%run_scoped3A : memref<!tpu.dma_semaphore, #tpu.memory_space<semaphore_mem>>) src(%arg9 : memref<48x128xf32, #tpu.memory_space<vmem>>) dst(%dma_wait3A_74 : memref<48x128xf32, #tpu.memory_space<vmem_shared>>)
      tpu.yield
    }) : () -> ()
    %add3A_14 = arith.constant 336 : i32
    %add3A_15 = arith.addi %mul3A_0, %add3A_14 : i32
    "tpu.region"() ({
      %run_scoped3A = tpu.sem_alloc : memref<!tpu.dma_semaphore, #tpu.memory_space<semaphore_mem>>
      %dma_start3A = arith.constant 0 : i32
      %dma_start3A_69 = tpu.memref_slice %arg6[%add3A_15, %dma_start3A] : memref<10000x128xf32, #tpu.memory_space<vmem_shared>> -> memref<48x128xf32, #tpu.memory_space<vmem_shared>>
      %dma_start3A_70 = arith.constant 0 : i32
      %dma_start3A_71 = tpu.memref_slice %arg6[%add3A_15, %dma_start3A_70] : memref<10000x128xf32, #tpu.memory_space<vmem_shared>> -> memref<48x128xf32, #tpu.memory_space<vmem_shared>>
      tpu.enqueue_dma source(%arg9 : memref<48x128xf32, #tpu.memory_space<vmem>>) target(%dma_start3A_71 : memref<48x128xf32, #tpu.memory_space<vmem_shared>>) target_semaphore(%run_scoped3A : memref<!tpu.dma_semaphore, #tpu.memory_space<semaphore_mem>>)
      %dma_wait3A = arith.constant 0 : i32
      %dma_wait3A_72 = tpu.memref_slice %arg6[%add3A_15, %dma_wait3A] : memref<10000x128xf32, #tpu.memory_space<vmem_shared>> -> memref<48x128xf32, #tpu.memory_space<vmem_shared>>
      %dma_wait3A_73 = arith.constant 0 : i32
      %dma_wait3A_74 = tpu.memref_slice %arg6[%add3A_15, %dma_wait3A_73] : memref<10000x128xf32, #tpu.memory_space<vmem_shared>> -> memref<48x128xf32, #tpu.memory_space<vmem_shared>>
      tpu.wait_dma2 semaphore(%run_scoped3A : memref<!tpu.dma_semaphore, #tpu.memory_space<semaphore_mem>>) src(%arg9 : memref<48x128xf32, #tpu.memory_space<vmem>>) dst(%dma_wait3A_74 : memref<48x128xf32, #tpu.memory_space<vmem_shared>>)
      tpu.yield
    }) : () -> ()
    %add3A_16 = arith.constant 384 : i32
    %add3A_17 = arith.addi %mul3A_0, %add3A_16 : i32
    "tpu.region"() ({
      %run_scoped3A = tpu.sem_alloc : memref<!tpu.dma_semaphore, #tpu.memory_space<semaphore_mem>>
      %dma_start3A = arith.constant 0 : i32
      %dma_start3A_69 = tpu.memref_slice %arg6[%add3A_17, %dma_start3A] : memref<10000x128xf32, #tpu.memory_space<vmem_shared>> -> memref<48x128xf32, #tpu.memory_space<vmem_shared>>
      %dma_start3A_70 = arith.constant 0 : i32
      %dma_start3A_71 = tpu.memref_slice %arg6[%add3A_17, %dma_start3A_70] : memref<10000x128xf32, #tpu.memory_space<vmem_shared>> -> memref<48x128xf32, #tpu.memory_space<vmem_shared>>
      tpu.enqueue_dma source(%arg9 : memref<48x128xf32, #tpu.memory_space<vmem>>) target(%dma_start3A_71 : memref<48x128xf32, #tpu.memory_space<vmem_shared>>) target_semaphore(%run_scoped3A : memref<!tpu.dma_semaphore, #tpu.memory_space<semaphore_mem>>)
      %dma_wait3A = arith.constant 0 : i32
      %dma_wait3A_72 = tpu.memref_slice %arg6[%add3A_17, %dma_wait3A] : memref<10000x128xf32, #tpu.memory_space<vmem_shared>> -> memref<48x128xf32, #tpu.memory_space<vmem_shared>>
      %dma_wait3A_73 = arith.constant 0 : i32
      %dma_wait3A_74 = tpu.memref_slice %arg6[%add3A_17, %dma_wait3A_73] : memref<10000x128xf32, #tpu.memory_space<vmem_shared>> -> memref<48x128xf32, #tpu.memory_space<vmem_shared>>
      tpu.wait_dma2 semaphore(%run_scoped3A : memref<!tpu.dma_semaphore, #tpu.memory_space<semaphore_mem>>) src(%arg9 : memref<48x128xf32, #tpu.memory_space<vmem>>) dst(%dma_wait3A_74 : memref<48x128xf32, #tpu.memory_space<vmem_shared>>)
      tpu.yield
    }) : () -> ()
    %add3A_18 = arith.constant 432 : i32
    %add3A_19 = arith.addi %mul3A_0, %add3A_18 : i32
    "tpu.region"() ({
      %run_scoped3A = tpu.sem_alloc : memref<!tpu.dma_semaphore, #tpu.memory_space<semaphore_mem>>
      %dma_start3A = arith.constant 0 : i32
      %dma_start3A_69 = tpu.memref_slice %arg6[%add3A_19, %dma_start3A] : memref<10000x128xf32, #tpu.memory_space<vmem_shared>> -> memref<48x128xf32, #tpu.memory_space<vmem_shared>>
      %dma_start3A_70 = arith.constant 0 : i32
      %dma_start3A_71 = tpu.memref_slice %arg6[%add3A_19, %dma_start3A_70] : memref<10000x128xf32, #tpu.memory_space<vmem_shared>> -> memref<48x128xf32, #tpu.memory_space<vmem_shared>>
      tpu.enqueue_dma source(%arg9 : memref<48x128xf32, #tpu.memory_space<vmem>>) target(%dma_start3A_71 : memref<48x128xf32, #tpu.memory_space<vmem_shared>>) target_semaphore(%run_scoped3A : memref<!tpu.dma_semaphore, #tpu.memory_space<semaphore_mem>>)
      %dma_wait3A = arith.constant 0 : i32
      %dma_wait3A_72 = tpu.memref_slice %arg6[%add3A_19, %dma_wait3A] : memref<10000x128xf32, #tpu.memory_space<vmem_shared>> -> memref<48x128xf32, #tpu.memory_space<vmem_shared>>
      %dma_wait3A_73 = arith.constant 0 : i32
      %dma_wait3A_74 = tpu.memref_slice %arg6[%add3A_19, %dma_wait3A_73] : memref<10000x128xf32, #tpu.memory_space<vmem_shared>> -> memref<48x128xf32, #tpu.memory_space<vmem_shared>>
      tpu.wait_dma2 semaphore(%run_scoped3A : memref<!tpu.dma_semaphore, #tpu.memory_space<semaphore_mem>>) src(%arg9 : memref<48x128xf32, #tpu.memory_space<vmem>>) dst(%dma_wait3A_74 : memref<48x128xf32, #tpu.memory_space<vmem_shared>>)
      tpu.yield
    }) : () -> ()
    %add3A_20 = arith.constant 480 : i32
    %add3A_21 = arith.addi %mul3A_0, %add3A_20 : i32
    "tpu.region"() ({
      %run_scoped3A = tpu.sem_alloc : memref<!tpu.dma_semaphore, #tpu.memory_space<semaphore_mem>>
      %dma_start3A = arith.constant 0 : i32
      %dma_start3A_69 = tpu.memref_slice %arg6[%add3A_21, %dma_start3A] : memref<10000x128xf32, #tpu.memory_space<vmem_shared>> -> memref<48x128xf32, #tpu.memory_space<vmem_shared>>
      %dma_start3A_70 = arith.constant 0 : i32
      %dma_start3A_71 = tpu.memref_slice %arg6[%add3A_21, %dma_start3A_70] : memref<10000x128xf32, #tpu.memory_space<vmem_shared>> -> memref<48x128xf32, #tpu.memory_space<vmem_shared>>
      tpu.enqueue_dma source(%arg9 : memref<48x128xf32, #tpu.memory_space<vmem>>) target(%dma_start3A_71 : memref<48x128xf32, #tpu.memory_space<vmem_shared>>) target_semaphore(%run_scoped3A : memref<!tpu.dma_semaphore, #tpu.memory_space<semaphore_mem>>)
      %dma_wait3A = arith.constant 0 : i32
      %dma_wait3A_72 = tpu.memref_slice %arg6[%add3A_21, %dma_wait3A] : memref<10000x128xf32, #tpu.memory_space<vmem_shared>> -> memref<48x128xf32, #tpu.memory_space<vmem_shared>>
      %dma_wait3A_73 = arith.constant 0 : i32
      %dma_wait3A_74 = tpu.memref_slice %arg6[%add3A_21, %dma_wait3A_73] : memref<10000x128xf32, #tpu.memory_space<vmem_shared>> -> memref<48x128xf32, #tpu.memory_space<vmem_shared>>
      tpu.wait_dma2 semaphore(%run_scoped3A : memref<!tpu.dma_semaphore, #tpu.memory_space<semaphore_mem>>) src(%arg9 : memref<48x128xf32, #tpu.memory_space<vmem>>) dst(%dma_wait3A_74 : memref<48x128xf32, #tpu.memory_space<vmem_shared>>)
      tpu.yield
    }) : () -> ()
    %add3A_22 = arith.constant 528 : i32
    %add3A_23 = arith.addi %mul3A_0, %add3A_22 : i32
    "tpu.region"() ({
      %run_scoped3A = tpu.sem_alloc : memref<!tpu.dma_semaphore, #tpu.memory_space<semaphore_mem>>
      %dma_start3A = arith.constant 0 : i32
      %dma_start3A_69 = tpu.memref_slice %arg6[%add3A_23, %dma_start3A] : memref<10000x128xf32, #tpu.memory_space<vmem_shared>> -> memref<48x128xf32, #tpu.memory_space<vmem_shared>>
      %dma_start3A_70 = arith.constant 0 : i32
      %dma_start3A_71 = tpu.memref_slice %arg6[%add3A_23, %dma_start3A_70] : memref<10000x128xf32, #tpu.memory_space<vmem_shared>> -> memref<48x128xf32, #tpu.memory_space<vmem_shared>>
      tpu.enqueue_dma source(%arg9 : memref<48x128xf32, #tpu.memory_space<vmem>>) target(%dma_start3A_71 : memref<48x128xf32, #tpu.memory_space<vmem_shared>>) target_semaphore(%run_scoped3A : memref<!tpu.dma_semaphore, #tpu.memory_space<semaphore_mem>>)
      %dma_wait3A = arith.constant 0 : i32
      %dma_wait3A_72 = tpu.memref_slice %arg6[%add3A_23, %dma_wait3A] : memref<10000x128xf32, #tpu.memory_space<vmem_shared>> -> memref<48x128xf32, #tpu.memory_space<vmem_shared>>
      %dma_wait3A_73 = arith.constant 0 : i32
      %dma_wait3A_74 = tpu.memref_slice %arg6[%add3A_23, %dma_wait3A_73] : memref<10000x128xf32, #tpu.memory_space<vmem_shared>> -> memref<48x128xf32, #tpu.memory_space<vmem_shared>>
      tpu.wait_dma2 semaphore(%run_scoped3A : memref<!tpu.dma_semaphore, #tpu.memory_space<semaphore_mem>>) src(%arg9 : memref<48x128xf32, #tpu.memory_space<vmem>>) dst(%dma_wait3A_74 : memref<48x128xf32, #tpu.memory_space<vmem_shared>>)
      tpu.yield
    }) : () -> ()
    %add3A_24 = arith.constant 576 : i32
    %add3A_25 = arith.addi %mul3A_0, %add3A_24 : i32
    "tpu.region"() ({
      %run_scoped3A = tpu.sem_alloc : memref<!tpu.dma_semaphore, #tpu.memory_space<semaphore_mem>>
      %dma_start3A = arith.constant 0 : i32
      %dma_start3A_69 = tpu.memref_slice %arg6[%add3A_25, %dma_start3A] : memref<10000x128xf32, #tpu.memory_space<vmem_shared>> -> memref<48x128xf32, #tpu.memory_space<vmem_shared>>
      %dma_start3A_70 = arith.constant 0 : i32
      %dma_start3A_71 = tpu.memref_slice %arg6[%add3A_25, %dma_start3A_70] : memref<10000x128xf32, #tpu.memory_space<vmem_shared>> -> memref<48x128xf32, #tpu.memory_space<vmem_shared>>
      tpu.enqueue_dma source(%arg9 : memref<48x128xf32, #tpu.memory_space<vmem>>) target(%dma_start3A_71 : memref<48x128xf32, #tpu.memory_space<vmem_shared>>) target_semaphore(%run_scoped3A : memref<!tpu.dma_semaphore, #tpu.memory_space<semaphore_mem>>)
      %dma_wait3A = arith.constant 0 : i32
      %dma_wait3A_72 = tpu.memref_slice %arg6[%add3A_25, %dma_wait3A] : memref<10000x128xf32, #tpu.memory_space<vmem_shared>> -> memref<48x128xf32, #tpu.memory_space<vmem_shared>>
      %dma_wait3A_73 = arith.constant 0 : i32
      %dma_wait3A_74 = tpu.memref_slice %arg6[%add3A_25, %dma_wait3A_73] : memref<10000x128xf32, #tpu.memory_space<vmem_shared>> -> memref<48x128xf32, #tpu.memory_space<vmem_shared>>
      tpu.wait_dma2 semaphore(%run_scoped3A : memref<!tpu.dma_semaphore, #tpu.memory_space<semaphore_mem>>) src(%arg9 : memref<48x128xf32, #tpu.memory_space<vmem>>) dst(%dma_wait3A_74 : memref<48x128xf32, #tpu.memory_space<vmem_shared>>)
      tpu.yield
    }) : () -> ()
    %eq3A = arith.constant 15 : i32
    %eq3A_26 = arith.cmpi eq, %arg1, %eq3A : i32
    %convert_element_type3A = arith.extui %eq3A_26 : i1 to i32
    %cond3A = arith.constant 0 : i32
    %cond3A_27 = arith.cmpi ne, %convert_element_type3A, %cond3A : i32
    scf.if %cond3A_27 {
      "tpu.region"() ({
        %run_scoped3A = tpu.sem_alloc : memref<!tpu.dma_semaphore, #tpu.memory_space<semaphore_mem>>
        %dma_start3A = arith.constant 0 : i32
        %dma_start3A_69 = arith.constant 0 : i32
        %dma_start3A_70 = tpu.memref_slice %arg9[%dma_start3A, %dma_start3A_69] : memref<48x128xf32, #tpu.memory_space<vmem>> -> memref<16x128xf32, #tpu.memory_space<vmem>>
        %dma_start3A_71 = arith.constant 9984 : i32
        %dma_start3A_72 = arith.constant 0 : i32
        %dma_start3A_73 = tpu.memref_slice %arg6[%dma_start3A_71, %dma_start3A_72] : memref<10000x128xf32, #tpu.memory_space<vmem_shared>> -> memref<16x128xf32, #tpu.memory_space<vmem_shared>>
        %dma_start3A_74 = arith.constant 9984 : i32
        %dma_start3A_75 = arith.constant 0 : i32
        %dma_start3A_76 = tpu.memref_slice %arg6[%dma_start3A_74, %dma_start3A_75] : memref<10000x128xf32, #tpu.memory_space<vmem_shared>> -> memref<16x128xf32, #tpu.memory_space<vmem_shared>>
        %dma_start3A_77 = arith.constant 0 : i32
        %dma_start3A_78 = arith.constant 0 : i32
        %dma_start3A_79 = tpu.memref_slice %arg9[%dma_start3A_77, %dma_start3A_78] : memref<48x128xf32, #tpu.memory_space<vmem>> -> memref<16x128xf32, #tpu.memory_space<vmem>>
        tpu.enqueue_dma source(%dma_start3A_79 : memref<16x128xf32, #tpu.memory_space<vmem>>) target(%dma_start3A_76 : memref<16x128xf32, #tpu.memory_space<vmem_shared>>) target_semaphore(%run_scoped3A : memref<!tpu.dma_semaphore, #tpu.memory_space<semaphore_mem>>)
        %dma_wait3A = arith.constant 0 : i32
        %dma_wait3A_80 = arith.constant 0 : i32
        %dma_wait3A_81 = tpu.memref_slice %arg9[%dma_wait3A, %dma_wait3A_80] : memref<48x128xf32, #tpu.memory_space<vmem>> -> memref<16x128xf32, #tpu.memory_space<vmem>>
        %dma_wait3A_82 = arith.constant 9984 : i32
        %dma_wait3A_83 = arith.constant 0 : i32
        %dma_wait3A_84 = tpu.memref_slice %arg6[%dma_wait3A_82, %dma_wait3A_83] : memref<10000x128xf32, #tpu.memory_space<vmem_shared>> -> memref<16x128xf32, #tpu.memory_space<vmem_shared>>
        %dma_wait3A_85 = arith.constant 9984 : i32
        %dma_wait3A_86 = arith.constant 0 : i32
        %dma_wait3A_87 = tpu.memref_slice %arg6[%dma_wait3A_85, %dma_wait3A_86] : memref<10000x128xf32, #tpu.memory_space<vmem_shared>> -> memref<16x128xf32, #tpu.memory_space<vmem_shared>>
        %dma_wait3A_88 = arith.constant 0 : i32
        %dma_wait3A_89 = arith.constant 0 : i32
        %dma_wait3A_90 = tpu.memref_slice %arg9[%dma_wait3A_88, %dma_wait3A_89] : memref<48x128xf32, #tpu.memory_space<vmem>> -> memref<16x128xf32, #tpu.memory_space<vmem>>
        tpu.wait_dma2 semaphore(%run_scoped3A : memref<!tpu.dma_semaphore, #tpu.memory_space<semaphore_mem>>) src(%dma_wait3A_90 : memref<16x128xf32, #tpu.memory_space<vmem>>) dst(%dma_wait3A_87 : memref<16x128xf32, #tpu.memory_space<vmem_shared>>)
        tpu.yield
      }) : () -> ()
    } else {
    }
    %barrier3A = arith.constant 0 : index
    tpu.barrier barrier_id(%barrier3A)
    %mul3A_28 = arith.constant 16 : i32
    %mul3A_29 = arith.muli %arg0, %mul3A_28 : i32
    %add3A_30 = arith.addi %mul3A_29, %arg1 : i32
    %mul3A_31 = arith.constant 10000 : i32
    %mul3A_32 = arith.muli %add3A_30, %mul3A_31 : i32
    %scan3A = arith.constant 0 : i32
    %scan3A_33 = arith.constant 125 : i32
    %scan3A_34 = arith.addi %scan3A, %scan3A_33 : i32
    %scan3A_35 = arith.constant 1 : i32
    scf.for %scan3A_69 = %scan3A to %scan3A_34 step %scan3A_35  : i32 {
      %mul3A_70 = arith.constant 1 : i32
      %mul3A_71 = arith.muli %scan3A_69, %mul3A_70 : i32
      %add3A_72 = arith.constant 0 : i32
      %add3A_73 = arith.addi %add3A_72, %mul3A_71 : i32
      %mul3A_74 = arith.constant 80 : i32
      %mul3A_75 = arith.muli %add3A_73, %mul3A_74 : i32
      %add3A_76 = arith.addi %mul3A_32, %mul3A_75 : i32
      "tpu.region"() ({
        %run_scoped3A = tpu.sem_alloc : memref<!tpu.dma_semaphore, #tpu.memory_space<semaphore_mem>>
        %dma_start3A = tpu.memref_slice %arg2[%add3A_76] : memref<320000xi32, #tpu.memory_space<hbm>> -> memref<80xi32, #tpu.memory_space<hbm>>
        %dma_start3A_77 = tpu.memref_slice %arg2[%add3A_76] : memref<320000xi32, #tpu.memory_space<hbm>> -> memref<80xi32, #tpu.memory_space<hbm>>
        tpu.enqueue_dma source(%dma_start3A_77 : memref<80xi32, #tpu.memory_space<hbm>>) target(%arg7 : memref<80xi32, #tpu.memory_space<vmem>>) target_semaphore(%run_scoped3A : memref<!tpu.dma_semaphore, #tpu.memory_space<semaphore_mem>>)
        %dma_wait3A = tpu.memref_slice %arg2[%add3A_76] : memref<320000xi32, #tpu.memory_space<hbm>> -> memref<80xi32, #tpu.memory_space<hbm>>
        %dma_wait3A_78 = tpu.memref_slice %arg2[%add3A_76] : memref<320000xi32, #tpu.memory_space<hbm>> -> memref<80xi32, #tpu.memory_space<hbm>>
        tpu.wait_dma2 semaphore(%run_scoped3A : memref<!tpu.dma_semaphore, #tpu.memory_space<semaphore_mem>>) src(%dma_wait3A_78 : memref<80xi32, #tpu.memory_space<hbm>>) dst(%arg7 : memref<80xi32, #tpu.memory_space<vmem>>)
        tpu.yield
      }) : () -> ()
      "tpu.region"() ({
        %run_scoped3A = tpu.sem_alloc : memref<!tpu.dma_semaphore, #tpu.memory_space<semaphore_mem>>
        %dma_start3A = arith.constant 0 : i32
        %dma_start3A_77 = arith.constant 0 : i32
        %dma_start3A_78 = tpu.memref_slice %arg6[%dma_start3A, %dma_start3A_77] : memref<10000x128xf32, #tpu.memory_space<vmem_shared>> -> memref<10000x128xf32, #tpu.memory_space<vmem_shared>>
        tpu.enqueue_indirect_dma source(%arg8 : memref<80x128xf32, #tpu.memory_space<vmem>>) target(%dma_start3A_78 : memref<10000x128xf32, #tpu.memory_space<vmem_shared>>) offsets(%arg7 : memref<80xi32, #tpu.memory_space<vmem>>) semaphore(%run_scoped3A : memref<!tpu.dma_semaphore, #tpu.memory_space<semaphore_mem>>) {add = true}
        %dma_wait3A = arith.constant 0 : i32
        %dma_wait3A_79 = arith.constant 0 : i32
        %dma_wait3A_80 = tpu.memref_slice %arg6[%dma_wait3A, %dma_wait3A_79] : memref<10000x128xf32, #tpu.memory_space<vmem_shared>> -> memref<10000x128xf32, #tpu.memory_space<vmem_shared>>
        tpu.wait_indirect_dma semaphore(%run_scoped3A : memref<!tpu.dma_semaphore, #tpu.memory_space<semaphore_mem>>) src(%arg8 : memref<80x128xf32, #tpu.memory_space<vmem>>) dst(%dma_wait3A_80 : memref<10000x128xf32, #tpu.memory_space<vmem_shared>>)
        tpu.yield
      }) : () -> ()
    }
    %scan3A_36 = arith.constant 125 : i32
    %barrier3A_37 = arith.constant 0 : index
    tpu.barrier barrier_id(%barrier3A_37)
    %add3A_38 = arith.constant 0 : i32
    %add3A_39 = arith.addi %mul3A_0, %add3A_38 : i32
    "tpu.region"() ({
      %run_scoped3A = tpu.sem_alloc : memref<!tpu.dma_semaphore, #tpu.memory_space<semaphore_mem>>
      %dma_start3A = arith.constant 0 : i32
      %dma_start3A_69 = tpu.memref_slice %arg6[%add3A_39, %dma_start3A] : memref<10000x128xf32, #tpu.memory_space<vmem_shared>> -> memref<48x128xf32, #tpu.memory_space<vmem_shared>>
      %dma_start3A_70 = arith.constant 0 : i32
      %dma_start3A_71 = tpu.memref_slice %arg6[%add3A_39, %dma_start3A_70] : memref<10000x128xf32, #tpu.memory_space<vmem_shared>> -> memref<48x128xf32, #tpu.memory_space<vmem_shared>>
      tpu.enqueue_dma source(%dma_start3A_71 : memref<48x128xf32, #tpu.memory_space<vmem_shared>>) target(%arg9 : memref<48x128xf32, #tpu.memory_space<vmem>>) target_semaphore(%run_scoped3A : memref<!tpu.dma_semaphore, #tpu.memory_space<semaphore_mem>>)
      %dma_wait3A = arith.constant 0 : i32
      %dma_wait3A_72 = tpu.memref_slice %arg6[%add3A_39, %dma_wait3A] : memref<10000x128xf32, #tpu.memory_space<vmem_shared>> -> memref<48x128xf32, #tpu.memory_space<vmem_shared>>
      %dma_wait3A_73 = arith.constant 0 : i32
      %dma_wait3A_74 = tpu.memref_slice %arg6[%add3A_39, %dma_wait3A_73] : memref<10000x128xf32, #tpu.memory_space<vmem_shared>> -> memref<48x128xf32, #tpu.memory_space<vmem_shared>>
      tpu.wait_dma2 semaphore(%run_scoped3A : memref<!tpu.dma_semaphore, #tpu.memory_space<semaphore_mem>>) src(%dma_wait3A_74 : memref<48x128xf32, #tpu.memory_space<vmem_shared>>) dst(%arg9 : memref<48x128xf32, #tpu.memory_space<vmem>>)
      tpu.yield
    }) : () -> ()
    "tpu.region"() ({
      %run_scoped3A = tpu.sem_alloc : memref<!tpu.dma_semaphore, #tpu.memory_space<semaphore_mem>>
      %dma_start3A = arith.constant 0 : i32
      %dma_start3A_69 = tpu.memref_slice %arg5[%arg0, %add3A_39, %dma_start3A] : memref<2x10000x128xf32, #tpu.memory_space<hbm>> -> memref<1x48x128xf32, #tpu.memory_space<hbm>>
      %dma_start3A_70 = tpu.memref_squeeze %dma_start3A_69 : memref<1x48x128xf32, #tpu.memory_space<hbm>> -> memref<48x128xf32, #tpu.memory_space<hbm>>
      %dma_start3A_71 = arith.constant 0 : i32
      %dma_start3A_72 = tpu.memref_slice %arg5[%arg0, %add3A_39, %dma_start3A_71] : memref<2x10000x128xf32, #tpu.memory_space<hbm>> -> memref<1x48x128xf32, #tpu.memory_space<hbm>>
      %dma_start3A_73 = tpu.memref_squeeze %dma_start3A_72 : memref<1x48x128xf32, #tpu.memory_space<hbm>> -> memref<48x128xf32, #tpu.memory_space<hbm>>
      tpu.enqueue_dma source(%arg9 : memref<48x128xf32, #tpu.memory_space<vmem>>) target(%dma_start3A_73 : memref<48x128xf32, #tpu.memory_space<hbm>>) target_semaphore(%run_scoped3A : memref<!tpu.dma_semaphore, #tpu.memory_space<semaphore_mem>>)
      %dma_wait3A = arith.constant 0 : i32
      %dma_wait3A_74 = tpu.memref_slice %arg5[%arg0, %add3A_39, %dma_wait3A] : memref<2x10000x128xf32, #tpu.memory_space<hbm>> -> memref<1x48x128xf32, #tpu.memory_space<hbm>>
      %dma_wait3A_75 = tpu.memref_squeeze %dma_wait3A_74 : memref<1x48x128xf32, #tpu.memory_space<hbm>> -> memref<48x128xf32, #tpu.memory_space<hbm>>
      %dma_wait3A_76 = arith.constant 0 : i32
      %dma_wait3A_77 = tpu.memref_slice %arg5[%arg0, %add3A_39, %dma_wait3A_76] : memref<2x10000x128xf32, #tpu.memory_space<hbm>> -> memref<1x48x128xf32, #tpu.memory_space<hbm>>
      %dma_wait3A_78 = tpu.memref_squeeze %dma_wait3A_77 : memref<1x48x128xf32, #tpu.memory_space<hbm>> -> memref<48x128xf32, #tpu.memory_space<hbm>>
      tpu.wait_dma2 semaphore(%run_scoped3A : memref<!tpu.dma_semaphore, #tpu.memory_space<semaphore_mem>>) src(%arg9 : memref<48x128xf32, #tpu.memory_space<vmem>>) dst(%dma_wait3A_78 : memref<48x128xf32, #tpu.memory_space<hbm>>)
      tpu.yield
    }) : () -> ()
    %add3A_40 = arith.constant 48 : i32
    %add3A_41 = arith.addi %mul3A_0, %add3A_40 : i32
    "tpu.region"() ({
      %run_scoped3A = tpu.sem_alloc : memref<!tpu.dma_semaphore, #tpu.memory_space<semaphore_mem>>
      %dma_start3A = arith.constant 0 : i32
      %dma_start3A_69 = tpu.memref_slice %arg6[%add3A_41, %dma_start3A] : memref<10000x128xf32, #tpu.memory_space<vmem_shared>> -> memref<48x128xf32, #tpu.memory_space<vmem_shared>>
      %dma_start3A_70 = arith.constant 0 : i32
      %dma_start3A_71 = tpu.memref_slice %arg6[%add3A_41, %dma_start3A_70] : memref<10000x128xf32, #tpu.memory_space<vmem_shared>> -> memref<48x128xf32, #tpu.memory_space<vmem_shared>>
      tpu.enqueue_dma source(%dma_start3A_71 : memref<48x128xf32, #tpu.memory_space<vmem_shared>>) target(%arg9 : memref<48x128xf32, #tpu.memory_space<vmem>>) target_semaphore(%run_scoped3A : memref<!tpu.dma_semaphore, #tpu.memory_space<semaphore_mem>>)
      %dma_wait3A = arith.constant 0 : i32
      %dma_wait3A_72 = tpu.memref_slice %arg6[%add3A_41, %dma_wait3A] : memref<10000x128xf32, #tpu.memory_space<vmem_shared>> -> memref<48x128xf32, #tpu.memory_space<vmem_shared>>
      %dma_wait3A_73 = arith.constant 0 : i32
      %dma_wait3A_74 = tpu.memref_slice %arg6[%add3A_41, %dma_wait3A_73] : memref<10000x128xf32, #tpu.memory_space<vmem_shared>> -> memref<48x128xf32, #tpu.memory_space<vmem_shared>>
      tpu.wait_dma2 semaphore(%run_scoped3A : memref<!tpu.dma_semaphore, #tpu.memory_space<semaphore_mem>>) src(%dma_wait3A_74 : memref<48x128xf32, #tpu.memory_space<vmem_shared>>) dst(%arg9 : memref<48x128xf32, #tpu.memory_space<vmem>>)
      tpu.yield
    }) : () -> ()
    "tpu.region"() ({
      %run_scoped3A = tpu.sem_alloc : memref<!tpu.dma_semaphore, #tpu.memory_space<semaphore_mem>>
      %dma_start3A = arith.constant 0 : i32
      %dma_start3A_69 = tpu.memref_slice %arg5[%arg0, %add3A_41, %dma_start3A] : memref<2x10000x128xf32, #tpu.memory_space<hbm>> -> memref<1x48x128xf32, #tpu.memory_space<hbm>>
      %dma_start3A_70 = tpu.memref_squeeze %dma_start3A_69 : memref<1x48x128xf32, #tpu.memory_space<hbm>> -> memref<48x128xf32, #tpu.memory_space<hbm>>
      %dma_start3A_71 = arith.constant 0 : i32
      %dma_start3A_72 = tpu.memref_slice %arg5[%arg0, %add3A_41, %dma_start3A_71] : memref<2x10000x128xf32, #tpu.memory_space<hbm>> -> memref<1x48x128xf32, #tpu.memory_space<hbm>>
      %dma_start3A_73 = tpu.memref_squeeze %dma_start3A_72 : memref<1x48x128xf32, #tpu.memory_space<hbm>> -> memref<48x128xf32, #tpu.memory_space<hbm>>
      tpu.enqueue_dma source(%arg9 : memref<48x128xf32, #tpu.memory_space<vmem>>) target(%dma_start3A_73 : memref<48x128xf32, #tpu.memory_space<hbm>>) target_semaphore(%run_scoped3A : memref<!tpu.dma_semaphore, #tpu.memory_space<semaphore_mem>>)
      %dma_wait3A = arith.constant 0 : i32
      %dma_wait3A_74 = tpu.memref_slice %arg5[%arg0, %add3A_41, %dma_wait3A] : memref<2x10000x128xf32, #tpu.memory_space<hbm>> -> memref<1x48x128xf32, #tpu.memory_space<hbm>>
      %dma_wait3A_75 = tpu.memref_squeeze %dma_wait3A_74 : memref<1x48x128xf32, #tpu.memory_space<hbm>> -> memref<48x128xf32, #tpu.memory_space<hbm>>
      %dma_wait3A_76 = arith.constant 0 : i32
      %dma_wait3A_77 = tpu.memref_slice %arg5[%arg0, %add3A_41, %dma_wait3A_76] : memref<2x10000x128xf32, #tpu.memory_space<hbm>> -> memref<1x48x128xf32, #tpu.memory_space<hbm>>
      %dma_wait3A_78 = tpu.memref_squeeze %dma_wait3A_77 : memref<1x48x128xf32, #tpu.memory_space<hbm>> -> memref<48x128xf32, #tpu.memory_space<hbm>>
      tpu.wait_dma2 semaphore(%run_scoped3A : memref<!tpu.dma_semaphore, #tpu.memory_space<semaphore_mem>>) src(%arg9 : memref<48x128xf32, #tpu.memory_space<vmem>>) dst(%dma_wait3A_78 : memref<48x128xf32, #tpu.memory_space<hbm>>)
      tpu.yield
    }) : () -> ()
    %add3A_42 = arith.constant 96 : i32
    %add3A_43 = arith.addi %mul3A_0, %add3A_42 : i32
    "tpu.region"() ({
      %run_scoped3A = tpu.sem_alloc : memref<!tpu.dma_semaphore, #tpu.memory_space<semaphore_mem>>
      %dma_start3A = arith.constant 0 : i32
      %dma_start3A_69 = tpu.memref_slice %arg6[%add3A_43, %dma_start3A] : memref<10000x128xf32, #tpu.memory_space<vmem_shared>> -> memref<48x128xf32, #tpu.memory_space<vmem_shared>>
      %dma_start3A_70 = arith.constant 0 : i32
      %dma_start3A_71 = tpu.memref_slice %arg6[%add3A_43, %dma_start3A_70] : memref<10000x128xf32, #tpu.memory_space<vmem_shared>> -> memref<48x128xf32, #tpu.memory_space<vmem_shared>>
      tpu.enqueue_dma source(%dma_start3A_71 : memref<48x128xf32, #tpu.memory_space<vmem_shared>>) target(%arg9 : memref<48x128xf32, #tpu.memory_space<vmem>>) target_semaphore(%run_scoped3A : memref<!tpu.dma_semaphore, #tpu.memory_space<semaphore_mem>>)
      %dma_wait3A = arith.constant 0 : i32
      %dma_wait3A_72 = tpu.memref_slice %arg6[%add3A_43, %dma_wait3A] : memref<10000x128xf32, #tpu.memory_space<vmem_shared>> -> memref<48x128xf32, #tpu.memory_space<vmem_shared>>
      %dma_wait3A_73 = arith.constant 0 : i32
      %dma_wait3A_74 = tpu.memref_slice %arg6[%add3A_43, %dma_wait3A_73] : memref<10000x128xf32, #tpu.memory_space<vmem_shared>> -> memref<48x128xf32, #tpu.memory_space<vmem_shared>>
      tpu.wait_dma2 semaphore(%run_scoped3A : memref<!tpu.dma_semaphore, #tpu.memory_space<semaphore_mem>>) src(%dma_wait3A_74 : memref<48x128xf32, #tpu.memory_space<vmem_shared>>) dst(%arg9 : memref<48x128xf32, #tpu.memory_space<vmem>>)
      tpu.yield
    }) : () -> ()
    "tpu.region"() ({
      %run_scoped3A = tpu.sem_alloc : memref<!tpu.dma_semaphore, #tpu.memory_space<semaphore_mem>>
      %dma_start3A = arith.constant 0 : i32
      %dma_start3A_69 = tpu.memref_slice %arg5[%arg0, %add3A_43, %dma_start3A] : memref<2x10000x128xf32, #tpu.memory_space<hbm>> -> memref<1x48x128xf32, #tpu.memory_space<hbm>>
      %dma_start3A_70 = tpu.memref_squeeze %dma_start3A_69 : memref<1x48x128xf32, #tpu.memory_space<hbm>> -> memref<48x128xf32, #tpu.memory_space<hbm>>
      %dma_start3A_71 = arith.constant 0 : i32
      %dma_start3A_72 = tpu.memref_slice %arg5[%arg0, %add3A_43, %dma_start3A_71] : memref<2x10000x128xf32, #tpu.memory_space<hbm>> -> memref<1x48x128xf32, #tpu.memory_space<hbm>>
      %dma_start3A_73 = tpu.memref_squeeze %dma_start3A_72 : memref<1x48x128xf32, #tpu.memory_space<hbm>> -> memref<48x128xf32, #tpu.memory_space<hbm>>
      tpu.enqueue_dma source(%arg9 : memref<48x128xf32, #tpu.memory_space<vmem>>) target(%dma_start3A_73 : memref<48x128xf32, #tpu.memory_space<hbm>>) target_semaphore(%run_scoped3A : memref<!tpu.dma_semaphore, #tpu.memory_space<semaphore_mem>>)
      %dma_wait3A = arith.constant 0 : i32
      %dma_wait3A_74 = tpu.memref_slice %arg5[%arg0, %add3A_43, %dma_wait3A] : memref<2x10000x128xf32, #tpu.memory_space<hbm>> -> memref<1x48x128xf32, #tpu.memory_space<hbm>>
      %dma_wait3A_75 = tpu.memref_squeeze %dma_wait3A_74 : memref<1x48x128xf32, #tpu.memory_space<hbm>> -> memref<48x128xf32, #tpu.memory_space<hbm>>
      %dma_wait3A_76 = arith.constant 0 : i32
      %dma_wait3A_77 = tpu.memref_slice %arg5[%arg0, %add3A_43, %dma_wait3A_76] : memref<2x10000x128xf32, #tpu.memory_space<hbm>> -> memref<1x48x128xf32, #tpu.memory_space<hbm>>
      %dma_wait3A_78 = tpu.memref_squeeze %dma_wait3A_77 : memref<1x48x128xf32, #tpu.memory_space<hbm>> -> memref<48x128xf32, #tpu.memory_space<hbm>>
      tpu.wait_dma2 semaphore(%run_scoped3A : memref<!tpu.dma_semaphore, #tpu.memory_space<semaphore_mem>>) src(%arg9 : memref<48x128xf32, #tpu.memory_space<vmem>>) dst(%dma_wait3A_78 : memref<48x128xf32, #tpu.memory_space<hbm>>)
      tpu.yield
    }) : () -> ()
    %add3A_44 = arith.constant 144 : i32
    %add3A_45 = arith.addi %mul3A_0, %add3A_44 : i32
    "tpu.region"() ({
      %run_scoped3A = tpu.sem_alloc : memref<!tpu.dma_semaphore, #tpu.memory_space<semaphore_mem>>
      %dma_start3A = arith.constant 0 : i32
      %dma_start3A_69 = tpu.memref_slice %arg6[%add3A_45, %dma_start3A] : memref<10000x128xf32, #tpu.memory_space<vmem_shared>> -> memref<48x128xf32, #tpu.memory_space<vmem_shared>>
      %dma_start3A_70 = arith.constant 0 : i32
      %dma_start3A_71 = tpu.memref_slice %arg6[%add3A_45, %dma_start3A_70] : memref<10000x128xf32, #tpu.memory_space<vmem_shared>> -> memref<48x128xf32, #tpu.memory_space<vmem_shared>>
      tpu.enqueue_dma source(%dma_start3A_71 : memref<48x128xf32, #tpu.memory_space<vmem_shared>>) target(%arg9 : memref<48x128xf32, #tpu.memory_space<vmem>>) target_semaphore(%run_scoped3A : memref<!tpu.dma_semaphore, #tpu.memory_space<semaphore_mem>>)
      %dma_wait3A = arith.constant 0 : i32
      %dma_wait3A_72 = tpu.memref_slice %arg6[%add3A_45, %dma_wait3A] : memref<10000x128xf32, #tpu.memory_space<vmem_shared>> -> memref<48x128xf32, #tpu.memory_space<vmem_shared>>
      %dma_wait3A_73 = arith.constant 0 : i32
      %dma_wait3A_74 = tpu.memref_slice %arg6[%add3A_45, %dma_wait3A_73] : memref<10000x128xf32, #tpu.memory_space<vmem_shared>> -> memref<48x128xf32, #tpu.memory_space<vmem_shared>>
      tpu.wait_dma2 semaphore(%run_scoped3A : memref<!tpu.dma_semaphore, #tpu.memory_space<semaphore_mem>>) src(%dma_wait3A_74 : memref<48x128xf32, #tpu.memory_space<vmem_shared>>) dst(%arg9 : memref<48x128xf32, #tpu.memory_space<vmem>>)
      tpu.yield
    }) : () -> ()
    "tpu.region"() ({
      %run_scoped3A = tpu.sem_alloc : memref<!tpu.dma_semaphore, #tpu.memory_space<semaphore_mem>>
      %dma_start3A = arith.constant 0 : i32
      %dma_start3A_69 = tpu.memref_slice %arg5[%arg0, %add3A_45, %dma_start3A] : memref<2x10000x128xf32, #tpu.memory_space<hbm>> -> memref<1x48x128xf32, #tpu.memory_space<hbm>>
      %dma_start3A_70 = tpu.memref_squeeze %dma_start3A_69 : memref<1x48x128xf32, #tpu.memory_space<hbm>> -> memref<48x128xf32, #tpu.memory_space<hbm>>
      %dma_start3A_71 = arith.constant 0 : i32
      %dma_start3A_72 = tpu.memref_slice %arg5[%arg0, %add3A_45, %dma_start3A_71] : memref<2x10000x128xf32, #tpu.memory_space<hbm>> -> memref<1x48x128xf32, #tpu.memory_space<hbm>>
      %dma_start3A_73 = tpu.memref_squeeze %dma_start3A_72 : memref<1x48x128xf32, #tpu.memory_space<hbm>> -> memref<48x128xf32, #tpu.memory_space<hbm>>
      tpu.enqueue_dma source(%arg9 : memref<48x128xf32, #tpu.memory_space<vmem>>) target(%dma_start3A_73 : memref<48x128xf32, #tpu.memory_space<hbm>>) target_semaphore(%run_scoped3A : memref<!tpu.dma_semaphore, #tpu.memory_space<semaphore_mem>>)
      %dma_wait3A = arith.constant 0 : i32
      %dma_wait3A_74 = tpu.memref_slice %arg5[%arg0, %add3A_45, %dma_wait3A] : memref<2x10000x128xf32, #tpu.memory_space<hbm>> -> memref<1x48x128xf32, #tpu.memory_space<hbm>>
      %dma_wait3A_75 = tpu.memref_squeeze %dma_wait3A_74 : memref<1x48x128xf32, #tpu.memory_space<hbm>> -> memref<48x128xf32, #tpu.memory_space<hbm>>
      %dma_wait3A_76 = arith.constant 0 : i32
      %dma_wait3A_77 = tpu.memref_slice %arg5[%arg0, %add3A_45, %dma_wait3A_76] : memref<2x10000x128xf32, #tpu.memory_space<hbm>> -> memref<1x48x128xf32, #tpu.memory_space<hbm>>
      %dma_wait3A_78 = tpu.memref_squeeze %dma_wait3A_77 : memref<1x48x128xf32, #tpu.memory_space<hbm>> -> memref<48x128xf32, #tpu.memory_space<hbm>>
      tpu.wait_dma2 semaphore(%run_scoped3A : memref<!tpu.dma_semaphore, #tpu.memory_space<semaphore_mem>>) src(%arg9 : memref<48x128xf32, #tpu.memory_space<vmem>>) dst(%dma_wait3A_78 : memref<48x128xf32, #tpu.memory_space<hbm>>)
      tpu.yield
    }) : () -> ()
    %add3A_46 = arith.constant 192 : i32
    %add3A_47 = arith.addi %mul3A_0, %add3A_46 : i32
    "tpu.region"() ({
      %run_scoped3A = tpu.sem_alloc : memref<!tpu.dma_semaphore, #tpu.memory_space<semaphore_mem>>
      %dma_start3A = arith.constant 0 : i32
      %dma_start3A_69 = tpu.memref_slice %arg6[%add3A_47, %dma_start3A] : memref<10000x128xf32, #tpu.memory_space<vmem_shared>> -> memref<48x128xf32, #tpu.memory_space<vmem_shared>>
      %dma_start3A_70 = arith.constant 0 : i32
      %dma_start3A_71 = tpu.memref_slice %arg6[%add3A_47, %dma_start3A_70] : memref<10000x128xf32, #tpu.memory_space<vmem_shared>> -> memref<48x128xf32, #tpu.memory_space<vmem_shared>>
      tpu.enqueue_dma source(%dma_start3A_71 : memref<48x128xf32, #tpu.memory_space<vmem_shared>>) target(%arg9 : memref<48x128xf32, #tpu.memory_space<vmem>>) target_semaphore(%run_scoped3A : memref<!tpu.dma_semaphore, #tpu.memory_space<semaphore_mem>>)
      %dma_wait3A = arith.constant 0 : i32
      %dma_wait3A_72 = tpu.memref_slice %arg6[%add3A_47, %dma_wait3A] : memref<10000x128xf32, #tpu.memory_space<vmem_shared>> -> memref<48x128xf32, #tpu.memory_space<vmem_shared>>
      %dma_wait3A_73 = arith.constant 0 : i32
      %dma_wait3A_74 = tpu.memref_slice %arg6[%add3A_47, %dma_wait3A_73] : memref<10000x128xf32, #tpu.memory_space<vmem_shared>> -> memref<48x128xf32, #tpu.memory_space<vmem_shared>>
      tpu.wait_dma2 semaphore(%run_scoped3A : memref<!tpu.dma_semaphore, #tpu.memory_space<semaphore_mem>>) src(%dma_wait3A_74 : memref<48x128xf32, #tpu.memory_space<vmem_shared>>) dst(%arg9 : memref<48x128xf32, #tpu.memory_space<vmem>>)
      tpu.yield
    }) : () -> ()
    "tpu.region"() ({
      %run_scoped3A = tpu.sem_alloc : memref<!tpu.dma_semaphore, #tpu.memory_space<semaphore_mem>>
      %dma_start3A = arith.constant 0 : i32
      %dma_start3A_69 = tpu.memref_slice %arg5[%arg0, %add3A_47, %dma_start3A] : memref<2x10000x128xf32, #tpu.memory_space<hbm>> -> memref<1x48x128xf32, #tpu.memory_space<hbm>>
      %dma_start3A_70 = tpu.memref_squeeze %dma_start3A_69 : memref<1x48x128xf32, #tpu.memory_space<hbm>> -> memref<48x128xf32, #tpu.memory_space<hbm>>
      %dma_start3A_71 = arith.constant 0 : i32
      %dma_start3A_72 = tpu.memref_slice %arg5[%arg0, %add3A_47, %dma_start3A_71] : memref<2x10000x128xf32, #tpu.memory_space<hbm>> -> memref<1x48x128xf32, #tpu.memory_space<hbm>>
      %dma_start3A_73 = tpu.memref_squeeze %dma_start3A_72 : memref<1x48x128xf32, #tpu.memory_space<hbm>> -> memref<48x128xf32, #tpu.memory_space<hbm>>
      tpu.enqueue_dma source(%arg9 : memref<48x128xf32, #tpu.memory_space<vmem>>) target(%dma_start3A_73 : memref<48x128xf32, #tpu.memory_space<hbm>>) target_semaphore(%run_scoped3A : memref<!tpu.dma_semaphore, #tpu.memory_space<semaphore_mem>>)
      %dma_wait3A = arith.constant 0 : i32
      %dma_wait3A_74 = tpu.memref_slice %arg5[%arg0, %add3A_47, %dma_wait3A] : memref<2x10000x128xf32, #tpu.memory_space<hbm>> -> memref<1x48x128xf32, #tpu.memory_space<hbm>>
      %dma_wait3A_75 = tpu.memref_squeeze %dma_wait3A_74 : memref<1x48x128xf32, #tpu.memory_space<hbm>> -> memref<48x128xf32, #tpu.memory_space<hbm>>
      %dma_wait3A_76 = arith.constant 0 : i32
      %dma_wait3A_77 = tpu.memref_slice %arg5[%arg0, %add3A_47, %dma_wait3A_76] : memref<2x10000x128xf32, #tpu.memory_space<hbm>> -> memref<1x48x128xf32, #tpu.memory_space<hbm>>
      %dma_wait3A_78 = tpu.memref_squeeze %dma_wait3A_77 : memref<1x48x128xf32, #tpu.memory_space<hbm>> -> memref<48x128xf32, #tpu.memory_space<hbm>>
      tpu.wait_dma2 semaphore(%run_scoped3A : memref<!tpu.dma_semaphore, #tpu.memory_space<semaphore_mem>>) src(%arg9 : memref<48x128xf32, #tpu.memory_space<vmem>>) dst(%dma_wait3A_78 : memref<48x128xf32, #tpu.memory_space<hbm>>)
      tpu.yield
    }) : () -> ()
    %add3A_48 = arith.constant 240 : i32
    %add3A_49 = arith.addi %mul3A_0, %add3A_48 : i32
    "tpu.region"() ({
      %run_scoped3A = tpu.sem_alloc : memref<!tpu.dma_semaphore, #tpu.memory_space<semaphore_mem>>
      %dma_start3A = arith.constant 0 : i32
      %dma_start3A_69 = tpu.memref_slice %arg6[%add3A_49, %dma_start3A] : memref<10000x128xf32, #tpu.memory_space<vmem_shared>> -> memref<48x128xf32, #tpu.memory_space<vmem_shared>>
      %dma_start3A_70 = arith.constant 0 : i32
      %dma_start3A_71 = tpu.memref_slice %arg6[%add3A_49, %dma_start3A_70] : memref<10000x128xf32, #tpu.memory_space<vmem_shared>> -> memref<48x128xf32, #tpu.memory_space<vmem_shared>>
      tpu.enqueue_dma source(%dma_start3A_71 : memref<48x128xf32, #tpu.memory_space<vmem_shared>>) target(%arg9 : memref<48x128xf32, #tpu.memory_space<vmem>>) target_semaphore(%run_scoped3A : memref<!tpu.dma_semaphore, #tpu.memory_space<semaphore_mem>>)
      %dma_wait3A = arith.constant 0 : i32
      %dma_wait3A_72 = tpu.memref_slice %arg6[%add3A_49, %dma_wait3A] : memref<10000x128xf32, #tpu.memory_space<vmem_shared>> -> memref<48x128xf32, #tpu.memory_space<vmem_shared>>
      %dma_wait3A_73 = arith.constant 0 : i32
      %dma_wait3A_74 = tpu.memref_slice %arg6[%add3A_49, %dma_wait3A_73] : memref<10000x128xf32, #tpu.memory_space<vmem_shared>> -> memref<48x128xf32, #tpu.memory_space<vmem_shared>>
      tpu.wait_dma2 semaphore(%run_scoped3A : memref<!tpu.dma_semaphore, #tpu.memory_space<semaphore_mem>>) src(%dma_wait3A_74 : memref<48x128xf32, #tpu.memory_space<vmem_shared>>) dst(%arg9 : memref<48x128xf32, #tpu.memory_space<vmem>>)
      tpu.yield
    }) : () -> ()
    "tpu.region"() ({
      %run_scoped3A = tpu.sem_alloc : memref<!tpu.dma_semaphore, #tpu.memory_space<semaphore_mem>>
      %dma_start3A = arith.constant 0 : i32
      %dma_start3A_69 = tpu.memref_slice %arg5[%arg0, %add3A_49, %dma_start3A] : memref<2x10000x128xf32, #tpu.memory_space<hbm>> -> memref<1x48x128xf32, #tpu.memory_space<hbm>>
      %dma_start3A_70 = tpu.memref_squeeze %dma_start3A_69 : memref<1x48x128xf32, #tpu.memory_space<hbm>> -> memref<48x128xf32, #tpu.memory_space<hbm>>
      %dma_start3A_71 = arith.constant 0 : i32
      %dma_start3A_72 = tpu.memref_slice %arg5[%arg0, %add3A_49, %dma_start3A_71] : memref<2x10000x128xf32, #tpu.memory_space<hbm>> -> memref<1x48x128xf32, #tpu.memory_space<hbm>>
      %dma_start3A_73 = tpu.memref_squeeze %dma_start3A_72 : memref<1x48x128xf32, #tpu.memory_space<hbm>> -> memref<48x128xf32, #tpu.memory_space<hbm>>
      tpu.enqueue_dma source(%arg9 : memref<48x128xf32, #tpu.memory_space<vmem>>) target(%dma_start3A_73 : memref<48x128xf32, #tpu.memory_space<hbm>>) target_semaphore(%run_scoped3A : memref<!tpu.dma_semaphore, #tpu.memory_space<semaphore_mem>>)
      %dma_wait3A = arith.constant 0 : i32
      %dma_wait3A_74 = tpu.memref_slice %arg5[%arg0, %add3A_49, %dma_wait3A] : memref<2x10000x128xf32, #tpu.memory_space<hbm>> -> memref<1x48x128xf32, #tpu.memory_space<hbm>>
      %dma_wait3A_75 = tpu.memref_squeeze %dma_wait3A_74 : memref<1x48x128xf32, #tpu.memory_space<hbm>> -> memref<48x128xf32, #tpu.memory_space<hbm>>
      %dma_wait3A_76 = arith.constant 0 : i32
      %dma_wait3A_77 = tpu.memref_slice %arg5[%arg0, %add3A_49, %dma_wait3A_76] : memref<2x10000x128xf32, #tpu.memory_space<hbm>> -> memref<1x48x128xf32, #tpu.memory_space<hbm>>
      %dma_wait3A_78 = tpu.memref_squeeze %dma_wait3A_77 : memref<1x48x128xf32, #tpu.memory_space<hbm>> -> memref<48x128xf32, #tpu.memory_space<hbm>>
      tpu.wait_dma2 semaphore(%run_scoped3A : memref<!tpu.dma_semaphore, #tpu.memory_space<semaphore_mem>>) src(%arg9 : memref<48x128xf32, #tpu.memory_space<vmem>>) dst(%dma_wait3A_78 : memref<48x128xf32, #tpu.memory_space<hbm>>)
      tpu.yield
    }) : () -> ()
    %add3A_50 = arith.constant 288 : i32
    %add3A_51 = arith.addi %mul3A_0, %add3A_50 : i32
    "tpu.region"() ({
      %run_scoped3A = tpu.sem_alloc : memref<!tpu.dma_semaphore, #tpu.memory_space<semaphore_mem>>
      %dma_start3A = arith.constant 0 : i32
      %dma_start3A_69 = tpu.memref_slice %arg6[%add3A_51, %dma_start3A] : memref<10000x128xf32, #tpu.memory_space<vmem_shared>> -> memref<48x128xf32, #tpu.memory_space<vmem_shared>>
      %dma_start3A_70 = arith.constant 0 : i32
      %dma_start3A_71 = tpu.memref_slice %arg6[%add3A_51, %dma_start3A_70] : memref<10000x128xf32, #tpu.memory_space<vmem_shared>> -> memref<48x128xf32, #tpu.memory_space<vmem_shared>>
      tpu.enqueue_dma source(%dma_start3A_71 : memref<48x128xf32, #tpu.memory_space<vmem_shared>>) target(%arg9 : memref<48x128xf32, #tpu.memory_space<vmem>>) target_semaphore(%run_scoped3A : memref<!tpu.dma_semaphore, #tpu.memory_space<semaphore_mem>>)
      %dma_wait3A = arith.constant 0 : i32
      %dma_wait3A_72 = tpu.memref_slice %arg6[%add3A_51, %dma_wait3A] : memref<10000x128xf32, #tpu.memory_space<vmem_shared>> -> memref<48x128xf32, #tpu.memory_space<vmem_shared>>
      %dma_wait3A_73 = arith.constant 0 : i32
      %dma_wait3A_74 = tpu.memref_slice %arg6[%add3A_51, %dma_wait3A_73] : memref<10000x128xf32, #tpu.memory_space<vmem_shared>> -> memref<48x128xf32, #tpu.memory_space<vmem_shared>>
      tpu.wait_dma2 semaphore(%run_scoped3A : memref<!tpu.dma_semaphore, #tpu.memory_space<semaphore_mem>>) src(%dma_wait3A_74 : memref<48x128xf32, #tpu.memory_space<vmem_shared>>) dst(%arg9 : memref<48x128xf32, #tpu.memory_space<vmem>>)
      tpu.yield
    }) : () -> ()
    "tpu.region"() ({
      %run_scoped3A = tpu.sem_alloc : memref<!tpu.dma_semaphore, #tpu.memory_space<semaphore_mem>>
      %dma_start3A = arith.constant 0 : i32
      %dma_start3A_69 = tpu.memref_slice %arg5[%arg0, %add3A_51, %dma_start3A] : memref<2x10000x128xf32, #tpu.memory_space<hbm>> -> memref<1x48x128xf32, #tpu.memory_space<hbm>>
      %dma_start3A_70 = tpu.memref_squeeze %dma_start3A_69 : memref<1x48x128xf32, #tpu.memory_space<hbm>> -> memref<48x128xf32, #tpu.memory_space<hbm>>
      %dma_start3A_71 = arith.constant 0 : i32
      %dma_start3A_72 = tpu.memref_slice %arg5[%arg0, %add3A_51, %dma_start3A_71] : memref<2x10000x128xf32, #tpu.memory_space<hbm>> -> memref<1x48x128xf32, #tpu.memory_space<hbm>>
      %dma_start3A_73 = tpu.memref_squeeze %dma_start3A_72 : memref<1x48x128xf32, #tpu.memory_space<hbm>> -> memref<48x128xf32, #tpu.memory_space<hbm>>
      tpu.enqueue_dma source(%arg9 : memref<48x128xf32, #tpu.memory_space<vmem>>) target(%dma_start3A_73 : memref<48x128xf32, #tpu.memory_space<hbm>>) target_semaphore(%run_scoped3A : memref<!tpu.dma_semaphore, #tpu.memory_space<semaphore_mem>>)
      %dma_wait3A = arith.constant 0 : i32
      %dma_wait3A_74 = tpu.memref_slice %arg5[%arg0, %add3A_51, %dma_wait3A] : memref<2x10000x128xf32, #tpu.memory_space<hbm>> -> memref<1x48x128xf32, #tpu.memory_space<hbm>>
      %dma_wait3A_75 = tpu.memref_squeeze %dma_wait3A_74 : memref<1x48x128xf32, #tpu.memory_space<hbm>> -> memref<48x128xf32, #tpu.memory_space<hbm>>
      %dma_wait3A_76 = arith.constant 0 : i32
      %dma_wait3A_77 = tpu.memref_slice %arg5[%arg0, %add3A_51, %dma_wait3A_76] : memref<2x10000x128xf32, #tpu.memory_space<hbm>> -> memref<1x48x128xf32, #tpu.memory_space<hbm>>
      %dma_wait3A_78 = tpu.memref_squeeze %dma_wait3A_77 : memref<1x48x128xf32, #tpu.memory_space<hbm>> -> memref<48x128xf32, #tpu.memory_space<hbm>>
      tpu.wait_dma2 semaphore(%run_scoped3A : memref<!tpu.dma_semaphore, #tpu.memory_space<semaphore_mem>>) src(%arg9 : memref<48x128xf32, #tpu.memory_space<vmem>>) dst(%dma_wait3A_78 : memref<48x128xf32, #tpu.memory_space<hbm>>)
      tpu.yield
    }) : () -> ()
    %add3A_52 = arith.constant 336 : i32
    %add3A_53 = arith.addi %mul3A_0, %add3A_52 : i32
    "tpu.region"() ({
      %run_scoped3A = tpu.sem_alloc : memref<!tpu.dma_semaphore, #tpu.memory_space<semaphore_mem>>
      %dma_start3A = arith.constant 0 : i32
      %dma_start3A_69 = tpu.memref_slice %arg6[%add3A_53, %dma_start3A] : memref<10000x128xf32, #tpu.memory_space<vmem_shared>> -> memref<48x128xf32, #tpu.memory_space<vmem_shared>>
      %dma_start3A_70 = arith.constant 0 : i32
      %dma_start3A_71 = tpu.memref_slice %arg6[%add3A_53, %dma_start3A_70] : memref<10000x128xf32, #tpu.memory_space<vmem_shared>> -> memref<48x128xf32, #tpu.memory_space<vmem_shared>>
      tpu.enqueue_dma source(%dma_start3A_71 : memref<48x128xf32, #tpu.memory_space<vmem_shared>>) target(%arg9 : memref<48x128xf32, #tpu.memory_space<vmem>>) target_semaphore(%run_scoped3A : memref<!tpu.dma_semaphore, #tpu.memory_space<semaphore_mem>>)
      %dma_wait3A = arith.constant 0 : i32
      %dma_wait3A_72 = tpu.memref_slice %arg6[%add3A_53, %dma_wait3A] : memref<10000x128xf32, #tpu.memory_space<vmem_shared>> -> memref<48x128xf32, #tpu.memory_space<vmem_shared>>
      %dma_wait3A_73 = arith.constant 0 : i32
      %dma_wait3A_74 = tpu.memref_slice %arg6[%add3A_53, %dma_wait3A_73] : memref<10000x128xf32, #tpu.memory_space<vmem_shared>> -> memref<48x128xf32, #tpu.memory_space<vmem_shared>>
      tpu.wait_dma2 semaphore(%run_scoped3A : memref<!tpu.dma_semaphore, #tpu.memory_space<semaphore_mem>>) src(%dma_wait3A_74 : memref<48x128xf32, #tpu.memory_space<vmem_shared>>) dst(%arg9 : memref<48x128xf32, #tpu.memory_space<vmem>>)
      tpu.yield
    }) : () -> ()
    "tpu.region"() ({
      %run_scoped3A = tpu.sem_alloc : memref<!tpu.dma_semaphore, #tpu.memory_space<semaphore_mem>>
      %dma_start3A = arith.constant 0 : i32
      %dma_start3A_69 = tpu.memref_slice %arg5[%arg0, %add3A_53, %dma_start3A] : memref<2x10000x128xf32, #tpu.memory_space<hbm>> -> memref<1x48x128xf32, #tpu.memory_space<hbm>>
      %dma_start3A_70 = tpu.memref_squeeze %dma_start3A_69 : memref<1x48x128xf32, #tpu.memory_space<hbm>> -> memref<48x128xf32, #tpu.memory_space<hbm>>
      %dma_start3A_71 = arith.constant 0 : i32
      %dma_start3A_72 = tpu.memref_slice %arg5[%arg0, %add3A_53, %dma_start3A_71] : memref<2x10000x128xf32, #tpu.memory_space<hbm>> -> memref<1x48x128xf32, #tpu.memory_space<hbm>>
      %dma_start3A_73 = tpu.memref_squeeze %dma_start3A_72 : memref<1x48x128xf32, #tpu.memory_space<hbm>> -> memref<48x128xf32, #tpu.memory_space<hbm>>
      tpu.enqueue_dma source(%arg9 : memref<48x128xf32, #tpu.memory_space<vmem>>) target(%dma_start3A_73 : memref<48x128xf32, #tpu.memory_space<hbm>>) target_semaphore(%run_scoped3A : memref<!tpu.dma_semaphore, #tpu.memory_space<semaphore_mem>>)
      %dma_wait3A = arith.constant 0 : i32
      %dma_wait3A_74 = tpu.memref_slice %arg5[%arg0, %add3A_53, %dma_wait3A] : memref<2x10000x128xf32, #tpu.memory_space<hbm>> -> memref<1x48x128xf32, #tpu.memory_space<hbm>>
      %dma_wait3A_75 = tpu.memref_squeeze %dma_wait3A_74 : memref<1x48x128xf32, #tpu.memory_space<hbm>> -> memref<48x128xf32, #tpu.memory_space<hbm>>
      %dma_wait3A_76 = arith.constant 0 : i32
      %dma_wait3A_77 = tpu.memref_slice %arg5[%arg0, %add3A_53, %dma_wait3A_76] : memref<2x10000x128xf32, #tpu.memory_space<hbm>> -> memref<1x48x128xf32, #tpu.memory_space<hbm>>
      %dma_wait3A_78 = tpu.memref_squeeze %dma_wait3A_77 : memref<1x48x128xf32, #tpu.memory_space<hbm>> -> memref<48x128xf32, #tpu.memory_space<hbm>>
      tpu.wait_dma2 semaphore(%run_scoped3A : memref<!tpu.dma_semaphore, #tpu.memory_space<semaphore_mem>>) src(%arg9 : memref<48x128xf32, #tpu.memory_space<vmem>>) dst(%dma_wait3A_78 : memref<48x128xf32, #tpu.memory_space<hbm>>)
      tpu.yield
    }) : () -> ()
    %add3A_54 = arith.constant 384 : i32
    %add3A_55 = arith.addi %mul3A_0, %add3A_54 : i32
    "tpu.region"() ({
      %run_scoped3A = tpu.sem_alloc : memref<!tpu.dma_semaphore, #tpu.memory_space<semaphore_mem>>
      %dma_start3A = arith.constant 0 : i32
      %dma_start3A_69 = tpu.memref_slice %arg6[%add3A_55, %dma_start3A] : memref<10000x128xf32, #tpu.memory_space<vmem_shared>> -> memref<48x128xf32, #tpu.memory_space<vmem_shared>>
      %dma_start3A_70 = arith.constant 0 : i32
      %dma_start3A_71 = tpu.memref_slice %arg6[%add3A_55, %dma_start3A_70] : memref<10000x128xf32, #tpu.memory_space<vmem_shared>> -> memref<48x128xf32, #tpu.memory_space<vmem_shared>>
      tpu.enqueue_dma source(%dma_start3A_71 : memref<48x128xf32, #tpu.memory_space<vmem_shared>>) target(%arg9 : memref<48x128xf32, #tpu.memory_space<vmem>>) target_semaphore(%run_scoped3A : memref<!tpu.dma_semaphore, #tpu.memory_space<semaphore_mem>>)
      %dma_wait3A = arith.constant 0 : i32
      %dma_wait3A_72 = tpu.memref_slice %arg6[%add3A_55, %dma_wait3A] : memref<10000x128xf32, #tpu.memory_space<vmem_shared>> -> memref<48x128xf32, #tpu.memory_space<vmem_shared>>
      %dma_wait3A_73 = arith.constant 0 : i32
      %dma_wait3A_74 = tpu.memref_slice %arg6[%add3A_55, %dma_wait3A_73] : memref<10000x128xf32, #tpu.memory_space<vmem_shared>> -> memref<48x128xf32, #tpu.memory_space<vmem_shared>>
      tpu.wait_dma2 semaphore(%run_scoped3A : memref<!tpu.dma_semaphore, #tpu.memory_space<semaphore_mem>>) src(%dma_wait3A_74 : memref<48x128xf32, #tpu.memory_space<vmem_shared>>) dst(%arg9 : memref<48x128xf32, #tpu.memory_space<vmem>>)
      tpu.yield
    }) : () -> ()
    "tpu.region"() ({
      %run_scoped3A = tpu.sem_alloc : memref<!tpu.dma_semaphore, #tpu.memory_space<semaphore_mem>>
      %dma_start3A = arith.constant 0 : i32
      %dma_start3A_69 = tpu.memref_slice %arg5[%arg0, %add3A_55, %dma_start3A] : memref<2x10000x128xf32, #tpu.memory_space<hbm>> -> memref<1x48x128xf32, #tpu.memory_space<hbm>>
      %dma_start3A_70 = tpu.memref_squeeze %dma_start3A_69 : memref<1x48x128xf32, #tpu.memory_space<hbm>> -> memref<48x128xf32, #tpu.memory_space<hbm>>
      %dma_start3A_71 = arith.constant 0 : i32
      %dma_start3A_72 = tpu.memref_slice %arg5[%arg0, %add3A_55, %dma_start3A_71] : memref<2x10000x128xf32, #tpu.memory_space<hbm>> -> memref<1x48x128xf32, #tpu.memory_space<hbm>>
      %dma_start3A_73 = tpu.memref_squeeze %dma_start3A_72 : memref<1x48x128xf32, #tpu.memory_space<hbm>> -> memref<48x128xf32, #tpu.memory_space<hbm>>
      tpu.enqueue_dma source(%arg9 : memref<48x128xf32, #tpu.memory_space<vmem>>) target(%dma_start3A_73 : memref<48x128xf32, #tpu.memory_space<hbm>>) target_semaphore(%run_scoped3A : memref<!tpu.dma_semaphore, #tpu.memory_space<semaphore_mem>>)
      %dma_wait3A = arith.constant 0 : i32
      %dma_wait3A_74 = tpu.memref_slice %arg5[%arg0, %add3A_55, %dma_wait3A] : memref<2x10000x128xf32, #tpu.memory_space<hbm>> -> memref<1x48x128xf32, #tpu.memory_space<hbm>>
      %dma_wait3A_75 = tpu.memref_squeeze %dma_wait3A_74 : memref<1x48x128xf32, #tpu.memory_space<hbm>> -> memref<48x128xf32, #tpu.memory_space<hbm>>
      %dma_wait3A_76 = arith.constant 0 : i32
      %dma_wait3A_77 = tpu.memref_slice %arg5[%arg0, %add3A_55, %dma_wait3A_76] : memref<2x10000x128xf32, #tpu.memory_space<hbm>> -> memref<1x48x128xf32, #tpu.memory_space<hbm>>
      %dma_wait3A_78 = tpu.memref_squeeze %dma_wait3A_77 : memref<1x48x128xf32, #tpu.memory_space<hbm>> -> memref<48x128xf32, #tpu.memory_space<hbm>>
      tpu.wait_dma2 semaphore(%run_scoped3A : memref<!tpu.dma_semaphore, #tpu.memory_space<semaphore_mem>>) src(%arg9 : memref<48x128xf32, #tpu.memory_space<vmem>>) dst(%dma_wait3A_78 : memref<48x128xf32, #tpu.memory_space<hbm>>)
      tpu.yield
    }) : () -> ()
    %add3A_56 = arith.constant 432 : i32
    %add3A_57 = arith.addi %mul3A_0, %add3A_56 : i32
    "tpu.region"() ({
      %run_scoped3A = tpu.sem_alloc : memref<!tpu.dma_semaphore, #tpu.memory_space<semaphore_mem>>
      %dma_start3A = arith.constant 0 : i32
      %dma_start3A_69 = tpu.memref_slice %arg6[%add3A_57, %dma_start3A] : memref<10000x128xf32, #tpu.memory_space<vmem_shared>> -> memref<48x128xf32, #tpu.memory_space<vmem_shared>>
      %dma_start3A_70 = arith.constant 0 : i32
      %dma_start3A_71 = tpu.memref_slice %arg6[%add3A_57, %dma_start3A_70] : memref<10000x128xf32, #tpu.memory_space<vmem_shared>> -> memref<48x128xf32, #tpu.memory_space<vmem_shared>>
      tpu.enqueue_dma source(%dma_start3A_71 : memref<48x128xf32, #tpu.memory_space<vmem_shared>>) target(%arg9 : memref<48x128xf32, #tpu.memory_space<vmem>>) target_semaphore(%run_scoped3A : memref<!tpu.dma_semaphore, #tpu.memory_space<semaphore_mem>>)
      %dma_wait3A = arith.constant 0 : i32
      %dma_wait3A_72 = tpu.memref_slice %arg6[%add3A_57, %dma_wait3A] : memref<10000x128xf32, #tpu.memory_space<vmem_shared>> -> memref<48x128xf32, #tpu.memory_space<vmem_shared>>
      %dma_wait3A_73 = arith.constant 0 : i32
      %dma_wait3A_74 = tpu.memref_slice %arg6[%add3A_57, %dma_wait3A_73] : memref<10000x128xf32, #tpu.memory_space<vmem_shared>> -> memref<48x128xf32, #tpu.memory_space<vmem_shared>>
      tpu.wait_dma2 semaphore(%run_scoped3A : memref<!tpu.dma_semaphore, #tpu.memory_space<semaphore_mem>>) src(%dma_wait3A_74 : memref<48x128xf32, #tpu.memory_space<vmem_shared>>) dst(%arg9 : memref<48x128xf32, #tpu.memory_space<vmem>>)
      tpu.yield
    }) : () -> ()
    "tpu.region"() ({
      %run_scoped3A = tpu.sem_alloc : memref<!tpu.dma_semaphore, #tpu.memory_space<semaphore_mem>>
      %dma_start3A = arith.constant 0 : i32
      %dma_start3A_69 = tpu.memref_slice %arg5[%arg0, %add3A_57, %dma_start3A] : memref<2x10000x128xf32, #tpu.memory_space<hbm>> -> memref<1x48x128xf32, #tpu.memory_space<hbm>>
      %dma_start3A_70 = tpu.memref_squeeze %dma_start3A_69 : memref<1x48x128xf32, #tpu.memory_space<hbm>> -> memref<48x128xf32, #tpu.memory_space<hbm>>
      %dma_start3A_71 = arith.constant 0 : i32
      %dma_start3A_72 = tpu.memref_slice %arg5[%arg0, %add3A_57, %dma_start3A_71] : memref<2x10000x128xf32, #tpu.memory_space<hbm>> -> memref<1x48x128xf32, #tpu.memory_space<hbm>>
      %dma_start3A_73 = tpu.memref_squeeze %dma_start3A_72 : memref<1x48x128xf32, #tpu.memory_space<hbm>> -> memref<48x128xf32, #tpu.memory_space<hbm>>
      tpu.enqueue_dma source(%arg9 : memref<48x128xf32, #tpu.memory_space<vmem>>) target(%dma_start3A_73 : memref<48x128xf32, #tpu.memory_space<hbm>>) target_semaphore(%run_scoped3A : memref<!tpu.dma_semaphore, #tpu.memory_space<semaphore_mem>>)
      %dma_wait3A = arith.constant 0 : i32
      %dma_wait3A_74 = tpu.memref_slice %arg5[%arg0, %add3A_57, %dma_wait3A] : memref<2x10000x128xf32, #tpu.memory_space<hbm>> -> memref<1x48x128xf32, #tpu.memory_space<hbm>>
      %dma_wait3A_75 = tpu.memref_squeeze %dma_wait3A_74 : memref<1x48x128xf32, #tpu.memory_space<hbm>> -> memref<48x128xf32, #tpu.memory_space<hbm>>
      %dma_wait3A_76 = arith.constant 0 : i32
      %dma_wait3A_77 = tpu.memref_slice %arg5[%arg0, %add3A_57, %dma_wait3A_76] : memref<2x10000x128xf32, #tpu.memory_space<hbm>> -> memref<1x48x128xf32, #tpu.memory_space<hbm>>
      %dma_wait3A_78 = tpu.memref_squeeze %dma_wait3A_77 : memref<1x48x128xf32, #tpu.memory_space<hbm>> -> memref<48x128xf32, #tpu.memory_space<hbm>>
      tpu.wait_dma2 semaphore(%run_scoped3A : memref<!tpu.dma_semaphore, #tpu.memory_space<semaphore_mem>>) src(%arg9 : memref<48x128xf32, #tpu.memory_space<vmem>>) dst(%dma_wait3A_78 : memref<48x128xf32, #tpu.memory_space<hbm>>)
      tpu.yield
    }) : () -> ()
    %add3A_58 = arith.constant 480 : i32
    %add3A_59 = arith.addi %mul3A_0, %add3A_58 : i32
    "tpu.region"() ({
      %run_scoped3A = tpu.sem_alloc : memref<!tpu.dma_semaphore, #tpu.memory_space<semaphore_mem>>
      %dma_start3A = arith.constant 0 : i32
      %dma_start3A_69 = tpu.memref_slice %arg6[%add3A_59, %dma_start3A] : memref<10000x128xf32, #tpu.memory_space<vmem_shared>> -> memref<48x128xf32, #tpu.memory_space<vmem_shared>>
      %dma_start3A_70 = arith.constant 0 : i32
      %dma_start3A_71 = tpu.memref_slice %arg6[%add3A_59, %dma_start3A_70] : memref<10000x128xf32, #tpu.memory_space<vmem_shared>> -> memref<48x128xf32, #tpu.memory_space<vmem_shared>>
      tpu.enqueue_dma source(%dma_start3A_71 : memref<48x128xf32, #tpu.memory_space<vmem_shared>>) target(%arg9 : memref<48x128xf32, #tpu.memory_space<vmem>>) target_semaphore(%run_scoped3A : memref<!tpu.dma_semaphore, #tpu.memory_space<semaphore_mem>>)
      %dma_wait3A = arith.constant 0 : i32
      %dma_wait3A_72 = tpu.memref_slice %arg6[%add3A_59, %dma_wait3A] : memref<10000x128xf32, #tpu.memory_space<vmem_shared>> -> memref<48x128xf32, #tpu.memory_space<vmem_shared>>
      %dma_wait3A_73 = arith.constant 0 : i32
      %dma_wait3A_74 = tpu.memref_slice %arg6[%add3A_59, %dma_wait3A_73] : memref<10000x128xf32, #tpu.memory_space<vmem_shared>> -> memref<48x128xf32, #tpu.memory_space<vmem_shared>>
      tpu.wait_dma2 semaphore(%run_scoped3A : memref<!tpu.dma_semaphore, #tpu.memory_space<semaphore_mem>>) src(%dma_wait3A_74 : memref<48x128xf32, #tpu.memory_space<vmem_shared>>) dst(%arg9 : memref<48x128xf32, #tpu.memory_space<vmem>>)
      tpu.yield
    }) : () -> ()
    "tpu.region"() ({
      %run_scoped3A = tpu.sem_alloc : memref<!tpu.dma_semaphore, #tpu.memory_space<semaphore_mem>>
      %dma_start3A = arith.constant 0 : i32
      %dma_start3A_69 = tpu.memref_slice %arg5[%arg0, %add3A_59, %dma_start3A] : memref<2x10000x128xf32, #tpu.memory_space<hbm>> -> memref<1x48x128xf32, #tpu.memory_space<hbm>>
      %dma_start3A_70 = tpu.memref_squeeze %dma_start3A_69 : memref<1x48x128xf32, #tpu.memory_space<hbm>> -> memref<48x128xf32, #tpu.memory_space<hbm>>
      %dma_start3A_71 = arith.constant 0 : i32
      %dma_start3A_72 = tpu.memref_slice %arg5[%arg0, %add3A_59, %dma_start3A_71] : memref<2x10000x128xf32, #tpu.memory_space<hbm>> -> memref<1x48x128xf32, #tpu.memory_space<hbm>>
      %dma_start3A_73 = tpu.memref_squeeze %dma_start3A_72 : memref<1x48x128xf32, #tpu.memory_space<hbm>> -> memref<48x128xf32, #tpu.memory_space<hbm>>
      tpu.enqueue_dma source(%arg9 : memref<48x128xf32, #tpu.memory_space<vmem>>) target(%dma_start3A_73 : memref<48x128xf32, #tpu.memory_space<hbm>>) target_semaphore(%run_scoped3A : memref<!tpu.dma_semaphore, #tpu.memory_space<semaphore_mem>>)
      %dma_wait3A = arith.constant 0 : i32
      %dma_wait3A_74 = tpu.memref_slice %arg5[%arg0, %add3A_59, %dma_wait3A] : memref<2x10000x128xf32, #tpu.memory_space<hbm>> -> memref<1x48x128xf32, #tpu.memory_space<hbm>>
      %dma_wait3A_75 = tpu.memref_squeeze %dma_wait3A_74 : memref<1x48x128xf32, #tpu.memory_space<hbm>> -> memref<48x128xf32, #tpu.memory_space<hbm>>
      %dma_wait3A_76 = arith.constant 0 : i32
      %dma_wait3A_77 = tpu.memref_slice %arg5[%arg0, %add3A_59, %dma_wait3A_76] : memref<2x10000x128xf32, #tpu.memory_space<hbm>> -> memref<1x48x128xf32, #tpu.memory_space<hbm>>
      %dma_wait3A_78 = tpu.memref_squeeze %dma_wait3A_77 : memref<1x48x128xf32, #tpu.memory_space<hbm>> -> memref<48x128xf32, #tpu.memory_space<hbm>>
      tpu.wait_dma2 semaphore(%run_scoped3A : memref<!tpu.dma_semaphore, #tpu.memory_space<semaphore_mem>>) src(%arg9 : memref<48x128xf32, #tpu.memory_space<vmem>>) dst(%dma_wait3A_78 : memref<48x128xf32, #tpu.memory_space<hbm>>)
      tpu.yield
    }) : () -> ()
    %add3A_60 = arith.constant 528 : i32
    %add3A_61 = arith.addi %mul3A_0, %add3A_60 : i32
    "tpu.region"() ({
      %run_scoped3A = tpu.sem_alloc : memref<!tpu.dma_semaphore, #tpu.memory_space<semaphore_mem>>
      %dma_start3A = arith.constant 0 : i32
      %dma_start3A_69 = tpu.memref_slice %arg6[%add3A_61, %dma_start3A] : memref<10000x128xf32, #tpu.memory_space<vmem_shared>> -> memref<48x128xf32, #tpu.memory_space<vmem_shared>>
      %dma_start3A_70 = arith.constant 0 : i32
      %dma_start3A_71 = tpu.memref_slice %arg6[%add3A_61, %dma_start3A_70] : memref<10000x128xf32, #tpu.memory_space<vmem_shared>> -> memref<48x128xf32, #tpu.memory_space<vmem_shared>>
      tpu.enqueue_dma source(%dma_start3A_71 : memref<48x128xf32, #tpu.memory_space<vmem_shared>>) target(%arg9 : memref<48x128xf32, #tpu.memory_space<vmem>>) target_semaphore(%run_scoped3A : memref<!tpu.dma_semaphore, #tpu.memory_space<semaphore_mem>>)
      %dma_wait3A = arith.constant 0 : i32
      %dma_wait3A_72 = tpu.memref_slice %arg6[%add3A_61, %dma_wait3A] : memref<10000x128xf32, #tpu.memory_space<vmem_shared>> -> memref<48x128xf32, #tpu.memory_space<vmem_shared>>
      %dma_wait3A_73 = arith.constant 0 : i32
      %dma_wait3A_74 = tpu.memref_slice %arg6[%add3A_61, %dma_wait3A_73] : memref<10000x128xf32, #tpu.memory_space<vmem_shared>> -> memref<48x128xf32, #tpu.memory_space<vmem_shared>>
      tpu.wait_dma2 semaphore(%run_scoped3A : memref<!tpu.dma_semaphore, #tpu.memory_space<semaphore_mem>>) src(%dma_wait3A_74 : memref<48x128xf32, #tpu.memory_space<vmem_shared>>) dst(%arg9 : memref<48x128xf32, #tpu.memory_space<vmem>>)
      tpu.yield
    }) : () -> ()
    "tpu.region"() ({
      %run_scoped3A = tpu.sem_alloc : memref<!tpu.dma_semaphore, #tpu.memory_space<semaphore_mem>>
      %dma_start3A = arith.constant 0 : i32
      %dma_start3A_69 = tpu.memref_slice %arg5[%arg0, %add3A_61, %dma_start3A] : memref<2x10000x128xf32, #tpu.memory_space<hbm>> -> memref<1x48x128xf32, #tpu.memory_space<hbm>>
      %dma_start3A_70 = tpu.memref_squeeze %dma_start3A_69 : memref<1x48x128xf32, #tpu.memory_space<hbm>> -> memref<48x128xf32, #tpu.memory_space<hbm>>
      %dma_start3A_71 = arith.constant 0 : i32
      %dma_start3A_72 = tpu.memref_slice %arg5[%arg0, %add3A_61, %dma_start3A_71] : memref<2x10000x128xf32, #tpu.memory_space<hbm>> -> memref<1x48x128xf32, #tpu.memory_space<hbm>>
      %dma_start3A_73 = tpu.memref_squeeze %dma_start3A_72 : memref<1x48x128xf32, #tpu.memory_space<hbm>> -> memref<48x128xf32, #tpu.memory_space<hbm>>
      tpu.enqueue_dma source(%arg9 : memref<48x128xf32, #tpu.memory_space<vmem>>) target(%dma_start3A_73 : memref<48x128xf32, #tpu.memory_space<hbm>>) target_semaphore(%run_scoped3A : memref<!tpu.dma_semaphore, #tpu.memory_space<semaphore_mem>>)
      %dma_wait3A = arith.constant 0 : i32
      %dma_wait3A_74 = tpu.memref_slice %arg5[%arg0, %add3A_61, %dma_wait3A] : memref<2x10000x128xf32, #tpu.memory_space<hbm>> -> memref<1x48x128xf32, #tpu.memory_space<hbm>>
      %dma_wait3A_75 = tpu.memref_squeeze %dma_wait3A_74 : memref<1x48x128xf32, #tpu.memory_space<hbm>> -> memref<48x128xf32, #tpu.memory_space<hbm>>
      %dma_wait3A_76 = arith.constant 0 : i32
      %dma_wait3A_77 = tpu.memref_slice %arg5[%arg0, %add3A_61, %dma_wait3A_76] : memref<2x10000x128xf32, #tpu.memory_space<hbm>> -> memref<1x48x128xf32, #tpu.memory_space<hbm>>
      %dma_wait3A_78 = tpu.memref_squeeze %dma_wait3A_77 : memref<1x48x128xf32, #tpu.memory_space<hbm>> -> memref<48x128xf32, #tpu.memory_space<hbm>>
      tpu.wait_dma2 semaphore(%run_scoped3A : memref<!tpu.dma_semaphore, #tpu.memory_space<semaphore_mem>>) src(%arg9 : memref<48x128xf32, #tpu.memory_space<vmem>>) dst(%dma_wait3A_78 : memref<48x128xf32, #tpu.memory_space<hbm>>)
      tpu.yield
    }) : () -> ()
    %add3A_62 = arith.constant 576 : i32
    %add3A_63 = arith.addi %mul3A_0, %add3A_62 : i32
    "tpu.region"() ({
      %run_scoped3A = tpu.sem_alloc : memref<!tpu.dma_semaphore, #tpu.memory_space<semaphore_mem>>
      %dma_start3A = arith.constant 0 : i32
      %dma_start3A_69 = tpu.memref_slice %arg6[%add3A_63, %dma_start3A] : memref<10000x128xf32, #tpu.memory_space<vmem_shared>> -> memref<48x128xf32, #tpu.memory_space<vmem_shared>>
      %dma_start3A_70 = arith.constant 0 : i32
      %dma_start3A_71 = tpu.memref_slice %arg6[%add3A_63, %dma_start3A_70] : memref<10000x128xf32, #tpu.memory_space<vmem_shared>> -> memref<48x128xf32, #tpu.memory_space<vmem_shared>>
      tpu.enqueue_dma source(%dma_start3A_71 : memref<48x128xf32, #tpu.memory_space<vmem_shared>>) target(%arg9 : memref<48x128xf32, #tpu.memory_space<vmem>>) target_semaphore(%run_scoped3A : memref<!tpu.dma_semaphore, #tpu.memory_space<semaphore_mem>>)
      %dma_wait3A = arith.constant 0 : i32
      %dma_wait3A_72 = tpu.memref_slice %arg6[%add3A_63, %dma_wait3A] : memref<10000x128xf32, #tpu.memory_space<vmem_shared>> -> memref<48x128xf32, #tpu.memory_space<vmem_shared>>
      %dma_wait3A_73 = arith.constant 0 : i32
      %dma_wait3A_74 = tpu.memref_slice %arg6[%add3A_63, %dma_wait3A_73] : memref<10000x128xf32, #tpu.memory_space<vmem_shared>> -> memref<48x128xf32, #tpu.memory_space<vmem_shared>>
      tpu.wait_dma2 semaphore(%run_scoped3A : memref<!tpu.dma_semaphore, #tpu.memory_space<semaphore_mem>>) src(%dma_wait3A_74 : memref<48x128xf32, #tpu.memory_space<vmem_shared>>) dst(%arg9 : memref<48x128xf32, #tpu.memory_space<vmem>>)
      tpu.yield
    }) : () -> ()
    "tpu.region"() ({
      %run_scoped3A = tpu.sem_alloc : memref<!tpu.dma_semaphore, #tpu.memory_space<semaphore_mem>>
      %dma_start3A = arith.constant 0 : i32
      %dma_start3A_69 = tpu.memref_slice %arg5[%arg0, %add3A_63, %dma_start3A] : memref<2x10000x128xf32, #tpu.memory_space<hbm>> -> memref<1x48x128xf32, #tpu.memory_space<hbm>>
      %dma_start3A_70 = tpu.memref_squeeze %dma_start3A_69 : memref<1x48x128xf32, #tpu.memory_space<hbm>> -> memref<48x128xf32, #tpu.memory_space<hbm>>
      %dma_start3A_71 = arith.constant 0 : i32
      %dma_start3A_72 = tpu.memref_slice %arg5[%arg0, %add3A_63, %dma_start3A_71] : memref<2x10000x128xf32, #tpu.memory_space<hbm>> -> memref<1x48x128xf32, #tpu.memory_space<hbm>>
      %dma_start3A_73 = tpu.memref_squeeze %dma_start3A_72 : memref<1x48x128xf32, #tpu.memory_space<hbm>> -> memref<48x128xf32, #tpu.memory_space<hbm>>
      tpu.enqueue_dma source(%arg9 : memref<48x128xf32, #tpu.memory_space<vmem>>) target(%dma_start3A_73 : memref<48x128xf32, #tpu.memory_space<hbm>>) target_semaphore(%run_scoped3A : memref<!tpu.dma_semaphore, #tpu.memory_space<semaphore_mem>>)
      %dma_wait3A = arith.constant 0 : i32
      %dma_wait3A_74 = tpu.memref_slice %arg5[%arg0, %add3A_63, %dma_wait3A] : memref<2x10000x128xf32, #tpu.memory_space<hbm>> -> memref<1x48x128xf32, #tpu.memory_space<hbm>>
      %dma_wait3A_75 = tpu.memref_squeeze %dma_wait3A_74 : memref<1x48x128xf32, #tpu.memory_space<hbm>> -> memref<48x128xf32, #tpu.memory_space<hbm>>
      %dma_wait3A_76 = arith.constant 0 : i32
      %dma_wait3A_77 = tpu.memref_slice %arg5[%arg0, %add3A_63, %dma_wait3A_76] : memref<2x10000x128xf32, #tpu.memory_space<hbm>> -> memref<1x48x128xf32, #tpu.memory_space<hbm>>
      %dma_wait3A_78 = tpu.memref_squeeze %dma_wait3A_77 : memref<1x48x128xf32, #tpu.memory_space<hbm>> -> memref<48x128xf32, #tpu.memory_space<hbm>>
      tpu.wait_dma2 semaphore(%run_scoped3A : memref<!tpu.dma_semaphore, #tpu.memory_space<semaphore_mem>>) src(%arg9 : memref<48x128xf32, #tpu.memory_space<vmem>>) dst(%dma_wait3A_78 : memref<48x128xf32, #tpu.memory_space<hbm>>)
      tpu.yield
    }) : () -> ()
    %eq3A_64 = arith.constant 15 : i32
    %eq3A_65 = arith.cmpi eq, %arg1, %eq3A_64 : i32
    %convert_element_type3A_66 = arith.extui %eq3A_65 : i1 to i32
    %cond3A_67 = arith.constant 0 : i32
    %cond3A_68 = arith.cmpi ne, %convert_element_type3A_66, %cond3A_67 : i32
    scf.if %cond3A_68 {
      "tpu.region"() ({
        %run_scoped3A = tpu.sem_alloc : memref<!tpu.dma_semaphore, #tpu.memory_space<semaphore_mem>>
        %dma_start3A = arith.constant 0 : i32
        %dma_start3A_69 = arith.constant 0 : i32
        %dma_start3A_70 = tpu.memref_slice %arg9[%dma_start3A, %dma_start3A_69] : memref<48x128xf32, #tpu.memory_space<vmem>> -> memref<16x128xf32, #tpu.memory_space<vmem>>
        %dma_start3A_71 = arith.constant 9984 : i32
        %dma_start3A_72 = arith.constant 0 : i32
        %dma_start3A_73 = tpu.memref_slice %arg6[%dma_start3A_71, %dma_start3A_72] : memref<10000x128xf32, #tpu.memory_space<vmem_shared>> -> memref<16x128xf32, #tpu.memory_space<vmem_shared>>
        %dma_start3A_74 = arith.constant 0 : i32
        %dma_start3A_75 = arith.constant 0 : i32
        %dma_start3A_76 = tpu.memref_slice %arg9[%dma_start3A_74, %dma_start3A_75] : memref<48x128xf32, #tpu.memory_space<vmem>> -> memref<16x128xf32, #tpu.memory_space<vmem>>
        %dma_start3A_77 = arith.constant 9984 : i32
        %dma_start3A_78 = arith.constant 0 : i32
        %dma_start3A_79 = tpu.memref_slice %arg6[%dma_start3A_77, %dma_start3A_78] : memref<10000x128xf32, #tpu.memory_space<vmem_shared>> -> memref<16x128xf32, #tpu.memory_space<vmem_shared>>
        tpu.enqueue_dma source(%dma_start3A_79 : memref<16x128xf32, #tpu.memory_space<vmem_shared>>) target(%dma_start3A_76 : memref<16x128xf32, #tpu.memory_space<vmem>>) target_semaphore(%run_scoped3A : memref<!tpu.dma_semaphore, #tpu.memory_space<semaphore_mem>>)
        %dma_wait3A = arith.constant 0 : i32
        %dma_wait3A_80 = arith.constant 0 : i32
        %dma_wait3A_81 = tpu.memref_slice %arg9[%dma_wait3A, %dma_wait3A_80] : memref<48x128xf32, #tpu.memory_space<vmem>> -> memref<16x128xf32, #tpu.memory_space<vmem>>
        %dma_wait3A_82 = arith.constant 9984 : i32
        %dma_wait3A_83 = arith.constant 0 : i32
        %dma_wait3A_84 = tpu.memref_slice %arg6[%dma_wait3A_82, %dma_wait3A_83] : memref<10000x128xf32, #tpu.memory_space<vmem_shared>> -> memref<16x128xf32, #tpu.memory_space<vmem_shared>>
        %dma_wait3A_85 = arith.constant 0 : i32
        %dma_wait3A_86 = arith.constant 0 : i32
        %dma_wait3A_87 = tpu.memref_slice %arg9[%dma_wait3A_85, %dma_wait3A_86] : memref<48x128xf32, #tpu.memory_space<vmem>> -> memref<16x128xf32, #tpu.memory_space<vmem>>
        %dma_wait3A_88 = arith.constant 9984 : i32
        %dma_wait3A_89 = arith.constant 0 : i32
        %dma_wait3A_90 = tpu.memref_slice %arg6[%dma_wait3A_88, %dma_wait3A_89] : memref<10000x128xf32, #tpu.memory_space<vmem_shared>> -> memref<16x128xf32, #tpu.memory_space<vmem_shared>>
        tpu.wait_dma2 semaphore(%run_scoped3A : memref<!tpu.dma_semaphore, #tpu.memory_space<semaphore_mem>>) src(%dma_wait3A_90 : memref<16x128xf32, #tpu.memory_space<vmem_shared>>) dst(%dma_wait3A_87 : memref<16x128xf32, #tpu.memory_space<vmem>>)
        tpu.yield
      }) : () -> ()
      "tpu.region"() ({
        %run_scoped3A = tpu.sem_alloc : memref<!tpu.dma_semaphore, #tpu.memory_space<semaphore_mem>>
        %dma_start3A = arith.constant 0 : i32
        %dma_start3A_69 = arith.constant 0 : i32
        %dma_start3A_70 = tpu.memref_slice %arg9[%dma_start3A, %dma_start3A_69] : memref<48x128xf32, #tpu.memory_space<vmem>> -> memref<16x128xf32, #tpu.memory_space<vmem>>
        %dma_start3A_71 = arith.constant 9984 : i32
        %dma_start3A_72 = arith.constant 0 : i32
        %dma_start3A_73 = tpu.memref_slice %arg5[%arg0, %dma_start3A_71, %dma_start3A_72] : memref<2x10000x128xf32, #tpu.memory_space<hbm>> -> memref<1x16x128xf32, #tpu.memory_space<hbm>>
        %dma_start3A_74 = tpu.memref_squeeze %dma_start3A_73 : memref<1x16x128xf32, #tpu.memory_space<hbm>> -> memref<16x128xf32, #tpu.memory_space<hbm>>
        %dma_start3A_75 = arith.constant 9984 : i32
        %dma_start3A_76 = arith.constant 0 : i32
        %dma_start3A_77 = tpu.memref_slice %arg5[%arg0, %dma_start3A_75, %dma_start3A_76] : memref<2x10000x128xf32, #tpu.memory_space<hbm>> -> memref<1x16x128xf32, #tpu.memory_space<hbm>>
        %dma_start3A_78 = tpu.memref_squeeze %dma_start3A_77 : memref<1x16x128xf32, #tpu.memory_space<hbm>> -> memref<16x128xf32, #tpu.memory_space<hbm>>
        %dma_start3A_79 = arith.constant 0 : i32
        %dma_start3A_80 = arith.constant 0 : i32
        %dma_start3A_81 = tpu.memref_slice %arg9[%dma_start3A_79, %dma_start3A_80] : memref<48x128xf32, #tpu.memory_space<vmem>> -> memref<16x128xf32, #tpu.memory_space<vmem>>
        tpu.enqueue_dma source(%dma_start3A_81 : memref<16x128xf32, #tpu.memory_space<vmem>>) target(%dma_start3A_78 : memref<16x128xf32, #tpu.memory_space<hbm>>) target_semaphore(%run_scoped3A : memref<!tpu.dma_semaphore, #tpu.memory_space<semaphore_mem>>)
        %dma_wait3A = arith.constant 0 : i32
        %dma_wait3A_82 = arith.constant 0 : i32
        %dma_wait3A_83 = tpu.memref_slice %arg9[%dma_wait3A, %dma_wait3A_82] : memref<48x128xf32, #tpu.memory_space<vmem>> -> memref<16x128xf32, #tpu.memory_space<vmem>>
        %dma_wait3A_84 = arith.constant 9984 : i32
        %dma_wait3A_85 = arith.constant 0 : i32
        %dma_wait3A_86 = tpu.memref_slice %arg5[%arg0, %dma_wait3A_84, %dma_wait3A_85] : memref<2x10000x128xf32, #tpu.memory_space<hbm>> -> memref<1x16x128xf32, #tpu.memory_space<hbm>>
        %dma_wait3A_87 = tpu.memref_squeeze %dma_wait3A_86 : memref<1x16x128xf32, #tpu.memory_space<hbm>> -> memref<16x128xf32, #tpu.memory_space<hbm>>
        %dma_wait3A_88 = arith.constant 9984 : i32
        %dma_wait3A_89 = arith.constant 0 : i32
        %dma_wait3A_90 = tpu.memref_slice %arg5[%arg0, %dma_wait3A_88, %dma_wait3A_89] : memref<2x10000x128xf32, #tpu.memory_space<hbm>> -> memref<1x16x128xf32, #tpu.memory_space<hbm>>
        %dma_wait3A_91 = tpu.memref_squeeze %dma_wait3A_90 : memref<1x16x128xf32, #tpu.memory_space<hbm>> -> memref<16x128xf32, #tpu.memory_space<hbm>>
        %dma_wait3A_92 = arith.constant 0 : i32
        %dma_wait3A_93 = arith.constant 0 : i32
        %dma_wait3A_94 = tpu.memref_slice %arg9[%dma_wait3A_92, %dma_wait3A_93] : memref<48x128xf32, #tpu.memory_space<vmem>> -> memref<16x128xf32, #tpu.memory_space<vmem>>
        tpu.wait_dma2 semaphore(%run_scoped3A : memref<!tpu.dma_semaphore, #tpu.memory_space<semaphore_mem>>) src(%dma_wait3A_94 : memref<16x128xf32, #tpu.memory_space<vmem>>) dst(%dma_wait3A_91 : memref<16x128xf32, #tpu.memory_space<hbm>>)
        tpu.yield
      }) : () -> ()
    } else {
    }
    return
  }
}

#map = affine_map<(d0, d1) -> (0, 0)>
#map1 = affine_map<(d0, d1) -> (0)>
#map2 = affine_map<(d0, d1) -> (0, 0, 0)>
module attributes {stable_mosaic.version = 14 : i64} {
  func.func @sc_seg_partial(%arg0: i32, %arg1: i32, %arg2: memref<10000x128xf32, #tpu.memory_space<hbm>>, %arg3: memref<320000xi32, #tpu.memory_space<hbm>>, %arg4: memref<320000xi32, #tpu.memory_space<hbm>>, %arg5: memref<48x128xf32, #tpu.memory_space<hbm>>, %arg6: memref<2x10000x128xf32, #tpu.memory_space<hbm>>, %arg7: memref<10000x128xf32, #tpu.memory_space<vmem_shared>>, %arg8: memref<80xi32, #tpu.memory_space<vmem>>, %arg9: memref<80xi32, #tpu.memory_space<vmem>>, %arg10: memref<80x128xf32, #tpu.memory_space<vmem>>, %arg11: memref<!tpu.dma_semaphore, #tpu.memory_space<semaphore_mem>>) attributes {dimension_semantics = [#tpu.dimension_semantics<core_parallel>, #tpu.dimension_semantics<subcore_parallel>], iteration_bounds = array<i64: 2, 16>, scalar_prefetch = 0 : i64, scratch_operands = 5 : i64, tpu.core_type = #tpu.core_type<sc_vector_subcore>, window_params = [{transform_indices = #map}, {transform_indices = #map1}, {transform_indices = #map1}, {transform_indices = #map}, {transform_indices = #map2}]} {
    %mul3A = arith.constant 624 : i32
    %mul3A_0 = arith.muli %arg1, %mul3A : i32
    "tpu.region"() ({
      %run_scoped3A = tpu.sem_alloc : memref<!tpu.dma_semaphore, #tpu.memory_space<semaphore_mem>>
      %dma_start3A = arith.constant 0 : i32
      %dma_start3A_69 = arith.constant 0 : i32
      %dma_start3A_70 = tpu.memref_slice %arg10[%dma_start3A, %dma_start3A_69] : memref<80x128xf32, #tpu.memory_space<vmem>> -> memref<48x128xf32, #tpu.memory_space<vmem>>
      %dma_start3A_71 = arith.constant 0 : i32
      %dma_start3A_72 = arith.constant 0 : i32
      %dma_start3A_73 = tpu.memref_slice %arg10[%dma_start3A_71, %dma_start3A_72] : memref<80x128xf32, #tpu.memory_space<vmem>> -> memref<48x128xf32, #tpu.memory_space<vmem>>
      tpu.enqueue_dma source(%arg5 : memref<48x128xf32, #tpu.memory_space<hbm>>) target(%dma_start3A_73 : memref<48x128xf32, #tpu.memory_space<vmem>>) target_semaphore(%run_scoped3A : memref<!tpu.dma_semaphore, #tpu.memory_space<semaphore_mem>>)
      %dma_wait3A = arith.constant 0 : i32
      %dma_wait3A_74 = arith.constant 0 : i32
      %dma_wait3A_75 = tpu.memref_slice %arg10[%dma_wait3A, %dma_wait3A_74] : memref<80x128xf32, #tpu.memory_space<vmem>> -> memref<48x128xf32, #tpu.memory_space<vmem>>
      %dma_wait3A_76 = arith.constant 0 : i32
      %dma_wait3A_77 = arith.constant 0 : i32
      %dma_wait3A_78 = tpu.memref_slice %arg10[%dma_wait3A_76, %dma_wait3A_77] : memref<80x128xf32, #tpu.memory_space<vmem>> -> memref<48x128xf32, #tpu.memory_space<vmem>>
      tpu.wait_dma2 semaphore(%run_scoped3A : memref<!tpu.dma_semaphore, #tpu.memory_space<semaphore_mem>>) src(%arg5 : memref<48x128xf32, #tpu.memory_space<hbm>>) dst(%dma_wait3A_78 : memref<48x128xf32, #tpu.memory_space<vmem>>)
      tpu.yield
    }) : () -> ()
    %add3A = arith.constant 0 : i32
    %add3A_1 = arith.addi %mul3A_0, %add3A : i32
    "tpu.region"() ({
      %run_scoped3A = tpu.sem_alloc : memref<!tpu.dma_semaphore, #tpu.memory_space<semaphore_mem>>
      %dma_start3A = arith.constant 0 : i32
      %dma_start3A_69 = arith.constant 0 : i32
      %dma_start3A_70 = tpu.memref_slice %arg10[%dma_start3A, %dma_start3A_69] : memref<80x128xf32, #tpu.memory_space<vmem>> -> memref<48x128xf32, #tpu.memory_space<vmem>>
      %dma_start3A_71 = arith.constant 0 : i32
      %dma_start3A_72 = tpu.memref_slice %arg7[%add3A_1, %dma_start3A_71] : memref<10000x128xf32, #tpu.memory_space<vmem_shared>> -> memref<48x128xf32, #tpu.memory_space<vmem_shared>>
      %dma_start3A_73 = arith.constant 0 : i32
      %dma_start3A_74 = tpu.memref_slice %arg7[%add3A_1, %dma_start3A_73] : memref<10000x128xf32, #tpu.memory_space<vmem_shared>> -> memref<48x128xf32, #tpu.memory_space<vmem_shared>>
      %dma_start3A_75 = arith.constant 0 : i32
      %dma_start3A_76 = arith.constant 0 : i32
      %dma_start3A_77 = tpu.memref_slice %arg10[%dma_start3A_75, %dma_start3A_76] : memref<80x128xf32, #tpu.memory_space<vmem>> -> memref<48x128xf32, #tpu.memory_space<vmem>>
      tpu.enqueue_dma source(%dma_start3A_77 : memref<48x128xf32, #tpu.memory_space<vmem>>) target(%dma_start3A_74 : memref<48x128xf32, #tpu.memory_space<vmem_shared>>) target_semaphore(%run_scoped3A : memref<!tpu.dma_semaphore, #tpu.memory_space<semaphore_mem>>)
      %dma_wait3A = arith.constant 0 : i32
      %dma_wait3A_78 = arith.constant 0 : i32
      %dma_wait3A_79 = tpu.memref_slice %arg10[%dma_wait3A, %dma_wait3A_78] : memref<80x128xf32, #tpu.memory_space<vmem>> -> memref<48x128xf32, #tpu.memory_space<vmem>>
      %dma_wait3A_80 = arith.constant 0 : i32
      %dma_wait3A_81 = tpu.memref_slice %arg7[%add3A_1, %dma_wait3A_80] : memref<10000x128xf32, #tpu.memory_space<vmem_shared>> -> memref<48x128xf32, #tpu.memory_space<vmem_shared>>
      %dma_wait3A_82 = arith.constant 0 : i32
      %dma_wait3A_83 = tpu.memref_slice %arg7[%add3A_1, %dma_wait3A_82] : memref<10000x128xf32, #tpu.memory_space<vmem_shared>> -> memref<48x128xf32, #tpu.memory_space<vmem_shared>>
      %dma_wait3A_84 = arith.constant 0 : i32
      %dma_wait3A_85 = arith.constant 0 : i32
      %dma_wait3A_86 = tpu.memref_slice %arg10[%dma_wait3A_84, %dma_wait3A_85] : memref<80x128xf32, #tpu.memory_space<vmem>> -> memref<48x128xf32, #tpu.memory_space<vmem>>
      tpu.wait_dma2 semaphore(%run_scoped3A : memref<!tpu.dma_semaphore, #tpu.memory_space<semaphore_mem>>) src(%dma_wait3A_86 : memref<48x128xf32, #tpu.memory_space<vmem>>) dst(%dma_wait3A_83 : memref<48x128xf32, #tpu.memory_space<vmem_shared>>)
      tpu.yield
    }) : () -> ()
    %add3A_2 = arith.constant 48 : i32
    %add3A_3 = arith.addi %mul3A_0, %add3A_2 : i32
    "tpu.region"() ({
      %run_scoped3A = tpu.sem_alloc : memref<!tpu.dma_semaphore, #tpu.memory_space<semaphore_mem>>
      %dma_start3A = arith.constant 0 : i32
      %dma_start3A_69 = arith.constant 0 : i32
      %dma_start3A_70 = tpu.memref_slice %arg10[%dma_start3A, %dma_start3A_69] : memref<80x128xf32, #tpu.memory_space<vmem>> -> memref<48x128xf32, #tpu.memory_space<vmem>>
      %dma_start3A_71 = arith.constant 0 : i32
      %dma_start3A_72 = tpu.memref_slice %arg7[%add3A_3, %dma_start3A_71] : memref<10000x128xf32, #tpu.memory_space<vmem_shared>> -> memref<48x128xf32, #tpu.memory_space<vmem_shared>>
      %dma_start3A_73 = arith.constant 0 : i32
      %dma_start3A_74 = tpu.memref_slice %arg7[%add3A_3, %dma_start3A_73] : memref<10000x128xf32, #tpu.memory_space<vmem_shared>> -> memref<48x128xf32, #tpu.memory_space<vmem_shared>>
      %dma_start3A_75 = arith.constant 0 : i32
      %dma_start3A_76 = arith.constant 0 : i32
      %dma_start3A_77 = tpu.memref_slice %arg10[%dma_start3A_75, %dma_start3A_76] : memref<80x128xf32, #tpu.memory_space<vmem>> -> memref<48x128xf32, #tpu.memory_space<vmem>>
      tpu.enqueue_dma source(%dma_start3A_77 : memref<48x128xf32, #tpu.memory_space<vmem>>) target(%dma_start3A_74 : memref<48x128xf32, #tpu.memory_space<vmem_shared>>) target_semaphore(%run_scoped3A : memref<!tpu.dma_semaphore, #tpu.memory_space<semaphore_mem>>)
      %dma_wait3A = arith.constant 0 : i32
      %dma_wait3A_78 = arith.constant 0 : i32
      %dma_wait3A_79 = tpu.memref_slice %arg10[%dma_wait3A, %dma_wait3A_78] : memref<80x128xf32, #tpu.memory_space<vmem>> -> memref<48x128xf32, #tpu.memory_space<vmem>>
      %dma_wait3A_80 = arith.constant 0 : i32
      %dma_wait3A_81 = tpu.memref_slice %arg7[%add3A_3, %dma_wait3A_80] : memref<10000x128xf32, #tpu.memory_space<vmem_shared>> -> memref<48x128xf32, #tpu.memory_space<vmem_shared>>
      %dma_wait3A_82 = arith.constant 0 : i32
      %dma_wait3A_83 = tpu.memref_slice %arg7[%add3A_3, %dma_wait3A_82] : memref<10000x128xf32, #tpu.memory_space<vmem_shared>> -> memref<48x128xf32, #tpu.memory_space<vmem_shared>>
      %dma_wait3A_84 = arith.constant 0 : i32
      %dma_wait3A_85 = arith.constant 0 : i32
      %dma_wait3A_86 = tpu.memref_slice %arg10[%dma_wait3A_84, %dma_wait3A_85] : memref<80x128xf32, #tpu.memory_space<vmem>> -> memref<48x128xf32, #tpu.memory_space<vmem>>
      tpu.wait_dma2 semaphore(%run_scoped3A : memref<!tpu.dma_semaphore, #tpu.memory_space<semaphore_mem>>) src(%dma_wait3A_86 : memref<48x128xf32, #tpu.memory_space<vmem>>) dst(%dma_wait3A_83 : memref<48x128xf32, #tpu.memory_space<vmem_shared>>)
      tpu.yield
    }) : () -> ()
    %add3A_4 = arith.constant 96 : i32
    %add3A_5 = arith.addi %mul3A_0, %add3A_4 : i32
    "tpu.region"() ({
      %run_scoped3A = tpu.sem_alloc : memref<!tpu.dma_semaphore, #tpu.memory_space<semaphore_mem>>
      %dma_start3A = arith.constant 0 : i32
      %dma_start3A_69 = arith.constant 0 : i32
      %dma_start3A_70 = tpu.memref_slice %arg10[%dma_start3A, %dma_start3A_69] : memref<80x128xf32, #tpu.memory_space<vmem>> -> memref<48x128xf32, #tpu.memory_space<vmem>>
      %dma_start3A_71 = arith.constant 0 : i32
      %dma_start3A_72 = tpu.memref_slice %arg7[%add3A_5, %dma_start3A_71] : memref<10000x128xf32, #tpu.memory_space<vmem_shared>> -> memref<48x128xf32, #tpu.memory_space<vmem_shared>>
      %dma_start3A_73 = arith.constant 0 : i32
      %dma_start3A_74 = tpu.memref_slice %arg7[%add3A_5, %dma_start3A_73] : memref<10000x128xf32, #tpu.memory_space<vmem_shared>> -> memref<48x128xf32, #tpu.memory_space<vmem_shared>>
      %dma_start3A_75 = arith.constant 0 : i32
      %dma_start3A_76 = arith.constant 0 : i32
      %dma_start3A_77 = tpu.memref_slice %arg10[%dma_start3A_75, %dma_start3A_76] : memref<80x128xf32, #tpu.memory_space<vmem>> -> memref<48x128xf32, #tpu.memory_space<vmem>>
      tpu.enqueue_dma source(%dma_start3A_77 : memref<48x128xf32, #tpu.memory_space<vmem>>) target(%dma_start3A_74 : memref<48x128xf32, #tpu.memory_space<vmem_shared>>) target_semaphore(%run_scoped3A : memref<!tpu.dma_semaphore, #tpu.memory_space<semaphore_mem>>)
      %dma_wait3A = arith.constant 0 : i32
      %dma_wait3A_78 = arith.constant 0 : i32
      %dma_wait3A_79 = tpu.memref_slice %arg10[%dma_wait3A, %dma_wait3A_78] : memref<80x128xf32, #tpu.memory_space<vmem>> -> memref<48x128xf32, #tpu.memory_space<vmem>>
      %dma_wait3A_80 = arith.constant 0 : i32
      %dma_wait3A_81 = tpu.memref_slice %arg7[%add3A_5, %dma_wait3A_80] : memref<10000x128xf32, #tpu.memory_space<vmem_shared>> -> memref<48x128xf32, #tpu.memory_space<vmem_shared>>
      %dma_wait3A_82 = arith.constant 0 : i32
      %dma_wait3A_83 = tpu.memref_slice %arg7[%add3A_5, %dma_wait3A_82] : memref<10000x128xf32, #tpu.memory_space<vmem_shared>> -> memref<48x128xf32, #tpu.memory_space<vmem_shared>>
      %dma_wait3A_84 = arith.constant 0 : i32
      %dma_wait3A_85 = arith.constant 0 : i32
      %dma_wait3A_86 = tpu.memref_slice %arg10[%dma_wait3A_84, %dma_wait3A_85] : memref<80x128xf32, #tpu.memory_space<vmem>> -> memref<48x128xf32, #tpu.memory_space<vmem>>
      tpu.wait_dma2 semaphore(%run_scoped3A : memref<!tpu.dma_semaphore, #tpu.memory_space<semaphore_mem>>) src(%dma_wait3A_86 : memref<48x128xf32, #tpu.memory_space<vmem>>) dst(%dma_wait3A_83 : memref<48x128xf32, #tpu.memory_space<vmem_shared>>)
      tpu.yield
    }) : () -> ()
    %add3A_6 = arith.constant 144 : i32
    %add3A_7 = arith.addi %mul3A_0, %add3A_6 : i32
    "tpu.region"() ({
      %run_scoped3A = tpu.sem_alloc : memref<!tpu.dma_semaphore, #tpu.memory_space<semaphore_mem>>
      %dma_start3A = arith.constant 0 : i32
      %dma_start3A_69 = arith.constant 0 : i32
      %dma_start3A_70 = tpu.memref_slice %arg10[%dma_start3A, %dma_start3A_69] : memref<80x128xf32, #tpu.memory_space<vmem>> -> memref<48x128xf32, #tpu.memory_space<vmem>>
      %dma_start3A_71 = arith.constant 0 : i32
      %dma_start3A_72 = tpu.memref_slice %arg7[%add3A_7, %dma_start3A_71] : memref<10000x128xf32, #tpu.memory_space<vmem_shared>> -> memref<48x128xf32, #tpu.memory_space<vmem_shared>>
      %dma_start3A_73 = arith.constant 0 : i32
      %dma_start3A_74 = tpu.memref_slice %arg7[%add3A_7, %dma_start3A_73] : memref<10000x128xf32, #tpu.memory_space<vmem_shared>> -> memref<48x128xf32, #tpu.memory_space<vmem_shared>>
      %dma_start3A_75 = arith.constant 0 : i32
      %dma_start3A_76 = arith.constant 0 : i32
      %dma_start3A_77 = tpu.memref_slice %arg10[%dma_start3A_75, %dma_start3A_76] : memref<80x128xf32, #tpu.memory_space<vmem>> -> memref<48x128xf32, #tpu.memory_space<vmem>>
      tpu.enqueue_dma source(%dma_start3A_77 : memref<48x128xf32, #tpu.memory_space<vmem>>) target(%dma_start3A_74 : memref<48x128xf32, #tpu.memory_space<vmem_shared>>) target_semaphore(%run_scoped3A : memref<!tpu.dma_semaphore, #tpu.memory_space<semaphore_mem>>)
      %dma_wait3A = arith.constant 0 : i32
      %dma_wait3A_78 = arith.constant 0 : i32
      %dma_wait3A_79 = tpu.memref_slice %arg10[%dma_wait3A, %dma_wait3A_78] : memref<80x128xf32, #tpu.memory_space<vmem>> -> memref<48x128xf32, #tpu.memory_space<vmem>>
      %dma_wait3A_80 = arith.constant 0 : i32
      %dma_wait3A_81 = tpu.memref_slice %arg7[%add3A_7, %dma_wait3A_80] : memref<10000x128xf32, #tpu.memory_space<vmem_shared>> -> memref<48x128xf32, #tpu.memory_space<vmem_shared>>
      %dma_wait3A_82 = arith.constant 0 : i32
      %dma_wait3A_83 = tpu.memref_slice %arg7[%add3A_7, %dma_wait3A_82] : memref<10000x128xf32, #tpu.memory_space<vmem_shared>> -> memref<48x128xf32, #tpu.memory_space<vmem_shared>>
      %dma_wait3A_84 = arith.constant 0 : i32
      %dma_wait3A_85 = arith.constant 0 : i32
      %dma_wait3A_86 = tpu.memref_slice %arg10[%dma_wait3A_84, %dma_wait3A_85] : memref<80x128xf32, #tpu.memory_space<vmem>> -> memref<48x128xf32, #tpu.memory_space<vmem>>
      tpu.wait_dma2 semaphore(%run_scoped3A : memref<!tpu.dma_semaphore, #tpu.memory_space<semaphore_mem>>) src(%dma_wait3A_86 : memref<48x128xf32, #tpu.memory_space<vmem>>) dst(%dma_wait3A_83 : memref<48x128xf32, #tpu.memory_space<vmem_shared>>)
      tpu.yield
    }) : () -> ()
    %add3A_8 = arith.constant 192 : i32
    %add3A_9 = arith.addi %mul3A_0, %add3A_8 : i32
    "tpu.region"() ({
      %run_scoped3A = tpu.sem_alloc : memref<!tpu.dma_semaphore, #tpu.memory_space<semaphore_mem>>
      %dma_start3A = arith.constant 0 : i32
      %dma_start3A_69 = arith.constant 0 : i32
      %dma_start3A_70 = tpu.memref_slice %arg10[%dma_start3A, %dma_start3A_69] : memref<80x128xf32, #tpu.memory_space<vmem>> -> memref<48x128xf32, #tpu.memory_space<vmem>>
      %dma_start3A_71 = arith.constant 0 : i32
      %dma_start3A_72 = tpu.memref_slice %arg7[%add3A_9, %dma_start3A_71] : memref<10000x128xf32, #tpu.memory_space<vmem_shared>> -> memref<48x128xf32, #tpu.memory_space<vmem_shared>>
      %dma_start3A_73 = arith.constant 0 : i32
      %dma_start3A_74 = tpu.memref_slice %arg7[%add3A_9, %dma_start3A_73] : memref<10000x128xf32, #tpu.memory_space<vmem_shared>> -> memref<48x128xf32, #tpu.memory_space<vmem_shared>>
      %dma_start3A_75 = arith.constant 0 : i32
      %dma_start3A_76 = arith.constant 0 : i32
      %dma_start3A_77 = tpu.memref_slice %arg10[%dma_start3A_75, %dma_start3A_76] : memref<80x128xf32, #tpu.memory_space<vmem>> -> memref<48x128xf32, #tpu.memory_space<vmem>>
      tpu.enqueue_dma source(%dma_start3A_77 : memref<48x128xf32, #tpu.memory_space<vmem>>) target(%dma_start3A_74 : memref<48x128xf32, #tpu.memory_space<vmem_shared>>) target_semaphore(%run_scoped3A : memref<!tpu.dma_semaphore, #tpu.memory_space<semaphore_mem>>)
      %dma_wait3A = arith.constant 0 : i32
      %dma_wait3A_78 = arith.constant 0 : i32
      %dma_wait3A_79 = tpu.memref_slice %arg10[%dma_wait3A, %dma_wait3A_78] : memref<80x128xf32, #tpu.memory_space<vmem>> -> memref<48x128xf32, #tpu.memory_space<vmem>>
      %dma_wait3A_80 = arith.constant 0 : i32
      %dma_wait3A_81 = tpu.memref_slice %arg7[%add3A_9, %dma_wait3A_80] : memref<10000x128xf32, #tpu.memory_space<vmem_shared>> -> memref<48x128xf32, #tpu.memory_space<vmem_shared>>
      %dma_wait3A_82 = arith.constant 0 : i32
      %dma_wait3A_83 = tpu.memref_slice %arg7[%add3A_9, %dma_wait3A_82] : memref<10000x128xf32, #tpu.memory_space<vmem_shared>> -> memref<48x128xf32, #tpu.memory_space<vmem_shared>>
      %dma_wait3A_84 = arith.constant 0 : i32
      %dma_wait3A_85 = arith.constant 0 : i32
      %dma_wait3A_86 = tpu.memref_slice %arg10[%dma_wait3A_84, %dma_wait3A_85] : memref<80x128xf32, #tpu.memory_space<vmem>> -> memref<48x128xf32, #tpu.memory_space<vmem>>
      tpu.wait_dma2 semaphore(%run_scoped3A : memref<!tpu.dma_semaphore, #tpu.memory_space<semaphore_mem>>) src(%dma_wait3A_86 : memref<48x128xf32, #tpu.memory_space<vmem>>) dst(%dma_wait3A_83 : memref<48x128xf32, #tpu.memory_space<vmem_shared>>)
      tpu.yield
    }) : () -> ()
    %add3A_10 = arith.constant 240 : i32
    %add3A_11 = arith.addi %mul3A_0, %add3A_10 : i32
    "tpu.region"() ({
      %run_scoped3A = tpu.sem_alloc : memref<!tpu.dma_semaphore, #tpu.memory_space<semaphore_mem>>
      %dma_start3A = arith.constant 0 : i32
      %dma_start3A_69 = arith.constant 0 : i32
      %dma_start3A_70 = tpu.memref_slice %arg10[%dma_start3A, %dma_start3A_69] : memref<80x128xf32, #tpu.memory_space<vmem>> -> memref<48x128xf32, #tpu.memory_space<vmem>>
      %dma_start3A_71 = arith.constant 0 : i32
      %dma_start3A_72 = tpu.memref_slice %arg7[%add3A_11, %dma_start3A_71] : memref<10000x128xf32, #tpu.memory_space<vmem_shared>> -> memref<48x128xf32, #tpu.memory_space<vmem_shared>>
      %dma_start3A_73 = arith.constant 0 : i32
      %dma_start3A_74 = tpu.memref_slice %arg7[%add3A_11, %dma_start3A_73] : memref<10000x128xf32, #tpu.memory_space<vmem_shared>> -> memref<48x128xf32, #tpu.memory_space<vmem_shared>>
      %dma_start3A_75 = arith.constant 0 : i32
      %dma_start3A_76 = arith.constant 0 : i32
      %dma_start3A_77 = tpu.memref_slice %arg10[%dma_start3A_75, %dma_start3A_76] : memref<80x128xf32, #tpu.memory_space<vmem>> -> memref<48x128xf32, #tpu.memory_space<vmem>>
      tpu.enqueue_dma source(%dma_start3A_77 : memref<48x128xf32, #tpu.memory_space<vmem>>) target(%dma_start3A_74 : memref<48x128xf32, #tpu.memory_space<vmem_shared>>) target_semaphore(%run_scoped3A : memref<!tpu.dma_semaphore, #tpu.memory_space<semaphore_mem>>)
      %dma_wait3A = arith.constant 0 : i32
      %dma_wait3A_78 = arith.constant 0 : i32
      %dma_wait3A_79 = tpu.memref_slice %arg10[%dma_wait3A, %dma_wait3A_78] : memref<80x128xf32, #tpu.memory_space<vmem>> -> memref<48x128xf32, #tpu.memory_space<vmem>>
      %dma_wait3A_80 = arith.constant 0 : i32
      %dma_wait3A_81 = tpu.memref_slice %arg7[%add3A_11, %dma_wait3A_80] : memref<10000x128xf32, #tpu.memory_space<vmem_shared>> -> memref<48x128xf32, #tpu.memory_space<vmem_shared>>
      %dma_wait3A_82 = arith.constant 0 : i32
      %dma_wait3A_83 = tpu.memref_slice %arg7[%add3A_11, %dma_wait3A_82] : memref<10000x128xf32, #tpu.memory_space<vmem_shared>> -> memref<48x128xf32, #tpu.memory_space<vmem_shared>>
      %dma_wait3A_84 = arith.constant 0 : i32
      %dma_wait3A_85 = arith.constant 0 : i32
      %dma_wait3A_86 = tpu.memref_slice %arg10[%dma_wait3A_84, %dma_wait3A_85] : memref<80x128xf32, #tpu.memory_space<vmem>> -> memref<48x128xf32, #tpu.memory_space<vmem>>
      tpu.wait_dma2 semaphore(%run_scoped3A : memref<!tpu.dma_semaphore, #tpu.memory_space<semaphore_mem>>) src(%dma_wait3A_86 : memref<48x128xf32, #tpu.memory_space<vmem>>) dst(%dma_wait3A_83 : memref<48x128xf32, #tpu.memory_space<vmem_shared>>)
      tpu.yield
    }) : () -> ()
    %add3A_12 = arith.constant 288 : i32
    %add3A_13 = arith.addi %mul3A_0, %add3A_12 : i32
    "tpu.region"() ({
      %run_scoped3A = tpu.sem_alloc : memref<!tpu.dma_semaphore, #tpu.memory_space<semaphore_mem>>
      %dma_start3A = arith.constant 0 : i32
      %dma_start3A_69 = arith.constant 0 : i32
      %dma_start3A_70 = tpu.memref_slice %arg10[%dma_start3A, %dma_start3A_69] : memref<80x128xf32, #tpu.memory_space<vmem>> -> memref<48x128xf32, #tpu.memory_space<vmem>>
      %dma_start3A_71 = arith.constant 0 : i32
      %dma_start3A_72 = tpu.memref_slice %arg7[%add3A_13, %dma_start3A_71] : memref<10000x128xf32, #tpu.memory_space<vmem_shared>> -> memref<48x128xf32, #tpu.memory_space<vmem_shared>>
      %dma_start3A_73 = arith.constant 0 : i32
      %dma_start3A_74 = tpu.memref_slice %arg7[%add3A_13, %dma_start3A_73] : memref<10000x128xf32, #tpu.memory_space<vmem_shared>> -> memref<48x128xf32, #tpu.memory_space<vmem_shared>>
      %dma_start3A_75 = arith.constant 0 : i32
      %dma_start3A_76 = arith.constant 0 : i32
      %dma_start3A_77 = tpu.memref_slice %arg10[%dma_start3A_75, %dma_start3A_76] : memref<80x128xf32, #tpu.memory_space<vmem>> -> memref<48x128xf32, #tpu.memory_space<vmem>>
      tpu.enqueue_dma source(%dma_start3A_77 : memref<48x128xf32, #tpu.memory_space<vmem>>) target(%dma_start3A_74 : memref<48x128xf32, #tpu.memory_space<vmem_shared>>) target_semaphore(%run_scoped3A : memref<!tpu.dma_semaphore, #tpu.memory_space<semaphore_mem>>)
      %dma_wait3A = arith.constant 0 : i32
      %dma_wait3A_78 = arith.constant 0 : i32
      %dma_wait3A_79 = tpu.memref_slice %arg10[%dma_wait3A, %dma_wait3A_78] : memref<80x128xf32, #tpu.memory_space<vmem>> -> memref<48x128xf32, #tpu.memory_space<vmem>>
      %dma_wait3A_80 = arith.constant 0 : i32
      %dma_wait3A_81 = tpu.memref_slice %arg7[%add3A_13, %dma_wait3A_80] : memref<10000x128xf32, #tpu.memory_space<vmem_shared>> -> memref<48x128xf32, #tpu.memory_space<vmem_shared>>
      %dma_wait3A_82 = arith.constant 0 : i32
      %dma_wait3A_83 = tpu.memref_slice %arg7[%add3A_13, %dma_wait3A_82] : memref<10000x128xf32, #tpu.memory_space<vmem_shared>> -> memref<48x128xf32, #tpu.memory_space<vmem_shared>>
      %dma_wait3A_84 = arith.constant 0 : i32
      %dma_wait3A_85 = arith.constant 0 : i32
      %dma_wait3A_86 = tpu.memref_slice %arg10[%dma_wait3A_84, %dma_wait3A_85] : memref<80x128xf32, #tpu.memory_space<vmem>> -> memref<48x128xf32, #tpu.memory_space<vmem>>
      tpu.wait_dma2 semaphore(%run_scoped3A : memref<!tpu.dma_semaphore, #tpu.memory_space<semaphore_mem>>) src(%dma_wait3A_86 : memref<48x128xf32, #tpu.memory_space<vmem>>) dst(%dma_wait3A_83 : memref<48x128xf32, #tpu.memory_space<vmem_shared>>)
      tpu.yield
    }) : () -> ()
    %add3A_14 = arith.constant 336 : i32
    %add3A_15 = arith.addi %mul3A_0, %add3A_14 : i32
    "tpu.region"() ({
      %run_scoped3A = tpu.sem_alloc : memref<!tpu.dma_semaphore, #tpu.memory_space<semaphore_mem>>
      %dma_start3A = arith.constant 0 : i32
      %dma_start3A_69 = arith.constant 0 : i32
      %dma_start3A_70 = tpu.memref_slice %arg10[%dma_start3A, %dma_start3A_69] : memref<80x128xf32, #tpu.memory_space<vmem>> -> memref<48x128xf32, #tpu.memory_space<vmem>>
      %dma_start3A_71 = arith.constant 0 : i32
      %dma_start3A_72 = tpu.memref_slice %arg7[%add3A_15, %dma_start3A_71] : memref<10000x128xf32, #tpu.memory_space<vmem_shared>> -> memref<48x128xf32, #tpu.memory_space<vmem_shared>>
      %dma_start3A_73 = arith.constant 0 : i32
      %dma_start3A_74 = tpu.memref_slice %arg7[%add3A_15, %dma_start3A_73] : memref<10000x128xf32, #tpu.memory_space<vmem_shared>> -> memref<48x128xf32, #tpu.memory_space<vmem_shared>>
      %dma_start3A_75 = arith.constant 0 : i32
      %dma_start3A_76 = arith.constant 0 : i32
      %dma_start3A_77 = tpu.memref_slice %arg10[%dma_start3A_75, %dma_start3A_76] : memref<80x128xf32, #tpu.memory_space<vmem>> -> memref<48x128xf32, #tpu.memory_space<vmem>>
      tpu.enqueue_dma source(%dma_start3A_77 : memref<48x128xf32, #tpu.memory_space<vmem>>) target(%dma_start3A_74 : memref<48x128xf32, #tpu.memory_space<vmem_shared>>) target_semaphore(%run_scoped3A : memref<!tpu.dma_semaphore, #tpu.memory_space<semaphore_mem>>)
      %dma_wait3A = arith.constant 0 : i32
      %dma_wait3A_78 = arith.constant 0 : i32
      %dma_wait3A_79 = tpu.memref_slice %arg10[%dma_wait3A, %dma_wait3A_78] : memref<80x128xf32, #tpu.memory_space<vmem>> -> memref<48x128xf32, #tpu.memory_space<vmem>>
      %dma_wait3A_80 = arith.constant 0 : i32
      %dma_wait3A_81 = tpu.memref_slice %arg7[%add3A_15, %dma_wait3A_80] : memref<10000x128xf32, #tpu.memory_space<vmem_shared>> -> memref<48x128xf32, #tpu.memory_space<vmem_shared>>
      %dma_wait3A_82 = arith.constant 0 : i32
      %dma_wait3A_83 = tpu.memref_slice %arg7[%add3A_15, %dma_wait3A_82] : memref<10000x128xf32, #tpu.memory_space<vmem_shared>> -> memref<48x128xf32, #tpu.memory_space<vmem_shared>>
      %dma_wait3A_84 = arith.constant 0 : i32
      %dma_wait3A_85 = arith.constant 0 : i32
      %dma_wait3A_86 = tpu.memref_slice %arg10[%dma_wait3A_84, %dma_wait3A_85] : memref<80x128xf32, #tpu.memory_space<vmem>> -> memref<48x128xf32, #tpu.memory_space<vmem>>
      tpu.wait_dma2 semaphore(%run_scoped3A : memref<!tpu.dma_semaphore, #tpu.memory_space<semaphore_mem>>) src(%dma_wait3A_86 : memref<48x128xf32, #tpu.memory_space<vmem>>) dst(%dma_wait3A_83 : memref<48x128xf32, #tpu.memory_space<vmem_shared>>)
      tpu.yield
    }) : () -> ()
    %add3A_16 = arith.constant 384 : i32
    %add3A_17 = arith.addi %mul3A_0, %add3A_16 : i32
    "tpu.region"() ({
      %run_scoped3A = tpu.sem_alloc : memref<!tpu.dma_semaphore, #tpu.memory_space<semaphore_mem>>
      %dma_start3A = arith.constant 0 : i32
      %dma_start3A_69 = arith.constant 0 : i32
      %dma_start3A_70 = tpu.memref_slice %arg10[%dma_start3A, %dma_start3A_69] : memref<80x128xf32, #tpu.memory_space<vmem>> -> memref<48x128xf32, #tpu.memory_space<vmem>>
      %dma_start3A_71 = arith.constant 0 : i32
      %dma_start3A_72 = tpu.memref_slice %arg7[%add3A_17, %dma_start3A_71] : memref<10000x128xf32, #tpu.memory_space<vmem_shared>> -> memref<48x128xf32, #tpu.memory_space<vmem_shared>>
      %dma_start3A_73 = arith.constant 0 : i32
      %dma_start3A_74 = tpu.memref_slice %arg7[%add3A_17, %dma_start3A_73] : memref<10000x128xf32, #tpu.memory_space<vmem_shared>> -> memref<48x128xf32, #tpu.memory_space<vmem_shared>>
      %dma_start3A_75 = arith.constant 0 : i32
      %dma_start3A_76 = arith.constant 0 : i32
      %dma_start3A_77 = tpu.memref_slice %arg10[%dma_start3A_75, %dma_start3A_76] : memref<80x128xf32, #tpu.memory_space<vmem>> -> memref<48x128xf32, #tpu.memory_space<vmem>>
      tpu.enqueue_dma source(%dma_start3A_77 : memref<48x128xf32, #tpu.memory_space<vmem>>) target(%dma_start3A_74 : memref<48x128xf32, #tpu.memory_space<vmem_shared>>) target_semaphore(%run_scoped3A : memref<!tpu.dma_semaphore, #tpu.memory_space<semaphore_mem>>)
      %dma_wait3A = arith.constant 0 : i32
      %dma_wait3A_78 = arith.constant 0 : i32
      %dma_wait3A_79 = tpu.memref_slice %arg10[%dma_wait3A, %dma_wait3A_78] : memref<80x128xf32, #tpu.memory_space<vmem>> -> memref<48x128xf32, #tpu.memory_space<vmem>>
      %dma_wait3A_80 = arith.constant 0 : i32
      %dma_wait3A_81 = tpu.memref_slice %arg7[%add3A_17, %dma_wait3A_80] : memref<10000x128xf32, #tpu.memory_space<vmem_shared>> -> memref<48x128xf32, #tpu.memory_space<vmem_shared>>
      %dma_wait3A_82 = arith.constant 0 : i32
      %dma_wait3A_83 = tpu.memref_slice %arg7[%add3A_17, %dma_wait3A_82] : memref<10000x128xf32, #tpu.memory_space<vmem_shared>> -> memref<48x128xf32, #tpu.memory_space<vmem_shared>>
      %dma_wait3A_84 = arith.constant 0 : i32
      %dma_wait3A_85 = arith.constant 0 : i32
      %dma_wait3A_86 = tpu.memref_slice %arg10[%dma_wait3A_84, %dma_wait3A_85] : memref<80x128xf32, #tpu.memory_space<vmem>> -> memref<48x128xf32, #tpu.memory_space<vmem>>
      tpu.wait_dma2 semaphore(%run_scoped3A : memref<!tpu.dma_semaphore, #tpu.memory_space<semaphore_mem>>) src(%dma_wait3A_86 : memref<48x128xf32, #tpu.memory_space<vmem>>) dst(%dma_wait3A_83 : memref<48x128xf32, #tpu.memory_space<vmem_shared>>)
      tpu.yield
    }) : () -> ()
    %add3A_18 = arith.constant 432 : i32
    %add3A_19 = arith.addi %mul3A_0, %add3A_18 : i32
    "tpu.region"() ({
      %run_scoped3A = tpu.sem_alloc : memref<!tpu.dma_semaphore, #tpu.memory_space<semaphore_mem>>
      %dma_start3A = arith.constant 0 : i32
      %dma_start3A_69 = arith.constant 0 : i32
      %dma_start3A_70 = tpu.memref_slice %arg10[%dma_start3A, %dma_start3A_69] : memref<80x128xf32, #tpu.memory_space<vmem>> -> memref<48x128xf32, #tpu.memory_space<vmem>>
      %dma_start3A_71 = arith.constant 0 : i32
      %dma_start3A_72 = tpu.memref_slice %arg7[%add3A_19, %dma_start3A_71] : memref<10000x128xf32, #tpu.memory_space<vmem_shared>> -> memref<48x128xf32, #tpu.memory_space<vmem_shared>>
      %dma_start3A_73 = arith.constant 0 : i32
      %dma_start3A_74 = tpu.memref_slice %arg7[%add3A_19, %dma_start3A_73] : memref<10000x128xf32, #tpu.memory_space<vmem_shared>> -> memref<48x128xf32, #tpu.memory_space<vmem_shared>>
      %dma_start3A_75 = arith.constant 0 : i32
      %dma_start3A_76 = arith.constant 0 : i32
      %dma_start3A_77 = tpu.memref_slice %arg10[%dma_start3A_75, %dma_start3A_76] : memref<80x128xf32, #tpu.memory_space<vmem>> -> memref<48x128xf32, #tpu.memory_space<vmem>>
      tpu.enqueue_dma source(%dma_start3A_77 : memref<48x128xf32, #tpu.memory_space<vmem>>) target(%dma_start3A_74 : memref<48x128xf32, #tpu.memory_space<vmem_shared>>) target_semaphore(%run_scoped3A : memref<!tpu.dma_semaphore, #tpu.memory_space<semaphore_mem>>)
      %dma_wait3A = arith.constant 0 : i32
      %dma_wait3A_78 = arith.constant 0 : i32
      %dma_wait3A_79 = tpu.memref_slice %arg10[%dma_wait3A, %dma_wait3A_78] : memref<80x128xf32, #tpu.memory_space<vmem>> -> memref<48x128xf32, #tpu.memory_space<vmem>>
      %dma_wait3A_80 = arith.constant 0 : i32
      %dma_wait3A_81 = tpu.memref_slice %arg7[%add3A_19, %dma_wait3A_80] : memref<10000x128xf32, #tpu.memory_space<vmem_shared>> -> memref<48x128xf32, #tpu.memory_space<vmem_shared>>
      %dma_wait3A_82 = arith.constant 0 : i32
      %dma_wait3A_83 = tpu.memref_slice %arg7[%add3A_19, %dma_wait3A_82] : memref<10000x128xf32, #tpu.memory_space<vmem_shared>> -> memref<48x128xf32, #tpu.memory_space<vmem_shared>>
      %dma_wait3A_84 = arith.constant 0 : i32
      %dma_wait3A_85 = arith.constant 0 : i32
      %dma_wait3A_86 = tpu.memref_slice %arg10[%dma_wait3A_84, %dma_wait3A_85] : memref<80x128xf32, #tpu.memory_space<vmem>> -> memref<48x128xf32, #tpu.memory_space<vmem>>
      tpu.wait_dma2 semaphore(%run_scoped3A : memref<!tpu.dma_semaphore, #tpu.memory_space<semaphore_mem>>) src(%dma_wait3A_86 : memref<48x128xf32, #tpu.memory_space<vmem>>) dst(%dma_wait3A_83 : memref<48x128xf32, #tpu.memory_space<vmem_shared>>)
      tpu.yield
    }) : () -> ()
    %add3A_20 = arith.constant 480 : i32
    %add3A_21 = arith.addi %mul3A_0, %add3A_20 : i32
    "tpu.region"() ({
      %run_scoped3A = tpu.sem_alloc : memref<!tpu.dma_semaphore, #tpu.memory_space<semaphore_mem>>
      %dma_start3A = arith.constant 0 : i32
      %dma_start3A_69 = arith.constant 0 : i32
      %dma_start3A_70 = tpu.memref_slice %arg10[%dma_start3A, %dma_start3A_69] : memref<80x128xf32, #tpu.memory_space<vmem>> -> memref<48x128xf32, #tpu.memory_space<vmem>>
      %dma_start3A_71 = arith.constant 0 : i32
      %dma_start3A_72 = tpu.memref_slice %arg7[%add3A_21, %dma_start3A_71] : memref<10000x128xf32, #tpu.memory_space<vmem_shared>> -> memref<48x128xf32, #tpu.memory_space<vmem_shared>>
      %dma_start3A_73 = arith.constant 0 : i32
      %dma_start3A_74 = tpu.memref_slice %arg7[%add3A_21, %dma_start3A_73] : memref<10000x128xf32, #tpu.memory_space<vmem_shared>> -> memref<48x128xf32, #tpu.memory_space<vmem_shared>>
      %dma_start3A_75 = arith.constant 0 : i32
      %dma_start3A_76 = arith.constant 0 : i32
      %dma_start3A_77 = tpu.memref_slice %arg10[%dma_start3A_75, %dma_start3A_76] : memref<80x128xf32, #tpu.memory_space<vmem>> -> memref<48x128xf32, #tpu.memory_space<vmem>>
      tpu.enqueue_dma source(%dma_start3A_77 : memref<48x128xf32, #tpu.memory_space<vmem>>) target(%dma_start3A_74 : memref<48x128xf32, #tpu.memory_space<vmem_shared>>) target_semaphore(%run_scoped3A : memref<!tpu.dma_semaphore, #tpu.memory_space<semaphore_mem>>)
      %dma_wait3A = arith.constant 0 : i32
      %dma_wait3A_78 = arith.constant 0 : i32
      %dma_wait3A_79 = tpu.memref_slice %arg10[%dma_wait3A, %dma_wait3A_78] : memref<80x128xf32, #tpu.memory_space<vmem>> -> memref<48x128xf32, #tpu.memory_space<vmem>>
      %dma_wait3A_80 = arith.constant 0 : i32
      %dma_wait3A_81 = tpu.memref_slice %arg7[%add3A_21, %dma_wait3A_80] : memref<10000x128xf32, #tpu.memory_space<vmem_shared>> -> memref<48x128xf32, #tpu.memory_space<vmem_shared>>
      %dma_wait3A_82 = arith.constant 0 : i32
      %dma_wait3A_83 = tpu.memref_slice %arg7[%add3A_21, %dma_wait3A_82] : memref<10000x128xf32, #tpu.memory_space<vmem_shared>> -> memref<48x128xf32, #tpu.memory_space<vmem_shared>>
      %dma_wait3A_84 = arith.constant 0 : i32
      %dma_wait3A_85 = arith.constant 0 : i32
      %dma_wait3A_86 = tpu.memref_slice %arg10[%dma_wait3A_84, %dma_wait3A_85] : memref<80x128xf32, #tpu.memory_space<vmem>> -> memref<48x128xf32, #tpu.memory_space<vmem>>
      tpu.wait_dma2 semaphore(%run_scoped3A : memref<!tpu.dma_semaphore, #tpu.memory_space<semaphore_mem>>) src(%dma_wait3A_86 : memref<48x128xf32, #tpu.memory_space<vmem>>) dst(%dma_wait3A_83 : memref<48x128xf32, #tpu.memory_space<vmem_shared>>)
      tpu.yield
    }) : () -> ()
    %add3A_22 = arith.constant 528 : i32
    %add3A_23 = arith.addi %mul3A_0, %add3A_22 : i32
    "tpu.region"() ({
      %run_scoped3A = tpu.sem_alloc : memref<!tpu.dma_semaphore, #tpu.memory_space<semaphore_mem>>
      %dma_start3A = arith.constant 0 : i32
      %dma_start3A_69 = arith.constant 0 : i32
      %dma_start3A_70 = tpu.memref_slice %arg10[%dma_start3A, %dma_start3A_69] : memref<80x128xf32, #tpu.memory_space<vmem>> -> memref<48x128xf32, #tpu.memory_space<vmem>>
      %dma_start3A_71 = arith.constant 0 : i32
      %dma_start3A_72 = tpu.memref_slice %arg7[%add3A_23, %dma_start3A_71] : memref<10000x128xf32, #tpu.memory_space<vmem_shared>> -> memref<48x128xf32, #tpu.memory_space<vmem_shared>>
      %dma_start3A_73 = arith.constant 0 : i32
      %dma_start3A_74 = tpu.memref_slice %arg7[%add3A_23, %dma_start3A_73] : memref<10000x128xf32, #tpu.memory_space<vmem_shared>> -> memref<48x128xf32, #tpu.memory_space<vmem_shared>>
      %dma_start3A_75 = arith.constant 0 : i32
      %dma_start3A_76 = arith.constant 0 : i32
      %dma_start3A_77 = tpu.memref_slice %arg10[%dma_start3A_75, %dma_start3A_76] : memref<80x128xf32, #tpu.memory_space<vmem>> -> memref<48x128xf32, #tpu.memory_space<vmem>>
      tpu.enqueue_dma source(%dma_start3A_77 : memref<48x128xf32, #tpu.memory_space<vmem>>) target(%dma_start3A_74 : memref<48x128xf32, #tpu.memory_space<vmem_shared>>) target_semaphore(%run_scoped3A : memref<!tpu.dma_semaphore, #tpu.memory_space<semaphore_mem>>)
      %dma_wait3A = arith.constant 0 : i32
      %dma_wait3A_78 = arith.constant 0 : i32
      %dma_wait3A_79 = tpu.memref_slice %arg10[%dma_wait3A, %dma_wait3A_78] : memref<80x128xf32, #tpu.memory_space<vmem>> -> memref<48x128xf32, #tpu.memory_space<vmem>>
      %dma_wait3A_80 = arith.constant 0 : i32
      %dma_wait3A_81 = tpu.memref_slice %arg7[%add3A_23, %dma_wait3A_80] : memref<10000x128xf32, #tpu.memory_space<vmem_shared>> -> memref<48x128xf32, #tpu.memory_space<vmem_shared>>
      %dma_wait3A_82 = arith.constant 0 : i32
      %dma_wait3A_83 = tpu.memref_slice %arg7[%add3A_23, %dma_wait3A_82] : memref<10000x128xf32, #tpu.memory_space<vmem_shared>> -> memref<48x128xf32, #tpu.memory_space<vmem_shared>>
      %dma_wait3A_84 = arith.constant 0 : i32
      %dma_wait3A_85 = arith.constant 0 : i32
      %dma_wait3A_86 = tpu.memref_slice %arg10[%dma_wait3A_84, %dma_wait3A_85] : memref<80x128xf32, #tpu.memory_space<vmem>> -> memref<48x128xf32, #tpu.memory_space<vmem>>
      tpu.wait_dma2 semaphore(%run_scoped3A : memref<!tpu.dma_semaphore, #tpu.memory_space<semaphore_mem>>) src(%dma_wait3A_86 : memref<48x128xf32, #tpu.memory_space<vmem>>) dst(%dma_wait3A_83 : memref<48x128xf32, #tpu.memory_space<vmem_shared>>)
      tpu.yield
    }) : () -> ()
    %add3A_24 = arith.constant 576 : i32
    %add3A_25 = arith.addi %mul3A_0, %add3A_24 : i32
    "tpu.region"() ({
      %run_scoped3A = tpu.sem_alloc : memref<!tpu.dma_semaphore, #tpu.memory_space<semaphore_mem>>
      %dma_start3A = arith.constant 0 : i32
      %dma_start3A_69 = arith.constant 0 : i32
      %dma_start3A_70 = tpu.memref_slice %arg10[%dma_start3A, %dma_start3A_69] : memref<80x128xf32, #tpu.memory_space<vmem>> -> memref<48x128xf32, #tpu.memory_space<vmem>>
      %dma_start3A_71 = arith.constant 0 : i32
      %dma_start3A_72 = tpu.memref_slice %arg7[%add3A_25, %dma_start3A_71] : memref<10000x128xf32, #tpu.memory_space<vmem_shared>> -> memref<48x128xf32, #tpu.memory_space<vmem_shared>>
      %dma_start3A_73 = arith.constant 0 : i32
      %dma_start3A_74 = tpu.memref_slice %arg7[%add3A_25, %dma_start3A_73] : memref<10000x128xf32, #tpu.memory_space<vmem_shared>> -> memref<48x128xf32, #tpu.memory_space<vmem_shared>>
      %dma_start3A_75 = arith.constant 0 : i32
      %dma_start3A_76 = arith.constant 0 : i32
      %dma_start3A_77 = tpu.memref_slice %arg10[%dma_start3A_75, %dma_start3A_76] : memref<80x128xf32, #tpu.memory_space<vmem>> -> memref<48x128xf32, #tpu.memory_space<vmem>>
      tpu.enqueue_dma source(%dma_start3A_77 : memref<48x128xf32, #tpu.memory_space<vmem>>) target(%dma_start3A_74 : memref<48x128xf32, #tpu.memory_space<vmem_shared>>) target_semaphore(%run_scoped3A : memref<!tpu.dma_semaphore, #tpu.memory_space<semaphore_mem>>)
      %dma_wait3A = arith.constant 0 : i32
      %dma_wait3A_78 = arith.constant 0 : i32
      %dma_wait3A_79 = tpu.memref_slice %arg10[%dma_wait3A, %dma_wait3A_78] : memref<80x128xf32, #tpu.memory_space<vmem>> -> memref<48x128xf32, #tpu.memory_space<vmem>>
      %dma_wait3A_80 = arith.constant 0 : i32
      %dma_wait3A_81 = tpu.memref_slice %arg7[%add3A_25, %dma_wait3A_80] : memref<10000x128xf32, #tpu.memory_space<vmem_shared>> -> memref<48x128xf32, #tpu.memory_space<vmem_shared>>
      %dma_wait3A_82 = arith.constant 0 : i32
      %dma_wait3A_83 = tpu.memref_slice %arg7[%add3A_25, %dma_wait3A_82] : memref<10000x128xf32, #tpu.memory_space<vmem_shared>> -> memref<48x128xf32, #tpu.memory_space<vmem_shared>>
      %dma_wait3A_84 = arith.constant 0 : i32
      %dma_wait3A_85 = arith.constant 0 : i32
      %dma_wait3A_86 = tpu.memref_slice %arg10[%dma_wait3A_84, %dma_wait3A_85] : memref<80x128xf32, #tpu.memory_space<vmem>> -> memref<48x128xf32, #tpu.memory_space<vmem>>
      tpu.wait_dma2 semaphore(%run_scoped3A : memref<!tpu.dma_semaphore, #tpu.memory_space<semaphore_mem>>) src(%dma_wait3A_86 : memref<48x128xf32, #tpu.memory_space<vmem>>) dst(%dma_wait3A_83 : memref<48x128xf32, #tpu.memory_space<vmem_shared>>)
      tpu.yield
    }) : () -> ()
    %eq3A = arith.constant 15 : i32
    %eq3A_26 = arith.cmpi eq, %arg1, %eq3A : i32
    %convert_element_type3A = arith.extui %eq3A_26 : i1 to i32
    %cond3A = arith.constant 0 : i32
    %cond3A_27 = arith.cmpi ne, %convert_element_type3A, %cond3A : i32
    scf.if %cond3A_27 {
      "tpu.region"() ({
        %run_scoped3A = tpu.sem_alloc : memref<!tpu.dma_semaphore, #tpu.memory_space<semaphore_mem>>
        %dma_start3A = arith.constant 0 : i32
        %dma_start3A_69 = arith.constant 0 : i32
        %dma_start3A_70 = tpu.memref_slice %arg10[%dma_start3A, %dma_start3A_69] : memref<80x128xf32, #tpu.memory_space<vmem>> -> memref<16x128xf32, #tpu.memory_space<vmem>>
        %dma_start3A_71 = arith.constant 9984 : i32
        %dma_start3A_72 = arith.constant 0 : i32
        %dma_start3A_73 = tpu.memref_slice %arg7[%dma_start3A_71, %dma_start3A_72] : memref<10000x128xf32, #tpu.memory_space<vmem_shared>> -> memref<16x128xf32, #tpu.memory_space<vmem_shared>>
        %dma_start3A_74 = arith.constant 9984 : i32
        %dma_start3A_75 = arith.constant 0 : i32
        %dma_start3A_76 = tpu.memref_slice %arg7[%dma_start3A_74, %dma_start3A_75] : memref<10000x128xf32, #tpu.memory_space<vmem_shared>> -> memref<16x128xf32, #tpu.memory_space<vmem_shared>>
        %dma_start3A_77 = arith.constant 0 : i32
        %dma_start3A_78 = arith.constant 0 : i32
        %dma_start3A_79 = tpu.memref_slice %arg10[%dma_start3A_77, %dma_start3A_78] : memref<80x128xf32, #tpu.memory_space<vmem>> -> memref<16x128xf32, #tpu.memory_space<vmem>>
        tpu.enqueue_dma source(%dma_start3A_79 : memref<16x128xf32, #tpu.memory_space<vmem>>) target(%dma_start3A_76 : memref<16x128xf32, #tpu.memory_space<vmem_shared>>) target_semaphore(%run_scoped3A : memref<!tpu.dma_semaphore, #tpu.memory_space<semaphore_mem>>)
        %dma_wait3A = arith.constant 0 : i32
        %dma_wait3A_80 = arith.constant 0 : i32
        %dma_wait3A_81 = tpu.memref_slice %arg10[%dma_wait3A, %dma_wait3A_80] : memref<80x128xf32, #tpu.memory_space<vmem>> -> memref<16x128xf32, #tpu.memory_space<vmem>>
        %dma_wait3A_82 = arith.constant 9984 : i32
        %dma_wait3A_83 = arith.constant 0 : i32
        %dma_wait3A_84 = tpu.memref_slice %arg7[%dma_wait3A_82, %dma_wait3A_83] : memref<10000x128xf32, #tpu.memory_space<vmem_shared>> -> memref<16x128xf32, #tpu.memory_space<vmem_shared>>
        %dma_wait3A_85 = arith.constant 9984 : i32
        %dma_wait3A_86 = arith.constant 0 : i32
        %dma_wait3A_87 = tpu.memref_slice %arg7[%dma_wait3A_85, %dma_wait3A_86] : memref<10000x128xf32, #tpu.memory_space<vmem_shared>> -> memref<16x128xf32, #tpu.memory_space<vmem_shared>>
        %dma_wait3A_88 = arith.constant 0 : i32
        %dma_wait3A_89 = arith.constant 0 : i32
        %dma_wait3A_90 = tpu.memref_slice %arg10[%dma_wait3A_88, %dma_wait3A_89] : memref<80x128xf32, #tpu.memory_space<vmem>> -> memref<16x128xf32, #tpu.memory_space<vmem>>
        tpu.wait_dma2 semaphore(%run_scoped3A : memref<!tpu.dma_semaphore, #tpu.memory_space<semaphore_mem>>) src(%dma_wait3A_90 : memref<16x128xf32, #tpu.memory_space<vmem>>) dst(%dma_wait3A_87 : memref<16x128xf32, #tpu.memory_space<vmem_shared>>)
        tpu.yield
      }) : () -> ()
    } else {
    }
    %barrier3A = arith.constant 0 : index
    tpu.barrier barrier_id(%barrier3A)
    %mul3A_28 = arith.constant 16 : i32
    %mul3A_29 = arith.muli %arg0, %mul3A_28 : i32
    %add3A_30 = arith.addi %mul3A_29, %arg1 : i32
    %mul3A_31 = arith.constant 10000 : i32
    %mul3A_32 = arith.muli %add3A_30, %mul3A_31 : i32
    %scan3A = arith.constant 0 : i32
    %scan3A_33 = arith.constant 125 : i32
    %scan3A_34 = arith.addi %scan3A, %scan3A_33 : i32
    %scan3A_35 = arith.constant 1 : i32
    scf.for %scan3A_69 = %scan3A to %scan3A_34 step %scan3A_35  : i32 {
      %mul3A_70 = arith.constant 1 : i32
      %mul3A_71 = arith.muli %scan3A_69, %mul3A_70 : i32
      %add3A_72 = arith.constant 0 : i32
      %add3A_73 = arith.addi %add3A_72, %mul3A_71 : i32
      %mul3A_74 = arith.constant 80 : i32
      %mul3A_75 = arith.muli %add3A_73, %mul3A_74 : i32
      %add3A_76 = arith.addi %mul3A_32, %mul3A_75 : i32
      "tpu.region"() ({
        %run_scoped3A = tpu.sem_alloc : memref<!tpu.dma_semaphore, #tpu.memory_space<semaphore_mem>>
        %dma_start3A_81 = tpu.memref_slice %arg3[%add3A_76] : memref<320000xi32, #tpu.memory_space<hbm>> -> memref<80xi32, #tpu.memory_space<hbm>>
        %dma_start3A_82 = tpu.memref_slice %arg3[%add3A_76] : memref<320000xi32, #tpu.memory_space<hbm>> -> memref<80xi32, #tpu.memory_space<hbm>>
        tpu.enqueue_dma source(%dma_start3A_82 : memref<80xi32, #tpu.memory_space<hbm>>) target(%arg8 : memref<80xi32, #tpu.memory_space<vmem>>) target_semaphore(%run_scoped3A : memref<!tpu.dma_semaphore, #tpu.memory_space<semaphore_mem>>)
        %dma_wait3A_83 = tpu.memref_slice %arg3[%add3A_76] : memref<320000xi32, #tpu.memory_space<hbm>> -> memref<80xi32, #tpu.memory_space<hbm>>
        %dma_wait3A_84 = tpu.memref_slice %arg3[%add3A_76] : memref<320000xi32, #tpu.memory_space<hbm>> -> memref<80xi32, #tpu.memory_space<hbm>>
        tpu.wait_dma2 semaphore(%run_scoped3A : memref<!tpu.dma_semaphore, #tpu.memory_space<semaphore_mem>>) src(%dma_wait3A_84 : memref<80xi32, #tpu.memory_space<hbm>>) dst(%arg8 : memref<80xi32, #tpu.memory_space<vmem>>)
        tpu.yield
      }) : () -> ()
      "tpu.region"() ({
        %run_scoped3A = tpu.sem_alloc : memref<!tpu.dma_semaphore, #tpu.memory_space<semaphore_mem>>
        %dma_start3A_81 = tpu.memref_slice %arg4[%add3A_76] : memref<320000xi32, #tpu.memory_space<hbm>> -> memref<80xi32, #tpu.memory_space<hbm>>
        %dma_start3A_82 = tpu.memref_slice %arg4[%add3A_76] : memref<320000xi32, #tpu.memory_space<hbm>> -> memref<80xi32, #tpu.memory_space<hbm>>
        tpu.enqueue_dma source(%dma_start3A_82 : memref<80xi32, #tpu.memory_space<hbm>>) target(%arg9 : memref<80xi32, #tpu.memory_space<vmem>>) target_semaphore(%run_scoped3A : memref<!tpu.dma_semaphore, #tpu.memory_space<semaphore_mem>>)
        %dma_wait3A_83 = tpu.memref_slice %arg4[%add3A_76] : memref<320000xi32, #tpu.memory_space<hbm>> -> memref<80xi32, #tpu.memory_space<hbm>>
        %dma_wait3A_84 = tpu.memref_slice %arg4[%add3A_76] : memref<320000xi32, #tpu.memory_space<hbm>> -> memref<80xi32, #tpu.memory_space<hbm>>
        tpu.wait_dma2 semaphore(%run_scoped3A : memref<!tpu.dma_semaphore, #tpu.memory_space<semaphore_mem>>) src(%dma_wait3A_84 : memref<80xi32, #tpu.memory_space<hbm>>) dst(%arg9 : memref<80xi32, #tpu.memory_space<vmem>>)
        tpu.yield
      }) : () -> ()
      %dma_start3A = arith.constant 0 : i32
      %dma_start3A_77 = arith.constant 0 : i32
      %dma_start3A_78 = tpu.memref_slice %arg2[%dma_start3A, %dma_start3A_77] : memref<10000x128xf32, #tpu.memory_space<hbm>> -> memref<10000x128xf32, #tpu.memory_space<hbm>>
      tpu.enqueue_indirect_dma source(%dma_start3A_78 : memref<10000x128xf32, #tpu.memory_space<hbm>>) target(%arg10 : memref<80x128xf32, #tpu.memory_space<vmem>>) offsets(%arg8 : memref<80xi32, #tpu.memory_space<vmem>>) semaphore(%arg11 : memref<!tpu.dma_semaphore, #tpu.memory_space<semaphore_mem>>)
      %dma_wait3A = arith.constant 0 : i32
      %dma_wait3A_79 = arith.constant 0 : i32
      %dma_wait3A_80 = tpu.memref_slice %arg2[%dma_wait3A, %dma_wait3A_79] : memref<10000x128xf32, #tpu.memory_space<hbm>> -> memref<10000x128xf32, #tpu.memory_space<hbm>>
      tpu.wait_indirect_dma semaphore(%arg11 : memref<!tpu.dma_semaphore, #tpu.memory_space<semaphore_mem>>) src(%dma_wait3A_80 : memref<10000x128xf32, #tpu.memory_space<hbm>>) dst(%arg10 : memref<80x128xf32, #tpu.memory_space<vmem>>)
      "tpu.region"() ({
        %run_scoped3A = tpu.sem_alloc : memref<!tpu.dma_semaphore, #tpu.memory_space<semaphore_mem>>
        %dma_start3A_81 = arith.constant 0 : i32
        %dma_start3A_82 = arith.constant 0 : i32
        %dma_start3A_83 = tpu.memref_slice %arg7[%dma_start3A_81, %dma_start3A_82] : memref<10000x128xf32, #tpu.memory_space<vmem_shared>> -> memref<10000x128xf32, #tpu.memory_space<vmem_shared>>
        tpu.enqueue_indirect_dma source(%arg10 : memref<80x128xf32, #tpu.memory_space<vmem>>) target(%dma_start3A_83 : memref<10000x128xf32, #tpu.memory_space<vmem_shared>>) offsets(%arg9 : memref<80xi32, #tpu.memory_space<vmem>>) semaphore(%run_scoped3A : memref<!tpu.dma_semaphore, #tpu.memory_space<semaphore_mem>>) {add = true}
        %dma_wait3A_84 = arith.constant 0 : i32
        %dma_wait3A_85 = arith.constant 0 : i32
        %dma_wait3A_86 = tpu.memref_slice %arg7[%dma_wait3A_84, %dma_wait3A_85] : memref<10000x128xf32, #tpu.memory_space<vmem_shared>> -> memref<10000x128xf32, #tpu.memory_space<vmem_shared>>
        tpu.wait_indirect_dma semaphore(%run_scoped3A : memref<!tpu.dma_semaphore, #tpu.memory_space<semaphore_mem>>) src(%arg10 : memref<80x128xf32, #tpu.memory_space<vmem>>) dst(%dma_wait3A_86 : memref<10000x128xf32, #tpu.memory_space<vmem_shared>>)
        tpu.yield
      }) : () -> ()
    }
    %scan3A_36 = arith.constant 125 : i32
    %barrier3A_37 = arith.constant 0 : index
    tpu.barrier barrier_id(%barrier3A_37)
    %add3A_38 = arith.constant 0 : i32
    %add3A_39 = arith.addi %mul3A_0, %add3A_38 : i32
    "tpu.region"() ({
      %run_scoped3A = tpu.sem_alloc : memref<!tpu.dma_semaphore, #tpu.memory_space<semaphore_mem>>
      %dma_start3A = arith.constant 0 : i32
      %dma_start3A_69 = arith.constant 0 : i32
      %dma_start3A_70 = tpu.memref_slice %arg10[%dma_start3A, %dma_start3A_69] : memref<80x128xf32, #tpu.memory_space<vmem>> -> memref<48x128xf32, #tpu.memory_space<vmem>>
      %dma_start3A_71 = arith.constant 0 : i32
      %dma_start3A_72 = tpu.memref_slice %arg7[%add3A_39, %dma_start3A_71] : memref<10000x128xf32, #tpu.memory_space<vmem_shared>> -> memref<48x128xf32, #tpu.memory_space<vmem_shared>>
      %dma_start3A_73 = arith.constant 0 : i32
      %dma_start3A_74 = arith.constant 0 : i32
      %dma_start3A_75 = tpu.memref_slice %arg10[%dma_start3A_73, %dma_start3A_74] : memref<80x128xf32, #tpu.memory_space<vmem>> -> memref<48x128xf32, #tpu.memory_space<vmem>>
      %dma_start3A_76 = arith.constant 0 : i32
      %dma_start3A_77 = tpu.memref_slice %arg7[%add3A_39, %dma_start3A_76] : memref<10000x128xf32, #tpu.memory_space<vmem_shared>> -> memref<48x128xf32, #tpu.memory_space<vmem_shared>>
      tpu.enqueue_dma source(%dma_start3A_77 : memref<48x128xf32, #tpu.memory_space<vmem_shared>>) target(%dma_start3A_75 : memref<48x128xf32, #tpu.memory_space<vmem>>) target_semaphore(%run_scoped3A : memref<!tpu.dma_semaphore, #tpu.memory_space<semaphore_mem>>)
      %dma_wait3A = arith.constant 0 : i32
      %dma_wait3A_78 = arith.constant 0 : i32
      %dma_wait3A_79 = tpu.memref_slice %arg10[%dma_wait3A, %dma_wait3A_78] : memref<80x128xf32, #tpu.memory_space<vmem>> -> memref<48x128xf32, #tpu.memory_space<vmem>>
      %dma_wait3A_80 = arith.constant 0 : i32
      %dma_wait3A_81 = tpu.memref_slice %arg7[%add3A_39, %dma_wait3A_80] : memref<10000x128xf32, #tpu.memory_space<vmem_shared>> -> memref<48x128xf32, #tpu.memory_space<vmem_shared>>
      %dma_wait3A_82 = arith.constant 0 : i32
      %dma_wait3A_83 = arith.constant 0 : i32
      %dma_wait3A_84 = tpu.memref_slice %arg10[%dma_wait3A_82, %dma_wait3A_83] : memref<80x128xf32, #tpu.memory_space<vmem>> -> memref<48x128xf32, #tpu.memory_space<vmem>>
      %dma_wait3A_85 = arith.constant 0 : i32
      %dma_wait3A_86 = tpu.memref_slice %arg7[%add3A_39, %dma_wait3A_85] : memref<10000x128xf32, #tpu.memory_space<vmem_shared>> -> memref<48x128xf32, #tpu.memory_space<vmem_shared>>
      tpu.wait_dma2 semaphore(%run_scoped3A : memref<!tpu.dma_semaphore, #tpu.memory_space<semaphore_mem>>) src(%dma_wait3A_86 : memref<48x128xf32, #tpu.memory_space<vmem_shared>>) dst(%dma_wait3A_84 : memref<48x128xf32, #tpu.memory_space<vmem>>)
      tpu.yield
    }) : () -> ()
    "tpu.region"() ({
      %run_scoped3A = tpu.sem_alloc : memref<!tpu.dma_semaphore, #tpu.memory_space<semaphore_mem>>
      %dma_start3A = arith.constant 0 : i32
      %dma_start3A_69 = arith.constant 0 : i32
      %dma_start3A_70 = tpu.memref_slice %arg10[%dma_start3A, %dma_start3A_69] : memref<80x128xf32, #tpu.memory_space<vmem>> -> memref<48x128xf32, #tpu.memory_space<vmem>>
      %dma_start3A_71 = arith.constant 0 : i32
      %dma_start3A_72 = tpu.memref_slice %arg6[%arg0, %add3A_39, %dma_start3A_71] : memref<2x10000x128xf32, #tpu.memory_space<hbm>> -> memref<1x48x128xf32, #tpu.memory_space<hbm>>
      %dma_start3A_73 = tpu.memref_squeeze %dma_start3A_72 : memref<1x48x128xf32, #tpu.memory_space<hbm>> -> memref<48x128xf32, #tpu.memory_space<hbm>>
      %dma_start3A_74 = arith.constant 0 : i32
      %dma_start3A_75 = tpu.memref_slice %arg6[%arg0, %add3A_39, %dma_start3A_74] : memref<2x10000x128xf32, #tpu.memory_space<hbm>> -> memref<1x48x128xf32, #tpu.memory_space<hbm>>
      %dma_start3A_76 = tpu.memref_squeeze %dma_start3A_75 : memref<1x48x128xf32, #tpu.memory_space<hbm>> -> memref<48x128xf32, #tpu.memory_space<hbm>>
      %dma_start3A_77 = arith.constant 0 : i32
      %dma_start3A_78 = arith.constant 0 : i32
      %dma_start3A_79 = tpu.memref_slice %arg10[%dma_start3A_77, %dma_start3A_78] : memref<80x128xf32, #tpu.memory_space<vmem>> -> memref<48x128xf32, #tpu.memory_space<vmem>>
      tpu.enqueue_dma source(%dma_start3A_79 : memref<48x128xf32, #tpu.memory_space<vmem>>) target(%dma_start3A_76 : memref<48x128xf32, #tpu.memory_space<hbm>>) target_semaphore(%run_scoped3A : memref<!tpu.dma_semaphore, #tpu.memory_space<semaphore_mem>>)
      %dma_wait3A = arith.constant 0 : i32
      %dma_wait3A_80 = arith.constant 0 : i32
      %dma_wait3A_81 = tpu.memref_slice %arg10[%dma_wait3A, %dma_wait3A_80] : memref<80x128xf32, #tpu.memory_space<vmem>> -> memref<48x128xf32, #tpu.memory_space<vmem>>
      %dma_wait3A_82 = arith.constant 0 : i32
      %dma_wait3A_83 = tpu.memref_slice %arg6[%arg0, %add3A_39, %dma_wait3A_82] : memref<2x10000x128xf32, #tpu.memory_space<hbm>> -> memref<1x48x128xf32, #tpu.memory_space<hbm>>
      %dma_wait3A_84 = tpu.memref_squeeze %dma_wait3A_83 : memref<1x48x128xf32, #tpu.memory_space<hbm>> -> memref<48x128xf32, #tpu.memory_space<hbm>>
      %dma_wait3A_85 = arith.constant 0 : i32
      %dma_wait3A_86 = tpu.memref_slice %arg6[%arg0, %add3A_39, %dma_wait3A_85] : memref<2x10000x128xf32, #tpu.memory_space<hbm>> -> memref<1x48x128xf32, #tpu.memory_space<hbm>>
      %dma_wait3A_87 = tpu.memref_squeeze %dma_wait3A_86 : memref<1x48x128xf32, #tpu.memory_space<hbm>> -> memref<48x128xf32, #tpu.memory_space<hbm>>
      %dma_wait3A_88 = arith.constant 0 : i32
      %dma_wait3A_89 = arith.constant 0 : i32
      %dma_wait3A_90 = tpu.memref_slice %arg10[%dma_wait3A_88, %dma_wait3A_89] : memref<80x128xf32, #tpu.memory_space<vmem>> -> memref<48x128xf32, #tpu.memory_space<vmem>>
      tpu.wait_dma2 semaphore(%run_scoped3A : memref<!tpu.dma_semaphore, #tpu.memory_space<semaphore_mem>>) src(%dma_wait3A_90 : memref<48x128xf32, #tpu.memory_space<vmem>>) dst(%dma_wait3A_87 : memref<48x128xf32, #tpu.memory_space<hbm>>)
      tpu.yield
    }) : () -> ()
    %add3A_40 = arith.constant 48 : i32
    %add3A_41 = arith.addi %mul3A_0, %add3A_40 : i32
    "tpu.region"() ({
      %run_scoped3A = tpu.sem_alloc : memref<!tpu.dma_semaphore, #tpu.memory_space<semaphore_mem>>
      %dma_start3A = arith.constant 0 : i32
      %dma_start3A_69 = arith.constant 0 : i32
      %dma_start3A_70 = tpu.memref_slice %arg10[%dma_start3A, %dma_start3A_69] : memref<80x128xf32, #tpu.memory_space<vmem>> -> memref<48x128xf32, #tpu.memory_space<vmem>>
      %dma_start3A_71 = arith.constant 0 : i32
      %dma_start3A_72 = tpu.memref_slice %arg7[%add3A_41, %dma_start3A_71] : memref<10000x128xf32, #tpu.memory_space<vmem_shared>> -> memref<48x128xf32, #tpu.memory_space<vmem_shared>>
      %dma_start3A_73 = arith.constant 0 : i32
      %dma_start3A_74 = arith.constant 0 : i32
      %dma_start3A_75 = tpu.memref_slice %arg10[%dma_start3A_73, %dma_start3A_74] : memref<80x128xf32, #tpu.memory_space<vmem>> -> memref<48x128xf32, #tpu.memory_space<vmem>>
      %dma_start3A_76 = arith.constant 0 : i32
      %dma_start3A_77 = tpu.memref_slice %arg7[%add3A_41, %dma_start3A_76] : memref<10000x128xf32, #tpu.memory_space<vmem_shared>> -> memref<48x128xf32, #tpu.memory_space<vmem_shared>>
      tpu.enqueue_dma source(%dma_start3A_77 : memref<48x128xf32, #tpu.memory_space<vmem_shared>>) target(%dma_start3A_75 : memref<48x128xf32, #tpu.memory_space<vmem>>) target_semaphore(%run_scoped3A : memref<!tpu.dma_semaphore, #tpu.memory_space<semaphore_mem>>)
      %dma_wait3A = arith.constant 0 : i32
      %dma_wait3A_78 = arith.constant 0 : i32
      %dma_wait3A_79 = tpu.memref_slice %arg10[%dma_wait3A, %dma_wait3A_78] : memref<80x128xf32, #tpu.memory_space<vmem>> -> memref<48x128xf32, #tpu.memory_space<vmem>>
      %dma_wait3A_80 = arith.constant 0 : i32
      %dma_wait3A_81 = tpu.memref_slice %arg7[%add3A_41, %dma_wait3A_80] : memref<10000x128xf32, #tpu.memory_space<vmem_shared>> -> memref<48x128xf32, #tpu.memory_space<vmem_shared>>
      %dma_wait3A_82 = arith.constant 0 : i32
      %dma_wait3A_83 = arith.constant 0 : i32
      %dma_wait3A_84 = tpu.memref_slice %arg10[%dma_wait3A_82, %dma_wait3A_83] : memref<80x128xf32, #tpu.memory_space<vmem>> -> memref<48x128xf32, #tpu.memory_space<vmem>>
      %dma_wait3A_85 = arith.constant 0 : i32
      %dma_wait3A_86 = tpu.memref_slice %arg7[%add3A_41, %dma_wait3A_85] : memref<10000x128xf32, #tpu.memory_space<vmem_shared>> -> memref<48x128xf32, #tpu.memory_space<vmem_shared>>
      tpu.wait_dma2 semaphore(%run_scoped3A : memref<!tpu.dma_semaphore, #tpu.memory_space<semaphore_mem>>) src(%dma_wait3A_86 : memref<48x128xf32, #tpu.memory_space<vmem_shared>>) dst(%dma_wait3A_84 : memref<48x128xf32, #tpu.memory_space<vmem>>)
      tpu.yield
    }) : () -> ()
    "tpu.region"() ({
      %run_scoped3A = tpu.sem_alloc : memref<!tpu.dma_semaphore, #tpu.memory_space<semaphore_mem>>
      %dma_start3A = arith.constant 0 : i32
      %dma_start3A_69 = arith.constant 0 : i32
      %dma_start3A_70 = tpu.memref_slice %arg10[%dma_start3A, %dma_start3A_69] : memref<80x128xf32, #tpu.memory_space<vmem>> -> memref<48x128xf32, #tpu.memory_space<vmem>>
      %dma_start3A_71 = arith.constant 0 : i32
      %dma_start3A_72 = tpu.memref_slice %arg6[%arg0, %add3A_41, %dma_start3A_71] : memref<2x10000x128xf32, #tpu.memory_space<hbm>> -> memref<1x48x128xf32, #tpu.memory_space<hbm>>
      %dma_start3A_73 = tpu.memref_squeeze %dma_start3A_72 : memref<1x48x128xf32, #tpu.memory_space<hbm>> -> memref<48x128xf32, #tpu.memory_space<hbm>>
      %dma_start3A_74 = arith.constant 0 : i32
      %dma_start3A_75 = tpu.memref_slice %arg6[%arg0, %add3A_41, %dma_start3A_74] : memref<2x10000x128xf32, #tpu.memory_space<hbm>> -> memref<1x48x128xf32, #tpu.memory_space<hbm>>
      %dma_start3A_76 = tpu.memref_squeeze %dma_start3A_75 : memref<1x48x128xf32, #tpu.memory_space<hbm>> -> memref<48x128xf32, #tpu.memory_space<hbm>>
      %dma_start3A_77 = arith.constant 0 : i32
      %dma_start3A_78 = arith.constant 0 : i32
      %dma_start3A_79 = tpu.memref_slice %arg10[%dma_start3A_77, %dma_start3A_78] : memref<80x128xf32, #tpu.memory_space<vmem>> -> memref<48x128xf32, #tpu.memory_space<vmem>>
      tpu.enqueue_dma source(%dma_start3A_79 : memref<48x128xf32, #tpu.memory_space<vmem>>) target(%dma_start3A_76 : memref<48x128xf32, #tpu.memory_space<hbm>>) target_semaphore(%run_scoped3A : memref<!tpu.dma_semaphore, #tpu.memory_space<semaphore_mem>>)
      %dma_wait3A = arith.constant 0 : i32
      %dma_wait3A_80 = arith.constant 0 : i32
      %dma_wait3A_81 = tpu.memref_slice %arg10[%dma_wait3A, %dma_wait3A_80] : memref<80x128xf32, #tpu.memory_space<vmem>> -> memref<48x128xf32, #tpu.memory_space<vmem>>
      %dma_wait3A_82 = arith.constant 0 : i32
      %dma_wait3A_83 = tpu.memref_slice %arg6[%arg0, %add3A_41, %dma_wait3A_82] : memref<2x10000x128xf32, #tpu.memory_space<hbm>> -> memref<1x48x128xf32, #tpu.memory_space<hbm>>
      %dma_wait3A_84 = tpu.memref_squeeze %dma_wait3A_83 : memref<1x48x128xf32, #tpu.memory_space<hbm>> -> memref<48x128xf32, #tpu.memory_space<hbm>>
      %dma_wait3A_85 = arith.constant 0 : i32
      %dma_wait3A_86 = tpu.memref_slice %arg6[%arg0, %add3A_41, %dma_wait3A_85] : memref<2x10000x128xf32, #tpu.memory_space<hbm>> -> memref<1x48x128xf32, #tpu.memory_space<hbm>>
      %dma_wait3A_87 = tpu.memref_squeeze %dma_wait3A_86 : memref<1x48x128xf32, #tpu.memory_space<hbm>> -> memref<48x128xf32, #tpu.memory_space<hbm>>
      %dma_wait3A_88 = arith.constant 0 : i32
      %dma_wait3A_89 = arith.constant 0 : i32
      %dma_wait3A_90 = tpu.memref_slice %arg10[%dma_wait3A_88, %dma_wait3A_89] : memref<80x128xf32, #tpu.memory_space<vmem>> -> memref<48x128xf32, #tpu.memory_space<vmem>>
      tpu.wait_dma2 semaphore(%run_scoped3A : memref<!tpu.dma_semaphore, #tpu.memory_space<semaphore_mem>>) src(%dma_wait3A_90 : memref<48x128xf32, #tpu.memory_space<vmem>>) dst(%dma_wait3A_87 : memref<48x128xf32, #tpu.memory_space<hbm>>)
      tpu.yield
    }) : () -> ()
    %add3A_42 = arith.constant 96 : i32
    %add3A_43 = arith.addi %mul3A_0, %add3A_42 : i32
    "tpu.region"() ({
      %run_scoped3A = tpu.sem_alloc : memref<!tpu.dma_semaphore, #tpu.memory_space<semaphore_mem>>
      %dma_start3A = arith.constant 0 : i32
      %dma_start3A_69 = arith.constant 0 : i32
      %dma_start3A_70 = tpu.memref_slice %arg10[%dma_start3A, %dma_start3A_69] : memref<80x128xf32, #tpu.memory_space<vmem>> -> memref<48x128xf32, #tpu.memory_space<vmem>>
      %dma_start3A_71 = arith.constant 0 : i32
      %dma_start3A_72 = tpu.memref_slice %arg7[%add3A_43, %dma_start3A_71] : memref<10000x128xf32, #tpu.memory_space<vmem_shared>> -> memref<48x128xf32, #tpu.memory_space<vmem_shared>>
      %dma_start3A_73 = arith.constant 0 : i32
      %dma_start3A_74 = arith.constant 0 : i32
      %dma_start3A_75 = tpu.memref_slice %arg10[%dma_start3A_73, %dma_start3A_74] : memref<80x128xf32, #tpu.memory_space<vmem>> -> memref<48x128xf32, #tpu.memory_space<vmem>>
      %dma_start3A_76 = arith.constant 0 : i32
      %dma_start3A_77 = tpu.memref_slice %arg7[%add3A_43, %dma_start3A_76] : memref<10000x128xf32, #tpu.memory_space<vmem_shared>> -> memref<48x128xf32, #tpu.memory_space<vmem_shared>>
      tpu.enqueue_dma source(%dma_start3A_77 : memref<48x128xf32, #tpu.memory_space<vmem_shared>>) target(%dma_start3A_75 : memref<48x128xf32, #tpu.memory_space<vmem>>) target_semaphore(%run_scoped3A : memref<!tpu.dma_semaphore, #tpu.memory_space<semaphore_mem>>)
      %dma_wait3A = arith.constant 0 : i32
      %dma_wait3A_78 = arith.constant 0 : i32
      %dma_wait3A_79 = tpu.memref_slice %arg10[%dma_wait3A, %dma_wait3A_78] : memref<80x128xf32, #tpu.memory_space<vmem>> -> memref<48x128xf32, #tpu.memory_space<vmem>>
      %dma_wait3A_80 = arith.constant 0 : i32
      %dma_wait3A_81 = tpu.memref_slice %arg7[%add3A_43, %dma_wait3A_80] : memref<10000x128xf32, #tpu.memory_space<vmem_shared>> -> memref<48x128xf32, #tpu.memory_space<vmem_shared>>
      %dma_wait3A_82 = arith.constant 0 : i32
      %dma_wait3A_83 = arith.constant 0 : i32
      %dma_wait3A_84 = tpu.memref_slice %arg10[%dma_wait3A_82, %dma_wait3A_83] : memref<80x128xf32, #tpu.memory_space<vmem>> -> memref<48x128xf32, #tpu.memory_space<vmem>>
      %dma_wait3A_85 = arith.constant 0 : i32
      %dma_wait3A_86 = tpu.memref_slice %arg7[%add3A_43, %dma_wait3A_85] : memref<10000x128xf32, #tpu.memory_space<vmem_shared>> -> memref<48x128xf32, #tpu.memory_space<vmem_shared>>
      tpu.wait_dma2 semaphore(%run_scoped3A : memref<!tpu.dma_semaphore, #tpu.memory_space<semaphore_mem>>) src(%dma_wait3A_86 : memref<48x128xf32, #tpu.memory_space<vmem_shared>>) dst(%dma_wait3A_84 : memref<48x128xf32, #tpu.memory_space<vmem>>)
      tpu.yield
    }) : () -> ()
    "tpu.region"() ({
      %run_scoped3A = tpu.sem_alloc : memref<!tpu.dma_semaphore, #tpu.memory_space<semaphore_mem>>
      %dma_start3A = arith.constant 0 : i32
      %dma_start3A_69 = arith.constant 0 : i32
      %dma_start3A_70 = tpu.memref_slice %arg10[%dma_start3A, %dma_start3A_69] : memref<80x128xf32, #tpu.memory_space<vmem>> -> memref<48x128xf32, #tpu.memory_space<vmem>>
      %dma_start3A_71 = arith.constant 0 : i32
      %dma_start3A_72 = tpu.memref_slice %arg6[%arg0, %add3A_43, %dma_start3A_71] : memref<2x10000x128xf32, #tpu.memory_space<hbm>> -> memref<1x48x128xf32, #tpu.memory_space<hbm>>
      %dma_start3A_73 = tpu.memref_squeeze %dma_start3A_72 : memref<1x48x128xf32, #tpu.memory_space<hbm>> -> memref<48x128xf32, #tpu.memory_space<hbm>>
      %dma_start3A_74 = arith.constant 0 : i32
      %dma_start3A_75 = tpu.memref_slice %arg6[%arg0, %add3A_43, %dma_start3A_74] : memref<2x10000x128xf32, #tpu.memory_space<hbm>> -> memref<1x48x128xf32, #tpu.memory_space<hbm>>
      %dma_start3A_76 = tpu.memref_squeeze %dma_start3A_75 : memref<1x48x128xf32, #tpu.memory_space<hbm>> -> memref<48x128xf32, #tpu.memory_space<hbm>>
      %dma_start3A_77 = arith.constant 0 : i32
      %dma_start3A_78 = arith.constant 0 : i32
      %dma_start3A_79 = tpu.memref_slice %arg10[%dma_start3A_77, %dma_start3A_78] : memref<80x128xf32, #tpu.memory_space<vmem>> -> memref<48x128xf32, #tpu.memory_space<vmem>>
      tpu.enqueue_dma source(%dma_start3A_79 : memref<48x128xf32, #tpu.memory_space<vmem>>) target(%dma_start3A_76 : memref<48x128xf32, #tpu.memory_space<hbm>>) target_semaphore(%run_scoped3A : memref<!tpu.dma_semaphore, #tpu.memory_space<semaphore_mem>>)
      %dma_wait3A = arith.constant 0 : i32
      %dma_wait3A_80 = arith.constant 0 : i32
      %dma_wait3A_81 = tpu.memref_slice %arg10[%dma_wait3A, %dma_wait3A_80] : memref<80x128xf32, #tpu.memory_space<vmem>> -> memref<48x128xf32, #tpu.memory_space<vmem>>
      %dma_wait3A_82 = arith.constant 0 : i32
      %dma_wait3A_83 = tpu.memref_slice %arg6[%arg0, %add3A_43, %dma_wait3A_82] : memref<2x10000x128xf32, #tpu.memory_space<hbm>> -> memref<1x48x128xf32, #tpu.memory_space<hbm>>
      %dma_wait3A_84 = tpu.memref_squeeze %dma_wait3A_83 : memref<1x48x128xf32, #tpu.memory_space<hbm>> -> memref<48x128xf32, #tpu.memory_space<hbm>>
      %dma_wait3A_85 = arith.constant 0 : i32
      %dma_wait3A_86 = tpu.memref_slice %arg6[%arg0, %add3A_43, %dma_wait3A_85] : memref<2x10000x128xf32, #tpu.memory_space<hbm>> -> memref<1x48x128xf32, #tpu.memory_space<hbm>>
      %dma_wait3A_87 = tpu.memref_squeeze %dma_wait3A_86 : memref<1x48x128xf32, #tpu.memory_space<hbm>> -> memref<48x128xf32, #tpu.memory_space<hbm>>
      %dma_wait3A_88 = arith.constant 0 : i32
      %dma_wait3A_89 = arith.constant 0 : i32
      %dma_wait3A_90 = tpu.memref_slice %arg10[%dma_wait3A_88, %dma_wait3A_89] : memref<80x128xf32, #tpu.memory_space<vmem>> -> memref<48x128xf32, #tpu.memory_space<vmem>>
      tpu.wait_dma2 semaphore(%run_scoped3A : memref<!tpu.dma_semaphore, #tpu.memory_space<semaphore_mem>>) src(%dma_wait3A_90 : memref<48x128xf32, #tpu.memory_space<vmem>>) dst(%dma_wait3A_87 : memref<48x128xf32, #tpu.memory_space<hbm>>)
      tpu.yield
    }) : () -> ()
    %add3A_44 = arith.constant 144 : i32
    %add3A_45 = arith.addi %mul3A_0, %add3A_44 : i32
    "tpu.region"() ({
      %run_scoped3A = tpu.sem_alloc : memref<!tpu.dma_semaphore, #tpu.memory_space<semaphore_mem>>
      %dma_start3A = arith.constant 0 : i32
      %dma_start3A_69 = arith.constant 0 : i32
      %dma_start3A_70 = tpu.memref_slice %arg10[%dma_start3A, %dma_start3A_69] : memref<80x128xf32, #tpu.memory_space<vmem>> -> memref<48x128xf32, #tpu.memory_space<vmem>>
      %dma_start3A_71 = arith.constant 0 : i32
      %dma_start3A_72 = tpu.memref_slice %arg7[%add3A_45, %dma_start3A_71] : memref<10000x128xf32, #tpu.memory_space<vmem_shared>> -> memref<48x128xf32, #tpu.memory_space<vmem_shared>>
      %dma_start3A_73 = arith.constant 0 : i32
      %dma_start3A_74 = arith.constant 0 : i32
      %dma_start3A_75 = tpu.memref_slice %arg10[%dma_start3A_73, %dma_start3A_74] : memref<80x128xf32, #tpu.memory_space<vmem>> -> memref<48x128xf32, #tpu.memory_space<vmem>>
      %dma_start3A_76 = arith.constant 0 : i32
      %dma_start3A_77 = tpu.memref_slice %arg7[%add3A_45, %dma_start3A_76] : memref<10000x128xf32, #tpu.memory_space<vmem_shared>> -> memref<48x128xf32, #tpu.memory_space<vmem_shared>>
      tpu.enqueue_dma source(%dma_start3A_77 : memref<48x128xf32, #tpu.memory_space<vmem_shared>>) target(%dma_start3A_75 : memref<48x128xf32, #tpu.memory_space<vmem>>) target_semaphore(%run_scoped3A : memref<!tpu.dma_semaphore, #tpu.memory_space<semaphore_mem>>)
      %dma_wait3A = arith.constant 0 : i32
      %dma_wait3A_78 = arith.constant 0 : i32
      %dma_wait3A_79 = tpu.memref_slice %arg10[%dma_wait3A, %dma_wait3A_78] : memref<80x128xf32, #tpu.memory_space<vmem>> -> memref<48x128xf32, #tpu.memory_space<vmem>>
      %dma_wait3A_80 = arith.constant 0 : i32
      %dma_wait3A_81 = tpu.memref_slice %arg7[%add3A_45, %dma_wait3A_80] : memref<10000x128xf32, #tpu.memory_space<vmem_shared>> -> memref<48x128xf32, #tpu.memory_space<vmem_shared>>
      %dma_wait3A_82 = arith.constant 0 : i32
      %dma_wait3A_83 = arith.constant 0 : i32
      %dma_wait3A_84 = tpu.memref_slice %arg10[%dma_wait3A_82, %dma_wait3A_83] : memref<80x128xf32, #tpu.memory_space<vmem>> -> memref<48x128xf32, #tpu.memory_space<vmem>>
      %dma_wait3A_85 = arith.constant 0 : i32
      %dma_wait3A_86 = tpu.memref_slice %arg7[%add3A_45, %dma_wait3A_85] : memref<10000x128xf32, #tpu.memory_space<vmem_shared>> -> memref<48x128xf32, #tpu.memory_space<vmem_shared>>
      tpu.wait_dma2 semaphore(%run_scoped3A : memref<!tpu.dma_semaphore, #tpu.memory_space<semaphore_mem>>) src(%dma_wait3A_86 : memref<48x128xf32, #tpu.memory_space<vmem_shared>>) dst(%dma_wait3A_84 : memref<48x128xf32, #tpu.memory_space<vmem>>)
      tpu.yield
    }) : () -> ()
    "tpu.region"() ({
      %run_scoped3A = tpu.sem_alloc : memref<!tpu.dma_semaphore, #tpu.memory_space<semaphore_mem>>
      %dma_start3A = arith.constant 0 : i32
      %dma_start3A_69 = arith.constant 0 : i32
      %dma_start3A_70 = tpu.memref_slice %arg10[%dma_start3A, %dma_start3A_69] : memref<80x128xf32, #tpu.memory_space<vmem>> -> memref<48x128xf32, #tpu.memory_space<vmem>>
      %dma_start3A_71 = arith.constant 0 : i32
      %dma_start3A_72 = tpu.memref_slice %arg6[%arg0, %add3A_45, %dma_start3A_71] : memref<2x10000x128xf32, #tpu.memory_space<hbm>> -> memref<1x48x128xf32, #tpu.memory_space<hbm>>
      %dma_start3A_73 = tpu.memref_squeeze %dma_start3A_72 : memref<1x48x128xf32, #tpu.memory_space<hbm>> -> memref<48x128xf32, #tpu.memory_space<hbm>>
      %dma_start3A_74 = arith.constant 0 : i32
      %dma_start3A_75 = tpu.memref_slice %arg6[%arg0, %add3A_45, %dma_start3A_74] : memref<2x10000x128xf32, #tpu.memory_space<hbm>> -> memref<1x48x128xf32, #tpu.memory_space<hbm>>
      %dma_start3A_76 = tpu.memref_squeeze %dma_start3A_75 : memref<1x48x128xf32, #tpu.memory_space<hbm>> -> memref<48x128xf32, #tpu.memory_space<hbm>>
      %dma_start3A_77 = arith.constant 0 : i32
      %dma_start3A_78 = arith.constant 0 : i32
      %dma_start3A_79 = tpu.memref_slice %arg10[%dma_start3A_77, %dma_start3A_78] : memref<80x128xf32, #tpu.memory_space<vmem>> -> memref<48x128xf32, #tpu.memory_space<vmem>>
      tpu.enqueue_dma source(%dma_start3A_79 : memref<48x128xf32, #tpu.memory_space<vmem>>) target(%dma_start3A_76 : memref<48x128xf32, #tpu.memory_space<hbm>>) target_semaphore(%run_scoped3A : memref<!tpu.dma_semaphore, #tpu.memory_space<semaphore_mem>>)
      %dma_wait3A = arith.constant 0 : i32
      %dma_wait3A_80 = arith.constant 0 : i32
      %dma_wait3A_81 = tpu.memref_slice %arg10[%dma_wait3A, %dma_wait3A_80] : memref<80x128xf32, #tpu.memory_space<vmem>> -> memref<48x128xf32, #tpu.memory_space<vmem>>
      %dma_wait3A_82 = arith.constant 0 : i32
      %dma_wait3A_83 = tpu.memref_slice %arg6[%arg0, %add3A_45, %dma_wait3A_82] : memref<2x10000x128xf32, #tpu.memory_space<hbm>> -> memref<1x48x128xf32, #tpu.memory_space<hbm>>
      %dma_wait3A_84 = tpu.memref_squeeze %dma_wait3A_83 : memref<1x48x128xf32, #tpu.memory_space<hbm>> -> memref<48x128xf32, #tpu.memory_space<hbm>>
      %dma_wait3A_85 = arith.constant 0 : i32
      %dma_wait3A_86 = tpu.memref_slice %arg6[%arg0, %add3A_45, %dma_wait3A_85] : memref<2x10000x128xf32, #tpu.memory_space<hbm>> -> memref<1x48x128xf32, #tpu.memory_space<hbm>>
      %dma_wait3A_87 = tpu.memref_squeeze %dma_wait3A_86 : memref<1x48x128xf32, #tpu.memory_space<hbm>> -> memref<48x128xf32, #tpu.memory_space<hbm>>
      %dma_wait3A_88 = arith.constant 0 : i32
      %dma_wait3A_89 = arith.constant 0 : i32
      %dma_wait3A_90 = tpu.memref_slice %arg10[%dma_wait3A_88, %dma_wait3A_89] : memref<80x128xf32, #tpu.memory_space<vmem>> -> memref<48x128xf32, #tpu.memory_space<vmem>>
      tpu.wait_dma2 semaphore(%run_scoped3A : memref<!tpu.dma_semaphore, #tpu.memory_space<semaphore_mem>>) src(%dma_wait3A_90 : memref<48x128xf32, #tpu.memory_space<vmem>>) dst(%dma_wait3A_87 : memref<48x128xf32, #tpu.memory_space<hbm>>)
      tpu.yield
    }) : () -> ()
    %add3A_46 = arith.constant 192 : i32
    %add3A_47 = arith.addi %mul3A_0, %add3A_46 : i32
    "tpu.region"() ({
      %run_scoped3A = tpu.sem_alloc : memref<!tpu.dma_semaphore, #tpu.memory_space<semaphore_mem>>
      %dma_start3A = arith.constant 0 : i32
      %dma_start3A_69 = arith.constant 0 : i32
      %dma_start3A_70 = tpu.memref_slice %arg10[%dma_start3A, %dma_start3A_69] : memref<80x128xf32, #tpu.memory_space<vmem>> -> memref<48x128xf32, #tpu.memory_space<vmem>>
      %dma_start3A_71 = arith.constant 0 : i32
      %dma_start3A_72 = tpu.memref_slice %arg7[%add3A_47, %dma_start3A_71] : memref<10000x128xf32, #tpu.memory_space<vmem_shared>> -> memref<48x128xf32, #tpu.memory_space<vmem_shared>>
      %dma_start3A_73 = arith.constant 0 : i32
      %dma_start3A_74 = arith.constant 0 : i32
      %dma_start3A_75 = tpu.memref_slice %arg10[%dma_start3A_73, %dma_start3A_74] : memref<80x128xf32, #tpu.memory_space<vmem>> -> memref<48x128xf32, #tpu.memory_space<vmem>>
      %dma_start3A_76 = arith.constant 0 : i32
      %dma_start3A_77 = tpu.memref_slice %arg7[%add3A_47, %dma_start3A_76] : memref<10000x128xf32, #tpu.memory_space<vmem_shared>> -> memref<48x128xf32, #tpu.memory_space<vmem_shared>>
      tpu.enqueue_dma source(%dma_start3A_77 : memref<48x128xf32, #tpu.memory_space<vmem_shared>>) target(%dma_start3A_75 : memref<48x128xf32, #tpu.memory_space<vmem>>) target_semaphore(%run_scoped3A : memref<!tpu.dma_semaphore, #tpu.memory_space<semaphore_mem>>)
      %dma_wait3A = arith.constant 0 : i32
      %dma_wait3A_78 = arith.constant 0 : i32
      %dma_wait3A_79 = tpu.memref_slice %arg10[%dma_wait3A, %dma_wait3A_78] : memref<80x128xf32, #tpu.memory_space<vmem>> -> memref<48x128xf32, #tpu.memory_space<vmem>>
      %dma_wait3A_80 = arith.constant 0 : i32
      %dma_wait3A_81 = tpu.memref_slice %arg7[%add3A_47, %dma_wait3A_80] : memref<10000x128xf32, #tpu.memory_space<vmem_shared>> -> memref<48x128xf32, #tpu.memory_space<vmem_shared>>
      %dma_wait3A_82 = arith.constant 0 : i32
      %dma_wait3A_83 = arith.constant 0 : i32
      %dma_wait3A_84 = tpu.memref_slice %arg10[%dma_wait3A_82, %dma_wait3A_83] : memref<80x128xf32, #tpu.memory_space<vmem>> -> memref<48x128xf32, #tpu.memory_space<vmem>>
      %dma_wait3A_85 = arith.constant 0 : i32
      %dma_wait3A_86 = tpu.memref_slice %arg7[%add3A_47, %dma_wait3A_85] : memref<10000x128xf32, #tpu.memory_space<vmem_shared>> -> memref<48x128xf32, #tpu.memory_space<vmem_shared>>
      tpu.wait_dma2 semaphore(%run_scoped3A : memref<!tpu.dma_semaphore, #tpu.memory_space<semaphore_mem>>) src(%dma_wait3A_86 : memref<48x128xf32, #tpu.memory_space<vmem_shared>>) dst(%dma_wait3A_84 : memref<48x128xf32, #tpu.memory_space<vmem>>)
      tpu.yield
    }) : () -> ()
    "tpu.region"() ({
      %run_scoped3A = tpu.sem_alloc : memref<!tpu.dma_semaphore, #tpu.memory_space<semaphore_mem>>
      %dma_start3A = arith.constant 0 : i32
      %dma_start3A_69 = arith.constant 0 : i32
      %dma_start3A_70 = tpu.memref_slice %arg10[%dma_start3A, %dma_start3A_69] : memref<80x128xf32, #tpu.memory_space<vmem>> -> memref<48x128xf32, #tpu.memory_space<vmem>>
      %dma_start3A_71 = arith.constant 0 : i32
      %dma_start3A_72 = tpu.memref_slice %arg6[%arg0, %add3A_47, %dma_start3A_71] : memref<2x10000x128xf32, #tpu.memory_space<hbm>> -> memref<1x48x128xf32, #tpu.memory_space<hbm>>
      %dma_start3A_73 = tpu.memref_squeeze %dma_start3A_72 : memref<1x48x128xf32, #tpu.memory_space<hbm>> -> memref<48x128xf32, #tpu.memory_space<hbm>>
      %dma_start3A_74 = arith.constant 0 : i32
      %dma_start3A_75 = tpu.memref_slice %arg6[%arg0, %add3A_47, %dma_start3A_74] : memref<2x10000x128xf32, #tpu.memory_space<hbm>> -> memref<1x48x128xf32, #tpu.memory_space<hbm>>
      %dma_start3A_76 = tpu.memref_squeeze %dma_start3A_75 : memref<1x48x128xf32, #tpu.memory_space<hbm>> -> memref<48x128xf32, #tpu.memory_space<hbm>>
      %dma_start3A_77 = arith.constant 0 : i32
      %dma_start3A_78 = arith.constant 0 : i32
      %dma_start3A_79 = tpu.memref_slice %arg10[%dma_start3A_77, %dma_start3A_78] : memref<80x128xf32, #tpu.memory_space<vmem>> -> memref<48x128xf32, #tpu.memory_space<vmem>>
      tpu.enqueue_dma source(%dma_start3A_79 : memref<48x128xf32, #tpu.memory_space<vmem>>) target(%dma_start3A_76 : memref<48x128xf32, #tpu.memory_space<hbm>>) target_semaphore(%run_scoped3A : memref<!tpu.dma_semaphore, #tpu.memory_space<semaphore_mem>>)
      %dma_wait3A = arith.constant 0 : i32
      %dma_wait3A_80 = arith.constant 0 : i32
      %dma_wait3A_81 = tpu.memref_slice %arg10[%dma_wait3A, %dma_wait3A_80] : memref<80x128xf32, #tpu.memory_space<vmem>> -> memref<48x128xf32, #tpu.memory_space<vmem>>
      %dma_wait3A_82 = arith.constant 0 : i32
      %dma_wait3A_83 = tpu.memref_slice %arg6[%arg0, %add3A_47, %dma_wait3A_82] : memref<2x10000x128xf32, #tpu.memory_space<hbm>> -> memref<1x48x128xf32, #tpu.memory_space<hbm>>
      %dma_wait3A_84 = tpu.memref_squeeze %dma_wait3A_83 : memref<1x48x128xf32, #tpu.memory_space<hbm>> -> memref<48x128xf32, #tpu.memory_space<hbm>>
      %dma_wait3A_85 = arith.constant 0 : i32
      %dma_wait3A_86 = tpu.memref_slice %arg6[%arg0, %add3A_47, %dma_wait3A_85] : memref<2x10000x128xf32, #tpu.memory_space<hbm>> -> memref<1x48x128xf32, #tpu.memory_space<hbm>>
      %dma_wait3A_87 = tpu.memref_squeeze %dma_wait3A_86 : memref<1x48x128xf32, #tpu.memory_space<hbm>> -> memref<48x128xf32, #tpu.memory_space<hbm>>
      %dma_wait3A_88 = arith.constant 0 : i32
      %dma_wait3A_89 = arith.constant 0 : i32
      %dma_wait3A_90 = tpu.memref_slice %arg10[%dma_wait3A_88, %dma_wait3A_89] : memref<80x128xf32, #tpu.memory_space<vmem>> -> memref<48x128xf32, #tpu.memory_space<vmem>>
      tpu.wait_dma2 semaphore(%run_scoped3A : memref<!tpu.dma_semaphore, #tpu.memory_space<semaphore_mem>>) src(%dma_wait3A_90 : memref<48x128xf32, #tpu.memory_space<vmem>>) dst(%dma_wait3A_87 : memref<48x128xf32, #tpu.memory_space<hbm>>)
      tpu.yield
    }) : () -> ()
    %add3A_48 = arith.constant 240 : i32
    %add3A_49 = arith.addi %mul3A_0, %add3A_48 : i32
    "tpu.region"() ({
      %run_scoped3A = tpu.sem_alloc : memref<!tpu.dma_semaphore, #tpu.memory_space<semaphore_mem>>
      %dma_start3A = arith.constant 0 : i32
      %dma_start3A_69 = arith.constant 0 : i32
      %dma_start3A_70 = tpu.memref_slice %arg10[%dma_start3A, %dma_start3A_69] : memref<80x128xf32, #tpu.memory_space<vmem>> -> memref<48x128xf32, #tpu.memory_space<vmem>>
      %dma_start3A_71 = arith.constant 0 : i32
      %dma_start3A_72 = tpu.memref_slice %arg7[%add3A_49, %dma_start3A_71] : memref<10000x128xf32, #tpu.memory_space<vmem_shared>> -> memref<48x128xf32, #tpu.memory_space<vmem_shared>>
      %dma_start3A_73 = arith.constant 0 : i32
      %dma_start3A_74 = arith.constant 0 : i32
      %dma_start3A_75 = tpu.memref_slice %arg10[%dma_start3A_73, %dma_start3A_74] : memref<80x128xf32, #tpu.memory_space<vmem>> -> memref<48x128xf32, #tpu.memory_space<vmem>>
      %dma_start3A_76 = arith.constant 0 : i32
      %dma_start3A_77 = tpu.memref_slice %arg7[%add3A_49, %dma_start3A_76] : memref<10000x128xf32, #tpu.memory_space<vmem_shared>> -> memref<48x128xf32, #tpu.memory_space<vmem_shared>>
      tpu.enqueue_dma source(%dma_start3A_77 : memref<48x128xf32, #tpu.memory_space<vmem_shared>>) target(%dma_start3A_75 : memref<48x128xf32, #tpu.memory_space<vmem>>) target_semaphore(%run_scoped3A : memref<!tpu.dma_semaphore, #tpu.memory_space<semaphore_mem>>)
      %dma_wait3A = arith.constant 0 : i32
      %dma_wait3A_78 = arith.constant 0 : i32
      %dma_wait3A_79 = tpu.memref_slice %arg10[%dma_wait3A, %dma_wait3A_78] : memref<80x128xf32, #tpu.memory_space<vmem>> -> memref<48x128xf32, #tpu.memory_space<vmem>>
      %dma_wait3A_80 = arith.constant 0 : i32
      %dma_wait3A_81 = tpu.memref_slice %arg7[%add3A_49, %dma_wait3A_80] : memref<10000x128xf32, #tpu.memory_space<vmem_shared>> -> memref<48x128xf32, #tpu.memory_space<vmem_shared>>
      %dma_wait3A_82 = arith.constant 0 : i32
      %dma_wait3A_83 = arith.constant 0 : i32
      %dma_wait3A_84 = tpu.memref_slice %arg10[%dma_wait3A_82, %dma_wait3A_83] : memref<80x128xf32, #tpu.memory_space<vmem>> -> memref<48x128xf32, #tpu.memory_space<vmem>>
      %dma_wait3A_85 = arith.constant 0 : i32
      %dma_wait3A_86 = tpu.memref_slice %arg7[%add3A_49, %dma_wait3A_85] : memref<10000x128xf32, #tpu.memory_space<vmem_shared>> -> memref<48x128xf32, #tpu.memory_space<vmem_shared>>
      tpu.wait_dma2 semaphore(%run_scoped3A : memref<!tpu.dma_semaphore, #tpu.memory_space<semaphore_mem>>) src(%dma_wait3A_86 : memref<48x128xf32, #tpu.memory_space<vmem_shared>>) dst(%dma_wait3A_84 : memref<48x128xf32, #tpu.memory_space<vmem>>)
      tpu.yield
    }) : () -> ()
    "tpu.region"() ({
      %run_scoped3A = tpu.sem_alloc : memref<!tpu.dma_semaphore, #tpu.memory_space<semaphore_mem>>
      %dma_start3A = arith.constant 0 : i32
      %dma_start3A_69 = arith.constant 0 : i32
      %dma_start3A_70 = tpu.memref_slice %arg10[%dma_start3A, %dma_start3A_69] : memref<80x128xf32, #tpu.memory_space<vmem>> -> memref<48x128xf32, #tpu.memory_space<vmem>>
      %dma_start3A_71 = arith.constant 0 : i32
      %dma_start3A_72 = tpu.memref_slice %arg6[%arg0, %add3A_49, %dma_start3A_71] : memref<2x10000x128xf32, #tpu.memory_space<hbm>> -> memref<1x48x128xf32, #tpu.memory_space<hbm>>
      %dma_start3A_73 = tpu.memref_squeeze %dma_start3A_72 : memref<1x48x128xf32, #tpu.memory_space<hbm>> -> memref<48x128xf32, #tpu.memory_space<hbm>>
      %dma_start3A_74 = arith.constant 0 : i32
      %dma_start3A_75 = tpu.memref_slice %arg6[%arg0, %add3A_49, %dma_start3A_74] : memref<2x10000x128xf32, #tpu.memory_space<hbm>> -> memref<1x48x128xf32, #tpu.memory_space<hbm>>
      %dma_start3A_76 = tpu.memref_squeeze %dma_start3A_75 : memref<1x48x128xf32, #tpu.memory_space<hbm>> -> memref<48x128xf32, #tpu.memory_space<hbm>>
      %dma_start3A_77 = arith.constant 0 : i32
      %dma_start3A_78 = arith.constant 0 : i32
      %dma_start3A_79 = tpu.memref_slice %arg10[%dma_start3A_77, %dma_start3A_78] : memref<80x128xf32, #tpu.memory_space<vmem>> -> memref<48x128xf32, #tpu.memory_space<vmem>>
      tpu.enqueue_dma source(%dma_start3A_79 : memref<48x128xf32, #tpu.memory_space<vmem>>) target(%dma_start3A_76 : memref<48x128xf32, #tpu.memory_space<hbm>>) target_semaphore(%run_scoped3A : memref<!tpu.dma_semaphore, #tpu.memory_space<semaphore_mem>>)
      %dma_wait3A = arith.constant 0 : i32
      %dma_wait3A_80 = arith.constant 0 : i32
      %dma_wait3A_81 = tpu.memref_slice %arg10[%dma_wait3A, %dma_wait3A_80] : memref<80x128xf32, #tpu.memory_space<vmem>> -> memref<48x128xf32, #tpu.memory_space<vmem>>
      %dma_wait3A_82 = arith.constant 0 : i32
      %dma_wait3A_83 = tpu.memref_slice %arg6[%arg0, %add3A_49, %dma_wait3A_82] : memref<2x10000x128xf32, #tpu.memory_space<hbm>> -> memref<1x48x128xf32, #tpu.memory_space<hbm>>
      %dma_wait3A_84 = tpu.memref_squeeze %dma_wait3A_83 : memref<1x48x128xf32, #tpu.memory_space<hbm>> -> memref<48x128xf32, #tpu.memory_space<hbm>>
      %dma_wait3A_85 = arith.constant 0 : i32
      %dma_wait3A_86 = tpu.memref_slice %arg6[%arg0, %add3A_49, %dma_wait3A_85] : memref<2x10000x128xf32, #tpu.memory_space<hbm>> -> memref<1x48x128xf32, #tpu.memory_space<hbm>>
      %dma_wait3A_87 = tpu.memref_squeeze %dma_wait3A_86 : memref<1x48x128xf32, #tpu.memory_space<hbm>> -> memref<48x128xf32, #tpu.memory_space<hbm>>
      %dma_wait3A_88 = arith.constant 0 : i32
      %dma_wait3A_89 = arith.constant 0 : i32
      %dma_wait3A_90 = tpu.memref_slice %arg10[%dma_wait3A_88, %dma_wait3A_89] : memref<80x128xf32, #tpu.memory_space<vmem>> -> memref<48x128xf32, #tpu.memory_space<vmem>>
      tpu.wait_dma2 semaphore(%run_scoped3A : memref<!tpu.dma_semaphore, #tpu.memory_space<semaphore_mem>>) src(%dma_wait3A_90 : memref<48x128xf32, #tpu.memory_space<vmem>>) dst(%dma_wait3A_87 : memref<48x128xf32, #tpu.memory_space<hbm>>)
      tpu.yield
    }) : () -> ()
    %add3A_50 = arith.constant 288 : i32
    %add3A_51 = arith.addi %mul3A_0, %add3A_50 : i32
    "tpu.region"() ({
      %run_scoped3A = tpu.sem_alloc : memref<!tpu.dma_semaphore, #tpu.memory_space<semaphore_mem>>
      %dma_start3A = arith.constant 0 : i32
      %dma_start3A_69 = arith.constant 0 : i32
      %dma_start3A_70 = tpu.memref_slice %arg10[%dma_start3A, %dma_start3A_69] : memref<80x128xf32, #tpu.memory_space<vmem>> -> memref<48x128xf32, #tpu.memory_space<vmem>>
      %dma_start3A_71 = arith.constant 0 : i32
      %dma_start3A_72 = tpu.memref_slice %arg7[%add3A_51, %dma_start3A_71] : memref<10000x128xf32, #tpu.memory_space<vmem_shared>> -> memref<48x128xf32, #tpu.memory_space<vmem_shared>>
      %dma_start3A_73 = arith.constant 0 : i32
      %dma_start3A_74 = arith.constant 0 : i32
      %dma_start3A_75 = tpu.memref_slice %arg10[%dma_start3A_73, %dma_start3A_74] : memref<80x128xf32, #tpu.memory_space<vmem>> -> memref<48x128xf32, #tpu.memory_space<vmem>>
      %dma_start3A_76 = arith.constant 0 : i32
      %dma_start3A_77 = tpu.memref_slice %arg7[%add3A_51, %dma_start3A_76] : memref<10000x128xf32, #tpu.memory_space<vmem_shared>> -> memref<48x128xf32, #tpu.memory_space<vmem_shared>>
      tpu.enqueue_dma source(%dma_start3A_77 : memref<48x128xf32, #tpu.memory_space<vmem_shared>>) target(%dma_start3A_75 : memref<48x128xf32, #tpu.memory_space<vmem>>) target_semaphore(%run_scoped3A : memref<!tpu.dma_semaphore, #tpu.memory_space<semaphore_mem>>)
      %dma_wait3A = arith.constant 0 : i32
      %dma_wait3A_78 = arith.constant 0 : i32
      %dma_wait3A_79 = tpu.memref_slice %arg10[%dma_wait3A, %dma_wait3A_78] : memref<80x128xf32, #tpu.memory_space<vmem>> -> memref<48x128xf32, #tpu.memory_space<vmem>>
      %dma_wait3A_80 = arith.constant 0 : i32
      %dma_wait3A_81 = tpu.memref_slice %arg7[%add3A_51, %dma_wait3A_80] : memref<10000x128xf32, #tpu.memory_space<vmem_shared>> -> memref<48x128xf32, #tpu.memory_space<vmem_shared>>
      %dma_wait3A_82 = arith.constant 0 : i32
      %dma_wait3A_83 = arith.constant 0 : i32
      %dma_wait3A_84 = tpu.memref_slice %arg10[%dma_wait3A_82, %dma_wait3A_83] : memref<80x128xf32, #tpu.memory_space<vmem>> -> memref<48x128xf32, #tpu.memory_space<vmem>>
      %dma_wait3A_85 = arith.constant 0 : i32
      %dma_wait3A_86 = tpu.memref_slice %arg7[%add3A_51, %dma_wait3A_85] : memref<10000x128xf32, #tpu.memory_space<vmem_shared>> -> memref<48x128xf32, #tpu.memory_space<vmem_shared>>
      tpu.wait_dma2 semaphore(%run_scoped3A : memref<!tpu.dma_semaphore, #tpu.memory_space<semaphore_mem>>) src(%dma_wait3A_86 : memref<48x128xf32, #tpu.memory_space<vmem_shared>>) dst(%dma_wait3A_84 : memref<48x128xf32, #tpu.memory_space<vmem>>)
      tpu.yield
    }) : () -> ()
    "tpu.region"() ({
      %run_scoped3A = tpu.sem_alloc : memref<!tpu.dma_semaphore, #tpu.memory_space<semaphore_mem>>
      %dma_start3A = arith.constant 0 : i32
      %dma_start3A_69 = arith.constant 0 : i32
      %dma_start3A_70 = tpu.memref_slice %arg10[%dma_start3A, %dma_start3A_69] : memref<80x128xf32, #tpu.memory_space<vmem>> -> memref<48x128xf32, #tpu.memory_space<vmem>>
      %dma_start3A_71 = arith.constant 0 : i32
      %dma_start3A_72 = tpu.memref_slice %arg6[%arg0, %add3A_51, %dma_start3A_71] : memref<2x10000x128xf32, #tpu.memory_space<hbm>> -> memref<1x48x128xf32, #tpu.memory_space<hbm>>
      %dma_start3A_73 = tpu.memref_squeeze %dma_start3A_72 : memref<1x48x128xf32, #tpu.memory_space<hbm>> -> memref<48x128xf32, #tpu.memory_space<hbm>>
      %dma_start3A_74 = arith.constant 0 : i32
      %dma_start3A_75 = tpu.memref_slice %arg6[%arg0, %add3A_51, %dma_start3A_74] : memref<2x10000x128xf32, #tpu.memory_space<hbm>> -> memref<1x48x128xf32, #tpu.memory_space<hbm>>
      %dma_start3A_76 = tpu.memref_squeeze %dma_start3A_75 : memref<1x48x128xf32, #tpu.memory_space<hbm>> -> memref<48x128xf32, #tpu.memory_space<hbm>>
      %dma_start3A_77 = arith.constant 0 : i32
      %dma_start3A_78 = arith.constant 0 : i32
      %dma_start3A_79 = tpu.memref_slice %arg10[%dma_start3A_77, %dma_start3A_78] : memref<80x128xf32, #tpu.memory_space<vmem>> -> memref<48x128xf32, #tpu.memory_space<vmem>>
      tpu.enqueue_dma source(%dma_start3A_79 : memref<48x128xf32, #tpu.memory_space<vmem>>) target(%dma_start3A_76 : memref<48x128xf32, #tpu.memory_space<hbm>>) target_semaphore(%run_scoped3A : memref<!tpu.dma_semaphore, #tpu.memory_space<semaphore_mem>>)
      %dma_wait3A = arith.constant 0 : i32
      %dma_wait3A_80 = arith.constant 0 : i32
      %dma_wait3A_81 = tpu.memref_slice %arg10[%dma_wait3A, %dma_wait3A_80] : memref<80x128xf32, #tpu.memory_space<vmem>> -> memref<48x128xf32, #tpu.memory_space<vmem>>
      %dma_wait3A_82 = arith.constant 0 : i32
      %dma_wait3A_83 = tpu.memref_slice %arg6[%arg0, %add3A_51, %dma_wait3A_82] : memref<2x10000x128xf32, #tpu.memory_space<hbm>> -> memref<1x48x128xf32, #tpu.memory_space<hbm>>
      %dma_wait3A_84 = tpu.memref_squeeze %dma_wait3A_83 : memref<1x48x128xf32, #tpu.memory_space<hbm>> -> memref<48x128xf32, #tpu.memory_space<hbm>>
      %dma_wait3A_85 = arith.constant 0 : i32
      %dma_wait3A_86 = tpu.memref_slice %arg6[%arg0, %add3A_51, %dma_wait3A_85] : memref<2x10000x128xf32, #tpu.memory_space<hbm>> -> memref<1x48x128xf32, #tpu.memory_space<hbm>>
      %dma_wait3A_87 = tpu.memref_squeeze %dma_wait3A_86 : memref<1x48x128xf32, #tpu.memory_space<hbm>> -> memref<48x128xf32, #tpu.memory_space<hbm>>
      %dma_wait3A_88 = arith.constant 0 : i32
      %dma_wait3A_89 = arith.constant 0 : i32
      %dma_wait3A_90 = tpu.memref_slice %arg10[%dma_wait3A_88, %dma_wait3A_89] : memref<80x128xf32, #tpu.memory_space<vmem>> -> memref<48x128xf32, #tpu.memory_space<vmem>>
      tpu.wait_dma2 semaphore(%run_scoped3A : memref<!tpu.dma_semaphore, #tpu.memory_space<semaphore_mem>>) src(%dma_wait3A_90 : memref<48x128xf32, #tpu.memory_space<vmem>>) dst(%dma_wait3A_87 : memref<48x128xf32, #tpu.memory_space<hbm>>)
      tpu.yield
    }) : () -> ()
    %add3A_52 = arith.constant 336 : i32
    %add3A_53 = arith.addi %mul3A_0, %add3A_52 : i32
    "tpu.region"() ({
      %run_scoped3A = tpu.sem_alloc : memref<!tpu.dma_semaphore, #tpu.memory_space<semaphore_mem>>
      %dma_start3A = arith.constant 0 : i32
      %dma_start3A_69 = arith.constant 0 : i32
      %dma_start3A_70 = tpu.memref_slice %arg10[%dma_start3A, %dma_start3A_69] : memref<80x128xf32, #tpu.memory_space<vmem>> -> memref<48x128xf32, #tpu.memory_space<vmem>>
      %dma_start3A_71 = arith.constant 0 : i32
      %dma_start3A_72 = tpu.memref_slice %arg7[%add3A_53, %dma_start3A_71] : memref<10000x128xf32, #tpu.memory_space<vmem_shared>> -> memref<48x128xf32, #tpu.memory_space<vmem_shared>>
      %dma_start3A_73 = arith.constant 0 : i32
      %dma_start3A_74 = arith.constant 0 : i32
      %dma_start3A_75 = tpu.memref_slice %arg10[%dma_start3A_73, %dma_start3A_74] : memref<80x128xf32, #tpu.memory_space<vmem>> -> memref<48x128xf32, #tpu.memory_space<vmem>>
      %dma_start3A_76 = arith.constant 0 : i32
      %dma_start3A_77 = tpu.memref_slice %arg7[%add3A_53, %dma_start3A_76] : memref<10000x128xf32, #tpu.memory_space<vmem_shared>> -> memref<48x128xf32, #tpu.memory_space<vmem_shared>>
      tpu.enqueue_dma source(%dma_start3A_77 : memref<48x128xf32, #tpu.memory_space<vmem_shared>>) target(%dma_start3A_75 : memref<48x128xf32, #tpu.memory_space<vmem>>) target_semaphore(%run_scoped3A : memref<!tpu.dma_semaphore, #tpu.memory_space<semaphore_mem>>)
      %dma_wait3A = arith.constant 0 : i32
      %dma_wait3A_78 = arith.constant 0 : i32
      %dma_wait3A_79 = tpu.memref_slice %arg10[%dma_wait3A, %dma_wait3A_78] : memref<80x128xf32, #tpu.memory_space<vmem>> -> memref<48x128xf32, #tpu.memory_space<vmem>>
      %dma_wait3A_80 = arith.constant 0 : i32
      %dma_wait3A_81 = tpu.memref_slice %arg7[%add3A_53, %dma_wait3A_80] : memref<10000x128xf32, #tpu.memory_space<vmem_shared>> -> memref<48x128xf32, #tpu.memory_space<vmem_shared>>
      %dma_wait3A_82 = arith.constant 0 : i32
      %dma_wait3A_83 = arith.constant 0 : i32
      %dma_wait3A_84 = tpu.memref_slice %arg10[%dma_wait3A_82, %dma_wait3A_83] : memref<80x128xf32, #tpu.memory_space<vmem>> -> memref<48x128xf32, #tpu.memory_space<vmem>>
      %dma_wait3A_85 = arith.constant 0 : i32
      %dma_wait3A_86 = tpu.memref_slice %arg7[%add3A_53, %dma_wait3A_85] : memref<10000x128xf32, #tpu.memory_space<vmem_shared>> -> memref<48x128xf32, #tpu.memory_space<vmem_shared>>
      tpu.wait_dma2 semaphore(%run_scoped3A : memref<!tpu.dma_semaphore, #tpu.memory_space<semaphore_mem>>) src(%dma_wait3A_86 : memref<48x128xf32, #tpu.memory_space<vmem_shared>>) dst(%dma_wait3A_84 : memref<48x128xf32, #tpu.memory_space<vmem>>)
      tpu.yield
    }) : () -> ()
    "tpu.region"() ({
      %run_scoped3A = tpu.sem_alloc : memref<!tpu.dma_semaphore, #tpu.memory_space<semaphore_mem>>
      %dma_start3A = arith.constant 0 : i32
      %dma_start3A_69 = arith.constant 0 : i32
      %dma_start3A_70 = tpu.memref_slice %arg10[%dma_start3A, %dma_start3A_69] : memref<80x128xf32, #tpu.memory_space<vmem>> -> memref<48x128xf32, #tpu.memory_space<vmem>>
      %dma_start3A_71 = arith.constant 0 : i32
      %dma_start3A_72 = tpu.memref_slice %arg6[%arg0, %add3A_53, %dma_start3A_71] : memref<2x10000x128xf32, #tpu.memory_space<hbm>> -> memref<1x48x128xf32, #tpu.memory_space<hbm>>
      %dma_start3A_73 = tpu.memref_squeeze %dma_start3A_72 : memref<1x48x128xf32, #tpu.memory_space<hbm>> -> memref<48x128xf32, #tpu.memory_space<hbm>>
      %dma_start3A_74 = arith.constant 0 : i32
      %dma_start3A_75 = tpu.memref_slice %arg6[%arg0, %add3A_53, %dma_start3A_74] : memref<2x10000x128xf32, #tpu.memory_space<hbm>> -> memref<1x48x128xf32, #tpu.memory_space<hbm>>
      %dma_start3A_76 = tpu.memref_squeeze %dma_start3A_75 : memref<1x48x128xf32, #tpu.memory_space<hbm>> -> memref<48x128xf32, #tpu.memory_space<hbm>>
      %dma_start3A_77 = arith.constant 0 : i32
      %dma_start3A_78 = arith.constant 0 : i32
      %dma_start3A_79 = tpu.memref_slice %arg10[%dma_start3A_77, %dma_start3A_78] : memref<80x128xf32, #tpu.memory_space<vmem>> -> memref<48x128xf32, #tpu.memory_space<vmem>>
      tpu.enqueue_dma source(%dma_start3A_79 : memref<48x128xf32, #tpu.memory_space<vmem>>) target(%dma_start3A_76 : memref<48x128xf32, #tpu.memory_space<hbm>>) target_semaphore(%run_scoped3A : memref<!tpu.dma_semaphore, #tpu.memory_space<semaphore_mem>>)
      %dma_wait3A = arith.constant 0 : i32
      %dma_wait3A_80 = arith.constant 0 : i32
      %dma_wait3A_81 = tpu.memref_slice %arg10[%dma_wait3A, %dma_wait3A_80] : memref<80x128xf32, #tpu.memory_space<vmem>> -> memref<48x128xf32, #tpu.memory_space<vmem>>
      %dma_wait3A_82 = arith.constant 0 : i32
      %dma_wait3A_83 = tpu.memref_slice %arg6[%arg0, %add3A_53, %dma_wait3A_82] : memref<2x10000x128xf32, #tpu.memory_space<hbm>> -> memref<1x48x128xf32, #tpu.memory_space<hbm>>
      %dma_wait3A_84 = tpu.memref_squeeze %dma_wait3A_83 : memref<1x48x128xf32, #tpu.memory_space<hbm>> -> memref<48x128xf32, #tpu.memory_space<hbm>>
      %dma_wait3A_85 = arith.constant 0 : i32
      %dma_wait3A_86 = tpu.memref_slice %arg6[%arg0, %add3A_53, %dma_wait3A_85] : memref<2x10000x128xf32, #tpu.memory_space<hbm>> -> memref<1x48x128xf32, #tpu.memory_space<hbm>>
      %dma_wait3A_87 = tpu.memref_squeeze %dma_wait3A_86 : memref<1x48x128xf32, #tpu.memory_space<hbm>> -> memref<48x128xf32, #tpu.memory_space<hbm>>
      %dma_wait3A_88 = arith.constant 0 : i32
      %dma_wait3A_89 = arith.constant 0 : i32
      %dma_wait3A_90 = tpu.memref_slice %arg10[%dma_wait3A_88, %dma_wait3A_89] : memref<80x128xf32, #tpu.memory_space<vmem>> -> memref<48x128xf32, #tpu.memory_space<vmem>>
      tpu.wait_dma2 semaphore(%run_scoped3A : memref<!tpu.dma_semaphore, #tpu.memory_space<semaphore_mem>>) src(%dma_wait3A_90 : memref<48x128xf32, #tpu.memory_space<vmem>>) dst(%dma_wait3A_87 : memref<48x128xf32, #tpu.memory_space<hbm>>)
      tpu.yield
    }) : () -> ()
    %add3A_54 = arith.constant 384 : i32
    %add3A_55 = arith.addi %mul3A_0, %add3A_54 : i32
    "tpu.region"() ({
      %run_scoped3A = tpu.sem_alloc : memref<!tpu.dma_semaphore, #tpu.memory_space<semaphore_mem>>
      %dma_start3A = arith.constant 0 : i32
      %dma_start3A_69 = arith.constant 0 : i32
      %dma_start3A_70 = tpu.memref_slice %arg10[%dma_start3A, %dma_start3A_69] : memref<80x128xf32, #tpu.memory_space<vmem>> -> memref<48x128xf32, #tpu.memory_space<vmem>>
      %dma_start3A_71 = arith.constant 0 : i32
      %dma_start3A_72 = tpu.memref_slice %arg7[%add3A_55, %dma_start3A_71] : memref<10000x128xf32, #tpu.memory_space<vmem_shared>> -> memref<48x128xf32, #tpu.memory_space<vmem_shared>>
      %dma_start3A_73 = arith.constant 0 : i32
      %dma_start3A_74 = arith.constant 0 : i32
      %dma_start3A_75 = tpu.memref_slice %arg10[%dma_start3A_73, %dma_start3A_74] : memref<80x128xf32, #tpu.memory_space<vmem>> -> memref<48x128xf32, #tpu.memory_space<vmem>>
      %dma_start3A_76 = arith.constant 0 : i32
      %dma_start3A_77 = tpu.memref_slice %arg7[%add3A_55, %dma_start3A_76] : memref<10000x128xf32, #tpu.memory_space<vmem_shared>> -> memref<48x128xf32, #tpu.memory_space<vmem_shared>>
      tpu.enqueue_dma source(%dma_start3A_77 : memref<48x128xf32, #tpu.memory_space<vmem_shared>>) target(%dma_start3A_75 : memref<48x128xf32, #tpu.memory_space<vmem>>) target_semaphore(%run_scoped3A : memref<!tpu.dma_semaphore, #tpu.memory_space<semaphore_mem>>)
      %dma_wait3A = arith.constant 0 : i32
      %dma_wait3A_78 = arith.constant 0 : i32
      %dma_wait3A_79 = tpu.memref_slice %arg10[%dma_wait3A, %dma_wait3A_78] : memref<80x128xf32, #tpu.memory_space<vmem>> -> memref<48x128xf32, #tpu.memory_space<vmem>>
      %dma_wait3A_80 = arith.constant 0 : i32
      %dma_wait3A_81 = tpu.memref_slice %arg7[%add3A_55, %dma_wait3A_80] : memref<10000x128xf32, #tpu.memory_space<vmem_shared>> -> memref<48x128xf32, #tpu.memory_space<vmem_shared>>
      %dma_wait3A_82 = arith.constant 0 : i32
      %dma_wait3A_83 = arith.constant 0 : i32
      %dma_wait3A_84 = tpu.memref_slice %arg10[%dma_wait3A_82, %dma_wait3A_83] : memref<80x128xf32, #tpu.memory_space<vmem>> -> memref<48x128xf32, #tpu.memory_space<vmem>>
      %dma_wait3A_85 = arith.constant 0 : i32
      %dma_wait3A_86 = tpu.memref_slice %arg7[%add3A_55, %dma_wait3A_85] : memref<10000x128xf32, #tpu.memory_space<vmem_shared>> -> memref<48x128xf32, #tpu.memory_space<vmem_shared>>
      tpu.wait_dma2 semaphore(%run_scoped3A : memref<!tpu.dma_semaphore, #tpu.memory_space<semaphore_mem>>) src(%dma_wait3A_86 : memref<48x128xf32, #tpu.memory_space<vmem_shared>>) dst(%dma_wait3A_84 : memref<48x128xf32, #tpu.memory_space<vmem>>)
      tpu.yield
    }) : () -> ()
    "tpu.region"() ({
      %run_scoped3A = tpu.sem_alloc : memref<!tpu.dma_semaphore, #tpu.memory_space<semaphore_mem>>
      %dma_start3A = arith.constant 0 : i32
      %dma_start3A_69 = arith.constant 0 : i32
      %dma_start3A_70 = tpu.memref_slice %arg10[%dma_start3A, %dma_start3A_69] : memref<80x128xf32, #tpu.memory_space<vmem>> -> memref<48x128xf32, #tpu.memory_space<vmem>>
      %dma_start3A_71 = arith.constant 0 : i32
      %dma_start3A_72 = tpu.memref_slice %arg6[%arg0, %add3A_55, %dma_start3A_71] : memref<2x10000x128xf32, #tpu.memory_space<hbm>> -> memref<1x48x128xf32, #tpu.memory_space<hbm>>
      %dma_start3A_73 = tpu.memref_squeeze %dma_start3A_72 : memref<1x48x128xf32, #tpu.memory_space<hbm>> -> memref<48x128xf32, #tpu.memory_space<hbm>>
      %dma_start3A_74 = arith.constant 0 : i32
      %dma_start3A_75 = tpu.memref_slice %arg6[%arg0, %add3A_55, %dma_start3A_74] : memref<2x10000x128xf32, #tpu.memory_space<hbm>> -> memref<1x48x128xf32, #tpu.memory_space<hbm>>
      %dma_start3A_76 = tpu.memref_squeeze %dma_start3A_75 : memref<1x48x128xf32, #tpu.memory_space<hbm>> -> memref<48x128xf32, #tpu.memory_space<hbm>>
      %dma_start3A_77 = arith.constant 0 : i32
      %dma_start3A_78 = arith.constant 0 : i32
      %dma_start3A_79 = tpu.memref_slice %arg10[%dma_start3A_77, %dma_start3A_78] : memref<80x128xf32, #tpu.memory_space<vmem>> -> memref<48x128xf32, #tpu.memory_space<vmem>>
      tpu.enqueue_dma source(%dma_start3A_79 : memref<48x128xf32, #tpu.memory_space<vmem>>) target(%dma_start3A_76 : memref<48x128xf32, #tpu.memory_space<hbm>>) target_semaphore(%run_scoped3A : memref<!tpu.dma_semaphore, #tpu.memory_space<semaphore_mem>>)
      %dma_wait3A = arith.constant 0 : i32
      %dma_wait3A_80 = arith.constant 0 : i32
      %dma_wait3A_81 = tpu.memref_slice %arg10[%dma_wait3A, %dma_wait3A_80] : memref<80x128xf32, #tpu.memory_space<vmem>> -> memref<48x128xf32, #tpu.memory_space<vmem>>
      %dma_wait3A_82 = arith.constant 0 : i32
      %dma_wait3A_83 = tpu.memref_slice %arg6[%arg0, %add3A_55, %dma_wait3A_82] : memref<2x10000x128xf32, #tpu.memory_space<hbm>> -> memref<1x48x128xf32, #tpu.memory_space<hbm>>
      %dma_wait3A_84 = tpu.memref_squeeze %dma_wait3A_83 : memref<1x48x128xf32, #tpu.memory_space<hbm>> -> memref<48x128xf32, #tpu.memory_space<hbm>>
      %dma_wait3A_85 = arith.constant 0 : i32
      %dma_wait3A_86 = tpu.memref_slice %arg6[%arg0, %add3A_55, %dma_wait3A_85] : memref<2x10000x128xf32, #tpu.memory_space<hbm>> -> memref<1x48x128xf32, #tpu.memory_space<hbm>>
      %dma_wait3A_87 = tpu.memref_squeeze %dma_wait3A_86 : memref<1x48x128xf32, #tpu.memory_space<hbm>> -> memref<48x128xf32, #tpu.memory_space<hbm>>
      %dma_wait3A_88 = arith.constant 0 : i32
      %dma_wait3A_89 = arith.constant 0 : i32
      %dma_wait3A_90 = tpu.memref_slice %arg10[%dma_wait3A_88, %dma_wait3A_89] : memref<80x128xf32, #tpu.memory_space<vmem>> -> memref<48x128xf32, #tpu.memory_space<vmem>>
      tpu.wait_dma2 semaphore(%run_scoped3A : memref<!tpu.dma_semaphore, #tpu.memory_space<semaphore_mem>>) src(%dma_wait3A_90 : memref<48x128xf32, #tpu.memory_space<vmem>>) dst(%dma_wait3A_87 : memref<48x128xf32, #tpu.memory_space<hbm>>)
      tpu.yield
    }) : () -> ()
    %add3A_56 = arith.constant 432 : i32
    %add3A_57 = arith.addi %mul3A_0, %add3A_56 : i32
    "tpu.region"() ({
      %run_scoped3A = tpu.sem_alloc : memref<!tpu.dma_semaphore, #tpu.memory_space<semaphore_mem>>
      %dma_start3A = arith.constant 0 : i32
      %dma_start3A_69 = arith.constant 0 : i32
      %dma_start3A_70 = tpu.memref_slice %arg10[%dma_start3A, %dma_start3A_69] : memref<80x128xf32, #tpu.memory_space<vmem>> -> memref<48x128xf32, #tpu.memory_space<vmem>>
      %dma_start3A_71 = arith.constant 0 : i32
      %dma_start3A_72 = tpu.memref_slice %arg7[%add3A_57, %dma_start3A_71] : memref<10000x128xf32, #tpu.memory_space<vmem_shared>> -> memref<48x128xf32, #tpu.memory_space<vmem_shared>>
      %dma_start3A_73 = arith.constant 0 : i32
      %dma_start3A_74 = arith.constant 0 : i32
      %dma_start3A_75 = tpu.memref_slice %arg10[%dma_start3A_73, %dma_start3A_74] : memref<80x128xf32, #tpu.memory_space<vmem>> -> memref<48x128xf32, #tpu.memory_space<vmem>>
      %dma_start3A_76 = arith.constant 0 : i32
      %dma_start3A_77 = tpu.memref_slice %arg7[%add3A_57, %dma_start3A_76] : memref<10000x128xf32, #tpu.memory_space<vmem_shared>> -> memref<48x128xf32, #tpu.memory_space<vmem_shared>>
      tpu.enqueue_dma source(%dma_start3A_77 : memref<48x128xf32, #tpu.memory_space<vmem_shared>>) target(%dma_start3A_75 : memref<48x128xf32, #tpu.memory_space<vmem>>) target_semaphore(%run_scoped3A : memref<!tpu.dma_semaphore, #tpu.memory_space<semaphore_mem>>)
      %dma_wait3A = arith.constant 0 : i32
      %dma_wait3A_78 = arith.constant 0 : i32
      %dma_wait3A_79 = tpu.memref_slice %arg10[%dma_wait3A, %dma_wait3A_78] : memref<80x128xf32, #tpu.memory_space<vmem>> -> memref<48x128xf32, #tpu.memory_space<vmem>>
      %dma_wait3A_80 = arith.constant 0 : i32
      %dma_wait3A_81 = tpu.memref_slice %arg7[%add3A_57, %dma_wait3A_80] : memref<10000x128xf32, #tpu.memory_space<vmem_shared>> -> memref<48x128xf32, #tpu.memory_space<vmem_shared>>
      %dma_wait3A_82 = arith.constant 0 : i32
      %dma_wait3A_83 = arith.constant 0 : i32
      %dma_wait3A_84 = tpu.memref_slice %arg10[%dma_wait3A_82, %dma_wait3A_83] : memref<80x128xf32, #tpu.memory_space<vmem>> -> memref<48x128xf32, #tpu.memory_space<vmem>>
      %dma_wait3A_85 = arith.constant 0 : i32
      %dma_wait3A_86 = tpu.memref_slice %arg7[%add3A_57, %dma_wait3A_85] : memref<10000x128xf32, #tpu.memory_space<vmem_shared>> -> memref<48x128xf32, #tpu.memory_space<vmem_shared>>
      tpu.wait_dma2 semaphore(%run_scoped3A : memref<!tpu.dma_semaphore, #tpu.memory_space<semaphore_mem>>) src(%dma_wait3A_86 : memref<48x128xf32, #tpu.memory_space<vmem_shared>>) dst(%dma_wait3A_84 : memref<48x128xf32, #tpu.memory_space<vmem>>)
      tpu.yield
    }) : () -> ()
    "tpu.region"() ({
      %run_scoped3A = tpu.sem_alloc : memref<!tpu.dma_semaphore, #tpu.memory_space<semaphore_mem>>
      %dma_start3A = arith.constant 0 : i32
      %dma_start3A_69 = arith.constant 0 : i32
      %dma_start3A_70 = tpu.memref_slice %arg10[%dma_start3A, %dma_start3A_69] : memref<80x128xf32, #tpu.memory_space<vmem>> -> memref<48x128xf32, #tpu.memory_space<vmem>>
      %dma_start3A_71 = arith.constant 0 : i32
      %dma_start3A_72 = tpu.memref_slice %arg6[%arg0, %add3A_57, %dma_start3A_71] : memref<2x10000x128xf32, #tpu.memory_space<hbm>> -> memref<1x48x128xf32, #tpu.memory_space<hbm>>
      %dma_start3A_73 = tpu.memref_squeeze %dma_start3A_72 : memref<1x48x128xf32, #tpu.memory_space<hbm>> -> memref<48x128xf32, #tpu.memory_space<hbm>>
      %dma_start3A_74 = arith.constant 0 : i32
      %dma_start3A_75 = tpu.memref_slice %arg6[%arg0, %add3A_57, %dma_start3A_74] : memref<2x10000x128xf32, #tpu.memory_space<hbm>> -> memref<1x48x128xf32, #tpu.memory_space<hbm>>
      %dma_start3A_76 = tpu.memref_squeeze %dma_start3A_75 : memref<1x48x128xf32, #tpu.memory_space<hbm>> -> memref<48x128xf32, #tpu.memory_space<hbm>>
      %dma_start3A_77 = arith.constant 0 : i32
      %dma_start3A_78 = arith.constant 0 : i32
      %dma_start3A_79 = tpu.memref_slice %arg10[%dma_start3A_77, %dma_start3A_78] : memref<80x128xf32, #tpu.memory_space<vmem>> -> memref<48x128xf32, #tpu.memory_space<vmem>>
      tpu.enqueue_dma source(%dma_start3A_79 : memref<48x128xf32, #tpu.memory_space<vmem>>) target(%dma_start3A_76 : memref<48x128xf32, #tpu.memory_space<hbm>>) target_semaphore(%run_scoped3A : memref<!tpu.dma_semaphore, #tpu.memory_space<semaphore_mem>>)
      %dma_wait3A = arith.constant 0 : i32
      %dma_wait3A_80 = arith.constant 0 : i32
      %dma_wait3A_81 = tpu.memref_slice %arg10[%dma_wait3A, %dma_wait3A_80] : memref<80x128xf32, #tpu.memory_space<vmem>> -> memref<48x128xf32, #tpu.memory_space<vmem>>
      %dma_wait3A_82 = arith.constant 0 : i32
      %dma_wait3A_83 = tpu.memref_slice %arg6[%arg0, %add3A_57, %dma_wait3A_82] : memref<2x10000x128xf32, #tpu.memory_space<hbm>> -> memref<1x48x128xf32, #tpu.memory_space<hbm>>
      %dma_wait3A_84 = tpu.memref_squeeze %dma_wait3A_83 : memref<1x48x128xf32, #tpu.memory_space<hbm>> -> memref<48x128xf32, #tpu.memory_space<hbm>>
      %dma_wait3A_85 = arith.constant 0 : i32
      %dma_wait3A_86 = tpu.memref_slice %arg6[%arg0, %add3A_57, %dma_wait3A_85] : memref<2x10000x128xf32, #tpu.memory_space<hbm>> -> memref<1x48x128xf32, #tpu.memory_space<hbm>>
      %dma_wait3A_87 = tpu.memref_squeeze %dma_wait3A_86 : memref<1x48x128xf32, #tpu.memory_space<hbm>> -> memref<48x128xf32, #tpu.memory_space<hbm>>
      %dma_wait3A_88 = arith.constant 0 : i32
      %dma_wait3A_89 = arith.constant 0 : i32
      %dma_wait3A_90 = tpu.memref_slice %arg10[%dma_wait3A_88, %dma_wait3A_89] : memref<80x128xf32, #tpu.memory_space<vmem>> -> memref<48x128xf32, #tpu.memory_space<vmem>>
      tpu.wait_dma2 semaphore(%run_scoped3A : memref<!tpu.dma_semaphore, #tpu.memory_space<semaphore_mem>>) src(%dma_wait3A_90 : memref<48x128xf32, #tpu.memory_space<vmem>>) dst(%dma_wait3A_87 : memref<48x128xf32, #tpu.memory_space<hbm>>)
      tpu.yield
    }) : () -> ()
    %add3A_58 = arith.constant 480 : i32
    %add3A_59 = arith.addi %mul3A_0, %add3A_58 : i32
    "tpu.region"() ({
      %run_scoped3A = tpu.sem_alloc : memref<!tpu.dma_semaphore, #tpu.memory_space<semaphore_mem>>
      %dma_start3A = arith.constant 0 : i32
      %dma_start3A_69 = arith.constant 0 : i32
      %dma_start3A_70 = tpu.memref_slice %arg10[%dma_start3A, %dma_start3A_69] : memref<80x128xf32, #tpu.memory_space<vmem>> -> memref<48x128xf32, #tpu.memory_space<vmem>>
      %dma_start3A_71 = arith.constant 0 : i32
      %dma_start3A_72 = tpu.memref_slice %arg7[%add3A_59, %dma_start3A_71] : memref<10000x128xf32, #tpu.memory_space<vmem_shared>> -> memref<48x128xf32, #tpu.memory_space<vmem_shared>>
      %dma_start3A_73 = arith.constant 0 : i32
      %dma_start3A_74 = arith.constant 0 : i32
      %dma_start3A_75 = tpu.memref_slice %arg10[%dma_start3A_73, %dma_start3A_74] : memref<80x128xf32, #tpu.memory_space<vmem>> -> memref<48x128xf32, #tpu.memory_space<vmem>>
      %dma_start3A_76 = arith.constant 0 : i32
      %dma_start3A_77 = tpu.memref_slice %arg7[%add3A_59, %dma_start3A_76] : memref<10000x128xf32, #tpu.memory_space<vmem_shared>> -> memref<48x128xf32, #tpu.memory_space<vmem_shared>>
      tpu.enqueue_dma source(%dma_start3A_77 : memref<48x128xf32, #tpu.memory_space<vmem_shared>>) target(%dma_start3A_75 : memref<48x128xf32, #tpu.memory_space<vmem>>) target_semaphore(%run_scoped3A : memref<!tpu.dma_semaphore, #tpu.memory_space<semaphore_mem>>)
      %dma_wait3A = arith.constant 0 : i32
      %dma_wait3A_78 = arith.constant 0 : i32
      %dma_wait3A_79 = tpu.memref_slice %arg10[%dma_wait3A, %dma_wait3A_78] : memref<80x128xf32, #tpu.memory_space<vmem>> -> memref<48x128xf32, #tpu.memory_space<vmem>>
      %dma_wait3A_80 = arith.constant 0 : i32
      %dma_wait3A_81 = tpu.memref_slice %arg7[%add3A_59, %dma_wait3A_80] : memref<10000x128xf32, #tpu.memory_space<vmem_shared>> -> memref<48x128xf32, #tpu.memory_space<vmem_shared>>
      %dma_wait3A_82 = arith.constant 0 : i32
      %dma_wait3A_83 = arith.constant 0 : i32
      %dma_wait3A_84 = tpu.memref_slice %arg10[%dma_wait3A_82, %dma_wait3A_83] : memref<80x128xf32, #tpu.memory_space<vmem>> -> memref<48x128xf32, #tpu.memory_space<vmem>>
      %dma_wait3A_85 = arith.constant 0 : i32
      %dma_wait3A_86 = tpu.memref_slice %arg7[%add3A_59, %dma_wait3A_85] : memref<10000x128xf32, #tpu.memory_space<vmem_shared>> -> memref<48x128xf32, #tpu.memory_space<vmem_shared>>
      tpu.wait_dma2 semaphore(%run_scoped3A : memref<!tpu.dma_semaphore, #tpu.memory_space<semaphore_mem>>) src(%dma_wait3A_86 : memref<48x128xf32, #tpu.memory_space<vmem_shared>>) dst(%dma_wait3A_84 : memref<48x128xf32, #tpu.memory_space<vmem>>)
      tpu.yield
    }) : () -> ()
    "tpu.region"() ({
      %run_scoped3A = tpu.sem_alloc : memref<!tpu.dma_semaphore, #tpu.memory_space<semaphore_mem>>
      %dma_start3A = arith.constant 0 : i32
      %dma_start3A_69 = arith.constant 0 : i32
      %dma_start3A_70 = tpu.memref_slice %arg10[%dma_start3A, %dma_start3A_69] : memref<80x128xf32, #tpu.memory_space<vmem>> -> memref<48x128xf32, #tpu.memory_space<vmem>>
      %dma_start3A_71 = arith.constant 0 : i32
      %dma_start3A_72 = tpu.memref_slice %arg6[%arg0, %add3A_59, %dma_start3A_71] : memref<2x10000x128xf32, #tpu.memory_space<hbm>> -> memref<1x48x128xf32, #tpu.memory_space<hbm>>
      %dma_start3A_73 = tpu.memref_squeeze %dma_start3A_72 : memref<1x48x128xf32, #tpu.memory_space<hbm>> -> memref<48x128xf32, #tpu.memory_space<hbm>>
      %dma_start3A_74 = arith.constant 0 : i32
      %dma_start3A_75 = tpu.memref_slice %arg6[%arg0, %add3A_59, %dma_start3A_74] : memref<2x10000x128xf32, #tpu.memory_space<hbm>> -> memref<1x48x128xf32, #tpu.memory_space<hbm>>
      %dma_start3A_76 = tpu.memref_squeeze %dma_start3A_75 : memref<1x48x128xf32, #tpu.memory_space<hbm>> -> memref<48x128xf32, #tpu.memory_space<hbm>>
      %dma_start3A_77 = arith.constant 0 : i32
      %dma_start3A_78 = arith.constant 0 : i32
      %dma_start3A_79 = tpu.memref_slice %arg10[%dma_start3A_77, %dma_start3A_78] : memref<80x128xf32, #tpu.memory_space<vmem>> -> memref<48x128xf32, #tpu.memory_space<vmem>>
      tpu.enqueue_dma source(%dma_start3A_79 : memref<48x128xf32, #tpu.memory_space<vmem>>) target(%dma_start3A_76 : memref<48x128xf32, #tpu.memory_space<hbm>>) target_semaphore(%run_scoped3A : memref<!tpu.dma_semaphore, #tpu.memory_space<semaphore_mem>>)
      %dma_wait3A = arith.constant 0 : i32
      %dma_wait3A_80 = arith.constant 0 : i32
      %dma_wait3A_81 = tpu.memref_slice %arg10[%dma_wait3A, %dma_wait3A_80] : memref<80x128xf32, #tpu.memory_space<vmem>> -> memref<48x128xf32, #tpu.memory_space<vmem>>
      %dma_wait3A_82 = arith.constant 0 : i32
      %dma_wait3A_83 = tpu.memref_slice %arg6[%arg0, %add3A_59, %dma_wait3A_82] : memref<2x10000x128xf32, #tpu.memory_space<hbm>> -> memref<1x48x128xf32, #tpu.memory_space<hbm>>
      %dma_wait3A_84 = tpu.memref_squeeze %dma_wait3A_83 : memref<1x48x128xf32, #tpu.memory_space<hbm>> -> memref<48x128xf32, #tpu.memory_space<hbm>>
      %dma_wait3A_85 = arith.constant 0 : i32
      %dma_wait3A_86 = tpu.memref_slice %arg6[%arg0, %add3A_59, %dma_wait3A_85] : memref<2x10000x128xf32, #tpu.memory_space<hbm>> -> memref<1x48x128xf32, #tpu.memory_space<hbm>>
      %dma_wait3A_87 = tpu.memref_squeeze %dma_wait3A_86 : memref<1x48x128xf32, #tpu.memory_space<hbm>> -> memref<48x128xf32, #tpu.memory_space<hbm>>
      %dma_wait3A_88 = arith.constant 0 : i32
      %dma_wait3A_89 = arith.constant 0 : i32
      %dma_wait3A_90 = tpu.memref_slice %arg10[%dma_wait3A_88, %dma_wait3A_89] : memref<80x128xf32, #tpu.memory_space<vmem>> -> memref<48x128xf32, #tpu.memory_space<vmem>>
      tpu.wait_dma2 semaphore(%run_scoped3A : memref<!tpu.dma_semaphore, #tpu.memory_space<semaphore_mem>>) src(%dma_wait3A_90 : memref<48x128xf32, #tpu.memory_space<vmem>>) dst(%dma_wait3A_87 : memref<48x128xf32, #tpu.memory_space<hbm>>)
      tpu.yield
    }) : () -> ()
    %add3A_60 = arith.constant 528 : i32
    %add3A_61 = arith.addi %mul3A_0, %add3A_60 : i32
    "tpu.region"() ({
      %run_scoped3A = tpu.sem_alloc : memref<!tpu.dma_semaphore, #tpu.memory_space<semaphore_mem>>
      %dma_start3A = arith.constant 0 : i32
      %dma_start3A_69 = arith.constant 0 : i32
      %dma_start3A_70 = tpu.memref_slice %arg10[%dma_start3A, %dma_start3A_69] : memref<80x128xf32, #tpu.memory_space<vmem>> -> memref<48x128xf32, #tpu.memory_space<vmem>>
      %dma_start3A_71 = arith.constant 0 : i32
      %dma_start3A_72 = tpu.memref_slice %arg7[%add3A_61, %dma_start3A_71] : memref<10000x128xf32, #tpu.memory_space<vmem_shared>> -> memref<48x128xf32, #tpu.memory_space<vmem_shared>>
      %dma_start3A_73 = arith.constant 0 : i32
      %dma_start3A_74 = arith.constant 0 : i32
      %dma_start3A_75 = tpu.memref_slice %arg10[%dma_start3A_73, %dma_start3A_74] : memref<80x128xf32, #tpu.memory_space<vmem>> -> memref<48x128xf32, #tpu.memory_space<vmem>>
      %dma_start3A_76 = arith.constant 0 : i32
      %dma_start3A_77 = tpu.memref_slice %arg7[%add3A_61, %dma_start3A_76] : memref<10000x128xf32, #tpu.memory_space<vmem_shared>> -> memref<48x128xf32, #tpu.memory_space<vmem_shared>>
      tpu.enqueue_dma source(%dma_start3A_77 : memref<48x128xf32, #tpu.memory_space<vmem_shared>>) target(%dma_start3A_75 : memref<48x128xf32, #tpu.memory_space<vmem>>) target_semaphore(%run_scoped3A : memref<!tpu.dma_semaphore, #tpu.memory_space<semaphore_mem>>)
      %dma_wait3A = arith.constant 0 : i32
      %dma_wait3A_78 = arith.constant 0 : i32
      %dma_wait3A_79 = tpu.memref_slice %arg10[%dma_wait3A, %dma_wait3A_78] : memref<80x128xf32, #tpu.memory_space<vmem>> -> memref<48x128xf32, #tpu.memory_space<vmem>>
      %dma_wait3A_80 = arith.constant 0 : i32
      %dma_wait3A_81 = tpu.memref_slice %arg7[%add3A_61, %dma_wait3A_80] : memref<10000x128xf32, #tpu.memory_space<vmem_shared>> -> memref<48x128xf32, #tpu.memory_space<vmem_shared>>
      %dma_wait3A_82 = arith.constant 0 : i32
      %dma_wait3A_83 = arith.constant 0 : i32
      %dma_wait3A_84 = tpu.memref_slice %arg10[%dma_wait3A_82, %dma_wait3A_83] : memref<80x128xf32, #tpu.memory_space<vmem>> -> memref<48x128xf32, #tpu.memory_space<vmem>>
      %dma_wait3A_85 = arith.constant 0 : i32
      %dma_wait3A_86 = tpu.memref_slice %arg7[%add3A_61, %dma_wait3A_85] : memref<10000x128xf32, #tpu.memory_space<vmem_shared>> -> memref<48x128xf32, #tpu.memory_space<vmem_shared>>
      tpu.wait_dma2 semaphore(%run_scoped3A : memref<!tpu.dma_semaphore, #tpu.memory_space<semaphore_mem>>) src(%dma_wait3A_86 : memref<48x128xf32, #tpu.memory_space<vmem_shared>>) dst(%dma_wait3A_84 : memref<48x128xf32, #tpu.memory_space<vmem>>)
      tpu.yield
    }) : () -> ()
    "tpu.region"() ({
      %run_scoped3A = tpu.sem_alloc : memref<!tpu.dma_semaphore, #tpu.memory_space<semaphore_mem>>
      %dma_start3A = arith.constant 0 : i32
      %dma_start3A_69 = arith.constant 0 : i32
      %dma_start3A_70 = tpu.memref_slice %arg10[%dma_start3A, %dma_start3A_69] : memref<80x128xf32, #tpu.memory_space<vmem>> -> memref<48x128xf32, #tpu.memory_space<vmem>>
      %dma_start3A_71 = arith.constant 0 : i32
      %dma_start3A_72 = tpu.memref_slice %arg6[%arg0, %add3A_61, %dma_start3A_71] : memref<2x10000x128xf32, #tpu.memory_space<hbm>> -> memref<1x48x128xf32, #tpu.memory_space<hbm>>
      %dma_start3A_73 = tpu.memref_squeeze %dma_start3A_72 : memref<1x48x128xf32, #tpu.memory_space<hbm>> -> memref<48x128xf32, #tpu.memory_space<hbm>>
      %dma_start3A_74 = arith.constant 0 : i32
      %dma_start3A_75 = tpu.memref_slice %arg6[%arg0, %add3A_61, %dma_start3A_74] : memref<2x10000x128xf32, #tpu.memory_space<hbm>> -> memref<1x48x128xf32, #tpu.memory_space<hbm>>
      %dma_start3A_76 = tpu.memref_squeeze %dma_start3A_75 : memref<1x48x128xf32, #tpu.memory_space<hbm>> -> memref<48x128xf32, #tpu.memory_space<hbm>>
      %dma_start3A_77 = arith.constant 0 : i32
      %dma_start3A_78 = arith.constant 0 : i32
      %dma_start3A_79 = tpu.memref_slice %arg10[%dma_start3A_77, %dma_start3A_78] : memref<80x128xf32, #tpu.memory_space<vmem>> -> memref<48x128xf32, #tpu.memory_space<vmem>>
      tpu.enqueue_dma source(%dma_start3A_79 : memref<48x128xf32, #tpu.memory_space<vmem>>) target(%dma_start3A_76 : memref<48x128xf32, #tpu.memory_space<hbm>>) target_semaphore(%run_scoped3A : memref<!tpu.dma_semaphore, #tpu.memory_space<semaphore_mem>>)
      %dma_wait3A = arith.constant 0 : i32
      %dma_wait3A_80 = arith.constant 0 : i32
      %dma_wait3A_81 = tpu.memref_slice %arg10[%dma_wait3A, %dma_wait3A_80] : memref<80x128xf32, #tpu.memory_space<vmem>> -> memref<48x128xf32, #tpu.memory_space<vmem>>
      %dma_wait3A_82 = arith.constant 0 : i32
      %dma_wait3A_83 = tpu.memref_slice %arg6[%arg0, %add3A_61, %dma_wait3A_82] : memref<2x10000x128xf32, #tpu.memory_space<hbm>> -> memref<1x48x128xf32, #tpu.memory_space<hbm>>
      %dma_wait3A_84 = tpu.memref_squeeze %dma_wait3A_83 : memref<1x48x128xf32, #tpu.memory_space<hbm>> -> memref<48x128xf32, #tpu.memory_space<hbm>>
      %dma_wait3A_85 = arith.constant 0 : i32
      %dma_wait3A_86 = tpu.memref_slice %arg6[%arg0, %add3A_61, %dma_wait3A_85] : memref<2x10000x128xf32, #tpu.memory_space<hbm>> -> memref<1x48x128xf32, #tpu.memory_space<hbm>>
      %dma_wait3A_87 = tpu.memref_squeeze %dma_wait3A_86 : memref<1x48x128xf32, #tpu.memory_space<hbm>> -> memref<48x128xf32, #tpu.memory_space<hbm>>
      %dma_wait3A_88 = arith.constant 0 : i32
      %dma_wait3A_89 = arith.constant 0 : i32
      %dma_wait3A_90 = tpu.memref_slice %arg10[%dma_wait3A_88, %dma_wait3A_89] : memref<80x128xf32, #tpu.memory_space<vmem>> -> memref<48x128xf32, #tpu.memory_space<vmem>>
      tpu.wait_dma2 semaphore(%run_scoped3A : memref<!tpu.dma_semaphore, #tpu.memory_space<semaphore_mem>>) src(%dma_wait3A_90 : memref<48x128xf32, #tpu.memory_space<vmem>>) dst(%dma_wait3A_87 : memref<48x128xf32, #tpu.memory_space<hbm>>)
      tpu.yield
    }) : () -> ()
    %add3A_62 = arith.constant 576 : i32
    %add3A_63 = arith.addi %mul3A_0, %add3A_62 : i32
    "tpu.region"() ({
      %run_scoped3A = tpu.sem_alloc : memref<!tpu.dma_semaphore, #tpu.memory_space<semaphore_mem>>
      %dma_start3A = arith.constant 0 : i32
      %dma_start3A_69 = arith.constant 0 : i32
      %dma_start3A_70 = tpu.memref_slice %arg10[%dma_start3A, %dma_start3A_69] : memref<80x128xf32, #tpu.memory_space<vmem>> -> memref<48x128xf32, #tpu.memory_space<vmem>>
      %dma_start3A_71 = arith.constant 0 : i32
      %dma_start3A_72 = tpu.memref_slice %arg7[%add3A_63, %dma_start3A_71] : memref<10000x128xf32, #tpu.memory_space<vmem_shared>> -> memref<48x128xf32, #tpu.memory_space<vmem_shared>>
      %dma_start3A_73 = arith.constant 0 : i32
      %dma_start3A_74 = arith.constant 0 : i32
      %dma_start3A_75 = tpu.memref_slice %arg10[%dma_start3A_73, %dma_start3A_74] : memref<80x128xf32, #tpu.memory_space<vmem>> -> memref<48x128xf32, #tpu.memory_space<vmem>>
      %dma_start3A_76 = arith.constant 0 : i32
      %dma_start3A_77 = tpu.memref_slice %arg7[%add3A_63, %dma_start3A_76] : memref<10000x128xf32, #tpu.memory_space<vmem_shared>> -> memref<48x128xf32, #tpu.memory_space<vmem_shared>>
      tpu.enqueue_dma source(%dma_start3A_77 : memref<48x128xf32, #tpu.memory_space<vmem_shared>>) target(%dma_start3A_75 : memref<48x128xf32, #tpu.memory_space<vmem>>) target_semaphore(%run_scoped3A : memref<!tpu.dma_semaphore, #tpu.memory_space<semaphore_mem>>)
      %dma_wait3A = arith.constant 0 : i32
      %dma_wait3A_78 = arith.constant 0 : i32
      %dma_wait3A_79 = tpu.memref_slice %arg10[%dma_wait3A, %dma_wait3A_78] : memref<80x128xf32, #tpu.memory_space<vmem>> -> memref<48x128xf32, #tpu.memory_space<vmem>>
      %dma_wait3A_80 = arith.constant 0 : i32
      %dma_wait3A_81 = tpu.memref_slice %arg7[%add3A_63, %dma_wait3A_80] : memref<10000x128xf32, #tpu.memory_space<vmem_shared>> -> memref<48x128xf32, #tpu.memory_space<vmem_shared>>
      %dma_wait3A_82 = arith.constant 0 : i32
      %dma_wait3A_83 = arith.constant 0 : i32
      %dma_wait3A_84 = tpu.memref_slice %arg10[%dma_wait3A_82, %dma_wait3A_83] : memref<80x128xf32, #tpu.memory_space<vmem>> -> memref<48x128xf32, #tpu.memory_space<vmem>>
      %dma_wait3A_85 = arith.constant 0 : i32
      %dma_wait3A_86 = tpu.memref_slice %arg7[%add3A_63, %dma_wait3A_85] : memref<10000x128xf32, #tpu.memory_space<vmem_shared>> -> memref<48x128xf32, #tpu.memory_space<vmem_shared>>
      tpu.wait_dma2 semaphore(%run_scoped3A : memref<!tpu.dma_semaphore, #tpu.memory_space<semaphore_mem>>) src(%dma_wait3A_86 : memref<48x128xf32, #tpu.memory_space<vmem_shared>>) dst(%dma_wait3A_84 : memref<48x128xf32, #tpu.memory_space<vmem>>)
      tpu.yield
    }) : () -> ()
    "tpu.region"() ({
      %run_scoped3A = tpu.sem_alloc : memref<!tpu.dma_semaphore, #tpu.memory_space<semaphore_mem>>
      %dma_start3A = arith.constant 0 : i32
      %dma_start3A_69 = arith.constant 0 : i32
      %dma_start3A_70 = tpu.memref_slice %arg10[%dma_start3A, %dma_start3A_69] : memref<80x128xf32, #tpu.memory_space<vmem>> -> memref<48x128xf32, #tpu.memory_space<vmem>>
      %dma_start3A_71 = arith.constant 0 : i32
      %dma_start3A_72 = tpu.memref_slice %arg6[%arg0, %add3A_63, %dma_start3A_71] : memref<2x10000x128xf32, #tpu.memory_space<hbm>> -> memref<1x48x128xf32, #tpu.memory_space<hbm>>
      %dma_start3A_73 = tpu.memref_squeeze %dma_start3A_72 : memref<1x48x128xf32, #tpu.memory_space<hbm>> -> memref<48x128xf32, #tpu.memory_space<hbm>>
      %dma_start3A_74 = arith.constant 0 : i32
      %dma_start3A_75 = tpu.memref_slice %arg6[%arg0, %add3A_63, %dma_start3A_74] : memref<2x10000x128xf32, #tpu.memory_space<hbm>> -> memref<1x48x128xf32, #tpu.memory_space<hbm>>
      %dma_start3A_76 = tpu.memref_squeeze %dma_start3A_75 : memref<1x48x128xf32, #tpu.memory_space<hbm>> -> memref<48x128xf32, #tpu.memory_space<hbm>>
      %dma_start3A_77 = arith.constant 0 : i32
      %dma_start3A_78 = arith.constant 0 : i32
      %dma_start3A_79 = tpu.memref_slice %arg10[%dma_start3A_77, %dma_start3A_78] : memref<80x128xf32, #tpu.memory_space<vmem>> -> memref<48x128xf32, #tpu.memory_space<vmem>>
      tpu.enqueue_dma source(%dma_start3A_79 : memref<48x128xf32, #tpu.memory_space<vmem>>) target(%dma_start3A_76 : memref<48x128xf32, #tpu.memory_space<hbm>>) target_semaphore(%run_scoped3A : memref<!tpu.dma_semaphore, #tpu.memory_space<semaphore_mem>>)
      %dma_wait3A = arith.constant 0 : i32
      %dma_wait3A_80 = arith.constant 0 : i32
      %dma_wait3A_81 = tpu.memref_slice %arg10[%dma_wait3A, %dma_wait3A_80] : memref<80x128xf32, #tpu.memory_space<vmem>> -> memref<48x128xf32, #tpu.memory_space<vmem>>
      %dma_wait3A_82 = arith.constant 0 : i32
      %dma_wait3A_83 = tpu.memref_slice %arg6[%arg0, %add3A_63, %dma_wait3A_82] : memref<2x10000x128xf32, #tpu.memory_space<hbm>> -> memref<1x48x128xf32, #tpu.memory_space<hbm>>
      %dma_wait3A_84 = tpu.memref_squeeze %dma_wait3A_83 : memref<1x48x128xf32, #tpu.memory_space<hbm>> -> memref<48x128xf32, #tpu.memory_space<hbm>>
      %dma_wait3A_85 = arith.constant 0 : i32
      %dma_wait3A_86 = tpu.memref_slice %arg6[%arg0, %add3A_63, %dma_wait3A_85] : memref<2x10000x128xf32, #tpu.memory_space<hbm>> -> memref<1x48x128xf32, #tpu.memory_space<hbm>>
      %dma_wait3A_87 = tpu.memref_squeeze %dma_wait3A_86 : memref<1x48x128xf32, #tpu.memory_space<hbm>> -> memref<48x128xf32, #tpu.memory_space<hbm>>
      %dma_wait3A_88 = arith.constant 0 : i32
      %dma_wait3A_89 = arith.constant 0 : i32
      %dma_wait3A_90 = tpu.memref_slice %arg10[%dma_wait3A_88, %dma_wait3A_89] : memref<80x128xf32, #tpu.memory_space<vmem>> -> memref<48x128xf32, #tpu.memory_space<vmem>>
      tpu.wait_dma2 semaphore(%run_scoped3A : memref<!tpu.dma_semaphore, #tpu.memory_space<semaphore_mem>>) src(%dma_wait3A_90 : memref<48x128xf32, #tpu.memory_space<vmem>>) dst(%dma_wait3A_87 : memref<48x128xf32, #tpu.memory_space<hbm>>)
      tpu.yield
    }) : () -> ()
    %eq3A_64 = arith.constant 15 : i32
    %eq3A_65 = arith.cmpi eq, %arg1, %eq3A_64 : i32
    %convert_element_type3A_66 = arith.extui %eq3A_65 : i1 to i32
    %cond3A_67 = arith.constant 0 : i32
    %cond3A_68 = arith.cmpi ne, %convert_element_type3A_66, %cond3A_67 : i32
    scf.if %cond3A_68 {
      "tpu.region"() ({
        %run_scoped3A = tpu.sem_alloc : memref<!tpu.dma_semaphore, #tpu.memory_space<semaphore_mem>>
        %dma_start3A = arith.constant 0 : i32
        %dma_start3A_69 = arith.constant 0 : i32
        %dma_start3A_70 = tpu.memref_slice %arg10[%dma_start3A, %dma_start3A_69] : memref<80x128xf32, #tpu.memory_space<vmem>> -> memref<16x128xf32, #tpu.memory_space<vmem>>
        %dma_start3A_71 = arith.constant 9984 : i32
        %dma_start3A_72 = arith.constant 0 : i32
        %dma_start3A_73 = tpu.memref_slice %arg7[%dma_start3A_71, %dma_start3A_72] : memref<10000x128xf32, #tpu.memory_space<vmem_shared>> -> memref<16x128xf32, #tpu.memory_space<vmem_shared>>
        %dma_start3A_74 = arith.constant 0 : i32
        %dma_start3A_75 = arith.constant 0 : i32
        %dma_start3A_76 = tpu.memref_slice %arg10[%dma_start3A_74, %dma_start3A_75] : memref<80x128xf32, #tpu.memory_space<vmem>> -> memref<16x128xf32, #tpu.memory_space<vmem>>
        %dma_start3A_77 = arith.constant 9984 : i32
        %dma_start3A_78 = arith.constant 0 : i32
        %dma_start3A_79 = tpu.memref_slice %arg7[%dma_start3A_77, %dma_start3A_78] : memref<10000x128xf32, #tpu.memory_space<vmem_shared>> -> memref<16x128xf32, #tpu.memory_space<vmem_shared>>
        tpu.enqueue_dma source(%dma_start3A_79 : memref<16x128xf32, #tpu.memory_space<vmem_shared>>) target(%dma_start3A_76 : memref<16x128xf32, #tpu.memory_space<vmem>>) target_semaphore(%run_scoped3A : memref<!tpu.dma_semaphore, #tpu.memory_space<semaphore_mem>>)
        %dma_wait3A = arith.constant 0 : i32
        %dma_wait3A_80 = arith.constant 0 : i32
        %dma_wait3A_81 = tpu.memref_slice %arg10[%dma_wait3A, %dma_wait3A_80] : memref<80x128xf32, #tpu.memory_space<vmem>> -> memref<16x128xf32, #tpu.memory_space<vmem>>
        %dma_wait3A_82 = arith.constant 9984 : i32
        %dma_wait3A_83 = arith.constant 0 : i32
        %dma_wait3A_84 = tpu.memref_slice %arg7[%dma_wait3A_82, %dma_wait3A_83] : memref<10000x128xf32, #tpu.memory_space<vmem_shared>> -> memref<16x128xf32, #tpu.memory_space<vmem_shared>>
        %dma_wait3A_85 = arith.constant 0 : i32
        %dma_wait3A_86 = arith.constant 0 : i32
        %dma_wait3A_87 = tpu.memref_slice %arg10[%dma_wait3A_85, %dma_wait3A_86] : memref<80x128xf32, #tpu.memory_space<vmem>> -> memref<16x128xf32, #tpu.memory_space<vmem>>
        %dma_wait3A_88 = arith.constant 9984 : i32
        %dma_wait3A_89 = arith.constant 0 : i32
        %dma_wait3A_90 = tpu.memref_slice %arg7[%dma_wait3A_88, %dma_wait3A_89] : memref<10000x128xf32, #tpu.memory_space<vmem_shared>> -> memref<16x128xf32, #tpu.memory_space<vmem_shared>>
        tpu.wait_dma2 semaphore(%run_scoped3A : memref<!tpu.dma_semaphore, #tpu.memory_space<semaphore_mem>>) src(%dma_wait3A_90 : memref<16x128xf32, #tpu.memory_space<vmem_shared>>) dst(%dma_wait3A_87 : memref<16x128xf32, #tpu.memory_space<vmem>>)
        tpu.yield
      }) : () -> ()
      "tpu.region"() ({
        %run_scoped3A = tpu.sem_alloc : memref<!tpu.dma_semaphore, #tpu.memory_space<semaphore_mem>>
        %dma_start3A = arith.constant 0 : i32
        %dma_start3A_69 = arith.constant 0 : i32
        %dma_start3A_70 = tpu.memref_slice %arg10[%dma_start3A, %dma_start3A_69] : memref<80x128xf32, #tpu.memory_space<vmem>> -> memref<16x128xf32, #tpu.memory_space<vmem>>
        %dma_start3A_71 = arith.constant 9984 : i32
        %dma_start3A_72 = arith.constant 0 : i32
        %dma_start3A_73 = tpu.memref_slice %arg6[%arg0, %dma_start3A_71, %dma_start3A_72] : memref<2x10000x128xf32, #tpu.memory_space<hbm>> -> memref<1x16x128xf32, #tpu.memory_space<hbm>>
        %dma_start3A_74 = tpu.memref_squeeze %dma_start3A_73 : memref<1x16x128xf32, #tpu.memory_space<hbm>> -> memref<16x128xf32, #tpu.memory_space<hbm>>
        %dma_start3A_75 = arith.constant 9984 : i32
        %dma_start3A_76 = arith.constant 0 : i32
        %dma_start3A_77 = tpu.memref_slice %arg6[%arg0, %dma_start3A_75, %dma_start3A_76] : memref<2x10000x128xf32, #tpu.memory_space<hbm>> -> memref<1x16x128xf32, #tpu.memory_space<hbm>>
        %dma_start3A_78 = tpu.memref_squeeze %dma_start3A_77 : memref<1x16x128xf32, #tpu.memory_space<hbm>> -> memref<16x128xf32, #tpu.memory_space<hbm>>
        %dma_start3A_79 = arith.constant 0 : i32
        %dma_start3A_80 = arith.constant 0 : i32
        %dma_start3A_81 = tpu.memref_slice %arg10[%dma_start3A_79, %dma_start3A_80] : memref<80x128xf32, #tpu.memory_space<vmem>> -> memref<16x128xf32, #tpu.memory_space<vmem>>
        tpu.enqueue_dma source(%dma_start3A_81 : memref<16x128xf32, #tpu.memory_space<vmem>>) target(%dma_start3A_78 : memref<16x128xf32, #tpu.memory_space<hbm>>) target_semaphore(%run_scoped3A : memref<!tpu.dma_semaphore, #tpu.memory_space<semaphore_mem>>)
        %dma_wait3A = arith.constant 0 : i32
        %dma_wait3A_82 = arith.constant 0 : i32
        %dma_wait3A_83 = tpu.memref_slice %arg10[%dma_wait3A, %dma_wait3A_82] : memref<80x128xf32, #tpu.memory_space<vmem>> -> memref<16x128xf32, #tpu.memory_space<vmem>>
        %dma_wait3A_84 = arith.constant 9984 : i32
        %dma_wait3A_85 = arith.constant 0 : i32
        %dma_wait3A_86 = tpu.memref_slice %arg6[%arg0, %dma_wait3A_84, %dma_wait3A_85] : memref<2x10000x128xf32, #tpu.memory_space<hbm>> -> memref<1x16x128xf32, #tpu.memory_space<hbm>>
        %dma_wait3A_87 = tpu.memref_squeeze %dma_wait3A_86 : memref<1x16x128xf32, #tpu.memory_space<hbm>> -> memref<16x128xf32, #tpu.memory_space<hbm>>
        %dma_wait3A_88 = arith.constant 9984 : i32
        %dma_wait3A_89 = arith.constant 0 : i32
        %dma_wait3A_90 = tpu.memref_slice %arg6[%arg0, %dma_wait3A_88, %dma_wait3A_89] : memref<2x10000x128xf32, #tpu.memory_space<hbm>> -> memref<1x16x128xf32, #tpu.memory_space<hbm>>
        %dma_wait3A_91 = tpu.memref_squeeze %dma_wait3A_90 : memref<1x16x128xf32, #tpu.memory_space<hbm>> -> memref<16x128xf32, #tpu.memory_space<hbm>>
        %dma_wait3A_92 = arith.constant 0 : i32
        %dma_wait3A_93 = arith.constant 0 : i32
        %dma_wait3A_94 = tpu.memref_slice %arg10[%dma_wait3A_92, %dma_wait3A_93] : memref<80x128xf32, #tpu.memory_space<vmem>> -> memref<16x128xf32, #tpu.memory_space<vmem>>
        tpu.wait_dma2 semaphore(%run_scoped3A : memref<!tpu.dma_semaphore, #tpu.memory_space<semaphore_mem>>) src(%dma_wait3A_94 : memref<16x128xf32, #tpu.memory_space<vmem>>) dst(%dma_wait3A_91 : memref<16x128xf32, #tpu.memory_space<hbm>>)
        tpu.yield
      }) : () -> ()
    } else {
    }
    return
  }
}

#map = affine_map<(d0, d1) -> (0, 0)>
#map1 = affine_map<(d0, d1) -> (0)>
#map2 = affine_map<(d0, d1) -> (0, 0, 0)>
module attributes {stable_mosaic.version = 14 : i64} {
  func.func @sc_seg_partial(%arg0: i32, %arg1: i32, %arg2: memref<10000x128xf32, #tpu.memory_space<hbm>>, %arg3: memref<320000xi32, #tpu.memory_space<hbm>>, %arg4: memref<320000xi32, #tpu.memory_space<hbm>>, %arg5: memref<48x128xf32, #tpu.memory_space<hbm>>, %arg6: memref<2x10000x128xf32, #tpu.memory_space<hbm>>, %arg7: memref<10000x128xf32, #tpu.memory_space<vmem_shared>>, %arg8: memref<80xi32, #tpu.memory_space<vmem>>, %arg9: memref<80xi32, #tpu.memory_space<vmem>>, %arg10: memref<80x128xf32, #tpu.memory_space<vmem>>, %arg11: memref<!tpu.dma_semaphore, #tpu.memory_space<semaphore_mem>>) attributes {dimension_semantics = [#tpu.dimension_semantics<core_parallel>, #tpu.dimension_semantics<subcore_parallel>], iteration_bounds = array<i64: 2, 16>, scalar_prefetch = 0 : i64, scratch_operands = 5 : i64, tpu.core_type = #tpu.core_type<sc_vector_subcore>, window_params = [{transform_indices = #map}, {transform_indices = #map1}, {transform_indices = #map1}, {transform_indices = #map}, {transform_indices = #map2}]} {
    %mul3A = arith.constant 624 : i32
    %mul3A_0 = arith.muli %arg1, %mul3A : i32
    "tpu.region"() ({
      %run_scoped3A = tpu.sem_alloc : memref<!tpu.dma_semaphore, #tpu.memory_space<semaphore_mem>>
      %dma_start3A = arith.constant 0 : i32
      %dma_start3A_69 = arith.constant 0 : i32
      %dma_start3A_70 = tpu.memref_slice %arg10[%dma_start3A, %dma_start3A_69] : memref<80x128xf32, #tpu.memory_space<vmem>> -> memref<48x128xf32, #tpu.memory_space<vmem>>
      %dma_start3A_71 = arith.constant 0 : i32
      %dma_start3A_72 = arith.constant 0 : i32
      %dma_start3A_73 = tpu.memref_slice %arg10[%dma_start3A_71, %dma_start3A_72] : memref<80x128xf32, #tpu.memory_space<vmem>> -> memref<48x128xf32, #tpu.memory_space<vmem>>
      tpu.enqueue_dma source(%arg5 : memref<48x128xf32, #tpu.memory_space<hbm>>) target(%dma_start3A_73 : memref<48x128xf32, #tpu.memory_space<vmem>>) target_semaphore(%run_scoped3A : memref<!tpu.dma_semaphore, #tpu.memory_space<semaphore_mem>>)
      %dma_wait3A = arith.constant 0 : i32
      %dma_wait3A_74 = arith.constant 0 : i32
      %dma_wait3A_75 = tpu.memref_slice %arg10[%dma_wait3A, %dma_wait3A_74] : memref<80x128xf32, #tpu.memory_space<vmem>> -> memref<48x128xf32, #tpu.memory_space<vmem>>
      %dma_wait3A_76 = arith.constant 0 : i32
      %dma_wait3A_77 = arith.constant 0 : i32
      %dma_wait3A_78 = tpu.memref_slice %arg10[%dma_wait3A_76, %dma_wait3A_77] : memref<80x128xf32, #tpu.memory_space<vmem>> -> memref<48x128xf32, #tpu.memory_space<vmem>>
      tpu.wait_dma2 semaphore(%run_scoped3A : memref<!tpu.dma_semaphore, #tpu.memory_space<semaphore_mem>>) src(%arg5 : memref<48x128xf32, #tpu.memory_space<hbm>>) dst(%dma_wait3A_78 : memref<48x128xf32, #tpu.memory_space<vmem>>)
      tpu.yield
    }) : () -> ()
    %add3A = arith.constant 0 : i32
    %add3A_1 = arith.addi %mul3A_0, %add3A : i32
    "tpu.region"() ({
      %run_scoped3A = tpu.sem_alloc : memref<!tpu.dma_semaphore, #tpu.memory_space<semaphore_mem>>
      %dma_start3A = arith.constant 0 : i32
      %dma_start3A_69 = arith.constant 0 : i32
      %dma_start3A_70 = tpu.memref_slice %arg10[%dma_start3A, %dma_start3A_69] : memref<80x128xf32, #tpu.memory_space<vmem>> -> memref<48x128xf32, #tpu.memory_space<vmem>>
      %dma_start3A_71 = arith.constant 0 : i32
      %dma_start3A_72 = tpu.memref_slice %arg7[%add3A_1, %dma_start3A_71] : memref<10000x128xf32, #tpu.memory_space<vmem_shared>> -> memref<48x128xf32, #tpu.memory_space<vmem_shared>>
      %dma_start3A_73 = arith.constant 0 : i32
      %dma_start3A_74 = tpu.memref_slice %arg7[%add3A_1, %dma_start3A_73] : memref<10000x128xf32, #tpu.memory_space<vmem_shared>> -> memref<48x128xf32, #tpu.memory_space<vmem_shared>>
      %dma_start3A_75 = arith.constant 0 : i32
      %dma_start3A_76 = arith.constant 0 : i32
      %dma_start3A_77 = tpu.memref_slice %arg10[%dma_start3A_75, %dma_start3A_76] : memref<80x128xf32, #tpu.memory_space<vmem>> -> memref<48x128xf32, #tpu.memory_space<vmem>>
      tpu.enqueue_dma source(%dma_start3A_77 : memref<48x128xf32, #tpu.memory_space<vmem>>) target(%dma_start3A_74 : memref<48x128xf32, #tpu.memory_space<vmem_shared>>) target_semaphore(%run_scoped3A : memref<!tpu.dma_semaphore, #tpu.memory_space<semaphore_mem>>)
      %dma_wait3A = arith.constant 0 : i32
      %dma_wait3A_78 = arith.constant 0 : i32
      %dma_wait3A_79 = tpu.memref_slice %arg10[%dma_wait3A, %dma_wait3A_78] : memref<80x128xf32, #tpu.memory_space<vmem>> -> memref<48x128xf32, #tpu.memory_space<vmem>>
      %dma_wait3A_80 = arith.constant 0 : i32
      %dma_wait3A_81 = tpu.memref_slice %arg7[%add3A_1, %dma_wait3A_80] : memref<10000x128xf32, #tpu.memory_space<vmem_shared>> -> memref<48x128xf32, #tpu.memory_space<vmem_shared>>
      %dma_wait3A_82 = arith.constant 0 : i32
      %dma_wait3A_83 = tpu.memref_slice %arg7[%add3A_1, %dma_wait3A_82] : memref<10000x128xf32, #tpu.memory_space<vmem_shared>> -> memref<48x128xf32, #tpu.memory_space<vmem_shared>>
      %dma_wait3A_84 = arith.constant 0 : i32
      %dma_wait3A_85 = arith.constant 0 : i32
      %dma_wait3A_86 = tpu.memref_slice %arg10[%dma_wait3A_84, %dma_wait3A_85] : memref<80x128xf32, #tpu.memory_space<vmem>> -> memref<48x128xf32, #tpu.memory_space<vmem>>
      tpu.wait_dma2 semaphore(%run_scoped3A : memref<!tpu.dma_semaphore, #tpu.memory_space<semaphore_mem>>) src(%dma_wait3A_86 : memref<48x128xf32, #tpu.memory_space<vmem>>) dst(%dma_wait3A_83 : memref<48x128xf32, #tpu.memory_space<vmem_shared>>)
      tpu.yield
    }) : () -> ()
    %add3A_2 = arith.constant 48 : i32
    %add3A_3 = arith.addi %mul3A_0, %add3A_2 : i32
    "tpu.region"() ({
      %run_scoped3A = tpu.sem_alloc : memref<!tpu.dma_semaphore, #tpu.memory_space<semaphore_mem>>
      %dma_start3A = arith.constant 0 : i32
      %dma_start3A_69 = arith.constant 0 : i32
      %dma_start3A_70 = tpu.memref_slice %arg10[%dma_start3A, %dma_start3A_69] : memref<80x128xf32, #tpu.memory_space<vmem>> -> memref<48x128xf32, #tpu.memory_space<vmem>>
      %dma_start3A_71 = arith.constant 0 : i32
      %dma_start3A_72 = tpu.memref_slice %arg7[%add3A_3, %dma_start3A_71] : memref<10000x128xf32, #tpu.memory_space<vmem_shared>> -> memref<48x128xf32, #tpu.memory_space<vmem_shared>>
      %dma_start3A_73 = arith.constant 0 : i32
      %dma_start3A_74 = tpu.memref_slice %arg7[%add3A_3, %dma_start3A_73] : memref<10000x128xf32, #tpu.memory_space<vmem_shared>> -> memref<48x128xf32, #tpu.memory_space<vmem_shared>>
      %dma_start3A_75 = arith.constant 0 : i32
      %dma_start3A_76 = arith.constant 0 : i32
      %dma_start3A_77 = tpu.memref_slice %arg10[%dma_start3A_75, %dma_start3A_76] : memref<80x128xf32, #tpu.memory_space<vmem>> -> memref<48x128xf32, #tpu.memory_space<vmem>>
      tpu.enqueue_dma source(%dma_start3A_77 : memref<48x128xf32, #tpu.memory_space<vmem>>) target(%dma_start3A_74 : memref<48x128xf32, #tpu.memory_space<vmem_shared>>) target_semaphore(%run_scoped3A : memref<!tpu.dma_semaphore, #tpu.memory_space<semaphore_mem>>)
      %dma_wait3A = arith.constant 0 : i32
      %dma_wait3A_78 = arith.constant 0 : i32
      %dma_wait3A_79 = tpu.memref_slice %arg10[%dma_wait3A, %dma_wait3A_78] : memref<80x128xf32, #tpu.memory_space<vmem>> -> memref<48x128xf32, #tpu.memory_space<vmem>>
      %dma_wait3A_80 = arith.constant 0 : i32
      %dma_wait3A_81 = tpu.memref_slice %arg7[%add3A_3, %dma_wait3A_80] : memref<10000x128xf32, #tpu.memory_space<vmem_shared>> -> memref<48x128xf32, #tpu.memory_space<vmem_shared>>
      %dma_wait3A_82 = arith.constant 0 : i32
      %dma_wait3A_83 = tpu.memref_slice %arg7[%add3A_3, %dma_wait3A_82] : memref<10000x128xf32, #tpu.memory_space<vmem_shared>> -> memref<48x128xf32, #tpu.memory_space<vmem_shared>>
      %dma_wait3A_84 = arith.constant 0 : i32
      %dma_wait3A_85 = arith.constant 0 : i32
      %dma_wait3A_86 = tpu.memref_slice %arg10[%dma_wait3A_84, %dma_wait3A_85] : memref<80x128xf32, #tpu.memory_space<vmem>> -> memref<48x128xf32, #tpu.memory_space<vmem>>
      tpu.wait_dma2 semaphore(%run_scoped3A : memref<!tpu.dma_semaphore, #tpu.memory_space<semaphore_mem>>) src(%dma_wait3A_86 : memref<48x128xf32, #tpu.memory_space<vmem>>) dst(%dma_wait3A_83 : memref<48x128xf32, #tpu.memory_space<vmem_shared>>)
      tpu.yield
    }) : () -> ()
    %add3A_4 = arith.constant 96 : i32
    %add3A_5 = arith.addi %mul3A_0, %add3A_4 : i32
    "tpu.region"() ({
      %run_scoped3A = tpu.sem_alloc : memref<!tpu.dma_semaphore, #tpu.memory_space<semaphore_mem>>
      %dma_start3A = arith.constant 0 : i32
      %dma_start3A_69 = arith.constant 0 : i32
      %dma_start3A_70 = tpu.memref_slice %arg10[%dma_start3A, %dma_start3A_69] : memref<80x128xf32, #tpu.memory_space<vmem>> -> memref<48x128xf32, #tpu.memory_space<vmem>>
      %dma_start3A_71 = arith.constant 0 : i32
      %dma_start3A_72 = tpu.memref_slice %arg7[%add3A_5, %dma_start3A_71] : memref<10000x128xf32, #tpu.memory_space<vmem_shared>> -> memref<48x128xf32, #tpu.memory_space<vmem_shared>>
      %dma_start3A_73 = arith.constant 0 : i32
      %dma_start3A_74 = tpu.memref_slice %arg7[%add3A_5, %dma_start3A_73] : memref<10000x128xf32, #tpu.memory_space<vmem_shared>> -> memref<48x128xf32, #tpu.memory_space<vmem_shared>>
      %dma_start3A_75 = arith.constant 0 : i32
      %dma_start3A_76 = arith.constant 0 : i32
      %dma_start3A_77 = tpu.memref_slice %arg10[%dma_start3A_75, %dma_start3A_76] : memref<80x128xf32, #tpu.memory_space<vmem>> -> memref<48x128xf32, #tpu.memory_space<vmem>>
      tpu.enqueue_dma source(%dma_start3A_77 : memref<48x128xf32, #tpu.memory_space<vmem>>) target(%dma_start3A_74 : memref<48x128xf32, #tpu.memory_space<vmem_shared>>) target_semaphore(%run_scoped3A : memref<!tpu.dma_semaphore, #tpu.memory_space<semaphore_mem>>)
      %dma_wait3A = arith.constant 0 : i32
      %dma_wait3A_78 = arith.constant 0 : i32
      %dma_wait3A_79 = tpu.memref_slice %arg10[%dma_wait3A, %dma_wait3A_78] : memref<80x128xf32, #tpu.memory_space<vmem>> -> memref<48x128xf32, #tpu.memory_space<vmem>>
      %dma_wait3A_80 = arith.constant 0 : i32
      %dma_wait3A_81 = tpu.memref_slice %arg7[%add3A_5, %dma_wait3A_80] : memref<10000x128xf32, #tpu.memory_space<vmem_shared>> -> memref<48x128xf32, #tpu.memory_space<vmem_shared>>
      %dma_wait3A_82 = arith.constant 0 : i32
      %dma_wait3A_83 = tpu.memref_slice %arg7[%add3A_5, %dma_wait3A_82] : memref<10000x128xf32, #tpu.memory_space<vmem_shared>> -> memref<48x128xf32, #tpu.memory_space<vmem_shared>>
      %dma_wait3A_84 = arith.constant 0 : i32
      %dma_wait3A_85 = arith.constant 0 : i32
      %dma_wait3A_86 = tpu.memref_slice %arg10[%dma_wait3A_84, %dma_wait3A_85] : memref<80x128xf32, #tpu.memory_space<vmem>> -> memref<48x128xf32, #tpu.memory_space<vmem>>
      tpu.wait_dma2 semaphore(%run_scoped3A : memref<!tpu.dma_semaphore, #tpu.memory_space<semaphore_mem>>) src(%dma_wait3A_86 : memref<48x128xf32, #tpu.memory_space<vmem>>) dst(%dma_wait3A_83 : memref<48x128xf32, #tpu.memory_space<vmem_shared>>)
      tpu.yield
    }) : () -> ()
    %add3A_6 = arith.constant 144 : i32
    %add3A_7 = arith.addi %mul3A_0, %add3A_6 : i32
    "tpu.region"() ({
      %run_scoped3A = tpu.sem_alloc : memref<!tpu.dma_semaphore, #tpu.memory_space<semaphore_mem>>
      %dma_start3A = arith.constant 0 : i32
      %dma_start3A_69 = arith.constant 0 : i32
      %dma_start3A_70 = tpu.memref_slice %arg10[%dma_start3A, %dma_start3A_69] : memref<80x128xf32, #tpu.memory_space<vmem>> -> memref<48x128xf32, #tpu.memory_space<vmem>>
      %dma_start3A_71 = arith.constant 0 : i32
      %dma_start3A_72 = tpu.memref_slice %arg7[%add3A_7, %dma_start3A_71] : memref<10000x128xf32, #tpu.memory_space<vmem_shared>> -> memref<48x128xf32, #tpu.memory_space<vmem_shared>>
      %dma_start3A_73 = arith.constant 0 : i32
      %dma_start3A_74 = tpu.memref_slice %arg7[%add3A_7, %dma_start3A_73] : memref<10000x128xf32, #tpu.memory_space<vmem_shared>> -> memref<48x128xf32, #tpu.memory_space<vmem_shared>>
      %dma_start3A_75 = arith.constant 0 : i32
      %dma_start3A_76 = arith.constant 0 : i32
      %dma_start3A_77 = tpu.memref_slice %arg10[%dma_start3A_75, %dma_start3A_76] : memref<80x128xf32, #tpu.memory_space<vmem>> -> memref<48x128xf32, #tpu.memory_space<vmem>>
      tpu.enqueue_dma source(%dma_start3A_77 : memref<48x128xf32, #tpu.memory_space<vmem>>) target(%dma_start3A_74 : memref<48x128xf32, #tpu.memory_space<vmem_shared>>) target_semaphore(%run_scoped3A : memref<!tpu.dma_semaphore, #tpu.memory_space<semaphore_mem>>)
      %dma_wait3A = arith.constant 0 : i32
      %dma_wait3A_78 = arith.constant 0 : i32
      %dma_wait3A_79 = tpu.memref_slice %arg10[%dma_wait3A, %dma_wait3A_78] : memref<80x128xf32, #tpu.memory_space<vmem>> -> memref<48x128xf32, #tpu.memory_space<vmem>>
      %dma_wait3A_80 = arith.constant 0 : i32
      %dma_wait3A_81 = tpu.memref_slice %arg7[%add3A_7, %dma_wait3A_80] : memref<10000x128xf32, #tpu.memory_space<vmem_shared>> -> memref<48x128xf32, #tpu.memory_space<vmem_shared>>
      %dma_wait3A_82 = arith.constant 0 : i32
      %dma_wait3A_83 = tpu.memref_slice %arg7[%add3A_7, %dma_wait3A_82] : memref<10000x128xf32, #tpu.memory_space<vmem_shared>> -> memref<48x128xf32, #tpu.memory_space<vmem_shared>>
      %dma_wait3A_84 = arith.constant 0 : i32
      %dma_wait3A_85 = arith.constant 0 : i32
      %dma_wait3A_86 = tpu.memref_slice %arg10[%dma_wait3A_84, %dma_wait3A_85] : memref<80x128xf32, #tpu.memory_space<vmem>> -> memref<48x128xf32, #tpu.memory_space<vmem>>
      tpu.wait_dma2 semaphore(%run_scoped3A : memref<!tpu.dma_semaphore, #tpu.memory_space<semaphore_mem>>) src(%dma_wait3A_86 : memref<48x128xf32, #tpu.memory_space<vmem>>) dst(%dma_wait3A_83 : memref<48x128xf32, #tpu.memory_space<vmem_shared>>)
      tpu.yield
    }) : () -> ()
    %add3A_8 = arith.constant 192 : i32
    %add3A_9 = arith.addi %mul3A_0, %add3A_8 : i32
    "tpu.region"() ({
      %run_scoped3A = tpu.sem_alloc : memref<!tpu.dma_semaphore, #tpu.memory_space<semaphore_mem>>
      %dma_start3A = arith.constant 0 : i32
      %dma_start3A_69 = arith.constant 0 : i32
      %dma_start3A_70 = tpu.memref_slice %arg10[%dma_start3A, %dma_start3A_69] : memref<80x128xf32, #tpu.memory_space<vmem>> -> memref<48x128xf32, #tpu.memory_space<vmem>>
      %dma_start3A_71 = arith.constant 0 : i32
      %dma_start3A_72 = tpu.memref_slice %arg7[%add3A_9, %dma_start3A_71] : memref<10000x128xf32, #tpu.memory_space<vmem_shared>> -> memref<48x128xf32, #tpu.memory_space<vmem_shared>>
      %dma_start3A_73 = arith.constant 0 : i32
      %dma_start3A_74 = tpu.memref_slice %arg7[%add3A_9, %dma_start3A_73] : memref<10000x128xf32, #tpu.memory_space<vmem_shared>> -> memref<48x128xf32, #tpu.memory_space<vmem_shared>>
      %dma_start3A_75 = arith.constant 0 : i32
      %dma_start3A_76 = arith.constant 0 : i32
      %dma_start3A_77 = tpu.memref_slice %arg10[%dma_start3A_75, %dma_start3A_76] : memref<80x128xf32, #tpu.memory_space<vmem>> -> memref<48x128xf32, #tpu.memory_space<vmem>>
      tpu.enqueue_dma source(%dma_start3A_77 : memref<48x128xf32, #tpu.memory_space<vmem>>) target(%dma_start3A_74 : memref<48x128xf32, #tpu.memory_space<vmem_shared>>) target_semaphore(%run_scoped3A : memref<!tpu.dma_semaphore, #tpu.memory_space<semaphore_mem>>)
      %dma_wait3A = arith.constant 0 : i32
      %dma_wait3A_78 = arith.constant 0 : i32
      %dma_wait3A_79 = tpu.memref_slice %arg10[%dma_wait3A, %dma_wait3A_78] : memref<80x128xf32, #tpu.memory_space<vmem>> -> memref<48x128xf32, #tpu.memory_space<vmem>>
      %dma_wait3A_80 = arith.constant 0 : i32
      %dma_wait3A_81 = tpu.memref_slice %arg7[%add3A_9, %dma_wait3A_80] : memref<10000x128xf32, #tpu.memory_space<vmem_shared>> -> memref<48x128xf32, #tpu.memory_space<vmem_shared>>
      %dma_wait3A_82 = arith.constant 0 : i32
      %dma_wait3A_83 = tpu.memref_slice %arg7[%add3A_9, %dma_wait3A_82] : memref<10000x128xf32, #tpu.memory_space<vmem_shared>> -> memref<48x128xf32, #tpu.memory_space<vmem_shared>>
      %dma_wait3A_84 = arith.constant 0 : i32
      %dma_wait3A_85 = arith.constant 0 : i32
      %dma_wait3A_86 = tpu.memref_slice %arg10[%dma_wait3A_84, %dma_wait3A_85] : memref<80x128xf32, #tpu.memory_space<vmem>> -> memref<48x128xf32, #tpu.memory_space<vmem>>
      tpu.wait_dma2 semaphore(%run_scoped3A : memref<!tpu.dma_semaphore, #tpu.memory_space<semaphore_mem>>) src(%dma_wait3A_86 : memref<48x128xf32, #tpu.memory_space<vmem>>) dst(%dma_wait3A_83 : memref<48x128xf32, #tpu.memory_space<vmem_shared>>)
      tpu.yield
    }) : () -> ()
    %add3A_10 = arith.constant 240 : i32
    %add3A_11 = arith.addi %mul3A_0, %add3A_10 : i32
    "tpu.region"() ({
      %run_scoped3A = tpu.sem_alloc : memref<!tpu.dma_semaphore, #tpu.memory_space<semaphore_mem>>
      %dma_start3A = arith.constant 0 : i32
      %dma_start3A_69 = arith.constant 0 : i32
      %dma_start3A_70 = tpu.memref_slice %arg10[%dma_start3A, %dma_start3A_69] : memref<80x128xf32, #tpu.memory_space<vmem>> -> memref<48x128xf32, #tpu.memory_space<vmem>>
      %dma_start3A_71 = arith.constant 0 : i32
      %dma_start3A_72 = tpu.memref_slice %arg7[%add3A_11, %dma_start3A_71] : memref<10000x128xf32, #tpu.memory_space<vmem_shared>> -> memref<48x128xf32, #tpu.memory_space<vmem_shared>>
      %dma_start3A_73 = arith.constant 0 : i32
      %dma_start3A_74 = tpu.memref_slice %arg7[%add3A_11, %dma_start3A_73] : memref<10000x128xf32, #tpu.memory_space<vmem_shared>> -> memref<48x128xf32, #tpu.memory_space<vmem_shared>>
      %dma_start3A_75 = arith.constant 0 : i32
      %dma_start3A_76 = arith.constant 0 : i32
      %dma_start3A_77 = tpu.memref_slice %arg10[%dma_start3A_75, %dma_start3A_76] : memref<80x128xf32, #tpu.memory_space<vmem>> -> memref<48x128xf32, #tpu.memory_space<vmem>>
      tpu.enqueue_dma source(%dma_start3A_77 : memref<48x128xf32, #tpu.memory_space<vmem>>) target(%dma_start3A_74 : memref<48x128xf32, #tpu.memory_space<vmem_shared>>) target_semaphore(%run_scoped3A : memref<!tpu.dma_semaphore, #tpu.memory_space<semaphore_mem>>)
      %dma_wait3A = arith.constant 0 : i32
      %dma_wait3A_78 = arith.constant 0 : i32
      %dma_wait3A_79 = tpu.memref_slice %arg10[%dma_wait3A, %dma_wait3A_78] : memref<80x128xf32, #tpu.memory_space<vmem>> -> memref<48x128xf32, #tpu.memory_space<vmem>>
      %dma_wait3A_80 = arith.constant 0 : i32
      %dma_wait3A_81 = tpu.memref_slice %arg7[%add3A_11, %dma_wait3A_80] : memref<10000x128xf32, #tpu.memory_space<vmem_shared>> -> memref<48x128xf32, #tpu.memory_space<vmem_shared>>
      %dma_wait3A_82 = arith.constant 0 : i32
      %dma_wait3A_83 = tpu.memref_slice %arg7[%add3A_11, %dma_wait3A_82] : memref<10000x128xf32, #tpu.memory_space<vmem_shared>> -> memref<48x128xf32, #tpu.memory_space<vmem_shared>>
      %dma_wait3A_84 = arith.constant 0 : i32
      %dma_wait3A_85 = arith.constant 0 : i32
      %dma_wait3A_86 = tpu.memref_slice %arg10[%dma_wait3A_84, %dma_wait3A_85] : memref<80x128xf32, #tpu.memory_space<vmem>> -> memref<48x128xf32, #tpu.memory_space<vmem>>
      tpu.wait_dma2 semaphore(%run_scoped3A : memref<!tpu.dma_semaphore, #tpu.memory_space<semaphore_mem>>) src(%dma_wait3A_86 : memref<48x128xf32, #tpu.memory_space<vmem>>) dst(%dma_wait3A_83 : memref<48x128xf32, #tpu.memory_space<vmem_shared>>)
      tpu.yield
    }) : () -> ()
    %add3A_12 = arith.constant 288 : i32
    %add3A_13 = arith.addi %mul3A_0, %add3A_12 : i32
    "tpu.region"() ({
      %run_scoped3A = tpu.sem_alloc : memref<!tpu.dma_semaphore, #tpu.memory_space<semaphore_mem>>
      %dma_start3A = arith.constant 0 : i32
      %dma_start3A_69 = arith.constant 0 : i32
      %dma_start3A_70 = tpu.memref_slice %arg10[%dma_start3A, %dma_start3A_69] : memref<80x128xf32, #tpu.memory_space<vmem>> -> memref<48x128xf32, #tpu.memory_space<vmem>>
      %dma_start3A_71 = arith.constant 0 : i32
      %dma_start3A_72 = tpu.memref_slice %arg7[%add3A_13, %dma_start3A_71] : memref<10000x128xf32, #tpu.memory_space<vmem_shared>> -> memref<48x128xf32, #tpu.memory_space<vmem_shared>>
      %dma_start3A_73 = arith.constant 0 : i32
      %dma_start3A_74 = tpu.memref_slice %arg7[%add3A_13, %dma_start3A_73] : memref<10000x128xf32, #tpu.memory_space<vmem_shared>> -> memref<48x128xf32, #tpu.memory_space<vmem_shared>>
      %dma_start3A_75 = arith.constant 0 : i32
      %dma_start3A_76 = arith.constant 0 : i32
      %dma_start3A_77 = tpu.memref_slice %arg10[%dma_start3A_75, %dma_start3A_76] : memref<80x128xf32, #tpu.memory_space<vmem>> -> memref<48x128xf32, #tpu.memory_space<vmem>>
      tpu.enqueue_dma source(%dma_start3A_77 : memref<48x128xf32, #tpu.memory_space<vmem>>) target(%dma_start3A_74 : memref<48x128xf32, #tpu.memory_space<vmem_shared>>) target_semaphore(%run_scoped3A : memref<!tpu.dma_semaphore, #tpu.memory_space<semaphore_mem>>)
      %dma_wait3A = arith.constant 0 : i32
      %dma_wait3A_78 = arith.constant 0 : i32
      %dma_wait3A_79 = tpu.memref_slice %arg10[%dma_wait3A, %dma_wait3A_78] : memref<80x128xf32, #tpu.memory_space<vmem>> -> memref<48x128xf32, #tpu.memory_space<vmem>>
      %dma_wait3A_80 = arith.constant 0 : i32
      %dma_wait3A_81 = tpu.memref_slice %arg7[%add3A_13, %dma_wait3A_80] : memref<10000x128xf32, #tpu.memory_space<vmem_shared>> -> memref<48x128xf32, #tpu.memory_space<vmem_shared>>
      %dma_wait3A_82 = arith.constant 0 : i32
      %dma_wait3A_83 = tpu.memref_slice %arg7[%add3A_13, %dma_wait3A_82] : memref<10000x128xf32, #tpu.memory_space<vmem_shared>> -> memref<48x128xf32, #tpu.memory_space<vmem_shared>>
      %dma_wait3A_84 = arith.constant 0 : i32
      %dma_wait3A_85 = arith.constant 0 : i32
      %dma_wait3A_86 = tpu.memref_slice %arg10[%dma_wait3A_84, %dma_wait3A_85] : memref<80x128xf32, #tpu.memory_space<vmem>> -> memref<48x128xf32, #tpu.memory_space<vmem>>
      tpu.wait_dma2 semaphore(%run_scoped3A : memref<!tpu.dma_semaphore, #tpu.memory_space<semaphore_mem>>) src(%dma_wait3A_86 : memref<48x128xf32, #tpu.memory_space<vmem>>) dst(%dma_wait3A_83 : memref<48x128xf32, #tpu.memory_space<vmem_shared>>)
      tpu.yield
    }) : () -> ()
    %add3A_14 = arith.constant 336 : i32
    %add3A_15 = arith.addi %mul3A_0, %add3A_14 : i32
    "tpu.region"() ({
      %run_scoped3A = tpu.sem_alloc : memref<!tpu.dma_semaphore, #tpu.memory_space<semaphore_mem>>
      %dma_start3A = arith.constant 0 : i32
      %dma_start3A_69 = arith.constant 0 : i32
      %dma_start3A_70 = tpu.memref_slice %arg10[%dma_start3A, %dma_start3A_69] : memref<80x128xf32, #tpu.memory_space<vmem>> -> memref<48x128xf32, #tpu.memory_space<vmem>>
      %dma_start3A_71 = arith.constant 0 : i32
      %dma_start3A_72 = tpu.memref_slice %arg7[%add3A_15, %dma_start3A_71] : memref<10000x128xf32, #tpu.memory_space<vmem_shared>> -> memref<48x128xf32, #tpu.memory_space<vmem_shared>>
      %dma_start3A_73 = arith.constant 0 : i32
      %dma_start3A_74 = tpu.memref_slice %arg7[%add3A_15, %dma_start3A_73] : memref<10000x128xf32, #tpu.memory_space<vmem_shared>> -> memref<48x128xf32, #tpu.memory_space<vmem_shared>>
      %dma_start3A_75 = arith.constant 0 : i32
      %dma_start3A_76 = arith.constant 0 : i32
      %dma_start3A_77 = tpu.memref_slice %arg10[%dma_start3A_75, %dma_start3A_76] : memref<80x128xf32, #tpu.memory_space<vmem>> -> memref<48x128xf32, #tpu.memory_space<vmem>>
      tpu.enqueue_dma source(%dma_start3A_77 : memref<48x128xf32, #tpu.memory_space<vmem>>) target(%dma_start3A_74 : memref<48x128xf32, #tpu.memory_space<vmem_shared>>) target_semaphore(%run_scoped3A : memref<!tpu.dma_semaphore, #tpu.memory_space<semaphore_mem>>)
      %dma_wait3A = arith.constant 0 : i32
      %dma_wait3A_78 = arith.constant 0 : i32
      %dma_wait3A_79 = tpu.memref_slice %arg10[%dma_wait3A, %dma_wait3A_78] : memref<80x128xf32, #tpu.memory_space<vmem>> -> memref<48x128xf32, #tpu.memory_space<vmem>>
      %dma_wait3A_80 = arith.constant 0 : i32
      %dma_wait3A_81 = tpu.memref_slice %arg7[%add3A_15, %dma_wait3A_80] : memref<10000x128xf32, #tpu.memory_space<vmem_shared>> -> memref<48x128xf32, #tpu.memory_space<vmem_shared>>
      %dma_wait3A_82 = arith.constant 0 : i32
      %dma_wait3A_83 = tpu.memref_slice %arg7[%add3A_15, %dma_wait3A_82] : memref<10000x128xf32, #tpu.memory_space<vmem_shared>> -> memref<48x128xf32, #tpu.memory_space<vmem_shared>>
      %dma_wait3A_84 = arith.constant 0 : i32
      %dma_wait3A_85 = arith.constant 0 : i32
      %dma_wait3A_86 = tpu.memref_slice %arg10[%dma_wait3A_84, %dma_wait3A_85] : memref<80x128xf32, #tpu.memory_space<vmem>> -> memref<48x128xf32, #tpu.memory_space<vmem>>
      tpu.wait_dma2 semaphore(%run_scoped3A : memref<!tpu.dma_semaphore, #tpu.memory_space<semaphore_mem>>) src(%dma_wait3A_86 : memref<48x128xf32, #tpu.memory_space<vmem>>) dst(%dma_wait3A_83 : memref<48x128xf32, #tpu.memory_space<vmem_shared>>)
      tpu.yield
    }) : () -> ()
    %add3A_16 = arith.constant 384 : i32
    %add3A_17 = arith.addi %mul3A_0, %add3A_16 : i32
    "tpu.region"() ({
      %run_scoped3A = tpu.sem_alloc : memref<!tpu.dma_semaphore, #tpu.memory_space<semaphore_mem>>
      %dma_start3A = arith.constant 0 : i32
      %dma_start3A_69 = arith.constant 0 : i32
      %dma_start3A_70 = tpu.memref_slice %arg10[%dma_start3A, %dma_start3A_69] : memref<80x128xf32, #tpu.memory_space<vmem>> -> memref<48x128xf32, #tpu.memory_space<vmem>>
      %dma_start3A_71 = arith.constant 0 : i32
      %dma_start3A_72 = tpu.memref_slice %arg7[%add3A_17, %dma_start3A_71] : memref<10000x128xf32, #tpu.memory_space<vmem_shared>> -> memref<48x128xf32, #tpu.memory_space<vmem_shared>>
      %dma_start3A_73 = arith.constant 0 : i32
      %dma_start3A_74 = tpu.memref_slice %arg7[%add3A_17, %dma_start3A_73] : memref<10000x128xf32, #tpu.memory_space<vmem_shared>> -> memref<48x128xf32, #tpu.memory_space<vmem_shared>>
      %dma_start3A_75 = arith.constant 0 : i32
      %dma_start3A_76 = arith.constant 0 : i32
      %dma_start3A_77 = tpu.memref_slice %arg10[%dma_start3A_75, %dma_start3A_76] : memref<80x128xf32, #tpu.memory_space<vmem>> -> memref<48x128xf32, #tpu.memory_space<vmem>>
      tpu.enqueue_dma source(%dma_start3A_77 : memref<48x128xf32, #tpu.memory_space<vmem>>) target(%dma_start3A_74 : memref<48x128xf32, #tpu.memory_space<vmem_shared>>) target_semaphore(%run_scoped3A : memref<!tpu.dma_semaphore, #tpu.memory_space<semaphore_mem>>)
      %dma_wait3A = arith.constant 0 : i32
      %dma_wait3A_78 = arith.constant 0 : i32
      %dma_wait3A_79 = tpu.memref_slice %arg10[%dma_wait3A, %dma_wait3A_78] : memref<80x128xf32, #tpu.memory_space<vmem>> -> memref<48x128xf32, #tpu.memory_space<vmem>>
      %dma_wait3A_80 = arith.constant 0 : i32
      %dma_wait3A_81 = tpu.memref_slice %arg7[%add3A_17, %dma_wait3A_80] : memref<10000x128xf32, #tpu.memory_space<vmem_shared>> -> memref<48x128xf32, #tpu.memory_space<vmem_shared>>
      %dma_wait3A_82 = arith.constant 0 : i32
      %dma_wait3A_83 = tpu.memref_slice %arg7[%add3A_17, %dma_wait3A_82] : memref<10000x128xf32, #tpu.memory_space<vmem_shared>> -> memref<48x128xf32, #tpu.memory_space<vmem_shared>>
      %dma_wait3A_84 = arith.constant 0 : i32
      %dma_wait3A_85 = arith.constant 0 : i32
      %dma_wait3A_86 = tpu.memref_slice %arg10[%dma_wait3A_84, %dma_wait3A_85] : memref<80x128xf32, #tpu.memory_space<vmem>> -> memref<48x128xf32, #tpu.memory_space<vmem>>
      tpu.wait_dma2 semaphore(%run_scoped3A : memref<!tpu.dma_semaphore, #tpu.memory_space<semaphore_mem>>) src(%dma_wait3A_86 : memref<48x128xf32, #tpu.memory_space<vmem>>) dst(%dma_wait3A_83 : memref<48x128xf32, #tpu.memory_space<vmem_shared>>)
      tpu.yield
    }) : () -> ()
    %add3A_18 = arith.constant 432 : i32
    %add3A_19 = arith.addi %mul3A_0, %add3A_18 : i32
    "tpu.region"() ({
      %run_scoped3A = tpu.sem_alloc : memref<!tpu.dma_semaphore, #tpu.memory_space<semaphore_mem>>
      %dma_start3A = arith.constant 0 : i32
      %dma_start3A_69 = arith.constant 0 : i32
      %dma_start3A_70 = tpu.memref_slice %arg10[%dma_start3A, %dma_start3A_69] : memref<80x128xf32, #tpu.memory_space<vmem>> -> memref<48x128xf32, #tpu.memory_space<vmem>>
      %dma_start3A_71 = arith.constant 0 : i32
      %dma_start3A_72 = tpu.memref_slice %arg7[%add3A_19, %dma_start3A_71] : memref<10000x128xf32, #tpu.memory_space<vmem_shared>> -> memref<48x128xf32, #tpu.memory_space<vmem_shared>>
      %dma_start3A_73 = arith.constant 0 : i32
      %dma_start3A_74 = tpu.memref_slice %arg7[%add3A_19, %dma_start3A_73] : memref<10000x128xf32, #tpu.memory_space<vmem_shared>> -> memref<48x128xf32, #tpu.memory_space<vmem_shared>>
      %dma_start3A_75 = arith.constant 0 : i32
      %dma_start3A_76 = arith.constant 0 : i32
      %dma_start3A_77 = tpu.memref_slice %arg10[%dma_start3A_75, %dma_start3A_76] : memref<80x128xf32, #tpu.memory_space<vmem>> -> memref<48x128xf32, #tpu.memory_space<vmem>>
      tpu.enqueue_dma source(%dma_start3A_77 : memref<48x128xf32, #tpu.memory_space<vmem>>) target(%dma_start3A_74 : memref<48x128xf32, #tpu.memory_space<vmem_shared>>) target_semaphore(%run_scoped3A : memref<!tpu.dma_semaphore, #tpu.memory_space<semaphore_mem>>)
      %dma_wait3A = arith.constant 0 : i32
      %dma_wait3A_78 = arith.constant 0 : i32
      %dma_wait3A_79 = tpu.memref_slice %arg10[%dma_wait3A, %dma_wait3A_78] : memref<80x128xf32, #tpu.memory_space<vmem>> -> memref<48x128xf32, #tpu.memory_space<vmem>>
      %dma_wait3A_80 = arith.constant 0 : i32
      %dma_wait3A_81 = tpu.memref_slice %arg7[%add3A_19, %dma_wait3A_80] : memref<10000x128xf32, #tpu.memory_space<vmem_shared>> -> memref<48x128xf32, #tpu.memory_space<vmem_shared>>
      %dma_wait3A_82 = arith.constant 0 : i32
      %dma_wait3A_83 = tpu.memref_slice %arg7[%add3A_19, %dma_wait3A_82] : memref<10000x128xf32, #tpu.memory_space<vmem_shared>> -> memref<48x128xf32, #tpu.memory_space<vmem_shared>>
      %dma_wait3A_84 = arith.constant 0 : i32
      %dma_wait3A_85 = arith.constant 0 : i32
      %dma_wait3A_86 = tpu.memref_slice %arg10[%dma_wait3A_84, %dma_wait3A_85] : memref<80x128xf32, #tpu.memory_space<vmem>> -> memref<48x128xf32, #tpu.memory_space<vmem>>
      tpu.wait_dma2 semaphore(%run_scoped3A : memref<!tpu.dma_semaphore, #tpu.memory_space<semaphore_mem>>) src(%dma_wait3A_86 : memref<48x128xf32, #tpu.memory_space<vmem>>) dst(%dma_wait3A_83 : memref<48x128xf32, #tpu.memory_space<vmem_shared>>)
      tpu.yield
    }) : () -> ()
    %add3A_20 = arith.constant 480 : i32
    %add3A_21 = arith.addi %mul3A_0, %add3A_20 : i32
    "tpu.region"() ({
      %run_scoped3A = tpu.sem_alloc : memref<!tpu.dma_semaphore, #tpu.memory_space<semaphore_mem>>
      %dma_start3A = arith.constant 0 : i32
      %dma_start3A_69 = arith.constant 0 : i32
      %dma_start3A_70 = tpu.memref_slice %arg10[%dma_start3A, %dma_start3A_69] : memref<80x128xf32, #tpu.memory_space<vmem>> -> memref<48x128xf32, #tpu.memory_space<vmem>>
      %dma_start3A_71 = arith.constant 0 : i32
      %dma_start3A_72 = tpu.memref_slice %arg7[%add3A_21, %dma_start3A_71] : memref<10000x128xf32, #tpu.memory_space<vmem_shared>> -> memref<48x128xf32, #tpu.memory_space<vmem_shared>>
      %dma_start3A_73 = arith.constant 0 : i32
      %dma_start3A_74 = tpu.memref_slice %arg7[%add3A_21, %dma_start3A_73] : memref<10000x128xf32, #tpu.memory_space<vmem_shared>> -> memref<48x128xf32, #tpu.memory_space<vmem_shared>>
      %dma_start3A_75 = arith.constant 0 : i32
      %dma_start3A_76 = arith.constant 0 : i32
      %dma_start3A_77 = tpu.memref_slice %arg10[%dma_start3A_75, %dma_start3A_76] : memref<80x128xf32, #tpu.memory_space<vmem>> -> memref<48x128xf32, #tpu.memory_space<vmem>>
      tpu.enqueue_dma source(%dma_start3A_77 : memref<48x128xf32, #tpu.memory_space<vmem>>) target(%dma_start3A_74 : memref<48x128xf32, #tpu.memory_space<vmem_shared>>) target_semaphore(%run_scoped3A : memref<!tpu.dma_semaphore, #tpu.memory_space<semaphore_mem>>)
      %dma_wait3A = arith.constant 0 : i32
      %dma_wait3A_78 = arith.constant 0 : i32
      %dma_wait3A_79 = tpu.memref_slice %arg10[%dma_wait3A, %dma_wait3A_78] : memref<80x128xf32, #tpu.memory_space<vmem>> -> memref<48x128xf32, #tpu.memory_space<vmem>>
      %dma_wait3A_80 = arith.constant 0 : i32
      %dma_wait3A_81 = tpu.memref_slice %arg7[%add3A_21, %dma_wait3A_80] : memref<10000x128xf32, #tpu.memory_space<vmem_shared>> -> memref<48x128xf32, #tpu.memory_space<vmem_shared>>
      %dma_wait3A_82 = arith.constant 0 : i32
      %dma_wait3A_83 = tpu.memref_slice %arg7[%add3A_21, %dma_wait3A_82] : memref<10000x128xf32, #tpu.memory_space<vmem_shared>> -> memref<48x128xf32, #tpu.memory_space<vmem_shared>>
      %dma_wait3A_84 = arith.constant 0 : i32
      %dma_wait3A_85 = arith.constant 0 : i32
      %dma_wait3A_86 = tpu.memref_slice %arg10[%dma_wait3A_84, %dma_wait3A_85] : memref<80x128xf32, #tpu.memory_space<vmem>> -> memref<48x128xf32, #tpu.memory_space<vmem>>
      tpu.wait_dma2 semaphore(%run_scoped3A : memref<!tpu.dma_semaphore, #tpu.memory_space<semaphore_mem>>) src(%dma_wait3A_86 : memref<48x128xf32, #tpu.memory_space<vmem>>) dst(%dma_wait3A_83 : memref<48x128xf32, #tpu.memory_space<vmem_shared>>)
      tpu.yield
    }) : () -> ()
    %add3A_22 = arith.constant 528 : i32
    %add3A_23 = arith.addi %mul3A_0, %add3A_22 : i32
    "tpu.region"() ({
      %run_scoped3A = tpu.sem_alloc : memref<!tpu.dma_semaphore, #tpu.memory_space<semaphore_mem>>
      %dma_start3A = arith.constant 0 : i32
      %dma_start3A_69 = arith.constant 0 : i32
      %dma_start3A_70 = tpu.memref_slice %arg10[%dma_start3A, %dma_start3A_69] : memref<80x128xf32, #tpu.memory_space<vmem>> -> memref<48x128xf32, #tpu.memory_space<vmem>>
      %dma_start3A_71 = arith.constant 0 : i32
      %dma_start3A_72 = tpu.memref_slice %arg7[%add3A_23, %dma_start3A_71] : memref<10000x128xf32, #tpu.memory_space<vmem_shared>> -> memref<48x128xf32, #tpu.memory_space<vmem_shared>>
      %dma_start3A_73 = arith.constant 0 : i32
      %dma_start3A_74 = tpu.memref_slice %arg7[%add3A_23, %dma_start3A_73] : memref<10000x128xf32, #tpu.memory_space<vmem_shared>> -> memref<48x128xf32, #tpu.memory_space<vmem_shared>>
      %dma_start3A_75 = arith.constant 0 : i32
      %dma_start3A_76 = arith.constant 0 : i32
      %dma_start3A_77 = tpu.memref_slice %arg10[%dma_start3A_75, %dma_start3A_76] : memref<80x128xf32, #tpu.memory_space<vmem>> -> memref<48x128xf32, #tpu.memory_space<vmem>>
      tpu.enqueue_dma source(%dma_start3A_77 : memref<48x128xf32, #tpu.memory_space<vmem>>) target(%dma_start3A_74 : memref<48x128xf32, #tpu.memory_space<vmem_shared>>) target_semaphore(%run_scoped3A : memref<!tpu.dma_semaphore, #tpu.memory_space<semaphore_mem>>)
      %dma_wait3A = arith.constant 0 : i32
      %dma_wait3A_78 = arith.constant 0 : i32
      %dma_wait3A_79 = tpu.memref_slice %arg10[%dma_wait3A, %dma_wait3A_78] : memref<80x128xf32, #tpu.memory_space<vmem>> -> memref<48x128xf32, #tpu.memory_space<vmem>>
      %dma_wait3A_80 = arith.constant 0 : i32
      %dma_wait3A_81 = tpu.memref_slice %arg7[%add3A_23, %dma_wait3A_80] : memref<10000x128xf32, #tpu.memory_space<vmem_shared>> -> memref<48x128xf32, #tpu.memory_space<vmem_shared>>
      %dma_wait3A_82 = arith.constant 0 : i32
      %dma_wait3A_83 = tpu.memref_slice %arg7[%add3A_23, %dma_wait3A_82] : memref<10000x128xf32, #tpu.memory_space<vmem_shared>> -> memref<48x128xf32, #tpu.memory_space<vmem_shared>>
      %dma_wait3A_84 = arith.constant 0 : i32
      %dma_wait3A_85 = arith.constant 0 : i32
      %dma_wait3A_86 = tpu.memref_slice %arg10[%dma_wait3A_84, %dma_wait3A_85] : memref<80x128xf32, #tpu.memory_space<vmem>> -> memref<48x128xf32, #tpu.memory_space<vmem>>
      tpu.wait_dma2 semaphore(%run_scoped3A : memref<!tpu.dma_semaphore, #tpu.memory_space<semaphore_mem>>) src(%dma_wait3A_86 : memref<48x128xf32, #tpu.memory_space<vmem>>) dst(%dma_wait3A_83 : memref<48x128xf32, #tpu.memory_space<vmem_shared>>)
      tpu.yield
    }) : () -> ()
    %add3A_24 = arith.constant 576 : i32
    %add3A_25 = arith.addi %mul3A_0, %add3A_24 : i32
    "tpu.region"() ({
      %run_scoped3A = tpu.sem_alloc : memref<!tpu.dma_semaphore, #tpu.memory_space<semaphore_mem>>
      %dma_start3A = arith.constant 0 : i32
      %dma_start3A_69 = arith.constant 0 : i32
      %dma_start3A_70 = tpu.memref_slice %arg10[%dma_start3A, %dma_start3A_69] : memref<80x128xf32, #tpu.memory_space<vmem>> -> memref<48x128xf32, #tpu.memory_space<vmem>>
      %dma_start3A_71 = arith.constant 0 : i32
      %dma_start3A_72 = tpu.memref_slice %arg7[%add3A_25, %dma_start3A_71] : memref<10000x128xf32, #tpu.memory_space<vmem_shared>> -> memref<48x128xf32, #tpu.memory_space<vmem_shared>>
      %dma_start3A_73 = arith.constant 0 : i32
      %dma_start3A_74 = tpu.memref_slice %arg7[%add3A_25, %dma_start3A_73] : memref<10000x128xf32, #tpu.memory_space<vmem_shared>> -> memref<48x128xf32, #tpu.memory_space<vmem_shared>>
      %dma_start3A_75 = arith.constant 0 : i32
      %dma_start3A_76 = arith.constant 0 : i32
      %dma_start3A_77 = tpu.memref_slice %arg10[%dma_start3A_75, %dma_start3A_76] : memref<80x128xf32, #tpu.memory_space<vmem>> -> memref<48x128xf32, #tpu.memory_space<vmem>>
      tpu.enqueue_dma source(%dma_start3A_77 : memref<48x128xf32, #tpu.memory_space<vmem>>) target(%dma_start3A_74 : memref<48x128xf32, #tpu.memory_space<vmem_shared>>) target_semaphore(%run_scoped3A : memref<!tpu.dma_semaphore, #tpu.memory_space<semaphore_mem>>)
      %dma_wait3A = arith.constant 0 : i32
      %dma_wait3A_78 = arith.constant 0 : i32
      %dma_wait3A_79 = tpu.memref_slice %arg10[%dma_wait3A, %dma_wait3A_78] : memref<80x128xf32, #tpu.memory_space<vmem>> -> memref<48x128xf32, #tpu.memory_space<vmem>>
      %dma_wait3A_80 = arith.constant 0 : i32
      %dma_wait3A_81 = tpu.memref_slice %arg7[%add3A_25, %dma_wait3A_80] : memref<10000x128xf32, #tpu.memory_space<vmem_shared>> -> memref<48x128xf32, #tpu.memory_space<vmem_shared>>
      %dma_wait3A_82 = arith.constant 0 : i32
      %dma_wait3A_83 = tpu.memref_slice %arg7[%add3A_25, %dma_wait3A_82] : memref<10000x128xf32, #tpu.memory_space<vmem_shared>> -> memref<48x128xf32, #tpu.memory_space<vmem_shared>>
      %dma_wait3A_84 = arith.constant 0 : i32
      %dma_wait3A_85 = arith.constant 0 : i32
      %dma_wait3A_86 = tpu.memref_slice %arg10[%dma_wait3A_84, %dma_wait3A_85] : memref<80x128xf32, #tpu.memory_space<vmem>> -> memref<48x128xf32, #tpu.memory_space<vmem>>
      tpu.wait_dma2 semaphore(%run_scoped3A : memref<!tpu.dma_semaphore, #tpu.memory_space<semaphore_mem>>) src(%dma_wait3A_86 : memref<48x128xf32, #tpu.memory_space<vmem>>) dst(%dma_wait3A_83 : memref<48x128xf32, #tpu.memory_space<vmem_shared>>)
      tpu.yield
    }) : () -> ()
    %eq3A = arith.constant 15 : i32
    %eq3A_26 = arith.cmpi eq, %arg1, %eq3A : i32
    %convert_element_type3A = arith.extui %eq3A_26 : i1 to i32
    %cond3A = arith.constant 0 : i32
    %cond3A_27 = arith.cmpi ne, %convert_element_type3A, %cond3A : i32
    scf.if %cond3A_27 {
      "tpu.region"() ({
        %run_scoped3A = tpu.sem_alloc : memref<!tpu.dma_semaphore, #tpu.memory_space<semaphore_mem>>
        %dma_start3A = arith.constant 0 : i32
        %dma_start3A_69 = arith.constant 0 : i32
        %dma_start3A_70 = tpu.memref_slice %arg10[%dma_start3A, %dma_start3A_69] : memref<80x128xf32, #tpu.memory_space<vmem>> -> memref<16x128xf32, #tpu.memory_space<vmem>>
        %dma_start3A_71 = arith.constant 9984 : i32
        %dma_start3A_72 = arith.constant 0 : i32
        %dma_start3A_73 = tpu.memref_slice %arg7[%dma_start3A_71, %dma_start3A_72] : memref<10000x128xf32, #tpu.memory_space<vmem_shared>> -> memref<16x128xf32, #tpu.memory_space<vmem_shared>>
        %dma_start3A_74 = arith.constant 9984 : i32
        %dma_start3A_75 = arith.constant 0 : i32
        %dma_start3A_76 = tpu.memref_slice %arg7[%dma_start3A_74, %dma_start3A_75] : memref<10000x128xf32, #tpu.memory_space<vmem_shared>> -> memref<16x128xf32, #tpu.memory_space<vmem_shared>>
        %dma_start3A_77 = arith.constant 0 : i32
        %dma_start3A_78 = arith.constant 0 : i32
        %dma_start3A_79 = tpu.memref_slice %arg10[%dma_start3A_77, %dma_start3A_78] : memref<80x128xf32, #tpu.memory_space<vmem>> -> memref<16x128xf32, #tpu.memory_space<vmem>>
        tpu.enqueue_dma source(%dma_start3A_79 : memref<16x128xf32, #tpu.memory_space<vmem>>) target(%dma_start3A_76 : memref<16x128xf32, #tpu.memory_space<vmem_shared>>) target_semaphore(%run_scoped3A : memref<!tpu.dma_semaphore, #tpu.memory_space<semaphore_mem>>)
        %dma_wait3A = arith.constant 0 : i32
        %dma_wait3A_80 = arith.constant 0 : i32
        %dma_wait3A_81 = tpu.memref_slice %arg10[%dma_wait3A, %dma_wait3A_80] : memref<80x128xf32, #tpu.memory_space<vmem>> -> memref<16x128xf32, #tpu.memory_space<vmem>>
        %dma_wait3A_82 = arith.constant 9984 : i32
        %dma_wait3A_83 = arith.constant 0 : i32
        %dma_wait3A_84 = tpu.memref_slice %arg7[%dma_wait3A_82, %dma_wait3A_83] : memref<10000x128xf32, #tpu.memory_space<vmem_shared>> -> memref<16x128xf32, #tpu.memory_space<vmem_shared>>
        %dma_wait3A_85 = arith.constant 9984 : i32
        %dma_wait3A_86 = arith.constant 0 : i32
        %dma_wait3A_87 = tpu.memref_slice %arg7[%dma_wait3A_85, %dma_wait3A_86] : memref<10000x128xf32, #tpu.memory_space<vmem_shared>> -> memref<16x128xf32, #tpu.memory_space<vmem_shared>>
        %dma_wait3A_88 = arith.constant 0 : i32
        %dma_wait3A_89 = arith.constant 0 : i32
        %dma_wait3A_90 = tpu.memref_slice %arg10[%dma_wait3A_88, %dma_wait3A_89] : memref<80x128xf32, #tpu.memory_space<vmem>> -> memref<16x128xf32, #tpu.memory_space<vmem>>
        tpu.wait_dma2 semaphore(%run_scoped3A : memref<!tpu.dma_semaphore, #tpu.memory_space<semaphore_mem>>) src(%dma_wait3A_90 : memref<16x128xf32, #tpu.memory_space<vmem>>) dst(%dma_wait3A_87 : memref<16x128xf32, #tpu.memory_space<vmem_shared>>)
        tpu.yield
      }) : () -> ()
    } else {
    }
    %barrier3A = arith.constant 0 : index
    tpu.barrier barrier_id(%barrier3A)
    %mul3A_28 = arith.constant 16 : i32
    %mul3A_29 = arith.muli %arg0, %mul3A_28 : i32
    %add3A_30 = arith.addi %mul3A_29, %arg1 : i32
    %mul3A_31 = arith.constant 10000 : i32
    %mul3A_32 = arith.muli %add3A_30, %mul3A_31 : i32
    %scan3A = arith.constant 0 : i32
    %scan3A_33 = arith.constant 125 : i32
    %scan3A_34 = arith.addi %scan3A, %scan3A_33 : i32
    %scan3A_35 = arith.constant 1 : i32
    scf.for %scan3A_69 = %scan3A to %scan3A_34 step %scan3A_35  : i32 {
      %mul3A_70 = arith.constant 1 : i32
      %mul3A_71 = arith.muli %scan3A_69, %mul3A_70 : i32
      %add3A_72 = arith.constant 0 : i32
      %add3A_73 = arith.addi %add3A_72, %mul3A_71 : i32
      %mul3A_74 = arith.constant 80 : i32
      %mul3A_75 = arith.muli %add3A_73, %mul3A_74 : i32
      %add3A_76 = arith.addi %mul3A_32, %mul3A_75 : i32
      "tpu.region"() ({
        %run_scoped3A = tpu.sem_alloc : memref<!tpu.dma_semaphore, #tpu.memory_space<semaphore_mem>>
        %dma_start3A_81 = tpu.memref_slice %arg3[%add3A_76] : memref<320000xi32, #tpu.memory_space<hbm>> -> memref<80xi32, #tpu.memory_space<hbm>>
        %dma_start3A_82 = tpu.memref_slice %arg3[%add3A_76] : memref<320000xi32, #tpu.memory_space<hbm>> -> memref<80xi32, #tpu.memory_space<hbm>>
        tpu.enqueue_dma source(%dma_start3A_82 : memref<80xi32, #tpu.memory_space<hbm>>) target(%arg8 : memref<80xi32, #tpu.memory_space<vmem>>) target_semaphore(%run_scoped3A : memref<!tpu.dma_semaphore, #tpu.memory_space<semaphore_mem>>)
        %dma_wait3A_83 = tpu.memref_slice %arg3[%add3A_76] : memref<320000xi32, #tpu.memory_space<hbm>> -> memref<80xi32, #tpu.memory_space<hbm>>
        %dma_wait3A_84 = tpu.memref_slice %arg3[%add3A_76] : memref<320000xi32, #tpu.memory_space<hbm>> -> memref<80xi32, #tpu.memory_space<hbm>>
        tpu.wait_dma2 semaphore(%run_scoped3A : memref<!tpu.dma_semaphore, #tpu.memory_space<semaphore_mem>>) src(%dma_wait3A_84 : memref<80xi32, #tpu.memory_space<hbm>>) dst(%arg8 : memref<80xi32, #tpu.memory_space<vmem>>)
        tpu.yield
      }) : () -> ()
      "tpu.region"() ({
        %run_scoped3A = tpu.sem_alloc : memref<!tpu.dma_semaphore, #tpu.memory_space<semaphore_mem>>
        %dma_start3A_81 = tpu.memref_slice %arg4[%add3A_76] : memref<320000xi32, #tpu.memory_space<hbm>> -> memref<80xi32, #tpu.memory_space<hbm>>
        %dma_start3A_82 = tpu.memref_slice %arg4[%add3A_76] : memref<320000xi32, #tpu.memory_space<hbm>> -> memref<80xi32, #tpu.memory_space<hbm>>
        tpu.enqueue_dma source(%dma_start3A_82 : memref<80xi32, #tpu.memory_space<hbm>>) target(%arg9 : memref<80xi32, #tpu.memory_space<vmem>>) target_semaphore(%run_scoped3A : memref<!tpu.dma_semaphore, #tpu.memory_space<semaphore_mem>>)
        %dma_wait3A_83 = tpu.memref_slice %arg4[%add3A_76] : memref<320000xi32, #tpu.memory_space<hbm>> -> memref<80xi32, #tpu.memory_space<hbm>>
        %dma_wait3A_84 = tpu.memref_slice %arg4[%add3A_76] : memref<320000xi32, #tpu.memory_space<hbm>> -> memref<80xi32, #tpu.memory_space<hbm>>
        tpu.wait_dma2 semaphore(%run_scoped3A : memref<!tpu.dma_semaphore, #tpu.memory_space<semaphore_mem>>) src(%dma_wait3A_84 : memref<80xi32, #tpu.memory_space<hbm>>) dst(%arg9 : memref<80xi32, #tpu.memory_space<vmem>>)
        tpu.yield
      }) : () -> ()
      %dma_start3A = arith.constant 0 : i32
      %dma_start3A_77 = arith.constant 0 : i32
      %dma_start3A_78 = tpu.memref_slice %arg2[%dma_start3A, %dma_start3A_77] : memref<10000x128xf32, #tpu.memory_space<hbm>> -> memref<10000x128xf32, #tpu.memory_space<hbm>>
      tpu.enqueue_indirect_dma source(%dma_start3A_78 : memref<10000x128xf32, #tpu.memory_space<hbm>>) target(%arg10 : memref<80x128xf32, #tpu.memory_space<vmem>>) offsets(%arg8 : memref<80xi32, #tpu.memory_space<vmem>>) semaphore(%arg11 : memref<!tpu.dma_semaphore, #tpu.memory_space<semaphore_mem>>)
      %dma_wait3A = arith.constant 0 : i32
      %dma_wait3A_79 = arith.constant 0 : i32
      %dma_wait3A_80 = tpu.memref_slice %arg2[%dma_wait3A, %dma_wait3A_79] : memref<10000x128xf32, #tpu.memory_space<hbm>> -> memref<10000x128xf32, #tpu.memory_space<hbm>>
      tpu.wait_indirect_dma semaphore(%arg11 : memref<!tpu.dma_semaphore, #tpu.memory_space<semaphore_mem>>) src(%dma_wait3A_80 : memref<10000x128xf32, #tpu.memory_space<hbm>>) dst(%arg10 : memref<80x128xf32, #tpu.memory_space<vmem>>)
      "tpu.region"() ({
        %run_scoped3A = tpu.sem_alloc : memref<!tpu.dma_semaphore, #tpu.memory_space<semaphore_mem>>
        %dma_start3A_81 = arith.constant 0 : i32
        %dma_start3A_82 = arith.constant 0 : i32
        %dma_start3A_83 = tpu.memref_slice %arg7[%dma_start3A_81, %dma_start3A_82] : memref<10000x128xf32, #tpu.memory_space<vmem_shared>> -> memref<10000x128xf32, #tpu.memory_space<vmem_shared>>
        tpu.enqueue_indirect_dma source(%arg10 : memref<80x128xf32, #tpu.memory_space<vmem>>) target(%dma_start3A_83 : memref<10000x128xf32, #tpu.memory_space<vmem_shared>>) offsets(%arg9 : memref<80xi32, #tpu.memory_space<vmem>>) semaphore(%run_scoped3A : memref<!tpu.dma_semaphore, #tpu.memory_space<semaphore_mem>>) {add = true}
        %dma_wait3A_84 = arith.constant 0 : i32
        %dma_wait3A_85 = arith.constant 0 : i32
        %dma_wait3A_86 = tpu.memref_slice %arg7[%dma_wait3A_84, %dma_wait3A_85] : memref<10000x128xf32, #tpu.memory_space<vmem_shared>> -> memref<10000x128xf32, #tpu.memory_space<vmem_shared>>
        tpu.wait_indirect_dma semaphore(%run_scoped3A : memref<!tpu.dma_semaphore, #tpu.memory_space<semaphore_mem>>) src(%arg10 : memref<80x128xf32, #tpu.memory_space<vmem>>) dst(%dma_wait3A_86 : memref<10000x128xf32, #tpu.memory_space<vmem_shared>>)
        tpu.yield
      }) : () -> ()
    }
    %scan3A_36 = arith.constant 125 : i32
    %barrier3A_37 = arith.constant 0 : index
    tpu.barrier barrier_id(%barrier3A_37)
    %add3A_38 = arith.constant 0 : i32
    %add3A_39 = arith.addi %mul3A_0, %add3A_38 : i32
    "tpu.region"() ({
      %run_scoped3A = tpu.sem_alloc : memref<!tpu.dma_semaphore, #tpu.memory_space<semaphore_mem>>
      %dma_start3A = arith.constant 0 : i32
      %dma_start3A_69 = arith.constant 0 : i32
      %dma_start3A_70 = tpu.memref_slice %arg10[%dma_start3A, %dma_start3A_69] : memref<80x128xf32, #tpu.memory_space<vmem>> -> memref<48x128xf32, #tpu.memory_space<vmem>>
      %dma_start3A_71 = arith.constant 0 : i32
      %dma_start3A_72 = tpu.memref_slice %arg7[%add3A_39, %dma_start3A_71] : memref<10000x128xf32, #tpu.memory_space<vmem_shared>> -> memref<48x128xf32, #tpu.memory_space<vmem_shared>>
      %dma_start3A_73 = arith.constant 0 : i32
      %dma_start3A_74 = arith.constant 0 : i32
      %dma_start3A_75 = tpu.memref_slice %arg10[%dma_start3A_73, %dma_start3A_74] : memref<80x128xf32, #tpu.memory_space<vmem>> -> memref<48x128xf32, #tpu.memory_space<vmem>>
      %dma_start3A_76 = arith.constant 0 : i32
      %dma_start3A_77 = tpu.memref_slice %arg7[%add3A_39, %dma_start3A_76] : memref<10000x128xf32, #tpu.memory_space<vmem_shared>> -> memref<48x128xf32, #tpu.memory_space<vmem_shared>>
      tpu.enqueue_dma source(%dma_start3A_77 : memref<48x128xf32, #tpu.memory_space<vmem_shared>>) target(%dma_start3A_75 : memref<48x128xf32, #tpu.memory_space<vmem>>) target_semaphore(%run_scoped3A : memref<!tpu.dma_semaphore, #tpu.memory_space<semaphore_mem>>)
      %dma_wait3A = arith.constant 0 : i32
      %dma_wait3A_78 = arith.constant 0 : i32
      %dma_wait3A_79 = tpu.memref_slice %arg10[%dma_wait3A, %dma_wait3A_78] : memref<80x128xf32, #tpu.memory_space<vmem>> -> memref<48x128xf32, #tpu.memory_space<vmem>>
      %dma_wait3A_80 = arith.constant 0 : i32
      %dma_wait3A_81 = tpu.memref_slice %arg7[%add3A_39, %dma_wait3A_80] : memref<10000x128xf32, #tpu.memory_space<vmem_shared>> -> memref<48x128xf32, #tpu.memory_space<vmem_shared>>
      %dma_wait3A_82 = arith.constant 0 : i32
      %dma_wait3A_83 = arith.constant 0 : i32
      %dma_wait3A_84 = tpu.memref_slice %arg10[%dma_wait3A_82, %dma_wait3A_83] : memref<80x128xf32, #tpu.memory_space<vmem>> -> memref<48x128xf32, #tpu.memory_space<vmem>>
      %dma_wait3A_85 = arith.constant 0 : i32
      %dma_wait3A_86 = tpu.memref_slice %arg7[%add3A_39, %dma_wait3A_85] : memref<10000x128xf32, #tpu.memory_space<vmem_shared>> -> memref<48x128xf32, #tpu.memory_space<vmem_shared>>
      tpu.wait_dma2 semaphore(%run_scoped3A : memref<!tpu.dma_semaphore, #tpu.memory_space<semaphore_mem>>) src(%dma_wait3A_86 : memref<48x128xf32, #tpu.memory_space<vmem_shared>>) dst(%dma_wait3A_84 : memref<48x128xf32, #tpu.memory_space<vmem>>)
      tpu.yield
    }) : () -> ()
    "tpu.region"() ({
      %run_scoped3A = tpu.sem_alloc : memref<!tpu.dma_semaphore, #tpu.memory_space<semaphore_mem>>
      %dma_start3A = arith.constant 0 : i32
      %dma_start3A_69 = arith.constant 0 : i32
      %dma_start3A_70 = tpu.memref_slice %arg10[%dma_start3A, %dma_start3A_69] : memref<80x128xf32, #tpu.memory_space<vmem>> -> memref<48x128xf32, #tpu.memory_space<vmem>>
      %dma_start3A_71 = arith.constant 0 : i32
      %dma_start3A_72 = tpu.memref_slice %arg6[%arg0, %add3A_39, %dma_start3A_71] : memref<2x10000x128xf32, #tpu.memory_space<hbm>> -> memref<1x48x128xf32, #tpu.memory_space<hbm>>
      %dma_start3A_73 = tpu.memref_squeeze %dma_start3A_72 : memref<1x48x128xf32, #tpu.memory_space<hbm>> -> memref<48x128xf32, #tpu.memory_space<hbm>>
      %dma_start3A_74 = arith.constant 0 : i32
      %dma_start3A_75 = tpu.memref_slice %arg6[%arg0, %add3A_39, %dma_start3A_74] : memref<2x10000x128xf32, #tpu.memory_space<hbm>> -> memref<1x48x128xf32, #tpu.memory_space<hbm>>
      %dma_start3A_76 = tpu.memref_squeeze %dma_start3A_75 : memref<1x48x128xf32, #tpu.memory_space<hbm>> -> memref<48x128xf32, #tpu.memory_space<hbm>>
      %dma_start3A_77 = arith.constant 0 : i32
      %dma_start3A_78 = arith.constant 0 : i32
      %dma_start3A_79 = tpu.memref_slice %arg10[%dma_start3A_77, %dma_start3A_78] : memref<80x128xf32, #tpu.memory_space<vmem>> -> memref<48x128xf32, #tpu.memory_space<vmem>>
      tpu.enqueue_dma source(%dma_start3A_79 : memref<48x128xf32, #tpu.memory_space<vmem>>) target(%dma_start3A_76 : memref<48x128xf32, #tpu.memory_space<hbm>>) target_semaphore(%run_scoped3A : memref<!tpu.dma_semaphore, #tpu.memory_space<semaphore_mem>>)
      %dma_wait3A = arith.constant 0 : i32
      %dma_wait3A_80 = arith.constant 0 : i32
      %dma_wait3A_81 = tpu.memref_slice %arg10[%dma_wait3A, %dma_wait3A_80] : memref<80x128xf32, #tpu.memory_space<vmem>> -> memref<48x128xf32, #tpu.memory_space<vmem>>
      %dma_wait3A_82 = arith.constant 0 : i32
      %dma_wait3A_83 = tpu.memref_slice %arg6[%arg0, %add3A_39, %dma_wait3A_82] : memref<2x10000x128xf32, #tpu.memory_space<hbm>> -> memref<1x48x128xf32, #tpu.memory_space<hbm>>
      %dma_wait3A_84 = tpu.memref_squeeze %dma_wait3A_83 : memref<1x48x128xf32, #tpu.memory_space<hbm>> -> memref<48x128xf32, #tpu.memory_space<hbm>>
      %dma_wait3A_85 = arith.constant 0 : i32
      %dma_wait3A_86 = tpu.memref_slice %arg6[%arg0, %add3A_39, %dma_wait3A_85] : memref<2x10000x128xf32, #tpu.memory_space<hbm>> -> memref<1x48x128xf32, #tpu.memory_space<hbm>>
      %dma_wait3A_87 = tpu.memref_squeeze %dma_wait3A_86 : memref<1x48x128xf32, #tpu.memory_space<hbm>> -> memref<48x128xf32, #tpu.memory_space<hbm>>
      %dma_wait3A_88 = arith.constant 0 : i32
      %dma_wait3A_89 = arith.constant 0 : i32
      %dma_wait3A_90 = tpu.memref_slice %arg10[%dma_wait3A_88, %dma_wait3A_89] : memref<80x128xf32, #tpu.memory_space<vmem>> -> memref<48x128xf32, #tpu.memory_space<vmem>>
      tpu.wait_dma2 semaphore(%run_scoped3A : memref<!tpu.dma_semaphore, #tpu.memory_space<semaphore_mem>>) src(%dma_wait3A_90 : memref<48x128xf32, #tpu.memory_space<vmem>>) dst(%dma_wait3A_87 : memref<48x128xf32, #tpu.memory_space<hbm>>)
      tpu.yield
    }) : () -> ()
    %add3A_40 = arith.constant 48 : i32
    %add3A_41 = arith.addi %mul3A_0, %add3A_40 : i32
    "tpu.region"() ({
      %run_scoped3A = tpu.sem_alloc : memref<!tpu.dma_semaphore, #tpu.memory_space<semaphore_mem>>
      %dma_start3A = arith.constant 0 : i32
      %dma_start3A_69 = arith.constant 0 : i32
      %dma_start3A_70 = tpu.memref_slice %arg10[%dma_start3A, %dma_start3A_69] : memref<80x128xf32, #tpu.memory_space<vmem>> -> memref<48x128xf32, #tpu.memory_space<vmem>>
      %dma_start3A_71 = arith.constant 0 : i32
      %dma_start3A_72 = tpu.memref_slice %arg7[%add3A_41, %dma_start3A_71] : memref<10000x128xf32, #tpu.memory_space<vmem_shared>> -> memref<48x128xf32, #tpu.memory_space<vmem_shared>>
      %dma_start3A_73 = arith.constant 0 : i32
      %dma_start3A_74 = arith.constant 0 : i32
      %dma_start3A_75 = tpu.memref_slice %arg10[%dma_start3A_73, %dma_start3A_74] : memref<80x128xf32, #tpu.memory_space<vmem>> -> memref<48x128xf32, #tpu.memory_space<vmem>>
      %dma_start3A_76 = arith.constant 0 : i32
      %dma_start3A_77 = tpu.memref_slice %arg7[%add3A_41, %dma_start3A_76] : memref<10000x128xf32, #tpu.memory_space<vmem_shared>> -> memref<48x128xf32, #tpu.memory_space<vmem_shared>>
      tpu.enqueue_dma source(%dma_start3A_77 : memref<48x128xf32, #tpu.memory_space<vmem_shared>>) target(%dma_start3A_75 : memref<48x128xf32, #tpu.memory_space<vmem>>) target_semaphore(%run_scoped3A : memref<!tpu.dma_semaphore, #tpu.memory_space<semaphore_mem>>)
      %dma_wait3A = arith.constant 0 : i32
      %dma_wait3A_78 = arith.constant 0 : i32
      %dma_wait3A_79 = tpu.memref_slice %arg10[%dma_wait3A, %dma_wait3A_78] : memref<80x128xf32, #tpu.memory_space<vmem>> -> memref<48x128xf32, #tpu.memory_space<vmem>>
      %dma_wait3A_80 = arith.constant 0 : i32
      %dma_wait3A_81 = tpu.memref_slice %arg7[%add3A_41, %dma_wait3A_80] : memref<10000x128xf32, #tpu.memory_space<vmem_shared>> -> memref<48x128xf32, #tpu.memory_space<vmem_shared>>
      %dma_wait3A_82 = arith.constant 0 : i32
      %dma_wait3A_83 = arith.constant 0 : i32
      %dma_wait3A_84 = tpu.memref_slice %arg10[%dma_wait3A_82, %dma_wait3A_83] : memref<80x128xf32, #tpu.memory_space<vmem>> -> memref<48x128xf32, #tpu.memory_space<vmem>>
      %dma_wait3A_85 = arith.constant 0 : i32
      %dma_wait3A_86 = tpu.memref_slice %arg7[%add3A_41, %dma_wait3A_85] : memref<10000x128xf32, #tpu.memory_space<vmem_shared>> -> memref<48x128xf32, #tpu.memory_space<vmem_shared>>
      tpu.wait_dma2 semaphore(%run_scoped3A : memref<!tpu.dma_semaphore, #tpu.memory_space<semaphore_mem>>) src(%dma_wait3A_86 : memref<48x128xf32, #tpu.memory_space<vmem_shared>>) dst(%dma_wait3A_84 : memref<48x128xf32, #tpu.memory_space<vmem>>)
      tpu.yield
    }) : () -> ()
    "tpu.region"() ({
      %run_scoped3A = tpu.sem_alloc : memref<!tpu.dma_semaphore, #tpu.memory_space<semaphore_mem>>
      %dma_start3A = arith.constant 0 : i32
      %dma_start3A_69 = arith.constant 0 : i32
      %dma_start3A_70 = tpu.memref_slice %arg10[%dma_start3A, %dma_start3A_69] : memref<80x128xf32, #tpu.memory_space<vmem>> -> memref<48x128xf32, #tpu.memory_space<vmem>>
      %dma_start3A_71 = arith.constant 0 : i32
      %dma_start3A_72 = tpu.memref_slice %arg6[%arg0, %add3A_41, %dma_start3A_71] : memref<2x10000x128xf32, #tpu.memory_space<hbm>> -> memref<1x48x128xf32, #tpu.memory_space<hbm>>
      %dma_start3A_73 = tpu.memref_squeeze %dma_start3A_72 : memref<1x48x128xf32, #tpu.memory_space<hbm>> -> memref<48x128xf32, #tpu.memory_space<hbm>>
      %dma_start3A_74 = arith.constant 0 : i32
      %dma_start3A_75 = tpu.memref_slice %arg6[%arg0, %add3A_41, %dma_start3A_74] : memref<2x10000x128xf32, #tpu.memory_space<hbm>> -> memref<1x48x128xf32, #tpu.memory_space<hbm>>
      %dma_start3A_76 = tpu.memref_squeeze %dma_start3A_75 : memref<1x48x128xf32, #tpu.memory_space<hbm>> -> memref<48x128xf32, #tpu.memory_space<hbm>>
      %dma_start3A_77 = arith.constant 0 : i32
      %dma_start3A_78 = arith.constant 0 : i32
      %dma_start3A_79 = tpu.memref_slice %arg10[%dma_start3A_77, %dma_start3A_78] : memref<80x128xf32, #tpu.memory_space<vmem>> -> memref<48x128xf32, #tpu.memory_space<vmem>>
      tpu.enqueue_dma source(%dma_start3A_79 : memref<48x128xf32, #tpu.memory_space<vmem>>) target(%dma_start3A_76 : memref<48x128xf32, #tpu.memory_space<hbm>>) target_semaphore(%run_scoped3A : memref<!tpu.dma_semaphore, #tpu.memory_space<semaphore_mem>>)
      %dma_wait3A = arith.constant 0 : i32
      %dma_wait3A_80 = arith.constant 0 : i32
      %dma_wait3A_81 = tpu.memref_slice %arg10[%dma_wait3A, %dma_wait3A_80] : memref<80x128xf32, #tpu.memory_space<vmem>> -> memref<48x128xf32, #tpu.memory_space<vmem>>
      %dma_wait3A_82 = arith.constant 0 : i32
      %dma_wait3A_83 = tpu.memref_slice %arg6[%arg0, %add3A_41, %dma_wait3A_82] : memref<2x10000x128xf32, #tpu.memory_space<hbm>> -> memref<1x48x128xf32, #tpu.memory_space<hbm>>
      %dma_wait3A_84 = tpu.memref_squeeze %dma_wait3A_83 : memref<1x48x128xf32, #tpu.memory_space<hbm>> -> memref<48x128xf32, #tpu.memory_space<hbm>>
      %dma_wait3A_85 = arith.constant 0 : i32
      %dma_wait3A_86 = tpu.memref_slice %arg6[%arg0, %add3A_41, %dma_wait3A_85] : memref<2x10000x128xf32, #tpu.memory_space<hbm>> -> memref<1x48x128xf32, #tpu.memory_space<hbm>>
      %dma_wait3A_87 = tpu.memref_squeeze %dma_wait3A_86 : memref<1x48x128xf32, #tpu.memory_space<hbm>> -> memref<48x128xf32, #tpu.memory_space<hbm>>
      %dma_wait3A_88 = arith.constant 0 : i32
      %dma_wait3A_89 = arith.constant 0 : i32
      %dma_wait3A_90 = tpu.memref_slice %arg10[%dma_wait3A_88, %dma_wait3A_89] : memref<80x128xf32, #tpu.memory_space<vmem>> -> memref<48x128xf32, #tpu.memory_space<vmem>>
      tpu.wait_dma2 semaphore(%run_scoped3A : memref<!tpu.dma_semaphore, #tpu.memory_space<semaphore_mem>>) src(%dma_wait3A_90 : memref<48x128xf32, #tpu.memory_space<vmem>>) dst(%dma_wait3A_87 : memref<48x128xf32, #tpu.memory_space<hbm>>)
      tpu.yield
    }) : () -> ()
    %add3A_42 = arith.constant 96 : i32
    %add3A_43 = arith.addi %mul3A_0, %add3A_42 : i32
    "tpu.region"() ({
      %run_scoped3A = tpu.sem_alloc : memref<!tpu.dma_semaphore, #tpu.memory_space<semaphore_mem>>
      %dma_start3A = arith.constant 0 : i32
      %dma_start3A_69 = arith.constant 0 : i32
      %dma_start3A_70 = tpu.memref_slice %arg10[%dma_start3A, %dma_start3A_69] : memref<80x128xf32, #tpu.memory_space<vmem>> -> memref<48x128xf32, #tpu.memory_space<vmem>>
      %dma_start3A_71 = arith.constant 0 : i32
      %dma_start3A_72 = tpu.memref_slice %arg7[%add3A_43, %dma_start3A_71] : memref<10000x128xf32, #tpu.memory_space<vmem_shared>> -> memref<48x128xf32, #tpu.memory_space<vmem_shared>>
      %dma_start3A_73 = arith.constant 0 : i32
      %dma_start3A_74 = arith.constant 0 : i32
      %dma_start3A_75 = tpu.memref_slice %arg10[%dma_start3A_73, %dma_start3A_74] : memref<80x128xf32, #tpu.memory_space<vmem>> -> memref<48x128xf32, #tpu.memory_space<vmem>>
      %dma_start3A_76 = arith.constant 0 : i32
      %dma_start3A_77 = tpu.memref_slice %arg7[%add3A_43, %dma_start3A_76] : memref<10000x128xf32, #tpu.memory_space<vmem_shared>> -> memref<48x128xf32, #tpu.memory_space<vmem_shared>>
      tpu.enqueue_dma source(%dma_start3A_77 : memref<48x128xf32, #tpu.memory_space<vmem_shared>>) target(%dma_start3A_75 : memref<48x128xf32, #tpu.memory_space<vmem>>) target_semaphore(%run_scoped3A : memref<!tpu.dma_semaphore, #tpu.memory_space<semaphore_mem>>)
      %dma_wait3A = arith.constant 0 : i32
      %dma_wait3A_78 = arith.constant 0 : i32
      %dma_wait3A_79 = tpu.memref_slice %arg10[%dma_wait3A, %dma_wait3A_78] : memref<80x128xf32, #tpu.memory_space<vmem>> -> memref<48x128xf32, #tpu.memory_space<vmem>>
      %dma_wait3A_80 = arith.constant 0 : i32
      %dma_wait3A_81 = tpu.memref_slice %arg7[%add3A_43, %dma_wait3A_80] : memref<10000x128xf32, #tpu.memory_space<vmem_shared>> -> memref<48x128xf32, #tpu.memory_space<vmem_shared>>
      %dma_wait3A_82 = arith.constant 0 : i32
      %dma_wait3A_83 = arith.constant 0 : i32
      %dma_wait3A_84 = tpu.memref_slice %arg10[%dma_wait3A_82, %dma_wait3A_83] : memref<80x128xf32, #tpu.memory_space<vmem>> -> memref<48x128xf32, #tpu.memory_space<vmem>>
      %dma_wait3A_85 = arith.constant 0 : i32
      %dma_wait3A_86 = tpu.memref_slice %arg7[%add3A_43, %dma_wait3A_85] : memref<10000x128xf32, #tpu.memory_space<vmem_shared>> -> memref<48x128xf32, #tpu.memory_space<vmem_shared>>
      tpu.wait_dma2 semaphore(%run_scoped3A : memref<!tpu.dma_semaphore, #tpu.memory_space<semaphore_mem>>) src(%dma_wait3A_86 : memref<48x128xf32, #tpu.memory_space<vmem_shared>>) dst(%dma_wait3A_84 : memref<48x128xf32, #tpu.memory_space<vmem>>)
      tpu.yield
    }) : () -> ()
    "tpu.region"() ({
      %run_scoped3A = tpu.sem_alloc : memref<!tpu.dma_semaphore, #tpu.memory_space<semaphore_mem>>
      %dma_start3A = arith.constant 0 : i32
      %dma_start3A_69 = arith.constant 0 : i32
      %dma_start3A_70 = tpu.memref_slice %arg10[%dma_start3A, %dma_start3A_69] : memref<80x128xf32, #tpu.memory_space<vmem>> -> memref<48x128xf32, #tpu.memory_space<vmem>>
      %dma_start3A_71 = arith.constant 0 : i32
      %dma_start3A_72 = tpu.memref_slice %arg6[%arg0, %add3A_43, %dma_start3A_71] : memref<2x10000x128xf32, #tpu.memory_space<hbm>> -> memref<1x48x128xf32, #tpu.memory_space<hbm>>
      %dma_start3A_73 = tpu.memref_squeeze %dma_start3A_72 : memref<1x48x128xf32, #tpu.memory_space<hbm>> -> memref<48x128xf32, #tpu.memory_space<hbm>>
      %dma_start3A_74 = arith.constant 0 : i32
      %dma_start3A_75 = tpu.memref_slice %arg6[%arg0, %add3A_43, %dma_start3A_74] : memref<2x10000x128xf32, #tpu.memory_space<hbm>> -> memref<1x48x128xf32, #tpu.memory_space<hbm>>
      %dma_start3A_76 = tpu.memref_squeeze %dma_start3A_75 : memref<1x48x128xf32, #tpu.memory_space<hbm>> -> memref<48x128xf32, #tpu.memory_space<hbm>>
      %dma_start3A_77 = arith.constant 0 : i32
      %dma_start3A_78 = arith.constant 0 : i32
      %dma_start3A_79 = tpu.memref_slice %arg10[%dma_start3A_77, %dma_start3A_78] : memref<80x128xf32, #tpu.memory_space<vmem>> -> memref<48x128xf32, #tpu.memory_space<vmem>>
      tpu.enqueue_dma source(%dma_start3A_79 : memref<48x128xf32, #tpu.memory_space<vmem>>) target(%dma_start3A_76 : memref<48x128xf32, #tpu.memory_space<hbm>>) target_semaphore(%run_scoped3A : memref<!tpu.dma_semaphore, #tpu.memory_space<semaphore_mem>>)
      %dma_wait3A = arith.constant 0 : i32
      %dma_wait3A_80 = arith.constant 0 : i32
      %dma_wait3A_81 = tpu.memref_slice %arg10[%dma_wait3A, %dma_wait3A_80] : memref<80x128xf32, #tpu.memory_space<vmem>> -> memref<48x128xf32, #tpu.memory_space<vmem>>
      %dma_wait3A_82 = arith.constant 0 : i32
      %dma_wait3A_83 = tpu.memref_slice %arg6[%arg0, %add3A_43, %dma_wait3A_82] : memref<2x10000x128xf32, #tpu.memory_space<hbm>> -> memref<1x48x128xf32, #tpu.memory_space<hbm>>
      %dma_wait3A_84 = tpu.memref_squeeze %dma_wait3A_83 : memref<1x48x128xf32, #tpu.memory_space<hbm>> -> memref<48x128xf32, #tpu.memory_space<hbm>>
      %dma_wait3A_85 = arith.constant 0 : i32
      %dma_wait3A_86 = tpu.memref_slice %arg6[%arg0, %add3A_43, %dma_wait3A_85] : memref<2x10000x128xf32, #tpu.memory_space<hbm>> -> memref<1x48x128xf32, #tpu.memory_space<hbm>>
      %dma_wait3A_87 = tpu.memref_squeeze %dma_wait3A_86 : memref<1x48x128xf32, #tpu.memory_space<hbm>> -> memref<48x128xf32, #tpu.memory_space<hbm>>
      %dma_wait3A_88 = arith.constant 0 : i32
      %dma_wait3A_89 = arith.constant 0 : i32
      %dma_wait3A_90 = tpu.memref_slice %arg10[%dma_wait3A_88, %dma_wait3A_89] : memref<80x128xf32, #tpu.memory_space<vmem>> -> memref<48x128xf32, #tpu.memory_space<vmem>>
      tpu.wait_dma2 semaphore(%run_scoped3A : memref<!tpu.dma_semaphore, #tpu.memory_space<semaphore_mem>>) src(%dma_wait3A_90 : memref<48x128xf32, #tpu.memory_space<vmem>>) dst(%dma_wait3A_87 : memref<48x128xf32, #tpu.memory_space<hbm>>)
      tpu.yield
    }) : () -> ()
    %add3A_44 = arith.constant 144 : i32
    %add3A_45 = arith.addi %mul3A_0, %add3A_44 : i32
    "tpu.region"() ({
      %run_scoped3A = tpu.sem_alloc : memref<!tpu.dma_semaphore, #tpu.memory_space<semaphore_mem>>
      %dma_start3A = arith.constant 0 : i32
      %dma_start3A_69 = arith.constant 0 : i32
      %dma_start3A_70 = tpu.memref_slice %arg10[%dma_start3A, %dma_start3A_69] : memref<80x128xf32, #tpu.memory_space<vmem>> -> memref<48x128xf32, #tpu.memory_space<vmem>>
      %dma_start3A_71 = arith.constant 0 : i32
      %dma_start3A_72 = tpu.memref_slice %arg7[%add3A_45, %dma_start3A_71] : memref<10000x128xf32, #tpu.memory_space<vmem_shared>> -> memref<48x128xf32, #tpu.memory_space<vmem_shared>>
      %dma_start3A_73 = arith.constant 0 : i32
      %dma_start3A_74 = arith.constant 0 : i32
      %dma_start3A_75 = tpu.memref_slice %arg10[%dma_start3A_73, %dma_start3A_74] : memref<80x128xf32, #tpu.memory_space<vmem>> -> memref<48x128xf32, #tpu.memory_space<vmem>>
      %dma_start3A_76 = arith.constant 0 : i32
      %dma_start3A_77 = tpu.memref_slice %arg7[%add3A_45, %dma_start3A_76] : memref<10000x128xf32, #tpu.memory_space<vmem_shared>> -> memref<48x128xf32, #tpu.memory_space<vmem_shared>>
      tpu.enqueue_dma source(%dma_start3A_77 : memref<48x128xf32, #tpu.memory_space<vmem_shared>>) target(%dma_start3A_75 : memref<48x128xf32, #tpu.memory_space<vmem>>) target_semaphore(%run_scoped3A : memref<!tpu.dma_semaphore, #tpu.memory_space<semaphore_mem>>)
      %dma_wait3A = arith.constant 0 : i32
      %dma_wait3A_78 = arith.constant 0 : i32
      %dma_wait3A_79 = tpu.memref_slice %arg10[%dma_wait3A, %dma_wait3A_78] : memref<80x128xf32, #tpu.memory_space<vmem>> -> memref<48x128xf32, #tpu.memory_space<vmem>>
      %dma_wait3A_80 = arith.constant 0 : i32
      %dma_wait3A_81 = tpu.memref_slice %arg7[%add3A_45, %dma_wait3A_80] : memref<10000x128xf32, #tpu.memory_space<vmem_shared>> -> memref<48x128xf32, #tpu.memory_space<vmem_shared>>
      %dma_wait3A_82 = arith.constant 0 : i32
      %dma_wait3A_83 = arith.constant 0 : i32
      %dma_wait3A_84 = tpu.memref_slice %arg10[%dma_wait3A_82, %dma_wait3A_83] : memref<80x128xf32, #tpu.memory_space<vmem>> -> memref<48x128xf32, #tpu.memory_space<vmem>>
      %dma_wait3A_85 = arith.constant 0 : i32
      %dma_wait3A_86 = tpu.memref_slice %arg7[%add3A_45, %dma_wait3A_85] : memref<10000x128xf32, #tpu.memory_space<vmem_shared>> -> memref<48x128xf32, #tpu.memory_space<vmem_shared>>
      tpu.wait_dma2 semaphore(%run_scoped3A : memref<!tpu.dma_semaphore, #tpu.memory_space<semaphore_mem>>) src(%dma_wait3A_86 : memref<48x128xf32, #tpu.memory_space<vmem_shared>>) dst(%dma_wait3A_84 : memref<48x128xf32, #tpu.memory_space<vmem>>)
      tpu.yield
    }) : () -> ()
    "tpu.region"() ({
      %run_scoped3A = tpu.sem_alloc : memref<!tpu.dma_semaphore, #tpu.memory_space<semaphore_mem>>
      %dma_start3A = arith.constant 0 : i32
      %dma_start3A_69 = arith.constant 0 : i32
      %dma_start3A_70 = tpu.memref_slice %arg10[%dma_start3A, %dma_start3A_69] : memref<80x128xf32, #tpu.memory_space<vmem>> -> memref<48x128xf32, #tpu.memory_space<vmem>>
      %dma_start3A_71 = arith.constant 0 : i32
      %dma_start3A_72 = tpu.memref_slice %arg6[%arg0, %add3A_45, %dma_start3A_71] : memref<2x10000x128xf32, #tpu.memory_space<hbm>> -> memref<1x48x128xf32, #tpu.memory_space<hbm>>
      %dma_start3A_73 = tpu.memref_squeeze %dma_start3A_72 : memref<1x48x128xf32, #tpu.memory_space<hbm>> -> memref<48x128xf32, #tpu.memory_space<hbm>>
      %dma_start3A_74 = arith.constant 0 : i32
      %dma_start3A_75 = tpu.memref_slice %arg6[%arg0, %add3A_45, %dma_start3A_74] : memref<2x10000x128xf32, #tpu.memory_space<hbm>> -> memref<1x48x128xf32, #tpu.memory_space<hbm>>
      %dma_start3A_76 = tpu.memref_squeeze %dma_start3A_75 : memref<1x48x128xf32, #tpu.memory_space<hbm>> -> memref<48x128xf32, #tpu.memory_space<hbm>>
      %dma_start3A_77 = arith.constant 0 : i32
      %dma_start3A_78 = arith.constant 0 : i32
      %dma_start3A_79 = tpu.memref_slice %arg10[%dma_start3A_77, %dma_start3A_78] : memref<80x128xf32, #tpu.memory_space<vmem>> -> memref<48x128xf32, #tpu.memory_space<vmem>>
      tpu.enqueue_dma source(%dma_start3A_79 : memref<48x128xf32, #tpu.memory_space<vmem>>) target(%dma_start3A_76 : memref<48x128xf32, #tpu.memory_space<hbm>>) target_semaphore(%run_scoped3A : memref<!tpu.dma_semaphore, #tpu.memory_space<semaphore_mem>>)
      %dma_wait3A = arith.constant 0 : i32
      %dma_wait3A_80 = arith.constant 0 : i32
      %dma_wait3A_81 = tpu.memref_slice %arg10[%dma_wait3A, %dma_wait3A_80] : memref<80x128xf32, #tpu.memory_space<vmem>> -> memref<48x128xf32, #tpu.memory_space<vmem>>
      %dma_wait3A_82 = arith.constant 0 : i32
      %dma_wait3A_83 = tpu.memref_slice %arg6[%arg0, %add3A_45, %dma_wait3A_82] : memref<2x10000x128xf32, #tpu.memory_space<hbm>> -> memref<1x48x128xf32, #tpu.memory_space<hbm>>
      %dma_wait3A_84 = tpu.memref_squeeze %dma_wait3A_83 : memref<1x48x128xf32, #tpu.memory_space<hbm>> -> memref<48x128xf32, #tpu.memory_space<hbm>>
      %dma_wait3A_85 = arith.constant 0 : i32
      %dma_wait3A_86 = tpu.memref_slice %arg6[%arg0, %add3A_45, %dma_wait3A_85] : memref<2x10000x128xf32, #tpu.memory_space<hbm>> -> memref<1x48x128xf32, #tpu.memory_space<hbm>>
      %dma_wait3A_87 = tpu.memref_squeeze %dma_wait3A_86 : memref<1x48x128xf32, #tpu.memory_space<hbm>> -> memref<48x128xf32, #tpu.memory_space<hbm>>
      %dma_wait3A_88 = arith.constant 0 : i32
      %dma_wait3A_89 = arith.constant 0 : i32
      %dma_wait3A_90 = tpu.memref_slice %arg10[%dma_wait3A_88, %dma_wait3A_89] : memref<80x128xf32, #tpu.memory_space<vmem>> -> memref<48x128xf32, #tpu.memory_space<vmem>>
      tpu.wait_dma2 semaphore(%run_scoped3A : memref<!tpu.dma_semaphore, #tpu.memory_space<semaphore_mem>>) src(%dma_wait3A_90 : memref<48x128xf32, #tpu.memory_space<vmem>>) dst(%dma_wait3A_87 : memref<48x128xf32, #tpu.memory_space<hbm>>)
      tpu.yield
    }) : () -> ()
    %add3A_46 = arith.constant 192 : i32
    %add3A_47 = arith.addi %mul3A_0, %add3A_46 : i32
    "tpu.region"() ({
      %run_scoped3A = tpu.sem_alloc : memref<!tpu.dma_semaphore, #tpu.memory_space<semaphore_mem>>
      %dma_start3A = arith.constant 0 : i32
      %dma_start3A_69 = arith.constant 0 : i32
      %dma_start3A_70 = tpu.memref_slice %arg10[%dma_start3A, %dma_start3A_69] : memref<80x128xf32, #tpu.memory_space<vmem>> -> memref<48x128xf32, #tpu.memory_space<vmem>>
      %dma_start3A_71 = arith.constant 0 : i32
      %dma_start3A_72 = tpu.memref_slice %arg7[%add3A_47, %dma_start3A_71] : memref<10000x128xf32, #tpu.memory_space<vmem_shared>> -> memref<48x128xf32, #tpu.memory_space<vmem_shared>>
      %dma_start3A_73 = arith.constant 0 : i32
      %dma_start3A_74 = arith.constant 0 : i32
      %dma_start3A_75 = tpu.memref_slice %arg10[%dma_start3A_73, %dma_start3A_74] : memref<80x128xf32, #tpu.memory_space<vmem>> -> memref<48x128xf32, #tpu.memory_space<vmem>>
      %dma_start3A_76 = arith.constant 0 : i32
      %dma_start3A_77 = tpu.memref_slice %arg7[%add3A_47, %dma_start3A_76] : memref<10000x128xf32, #tpu.memory_space<vmem_shared>> -> memref<48x128xf32, #tpu.memory_space<vmem_shared>>
      tpu.enqueue_dma source(%dma_start3A_77 : memref<48x128xf32, #tpu.memory_space<vmem_shared>>) target(%dma_start3A_75 : memref<48x128xf32, #tpu.memory_space<vmem>>) target_semaphore(%run_scoped3A : memref<!tpu.dma_semaphore, #tpu.memory_space<semaphore_mem>>)
      %dma_wait3A = arith.constant 0 : i32
      %dma_wait3A_78 = arith.constant 0 : i32
      %dma_wait3A_79 = tpu.memref_slice %arg10[%dma_wait3A, %dma_wait3A_78] : memref<80x128xf32, #tpu.memory_space<vmem>> -> memref<48x128xf32, #tpu.memory_space<vmem>>
      %dma_wait3A_80 = arith.constant 0 : i32
      %dma_wait3A_81 = tpu.memref_slice %arg7[%add3A_47, %dma_wait3A_80] : memref<10000x128xf32, #tpu.memory_space<vmem_shared>> -> memref<48x128xf32, #tpu.memory_space<vmem_shared>>
      %dma_wait3A_82 = arith.constant 0 : i32
      %dma_wait3A_83 = arith.constant 0 : i32
      %dma_wait3A_84 = tpu.memref_slice %arg10[%dma_wait3A_82, %dma_wait3A_83] : memref<80x128xf32, #tpu.memory_space<vmem>> -> memref<48x128xf32, #tpu.memory_space<vmem>>
      %dma_wait3A_85 = arith.constant 0 : i32
      %dma_wait3A_86 = tpu.memref_slice %arg7[%add3A_47, %dma_wait3A_85] : memref<10000x128xf32, #tpu.memory_space<vmem_shared>> -> memref<48x128xf32, #tpu.memory_space<vmem_shared>>
      tpu.wait_dma2 semaphore(%run_scoped3A : memref<!tpu.dma_semaphore, #tpu.memory_space<semaphore_mem>>) src(%dma_wait3A_86 : memref<48x128xf32, #tpu.memory_space<vmem_shared>>) dst(%dma_wait3A_84 : memref<48x128xf32, #tpu.memory_space<vmem>>)
      tpu.yield
    }) : () -> ()
    "tpu.region"() ({
      %run_scoped3A = tpu.sem_alloc : memref<!tpu.dma_semaphore, #tpu.memory_space<semaphore_mem>>
      %dma_start3A = arith.constant 0 : i32
      %dma_start3A_69 = arith.constant 0 : i32
      %dma_start3A_70 = tpu.memref_slice %arg10[%dma_start3A, %dma_start3A_69] : memref<80x128xf32, #tpu.memory_space<vmem>> -> memref<48x128xf32, #tpu.memory_space<vmem>>
      %dma_start3A_71 = arith.constant 0 : i32
      %dma_start3A_72 = tpu.memref_slice %arg6[%arg0, %add3A_47, %dma_start3A_71] : memref<2x10000x128xf32, #tpu.memory_space<hbm>> -> memref<1x48x128xf32, #tpu.memory_space<hbm>>
      %dma_start3A_73 = tpu.memref_squeeze %dma_start3A_72 : memref<1x48x128xf32, #tpu.memory_space<hbm>> -> memref<48x128xf32, #tpu.memory_space<hbm>>
      %dma_start3A_74 = arith.constant 0 : i32
      %dma_start3A_75 = tpu.memref_slice %arg6[%arg0, %add3A_47, %dma_start3A_74] : memref<2x10000x128xf32, #tpu.memory_space<hbm>> -> memref<1x48x128xf32, #tpu.memory_space<hbm>>
      %dma_start3A_76 = tpu.memref_squeeze %dma_start3A_75 : memref<1x48x128xf32, #tpu.memory_space<hbm>> -> memref<48x128xf32, #tpu.memory_space<hbm>>
      %dma_start3A_77 = arith.constant 0 : i32
      %dma_start3A_78 = arith.constant 0 : i32
      %dma_start3A_79 = tpu.memref_slice %arg10[%dma_start3A_77, %dma_start3A_78] : memref<80x128xf32, #tpu.memory_space<vmem>> -> memref<48x128xf32, #tpu.memory_space<vmem>>
      tpu.enqueue_dma source(%dma_start3A_79 : memref<48x128xf32, #tpu.memory_space<vmem>>) target(%dma_start3A_76 : memref<48x128xf32, #tpu.memory_space<hbm>>) target_semaphore(%run_scoped3A : memref<!tpu.dma_semaphore, #tpu.memory_space<semaphore_mem>>)
      %dma_wait3A = arith.constant 0 : i32
      %dma_wait3A_80 = arith.constant 0 : i32
      %dma_wait3A_81 = tpu.memref_slice %arg10[%dma_wait3A, %dma_wait3A_80] : memref<80x128xf32, #tpu.memory_space<vmem>> -> memref<48x128xf32, #tpu.memory_space<vmem>>
      %dma_wait3A_82 = arith.constant 0 : i32
      %dma_wait3A_83 = tpu.memref_slice %arg6[%arg0, %add3A_47, %dma_wait3A_82] : memref<2x10000x128xf32, #tpu.memory_space<hbm>> -> memref<1x48x128xf32, #tpu.memory_space<hbm>>
      %dma_wait3A_84 = tpu.memref_squeeze %dma_wait3A_83 : memref<1x48x128xf32, #tpu.memory_space<hbm>> -> memref<48x128xf32, #tpu.memory_space<hbm>>
      %dma_wait3A_85 = arith.constant 0 : i32
      %dma_wait3A_86 = tpu.memref_slice %arg6[%arg0, %add3A_47, %dma_wait3A_85] : memref<2x10000x128xf32, #tpu.memory_space<hbm>> -> memref<1x48x128xf32, #tpu.memory_space<hbm>>
      %dma_wait3A_87 = tpu.memref_squeeze %dma_wait3A_86 : memref<1x48x128xf32, #tpu.memory_space<hbm>> -> memref<48x128xf32, #tpu.memory_space<hbm>>
      %dma_wait3A_88 = arith.constant 0 : i32
      %dma_wait3A_89 = arith.constant 0 : i32
      %dma_wait3A_90 = tpu.memref_slice %arg10[%dma_wait3A_88, %dma_wait3A_89] : memref<80x128xf32, #tpu.memory_space<vmem>> -> memref<48x128xf32, #tpu.memory_space<vmem>>
      tpu.wait_dma2 semaphore(%run_scoped3A : memref<!tpu.dma_semaphore, #tpu.memory_space<semaphore_mem>>) src(%dma_wait3A_90 : memref<48x128xf32, #tpu.memory_space<vmem>>) dst(%dma_wait3A_87 : memref<48x128xf32, #tpu.memory_space<hbm>>)
      tpu.yield
    }) : () -> ()
    %add3A_48 = arith.constant 240 : i32
    %add3A_49 = arith.addi %mul3A_0, %add3A_48 : i32
    "tpu.region"() ({
      %run_scoped3A = tpu.sem_alloc : memref<!tpu.dma_semaphore, #tpu.memory_space<semaphore_mem>>
      %dma_start3A = arith.constant 0 : i32
      %dma_start3A_69 = arith.constant 0 : i32
      %dma_start3A_70 = tpu.memref_slice %arg10[%dma_start3A, %dma_start3A_69] : memref<80x128xf32, #tpu.memory_space<vmem>> -> memref<48x128xf32, #tpu.memory_space<vmem>>
      %dma_start3A_71 = arith.constant 0 : i32
      %dma_start3A_72 = tpu.memref_slice %arg7[%add3A_49, %dma_start3A_71] : memref<10000x128xf32, #tpu.memory_space<vmem_shared>> -> memref<48x128xf32, #tpu.memory_space<vmem_shared>>
      %dma_start3A_73 = arith.constant 0 : i32
      %dma_start3A_74 = arith.constant 0 : i32
      %dma_start3A_75 = tpu.memref_slice %arg10[%dma_start3A_73, %dma_start3A_74] : memref<80x128xf32, #tpu.memory_space<vmem>> -> memref<48x128xf32, #tpu.memory_space<vmem>>
      %dma_start3A_76 = arith.constant 0 : i32
      %dma_start3A_77 = tpu.memref_slice %arg7[%add3A_49, %dma_start3A_76] : memref<10000x128xf32, #tpu.memory_space<vmem_shared>> -> memref<48x128xf32, #tpu.memory_space<vmem_shared>>
      tpu.enqueue_dma source(%dma_start3A_77 : memref<48x128xf32, #tpu.memory_space<vmem_shared>>) target(%dma_start3A_75 : memref<48x128xf32, #tpu.memory_space<vmem>>) target_semaphore(%run_scoped3A : memref<!tpu.dma_semaphore, #tpu.memory_space<semaphore_mem>>)
      %dma_wait3A = arith.constant 0 : i32
      %dma_wait3A_78 = arith.constant 0 : i32
      %dma_wait3A_79 = tpu.memref_slice %arg10[%dma_wait3A, %dma_wait3A_78] : memref<80x128xf32, #tpu.memory_space<vmem>> -> memref<48x128xf32, #tpu.memory_space<vmem>>
      %dma_wait3A_80 = arith.constant 0 : i32
      %dma_wait3A_81 = tpu.memref_slice %arg7[%add3A_49, %dma_wait3A_80] : memref<10000x128xf32, #tpu.memory_space<vmem_shared>> -> memref<48x128xf32, #tpu.memory_space<vmem_shared>>
      %dma_wait3A_82 = arith.constant 0 : i32
      %dma_wait3A_83 = arith.constant 0 : i32
      %dma_wait3A_84 = tpu.memref_slice %arg10[%dma_wait3A_82, %dma_wait3A_83] : memref<80x128xf32, #tpu.memory_space<vmem>> -> memref<48x128xf32, #tpu.memory_space<vmem>>
      %dma_wait3A_85 = arith.constant 0 : i32
      %dma_wait3A_86 = tpu.memref_slice %arg7[%add3A_49, %dma_wait3A_85] : memref<10000x128xf32, #tpu.memory_space<vmem_shared>> -> memref<48x128xf32, #tpu.memory_space<vmem_shared>>
      tpu.wait_dma2 semaphore(%run_scoped3A : memref<!tpu.dma_semaphore, #tpu.memory_space<semaphore_mem>>) src(%dma_wait3A_86 : memref<48x128xf32, #tpu.memory_space<vmem_shared>>) dst(%dma_wait3A_84 : memref<48x128xf32, #tpu.memory_space<vmem>>)
      tpu.yield
    }) : () -> ()
    "tpu.region"() ({
      %run_scoped3A = tpu.sem_alloc : memref<!tpu.dma_semaphore, #tpu.memory_space<semaphore_mem>>
      %dma_start3A = arith.constant 0 : i32
      %dma_start3A_69 = arith.constant 0 : i32
      %dma_start3A_70 = tpu.memref_slice %arg10[%dma_start3A, %dma_start3A_69] : memref<80x128xf32, #tpu.memory_space<vmem>> -> memref<48x128xf32, #tpu.memory_space<vmem>>
      %dma_start3A_71 = arith.constant 0 : i32
      %dma_start3A_72 = tpu.memref_slice %arg6[%arg0, %add3A_49, %dma_start3A_71] : memref<2x10000x128xf32, #tpu.memory_space<hbm>> -> memref<1x48x128xf32, #tpu.memory_space<hbm>>
      %dma_start3A_73 = tpu.memref_squeeze %dma_start3A_72 : memref<1x48x128xf32, #tpu.memory_space<hbm>> -> memref<48x128xf32, #tpu.memory_space<hbm>>
      %dma_start3A_74 = arith.constant 0 : i32
      %dma_start3A_75 = tpu.memref_slice %arg6[%arg0, %add3A_49, %dma_start3A_74] : memref<2x10000x128xf32, #tpu.memory_space<hbm>> -> memref<1x48x128xf32, #tpu.memory_space<hbm>>
      %dma_start3A_76 = tpu.memref_squeeze %dma_start3A_75 : memref<1x48x128xf32, #tpu.memory_space<hbm>> -> memref<48x128xf32, #tpu.memory_space<hbm>>
      %dma_start3A_77 = arith.constant 0 : i32
      %dma_start3A_78 = arith.constant 0 : i32
      %dma_start3A_79 = tpu.memref_slice %arg10[%dma_start3A_77, %dma_start3A_78] : memref<80x128xf32, #tpu.memory_space<vmem>> -> memref<48x128xf32, #tpu.memory_space<vmem>>
      tpu.enqueue_dma source(%dma_start3A_79 : memref<48x128xf32, #tpu.memory_space<vmem>>) target(%dma_start3A_76 : memref<48x128xf32, #tpu.memory_space<hbm>>) target_semaphore(%run_scoped3A : memref<!tpu.dma_semaphore, #tpu.memory_space<semaphore_mem>>)
      %dma_wait3A = arith.constant 0 : i32
      %dma_wait3A_80 = arith.constant 0 : i32
      %dma_wait3A_81 = tpu.memref_slice %arg10[%dma_wait3A, %dma_wait3A_80] : memref<80x128xf32, #tpu.memory_space<vmem>> -> memref<48x128xf32, #tpu.memory_space<vmem>>
      %dma_wait3A_82 = arith.constant 0 : i32
      %dma_wait3A_83 = tpu.memref_slice %arg6[%arg0, %add3A_49, %dma_wait3A_82] : memref<2x10000x128xf32, #tpu.memory_space<hbm>> -> memref<1x48x128xf32, #tpu.memory_space<hbm>>
      %dma_wait3A_84 = tpu.memref_squeeze %dma_wait3A_83 : memref<1x48x128xf32, #tpu.memory_space<hbm>> -> memref<48x128xf32, #tpu.memory_space<hbm>>
      %dma_wait3A_85 = arith.constant 0 : i32
      %dma_wait3A_86 = tpu.memref_slice %arg6[%arg0, %add3A_49, %dma_wait3A_85] : memref<2x10000x128xf32, #tpu.memory_space<hbm>> -> memref<1x48x128xf32, #tpu.memory_space<hbm>>
      %dma_wait3A_87 = tpu.memref_squeeze %dma_wait3A_86 : memref<1x48x128xf32, #tpu.memory_space<hbm>> -> memref<48x128xf32, #tpu.memory_space<hbm>>
      %dma_wait3A_88 = arith.constant 0 : i32
      %dma_wait3A_89 = arith.constant 0 : i32
      %dma_wait3A_90 = tpu.memref_slice %arg10[%dma_wait3A_88, %dma_wait3A_89] : memref<80x128xf32, #tpu.memory_space<vmem>> -> memref<48x128xf32, #tpu.memory_space<vmem>>
      tpu.wait_dma2 semaphore(%run_scoped3A : memref<!tpu.dma_semaphore, #tpu.memory_space<semaphore_mem>>) src(%dma_wait3A_90 : memref<48x128xf32, #tpu.memory_space<vmem>>) dst(%dma_wait3A_87 : memref<48x128xf32, #tpu.memory_space<hbm>>)
      tpu.yield
    }) : () -> ()
    %add3A_50 = arith.constant 288 : i32
    %add3A_51 = arith.addi %mul3A_0, %add3A_50 : i32
    "tpu.region"() ({
      %run_scoped3A = tpu.sem_alloc : memref<!tpu.dma_semaphore, #tpu.memory_space<semaphore_mem>>
      %dma_start3A = arith.constant 0 : i32
      %dma_start3A_69 = arith.constant 0 : i32
      %dma_start3A_70 = tpu.memref_slice %arg10[%dma_start3A, %dma_start3A_69] : memref<80x128xf32, #tpu.memory_space<vmem>> -> memref<48x128xf32, #tpu.memory_space<vmem>>
      %dma_start3A_71 = arith.constant 0 : i32
      %dma_start3A_72 = tpu.memref_slice %arg7[%add3A_51, %dma_start3A_71] : memref<10000x128xf32, #tpu.memory_space<vmem_shared>> -> memref<48x128xf32, #tpu.memory_space<vmem_shared>>
      %dma_start3A_73 = arith.constant 0 : i32
      %dma_start3A_74 = arith.constant 0 : i32
      %dma_start3A_75 = tpu.memref_slice %arg10[%dma_start3A_73, %dma_start3A_74] : memref<80x128xf32, #tpu.memory_space<vmem>> -> memref<48x128xf32, #tpu.memory_space<vmem>>
      %dma_start3A_76 = arith.constant 0 : i32
      %dma_start3A_77 = tpu.memref_slice %arg7[%add3A_51, %dma_start3A_76] : memref<10000x128xf32, #tpu.memory_space<vmem_shared>> -> memref<48x128xf32, #tpu.memory_space<vmem_shared>>
      tpu.enqueue_dma source(%dma_start3A_77 : memref<48x128xf32, #tpu.memory_space<vmem_shared>>) target(%dma_start3A_75 : memref<48x128xf32, #tpu.memory_space<vmem>>) target_semaphore(%run_scoped3A : memref<!tpu.dma_semaphore, #tpu.memory_space<semaphore_mem>>)
      %dma_wait3A = arith.constant 0 : i32
      %dma_wait3A_78 = arith.constant 0 : i32
      %dma_wait3A_79 = tpu.memref_slice %arg10[%dma_wait3A, %dma_wait3A_78] : memref<80x128xf32, #tpu.memory_space<vmem>> -> memref<48x128xf32, #tpu.memory_space<vmem>>
      %dma_wait3A_80 = arith.constant 0 : i32
      %dma_wait3A_81 = tpu.memref_slice %arg7[%add3A_51, %dma_wait3A_80] : memref<10000x128xf32, #tpu.memory_space<vmem_shared>> -> memref<48x128xf32, #tpu.memory_space<vmem_shared>>
      %dma_wait3A_82 = arith.constant 0 : i32
      %dma_wait3A_83 = arith.constant 0 : i32
      %dma_wait3A_84 = tpu.memref_slice %arg10[%dma_wait3A_82, %dma_wait3A_83] : memref<80x128xf32, #tpu.memory_space<vmem>> -> memref<48x128xf32, #tpu.memory_space<vmem>>
      %dma_wait3A_85 = arith.constant 0 : i32
      %dma_wait3A_86 = tpu.memref_slice %arg7[%add3A_51, %dma_wait3A_85] : memref<10000x128xf32, #tpu.memory_space<vmem_shared>> -> memref<48x128xf32, #tpu.memory_space<vmem_shared>>
      tpu.wait_dma2 semaphore(%run_scoped3A : memref<!tpu.dma_semaphore, #tpu.memory_space<semaphore_mem>>) src(%dma_wait3A_86 : memref<48x128xf32, #tpu.memory_space<vmem_shared>>) dst(%dma_wait3A_84 : memref<48x128xf32, #tpu.memory_space<vmem>>)
      tpu.yield
    }) : () -> ()
    "tpu.region"() ({
      %run_scoped3A = tpu.sem_alloc : memref<!tpu.dma_semaphore, #tpu.memory_space<semaphore_mem>>
      %dma_start3A = arith.constant 0 : i32
      %dma_start3A_69 = arith.constant 0 : i32
      %dma_start3A_70 = tpu.memref_slice %arg10[%dma_start3A, %dma_start3A_69] : memref<80x128xf32, #tpu.memory_space<vmem>> -> memref<48x128xf32, #tpu.memory_space<vmem>>
      %dma_start3A_71 = arith.constant 0 : i32
      %dma_start3A_72 = tpu.memref_slice %arg6[%arg0, %add3A_51, %dma_start3A_71] : memref<2x10000x128xf32, #tpu.memory_space<hbm>> -> memref<1x48x128xf32, #tpu.memory_space<hbm>>
      %dma_start3A_73 = tpu.memref_squeeze %dma_start3A_72 : memref<1x48x128xf32, #tpu.memory_space<hbm>> -> memref<48x128xf32, #tpu.memory_space<hbm>>
      %dma_start3A_74 = arith.constant 0 : i32
      %dma_start3A_75 = tpu.memref_slice %arg6[%arg0, %add3A_51, %dma_start3A_74] : memref<2x10000x128xf32, #tpu.memory_space<hbm>> -> memref<1x48x128xf32, #tpu.memory_space<hbm>>
      %dma_start3A_76 = tpu.memref_squeeze %dma_start3A_75 : memref<1x48x128xf32, #tpu.memory_space<hbm>> -> memref<48x128xf32, #tpu.memory_space<hbm>>
      %dma_start3A_77 = arith.constant 0 : i32
      %dma_start3A_78 = arith.constant 0 : i32
      %dma_start3A_79 = tpu.memref_slice %arg10[%dma_start3A_77, %dma_start3A_78] : memref<80x128xf32, #tpu.memory_space<vmem>> -> memref<48x128xf32, #tpu.memory_space<vmem>>
      tpu.enqueue_dma source(%dma_start3A_79 : memref<48x128xf32, #tpu.memory_space<vmem>>) target(%dma_start3A_76 : memref<48x128xf32, #tpu.memory_space<hbm>>) target_semaphore(%run_scoped3A : memref<!tpu.dma_semaphore, #tpu.memory_space<semaphore_mem>>)
      %dma_wait3A = arith.constant 0 : i32
      %dma_wait3A_80 = arith.constant 0 : i32
      %dma_wait3A_81 = tpu.memref_slice %arg10[%dma_wait3A, %dma_wait3A_80] : memref<80x128xf32, #tpu.memory_space<vmem>> -> memref<48x128xf32, #tpu.memory_space<vmem>>
      %dma_wait3A_82 = arith.constant 0 : i32
      %dma_wait3A_83 = tpu.memref_slice %arg6[%arg0, %add3A_51, %dma_wait3A_82] : memref<2x10000x128xf32, #tpu.memory_space<hbm>> -> memref<1x48x128xf32, #tpu.memory_space<hbm>>
      %dma_wait3A_84 = tpu.memref_squeeze %dma_wait3A_83 : memref<1x48x128xf32, #tpu.memory_space<hbm>> -> memref<48x128xf32, #tpu.memory_space<hbm>>
      %dma_wait3A_85 = arith.constant 0 : i32
      %dma_wait3A_86 = tpu.memref_slice %arg6[%arg0, %add3A_51, %dma_wait3A_85] : memref<2x10000x128xf32, #tpu.memory_space<hbm>> -> memref<1x48x128xf32, #tpu.memory_space<hbm>>
      %dma_wait3A_87 = tpu.memref_squeeze %dma_wait3A_86 : memref<1x48x128xf32, #tpu.memory_space<hbm>> -> memref<48x128xf32, #tpu.memory_space<hbm>>
      %dma_wait3A_88 = arith.constant 0 : i32
      %dma_wait3A_89 = arith.constant 0 : i32
      %dma_wait3A_90 = tpu.memref_slice %arg10[%dma_wait3A_88, %dma_wait3A_89] : memref<80x128xf32, #tpu.memory_space<vmem>> -> memref<48x128xf32, #tpu.memory_space<vmem>>
      tpu.wait_dma2 semaphore(%run_scoped3A : memref<!tpu.dma_semaphore, #tpu.memory_space<semaphore_mem>>) src(%dma_wait3A_90 : memref<48x128xf32, #tpu.memory_space<vmem>>) dst(%dma_wait3A_87 : memref<48x128xf32, #tpu.memory_space<hbm>>)
      tpu.yield
    }) : () -> ()
    %add3A_52 = arith.constant 336 : i32
    %add3A_53 = arith.addi %mul3A_0, %add3A_52 : i32
    "tpu.region"() ({
      %run_scoped3A = tpu.sem_alloc : memref<!tpu.dma_semaphore, #tpu.memory_space<semaphore_mem>>
      %dma_start3A = arith.constant 0 : i32
      %dma_start3A_69 = arith.constant 0 : i32
      %dma_start3A_70 = tpu.memref_slice %arg10[%dma_start3A, %dma_start3A_69] : memref<80x128xf32, #tpu.memory_space<vmem>> -> memref<48x128xf32, #tpu.memory_space<vmem>>
      %dma_start3A_71 = arith.constant 0 : i32
      %dma_start3A_72 = tpu.memref_slice %arg7[%add3A_53, %dma_start3A_71] : memref<10000x128xf32, #tpu.memory_space<vmem_shared>> -> memref<48x128xf32, #tpu.memory_space<vmem_shared>>
      %dma_start3A_73 = arith.constant 0 : i32
      %dma_start3A_74 = arith.constant 0 : i32
      %dma_start3A_75 = tpu.memref_slice %arg10[%dma_start3A_73, %dma_start3A_74] : memref<80x128xf32, #tpu.memory_space<vmem>> -> memref<48x128xf32, #tpu.memory_space<vmem>>
      %dma_start3A_76 = arith.constant 0 : i32
      %dma_start3A_77 = tpu.memref_slice %arg7[%add3A_53, %dma_start3A_76] : memref<10000x128xf32, #tpu.memory_space<vmem_shared>> -> memref<48x128xf32, #tpu.memory_space<vmem_shared>>
      tpu.enqueue_dma source(%dma_start3A_77 : memref<48x128xf32, #tpu.memory_space<vmem_shared>>) target(%dma_start3A_75 : memref<48x128xf32, #tpu.memory_space<vmem>>) target_semaphore(%run_scoped3A : memref<!tpu.dma_semaphore, #tpu.memory_space<semaphore_mem>>)
      %dma_wait3A = arith.constant 0 : i32
      %dma_wait3A_78 = arith.constant 0 : i32
      %dma_wait3A_79 = tpu.memref_slice %arg10[%dma_wait3A, %dma_wait3A_78] : memref<80x128xf32, #tpu.memory_space<vmem>> -> memref<48x128xf32, #tpu.memory_space<vmem>>
      %dma_wait3A_80 = arith.constant 0 : i32
      %dma_wait3A_81 = tpu.memref_slice %arg7[%add3A_53, %dma_wait3A_80] : memref<10000x128xf32, #tpu.memory_space<vmem_shared>> -> memref<48x128xf32, #tpu.memory_space<vmem_shared>>
      %dma_wait3A_82 = arith.constant 0 : i32
      %dma_wait3A_83 = arith.constant 0 : i32
      %dma_wait3A_84 = tpu.memref_slice %arg10[%dma_wait3A_82, %dma_wait3A_83] : memref<80x128xf32, #tpu.memory_space<vmem>> -> memref<48x128xf32, #tpu.memory_space<vmem>>
      %dma_wait3A_85 = arith.constant 0 : i32
      %dma_wait3A_86 = tpu.memref_slice %arg7[%add3A_53, %dma_wait3A_85] : memref<10000x128xf32, #tpu.memory_space<vmem_shared>> -> memref<48x128xf32, #tpu.memory_space<vmem_shared>>
      tpu.wait_dma2 semaphore(%run_scoped3A : memref<!tpu.dma_semaphore, #tpu.memory_space<semaphore_mem>>) src(%dma_wait3A_86 : memref<48x128xf32, #tpu.memory_space<vmem_shared>>) dst(%dma_wait3A_84 : memref<48x128xf32, #tpu.memory_space<vmem>>)
      tpu.yield
    }) : () -> ()
    "tpu.region"() ({
      %run_scoped3A = tpu.sem_alloc : memref<!tpu.dma_semaphore, #tpu.memory_space<semaphore_mem>>
      %dma_start3A = arith.constant 0 : i32
      %dma_start3A_69 = arith.constant 0 : i32
      %dma_start3A_70 = tpu.memref_slice %arg10[%dma_start3A, %dma_start3A_69] : memref<80x128xf32, #tpu.memory_space<vmem>> -> memref<48x128xf32, #tpu.memory_space<vmem>>
      %dma_start3A_71 = arith.constant 0 : i32
      %dma_start3A_72 = tpu.memref_slice %arg6[%arg0, %add3A_53, %dma_start3A_71] : memref<2x10000x128xf32, #tpu.memory_space<hbm>> -> memref<1x48x128xf32, #tpu.memory_space<hbm>>
      %dma_start3A_73 = tpu.memref_squeeze %dma_start3A_72 : memref<1x48x128xf32, #tpu.memory_space<hbm>> -> memref<48x128xf32, #tpu.memory_space<hbm>>
      %dma_start3A_74 = arith.constant 0 : i32
      %dma_start3A_75 = tpu.memref_slice %arg6[%arg0, %add3A_53, %dma_start3A_74] : memref<2x10000x128xf32, #tpu.memory_space<hbm>> -> memref<1x48x128xf32, #tpu.memory_space<hbm>>
      %dma_start3A_76 = tpu.memref_squeeze %dma_start3A_75 : memref<1x48x128xf32, #tpu.memory_space<hbm>> -> memref<48x128xf32, #tpu.memory_space<hbm>>
      %dma_start3A_77 = arith.constant 0 : i32
      %dma_start3A_78 = arith.constant 0 : i32
      %dma_start3A_79 = tpu.memref_slice %arg10[%dma_start3A_77, %dma_start3A_78] : memref<80x128xf32, #tpu.memory_space<vmem>> -> memref<48x128xf32, #tpu.memory_space<vmem>>
      tpu.enqueue_dma source(%dma_start3A_79 : memref<48x128xf32, #tpu.memory_space<vmem>>) target(%dma_start3A_76 : memref<48x128xf32, #tpu.memory_space<hbm>>) target_semaphore(%run_scoped3A : memref<!tpu.dma_semaphore, #tpu.memory_space<semaphore_mem>>)
      %dma_wait3A = arith.constant 0 : i32
      %dma_wait3A_80 = arith.constant 0 : i32
      %dma_wait3A_81 = tpu.memref_slice %arg10[%dma_wait3A, %dma_wait3A_80] : memref<80x128xf32, #tpu.memory_space<vmem>> -> memref<48x128xf32, #tpu.memory_space<vmem>>
      %dma_wait3A_82 = arith.constant 0 : i32
      %dma_wait3A_83 = tpu.memref_slice %arg6[%arg0, %add3A_53, %dma_wait3A_82] : memref<2x10000x128xf32, #tpu.memory_space<hbm>> -> memref<1x48x128xf32, #tpu.memory_space<hbm>>
      %dma_wait3A_84 = tpu.memref_squeeze %dma_wait3A_83 : memref<1x48x128xf32, #tpu.memory_space<hbm>> -> memref<48x128xf32, #tpu.memory_space<hbm>>
      %dma_wait3A_85 = arith.constant 0 : i32
      %dma_wait3A_86 = tpu.memref_slice %arg6[%arg0, %add3A_53, %dma_wait3A_85] : memref<2x10000x128xf32, #tpu.memory_space<hbm>> -> memref<1x48x128xf32, #tpu.memory_space<hbm>>
      %dma_wait3A_87 = tpu.memref_squeeze %dma_wait3A_86 : memref<1x48x128xf32, #tpu.memory_space<hbm>> -> memref<48x128xf32, #tpu.memory_space<hbm>>
      %dma_wait3A_88 = arith.constant 0 : i32
      %dma_wait3A_89 = arith.constant 0 : i32
      %dma_wait3A_90 = tpu.memref_slice %arg10[%dma_wait3A_88, %dma_wait3A_89] : memref<80x128xf32, #tpu.memory_space<vmem>> -> memref<48x128xf32, #tpu.memory_space<vmem>>
      tpu.wait_dma2 semaphore(%run_scoped3A : memref<!tpu.dma_semaphore, #tpu.memory_space<semaphore_mem>>) src(%dma_wait3A_90 : memref<48x128xf32, #tpu.memory_space<vmem>>) dst(%dma_wait3A_87 : memref<48x128xf32, #tpu.memory_space<hbm>>)
      tpu.yield
    }) : () -> ()
    %add3A_54 = arith.constant 384 : i32
    %add3A_55 = arith.addi %mul3A_0, %add3A_54 : i32
    "tpu.region"() ({
      %run_scoped3A = tpu.sem_alloc : memref<!tpu.dma_semaphore, #tpu.memory_space<semaphore_mem>>
      %dma_start3A = arith.constant 0 : i32
      %dma_start3A_69 = arith.constant 0 : i32
      %dma_start3A_70 = tpu.memref_slice %arg10[%dma_start3A, %dma_start3A_69] : memref<80x128xf32, #tpu.memory_space<vmem>> -> memref<48x128xf32, #tpu.memory_space<vmem>>
      %dma_start3A_71 = arith.constant 0 : i32
      %dma_start3A_72 = tpu.memref_slice %arg7[%add3A_55, %dma_start3A_71] : memref<10000x128xf32, #tpu.memory_space<vmem_shared>> -> memref<48x128xf32, #tpu.memory_space<vmem_shared>>
      %dma_start3A_73 = arith.constant 0 : i32
      %dma_start3A_74 = arith.constant 0 : i32
      %dma_start3A_75 = tpu.memref_slice %arg10[%dma_start3A_73, %dma_start3A_74] : memref<80x128xf32, #tpu.memory_space<vmem>> -> memref<48x128xf32, #tpu.memory_space<vmem>>
      %dma_start3A_76 = arith.constant 0 : i32
      %dma_start3A_77 = tpu.memref_slice %arg7[%add3A_55, %dma_start3A_76] : memref<10000x128xf32, #tpu.memory_space<vmem_shared>> -> memref<48x128xf32, #tpu.memory_space<vmem_shared>>
      tpu.enqueue_dma source(%dma_start3A_77 : memref<48x128xf32, #tpu.memory_space<vmem_shared>>) target(%dma_start3A_75 : memref<48x128xf32, #tpu.memory_space<vmem>>) target_semaphore(%run_scoped3A : memref<!tpu.dma_semaphore, #tpu.memory_space<semaphore_mem>>)
      %dma_wait3A = arith.constant 0 : i32
      %dma_wait3A_78 = arith.constant 0 : i32
      %dma_wait3A_79 = tpu.memref_slice %arg10[%dma_wait3A, %dma_wait3A_78] : memref<80x128xf32, #tpu.memory_space<vmem>> -> memref<48x128xf32, #tpu.memory_space<vmem>>
      %dma_wait3A_80 = arith.constant 0 : i32
      %dma_wait3A_81 = tpu.memref_slice %arg7[%add3A_55, %dma_wait3A_80] : memref<10000x128xf32, #tpu.memory_space<vmem_shared>> -> memref<48x128xf32, #tpu.memory_space<vmem_shared>>
      %dma_wait3A_82 = arith.constant 0 : i32
      %dma_wait3A_83 = arith.constant 0 : i32
      %dma_wait3A_84 = tpu.memref_slice %arg10[%dma_wait3A_82, %dma_wait3A_83] : memref<80x128xf32, #tpu.memory_space<vmem>> -> memref<48x128xf32, #tpu.memory_space<vmem>>
      %dma_wait3A_85 = arith.constant 0 : i32
      %dma_wait3A_86 = tpu.memref_slice %arg7[%add3A_55, %dma_wait3A_85] : memref<10000x128xf32, #tpu.memory_space<vmem_shared>> -> memref<48x128xf32, #tpu.memory_space<vmem_shared>>
      tpu.wait_dma2 semaphore(%run_scoped3A : memref<!tpu.dma_semaphore, #tpu.memory_space<semaphore_mem>>) src(%dma_wait3A_86 : memref<48x128xf32, #tpu.memory_space<vmem_shared>>) dst(%dma_wait3A_84 : memref<48x128xf32, #tpu.memory_space<vmem>>)
      tpu.yield
    }) : () -> ()
    "tpu.region"() ({
      %run_scoped3A = tpu.sem_alloc : memref<!tpu.dma_semaphore, #tpu.memory_space<semaphore_mem>>
      %dma_start3A = arith.constant 0 : i32
      %dma_start3A_69 = arith.constant 0 : i32
      %dma_start3A_70 = tpu.memref_slice %arg10[%dma_start3A, %dma_start3A_69] : memref<80x128xf32, #tpu.memory_space<vmem>> -> memref<48x128xf32, #tpu.memory_space<vmem>>
      %dma_start3A_71 = arith.constant 0 : i32
      %dma_start3A_72 = tpu.memref_slice %arg6[%arg0, %add3A_55, %dma_start3A_71] : memref<2x10000x128xf32, #tpu.memory_space<hbm>> -> memref<1x48x128xf32, #tpu.memory_space<hbm>>
      %dma_start3A_73 = tpu.memref_squeeze %dma_start3A_72 : memref<1x48x128xf32, #tpu.memory_space<hbm>> -> memref<48x128xf32, #tpu.memory_space<hbm>>
      %dma_start3A_74 = arith.constant 0 : i32
      %dma_start3A_75 = tpu.memref_slice %arg6[%arg0, %add3A_55, %dma_start3A_74] : memref<2x10000x128xf32, #tpu.memory_space<hbm>> -> memref<1x48x128xf32, #tpu.memory_space<hbm>>
      %dma_start3A_76 = tpu.memref_squeeze %dma_start3A_75 : memref<1x48x128xf32, #tpu.memory_space<hbm>> -> memref<48x128xf32, #tpu.memory_space<hbm>>
      %dma_start3A_77 = arith.constant 0 : i32
      %dma_start3A_78 = arith.constant 0 : i32
      %dma_start3A_79 = tpu.memref_slice %arg10[%dma_start3A_77, %dma_start3A_78] : memref<80x128xf32, #tpu.memory_space<vmem>> -> memref<48x128xf32, #tpu.memory_space<vmem>>
      tpu.enqueue_dma source(%dma_start3A_79 : memref<48x128xf32, #tpu.memory_space<vmem>>) target(%dma_start3A_76 : memref<48x128xf32, #tpu.memory_space<hbm>>) target_semaphore(%run_scoped3A : memref<!tpu.dma_semaphore, #tpu.memory_space<semaphore_mem>>)
      %dma_wait3A = arith.constant 0 : i32
      %dma_wait3A_80 = arith.constant 0 : i32
      %dma_wait3A_81 = tpu.memref_slice %arg10[%dma_wait3A, %dma_wait3A_80] : memref<80x128xf32, #tpu.memory_space<vmem>> -> memref<48x128xf32, #tpu.memory_space<vmem>>
      %dma_wait3A_82 = arith.constant 0 : i32
      %dma_wait3A_83 = tpu.memref_slice %arg6[%arg0, %add3A_55, %dma_wait3A_82] : memref<2x10000x128xf32, #tpu.memory_space<hbm>> -> memref<1x48x128xf32, #tpu.memory_space<hbm>>
      %dma_wait3A_84 = tpu.memref_squeeze %dma_wait3A_83 : memref<1x48x128xf32, #tpu.memory_space<hbm>> -> memref<48x128xf32, #tpu.memory_space<hbm>>
      %dma_wait3A_85 = arith.constant 0 : i32
      %dma_wait3A_86 = tpu.memref_slice %arg6[%arg0, %add3A_55, %dma_wait3A_85] : memref<2x10000x128xf32, #tpu.memory_space<hbm>> -> memref<1x48x128xf32, #tpu.memory_space<hbm>>
      %dma_wait3A_87 = tpu.memref_squeeze %dma_wait3A_86 : memref<1x48x128xf32, #tpu.memory_space<hbm>> -> memref<48x128xf32, #tpu.memory_space<hbm>>
      %dma_wait3A_88 = arith.constant 0 : i32
      %dma_wait3A_89 = arith.constant 0 : i32
      %dma_wait3A_90 = tpu.memref_slice %arg10[%dma_wait3A_88, %dma_wait3A_89] : memref<80x128xf32, #tpu.memory_space<vmem>> -> memref<48x128xf32, #tpu.memory_space<vmem>>
      tpu.wait_dma2 semaphore(%run_scoped3A : memref<!tpu.dma_semaphore, #tpu.memory_space<semaphore_mem>>) src(%dma_wait3A_90 : memref<48x128xf32, #tpu.memory_space<vmem>>) dst(%dma_wait3A_87 : memref<48x128xf32, #tpu.memory_space<hbm>>)
      tpu.yield
    }) : () -> ()
    %add3A_56 = arith.constant 432 : i32
    %add3A_57 = arith.addi %mul3A_0, %add3A_56 : i32
    "tpu.region"() ({
      %run_scoped3A = tpu.sem_alloc : memref<!tpu.dma_semaphore, #tpu.memory_space<semaphore_mem>>
      %dma_start3A = arith.constant 0 : i32
      %dma_start3A_69 = arith.constant 0 : i32
      %dma_start3A_70 = tpu.memref_slice %arg10[%dma_start3A, %dma_start3A_69] : memref<80x128xf32, #tpu.memory_space<vmem>> -> memref<48x128xf32, #tpu.memory_space<vmem>>
      %dma_start3A_71 = arith.constant 0 : i32
      %dma_start3A_72 = tpu.memref_slice %arg7[%add3A_57, %dma_start3A_71] : memref<10000x128xf32, #tpu.memory_space<vmem_shared>> -> memref<48x128xf32, #tpu.memory_space<vmem_shared>>
      %dma_start3A_73 = arith.constant 0 : i32
      %dma_start3A_74 = arith.constant 0 : i32
      %dma_start3A_75 = tpu.memref_slice %arg10[%dma_start3A_73, %dma_start3A_74] : memref<80x128xf32, #tpu.memory_space<vmem>> -> memref<48x128xf32, #tpu.memory_space<vmem>>
      %dma_start3A_76 = arith.constant 0 : i32
      %dma_start3A_77 = tpu.memref_slice %arg7[%add3A_57, %dma_start3A_76] : memref<10000x128xf32, #tpu.memory_space<vmem_shared>> -> memref<48x128xf32, #tpu.memory_space<vmem_shared>>
      tpu.enqueue_dma source(%dma_start3A_77 : memref<48x128xf32, #tpu.memory_space<vmem_shared>>) target(%dma_start3A_75 : memref<48x128xf32, #tpu.memory_space<vmem>>) target_semaphore(%run_scoped3A : memref<!tpu.dma_semaphore, #tpu.memory_space<semaphore_mem>>)
      %dma_wait3A = arith.constant 0 : i32
      %dma_wait3A_78 = arith.constant 0 : i32
      %dma_wait3A_79 = tpu.memref_slice %arg10[%dma_wait3A, %dma_wait3A_78] : memref<80x128xf32, #tpu.memory_space<vmem>> -> memref<48x128xf32, #tpu.memory_space<vmem>>
      %dma_wait3A_80 = arith.constant 0 : i32
      %dma_wait3A_81 = tpu.memref_slice %arg7[%add3A_57, %dma_wait3A_80] : memref<10000x128xf32, #tpu.memory_space<vmem_shared>> -> memref<48x128xf32, #tpu.memory_space<vmem_shared>>
      %dma_wait3A_82 = arith.constant 0 : i32
      %dma_wait3A_83 = arith.constant 0 : i32
      %dma_wait3A_84 = tpu.memref_slice %arg10[%dma_wait3A_82, %dma_wait3A_83] : memref<80x128xf32, #tpu.memory_space<vmem>> -> memref<48x128xf32, #tpu.memory_space<vmem>>
      %dma_wait3A_85 = arith.constant 0 : i32
      %dma_wait3A_86 = tpu.memref_slice %arg7[%add3A_57, %dma_wait3A_85] : memref<10000x128xf32, #tpu.memory_space<vmem_shared>> -> memref<48x128xf32, #tpu.memory_space<vmem_shared>>
      tpu.wait_dma2 semaphore(%run_scoped3A : memref<!tpu.dma_semaphore, #tpu.memory_space<semaphore_mem>>) src(%dma_wait3A_86 : memref<48x128xf32, #tpu.memory_space<vmem_shared>>) dst(%dma_wait3A_84 : memref<48x128xf32, #tpu.memory_space<vmem>>)
      tpu.yield
    }) : () -> ()
    "tpu.region"() ({
      %run_scoped3A = tpu.sem_alloc : memref<!tpu.dma_semaphore, #tpu.memory_space<semaphore_mem>>
      %dma_start3A = arith.constant 0 : i32
      %dma_start3A_69 = arith.constant 0 : i32
      %dma_start3A_70 = tpu.memref_slice %arg10[%dma_start3A, %dma_start3A_69] : memref<80x128xf32, #tpu.memory_space<vmem>> -> memref<48x128xf32, #tpu.memory_space<vmem>>
      %dma_start3A_71 = arith.constant 0 : i32
      %dma_start3A_72 = tpu.memref_slice %arg6[%arg0, %add3A_57, %dma_start3A_71] : memref<2x10000x128xf32, #tpu.memory_space<hbm>> -> memref<1x48x128xf32, #tpu.memory_space<hbm>>
      %dma_start3A_73 = tpu.memref_squeeze %dma_start3A_72 : memref<1x48x128xf32, #tpu.memory_space<hbm>> -> memref<48x128xf32, #tpu.memory_space<hbm>>
      %dma_start3A_74 = arith.constant 0 : i32
      %dma_start3A_75 = tpu.memref_slice %arg6[%arg0, %add3A_57, %dma_start3A_74] : memref<2x10000x128xf32, #tpu.memory_space<hbm>> -> memref<1x48x128xf32, #tpu.memory_space<hbm>>
      %dma_start3A_76 = tpu.memref_squeeze %dma_start3A_75 : memref<1x48x128xf32, #tpu.memory_space<hbm>> -> memref<48x128xf32, #tpu.memory_space<hbm>>
      %dma_start3A_77 = arith.constant 0 : i32
      %dma_start3A_78 = arith.constant 0 : i32
      %dma_start3A_79 = tpu.memref_slice %arg10[%dma_start3A_77, %dma_start3A_78] : memref<80x128xf32, #tpu.memory_space<vmem>> -> memref<48x128xf32, #tpu.memory_space<vmem>>
      tpu.enqueue_dma source(%dma_start3A_79 : memref<48x128xf32, #tpu.memory_space<vmem>>) target(%dma_start3A_76 : memref<48x128xf32, #tpu.memory_space<hbm>>) target_semaphore(%run_scoped3A : memref<!tpu.dma_semaphore, #tpu.memory_space<semaphore_mem>>)
      %dma_wait3A = arith.constant 0 : i32
      %dma_wait3A_80 = arith.constant 0 : i32
      %dma_wait3A_81 = tpu.memref_slice %arg10[%dma_wait3A, %dma_wait3A_80] : memref<80x128xf32, #tpu.memory_space<vmem>> -> memref<48x128xf32, #tpu.memory_space<vmem>>
      %dma_wait3A_82 = arith.constant 0 : i32
      %dma_wait3A_83 = tpu.memref_slice %arg6[%arg0, %add3A_57, %dma_wait3A_82] : memref<2x10000x128xf32, #tpu.memory_space<hbm>> -> memref<1x48x128xf32, #tpu.memory_space<hbm>>
      %dma_wait3A_84 = tpu.memref_squeeze %dma_wait3A_83 : memref<1x48x128xf32, #tpu.memory_space<hbm>> -> memref<48x128xf32, #tpu.memory_space<hbm>>
      %dma_wait3A_85 = arith.constant 0 : i32
      %dma_wait3A_86 = tpu.memref_slice %arg6[%arg0, %add3A_57, %dma_wait3A_85] : memref<2x10000x128xf32, #tpu.memory_space<hbm>> -> memref<1x48x128xf32, #tpu.memory_space<hbm>>
      %dma_wait3A_87 = tpu.memref_squeeze %dma_wait3A_86 : memref<1x48x128xf32, #tpu.memory_space<hbm>> -> memref<48x128xf32, #tpu.memory_space<hbm>>
      %dma_wait3A_88 = arith.constant 0 : i32
      %dma_wait3A_89 = arith.constant 0 : i32
      %dma_wait3A_90 = tpu.memref_slice %arg10[%dma_wait3A_88, %dma_wait3A_89] : memref<80x128xf32, #tpu.memory_space<vmem>> -> memref<48x128xf32, #tpu.memory_space<vmem>>
      tpu.wait_dma2 semaphore(%run_scoped3A : memref<!tpu.dma_semaphore, #tpu.memory_space<semaphore_mem>>) src(%dma_wait3A_90 : memref<48x128xf32, #tpu.memory_space<vmem>>) dst(%dma_wait3A_87 : memref<48x128xf32, #tpu.memory_space<hbm>>)
      tpu.yield
    }) : () -> ()
    %add3A_58 = arith.constant 480 : i32
    %add3A_59 = arith.addi %mul3A_0, %add3A_58 : i32
    "tpu.region"() ({
      %run_scoped3A = tpu.sem_alloc : memref<!tpu.dma_semaphore, #tpu.memory_space<semaphore_mem>>
      %dma_start3A = arith.constant 0 : i32
      %dma_start3A_69 = arith.constant 0 : i32
      %dma_start3A_70 = tpu.memref_slice %arg10[%dma_start3A, %dma_start3A_69] : memref<80x128xf32, #tpu.memory_space<vmem>> -> memref<48x128xf32, #tpu.memory_space<vmem>>
      %dma_start3A_71 = arith.constant 0 : i32
      %dma_start3A_72 = tpu.memref_slice %arg7[%add3A_59, %dma_start3A_71] : memref<10000x128xf32, #tpu.memory_space<vmem_shared>> -> memref<48x128xf32, #tpu.memory_space<vmem_shared>>
      %dma_start3A_73 = arith.constant 0 : i32
      %dma_start3A_74 = arith.constant 0 : i32
      %dma_start3A_75 = tpu.memref_slice %arg10[%dma_start3A_73, %dma_start3A_74] : memref<80x128xf32, #tpu.memory_space<vmem>> -> memref<48x128xf32, #tpu.memory_space<vmem>>
      %dma_start3A_76 = arith.constant 0 : i32
      %dma_start3A_77 = tpu.memref_slice %arg7[%add3A_59, %dma_start3A_76] : memref<10000x128xf32, #tpu.memory_space<vmem_shared>> -> memref<48x128xf32, #tpu.memory_space<vmem_shared>>
      tpu.enqueue_dma source(%dma_start3A_77 : memref<48x128xf32, #tpu.memory_space<vmem_shared>>) target(%dma_start3A_75 : memref<48x128xf32, #tpu.memory_space<vmem>>) target_semaphore(%run_scoped3A : memref<!tpu.dma_semaphore, #tpu.memory_space<semaphore_mem>>)
      %dma_wait3A = arith.constant 0 : i32
      %dma_wait3A_78 = arith.constant 0 : i32
      %dma_wait3A_79 = tpu.memref_slice %arg10[%dma_wait3A, %dma_wait3A_78] : memref<80x128xf32, #tpu.memory_space<vmem>> -> memref<48x128xf32, #tpu.memory_space<vmem>>
      %dma_wait3A_80 = arith.constant 0 : i32
      %dma_wait3A_81 = tpu.memref_slice %arg7[%add3A_59, %dma_wait3A_80] : memref<10000x128xf32, #tpu.memory_space<vmem_shared>> -> memref<48x128xf32, #tpu.memory_space<vmem_shared>>
      %dma_wait3A_82 = arith.constant 0 : i32
      %dma_wait3A_83 = arith.constant 0 : i32
      %dma_wait3A_84 = tpu.memref_slice %arg10[%dma_wait3A_82, %dma_wait3A_83] : memref<80x128xf32, #tpu.memory_space<vmem>> -> memref<48x128xf32, #tpu.memory_space<vmem>>
      %dma_wait3A_85 = arith.constant 0 : i32
      %dma_wait3A_86 = tpu.memref_slice %arg7[%add3A_59, %dma_wait3A_85] : memref<10000x128xf32, #tpu.memory_space<vmem_shared>> -> memref<48x128xf32, #tpu.memory_space<vmem_shared>>
      tpu.wait_dma2 semaphore(%run_scoped3A : memref<!tpu.dma_semaphore, #tpu.memory_space<semaphore_mem>>) src(%dma_wait3A_86 : memref<48x128xf32, #tpu.memory_space<vmem_shared>>) dst(%dma_wait3A_84 : memref<48x128xf32, #tpu.memory_space<vmem>>)
      tpu.yield
    }) : () -> ()
    "tpu.region"() ({
      %run_scoped3A = tpu.sem_alloc : memref<!tpu.dma_semaphore, #tpu.memory_space<semaphore_mem>>
      %dma_start3A = arith.constant 0 : i32
      %dma_start3A_69 = arith.constant 0 : i32
      %dma_start3A_70 = tpu.memref_slice %arg10[%dma_start3A, %dma_start3A_69] : memref<80x128xf32, #tpu.memory_space<vmem>> -> memref<48x128xf32, #tpu.memory_space<vmem>>
      %dma_start3A_71 = arith.constant 0 : i32
      %dma_start3A_72 = tpu.memref_slice %arg6[%arg0, %add3A_59, %dma_start3A_71] : memref<2x10000x128xf32, #tpu.memory_space<hbm>> -> memref<1x48x128xf32, #tpu.memory_space<hbm>>
      %dma_start3A_73 = tpu.memref_squeeze %dma_start3A_72 : memref<1x48x128xf32, #tpu.memory_space<hbm>> -> memref<48x128xf32, #tpu.memory_space<hbm>>
      %dma_start3A_74 = arith.constant 0 : i32
      %dma_start3A_75 = tpu.memref_slice %arg6[%arg0, %add3A_59, %dma_start3A_74] : memref<2x10000x128xf32, #tpu.memory_space<hbm>> -> memref<1x48x128xf32, #tpu.memory_space<hbm>>
      %dma_start3A_76 = tpu.memref_squeeze %dma_start3A_75 : memref<1x48x128xf32, #tpu.memory_space<hbm>> -> memref<48x128xf32, #tpu.memory_space<hbm>>
      %dma_start3A_77 = arith.constant 0 : i32
      %dma_start3A_78 = arith.constant 0 : i32
      %dma_start3A_79 = tpu.memref_slice %arg10[%dma_start3A_77, %dma_start3A_78] : memref<80x128xf32, #tpu.memory_space<vmem>> -> memref<48x128xf32, #tpu.memory_space<vmem>>
      tpu.enqueue_dma source(%dma_start3A_79 : memref<48x128xf32, #tpu.memory_space<vmem>>) target(%dma_start3A_76 : memref<48x128xf32, #tpu.memory_space<hbm>>) target_semaphore(%run_scoped3A : memref<!tpu.dma_semaphore, #tpu.memory_space<semaphore_mem>>)
      %dma_wait3A = arith.constant 0 : i32
      %dma_wait3A_80 = arith.constant 0 : i32
      %dma_wait3A_81 = tpu.memref_slice %arg10[%dma_wait3A, %dma_wait3A_80] : memref<80x128xf32, #tpu.memory_space<vmem>> -> memref<48x128xf32, #tpu.memory_space<vmem>>
      %dma_wait3A_82 = arith.constant 0 : i32
      %dma_wait3A_83 = tpu.memref_slice %arg6[%arg0, %add3A_59, %dma_wait3A_82] : memref<2x10000x128xf32, #tpu.memory_space<hbm>> -> memref<1x48x128xf32, #tpu.memory_space<hbm>>
      %dma_wait3A_84 = tpu.memref_squeeze %dma_wait3A_83 : memref<1x48x128xf32, #tpu.memory_space<hbm>> -> memref<48x128xf32, #tpu.memory_space<hbm>>
      %dma_wait3A_85 = arith.constant 0 : i32
      %dma_wait3A_86 = tpu.memref_slice %arg6[%arg0, %add3A_59, %dma_wait3A_85] : memref<2x10000x128xf32, #tpu.memory_space<hbm>> -> memref<1x48x128xf32, #tpu.memory_space<hbm>>
      %dma_wait3A_87 = tpu.memref_squeeze %dma_wait3A_86 : memref<1x48x128xf32, #tpu.memory_space<hbm>> -> memref<48x128xf32, #tpu.memory_space<hbm>>
      %dma_wait3A_88 = arith.constant 0 : i32
      %dma_wait3A_89 = arith.constant 0 : i32
      %dma_wait3A_90 = tpu.memref_slice %arg10[%dma_wait3A_88, %dma_wait3A_89] : memref<80x128xf32, #tpu.memory_space<vmem>> -> memref<48x128xf32, #tpu.memory_space<vmem>>
      tpu.wait_dma2 semaphore(%run_scoped3A : memref<!tpu.dma_semaphore, #tpu.memory_space<semaphore_mem>>) src(%dma_wait3A_90 : memref<48x128xf32, #tpu.memory_space<vmem>>) dst(%dma_wait3A_87 : memref<48x128xf32, #tpu.memory_space<hbm>>)
      tpu.yield
    }) : () -> ()
    %add3A_60 = arith.constant 528 : i32
    %add3A_61 = arith.addi %mul3A_0, %add3A_60 : i32
    "tpu.region"() ({
      %run_scoped3A = tpu.sem_alloc : memref<!tpu.dma_semaphore, #tpu.memory_space<semaphore_mem>>
      %dma_start3A = arith.constant 0 : i32
      %dma_start3A_69 = arith.constant 0 : i32
      %dma_start3A_70 = tpu.memref_slice %arg10[%dma_start3A, %dma_start3A_69] : memref<80x128xf32, #tpu.memory_space<vmem>> -> memref<48x128xf32, #tpu.memory_space<vmem>>
      %dma_start3A_71 = arith.constant 0 : i32
      %dma_start3A_72 = tpu.memref_slice %arg7[%add3A_61, %dma_start3A_71] : memref<10000x128xf32, #tpu.memory_space<vmem_shared>> -> memref<48x128xf32, #tpu.memory_space<vmem_shared>>
      %dma_start3A_73 = arith.constant 0 : i32
      %dma_start3A_74 = arith.constant 0 : i32
      %dma_start3A_75 = tpu.memref_slice %arg10[%dma_start3A_73, %dma_start3A_74] : memref<80x128xf32, #tpu.memory_space<vmem>> -> memref<48x128xf32, #tpu.memory_space<vmem>>
      %dma_start3A_76 = arith.constant 0 : i32
      %dma_start3A_77 = tpu.memref_slice %arg7[%add3A_61, %dma_start3A_76] : memref<10000x128xf32, #tpu.memory_space<vmem_shared>> -> memref<48x128xf32, #tpu.memory_space<vmem_shared>>
      tpu.enqueue_dma source(%dma_start3A_77 : memref<48x128xf32, #tpu.memory_space<vmem_shared>>) target(%dma_start3A_75 : memref<48x128xf32, #tpu.memory_space<vmem>>) target_semaphore(%run_scoped3A : memref<!tpu.dma_semaphore, #tpu.memory_space<semaphore_mem>>)
      %dma_wait3A = arith.constant 0 : i32
      %dma_wait3A_78 = arith.constant 0 : i32
      %dma_wait3A_79 = tpu.memref_slice %arg10[%dma_wait3A, %dma_wait3A_78] : memref<80x128xf32, #tpu.memory_space<vmem>> -> memref<48x128xf32, #tpu.memory_space<vmem>>
      %dma_wait3A_80 = arith.constant 0 : i32
      %dma_wait3A_81 = tpu.memref_slice %arg7[%add3A_61, %dma_wait3A_80] : memref<10000x128xf32, #tpu.memory_space<vmem_shared>> -> memref<48x128xf32, #tpu.memory_space<vmem_shared>>
      %dma_wait3A_82 = arith.constant 0 : i32
      %dma_wait3A_83 = arith.constant 0 : i32
      %dma_wait3A_84 = tpu.memref_slice %arg10[%dma_wait3A_82, %dma_wait3A_83] : memref<80x128xf32, #tpu.memory_space<vmem>> -> memref<48x128xf32, #tpu.memory_space<vmem>>
      %dma_wait3A_85 = arith.constant 0 : i32
      %dma_wait3A_86 = tpu.memref_slice %arg7[%add3A_61, %dma_wait3A_85] : memref<10000x128xf32, #tpu.memory_space<vmem_shared>> -> memref<48x128xf32, #tpu.memory_space<vmem_shared>>
      tpu.wait_dma2 semaphore(%run_scoped3A : memref<!tpu.dma_semaphore, #tpu.memory_space<semaphore_mem>>) src(%dma_wait3A_86 : memref<48x128xf32, #tpu.memory_space<vmem_shared>>) dst(%dma_wait3A_84 : memref<48x128xf32, #tpu.memory_space<vmem>>)
      tpu.yield
    }) : () -> ()
    "tpu.region"() ({
      %run_scoped3A = tpu.sem_alloc : memref<!tpu.dma_semaphore, #tpu.memory_space<semaphore_mem>>
      %dma_start3A = arith.constant 0 : i32
      %dma_start3A_69 = arith.constant 0 : i32
      %dma_start3A_70 = tpu.memref_slice %arg10[%dma_start3A, %dma_start3A_69] : memref<80x128xf32, #tpu.memory_space<vmem>> -> memref<48x128xf32, #tpu.memory_space<vmem>>
      %dma_start3A_71 = arith.constant 0 : i32
      %dma_start3A_72 = tpu.memref_slice %arg6[%arg0, %add3A_61, %dma_start3A_71] : memref<2x10000x128xf32, #tpu.memory_space<hbm>> -> memref<1x48x128xf32, #tpu.memory_space<hbm>>
      %dma_start3A_73 = tpu.memref_squeeze %dma_start3A_72 : memref<1x48x128xf32, #tpu.memory_space<hbm>> -> memref<48x128xf32, #tpu.memory_space<hbm>>
      %dma_start3A_74 = arith.constant 0 : i32
      %dma_start3A_75 = tpu.memref_slice %arg6[%arg0, %add3A_61, %dma_start3A_74] : memref<2x10000x128xf32, #tpu.memory_space<hbm>> -> memref<1x48x128xf32, #tpu.memory_space<hbm>>
      %dma_start3A_76 = tpu.memref_squeeze %dma_start3A_75 : memref<1x48x128xf32, #tpu.memory_space<hbm>> -> memref<48x128xf32, #tpu.memory_space<hbm>>
      %dma_start3A_77 = arith.constant 0 : i32
      %dma_start3A_78 = arith.constant 0 : i32
      %dma_start3A_79 = tpu.memref_slice %arg10[%dma_start3A_77, %dma_start3A_78] : memref<80x128xf32, #tpu.memory_space<vmem>> -> memref<48x128xf32, #tpu.memory_space<vmem>>
      tpu.enqueue_dma source(%dma_start3A_79 : memref<48x128xf32, #tpu.memory_space<vmem>>) target(%dma_start3A_76 : memref<48x128xf32, #tpu.memory_space<hbm>>) target_semaphore(%run_scoped3A : memref<!tpu.dma_semaphore, #tpu.memory_space<semaphore_mem>>)
      %dma_wait3A = arith.constant 0 : i32
      %dma_wait3A_80 = arith.constant 0 : i32
      %dma_wait3A_81 = tpu.memref_slice %arg10[%dma_wait3A, %dma_wait3A_80] : memref<80x128xf32, #tpu.memory_space<vmem>> -> memref<48x128xf32, #tpu.memory_space<vmem>>
      %dma_wait3A_82 = arith.constant 0 : i32
      %dma_wait3A_83 = tpu.memref_slice %arg6[%arg0, %add3A_61, %dma_wait3A_82] : memref<2x10000x128xf32, #tpu.memory_space<hbm>> -> memref<1x48x128xf32, #tpu.memory_space<hbm>>
      %dma_wait3A_84 = tpu.memref_squeeze %dma_wait3A_83 : memref<1x48x128xf32, #tpu.memory_space<hbm>> -> memref<48x128xf32, #tpu.memory_space<hbm>>
      %dma_wait3A_85 = arith.constant 0 : i32
      %dma_wait3A_86 = tpu.memref_slice %arg6[%arg0, %add3A_61, %dma_wait3A_85] : memref<2x10000x128xf32, #tpu.memory_space<hbm>> -> memref<1x48x128xf32, #tpu.memory_space<hbm>>
      %dma_wait3A_87 = tpu.memref_squeeze %dma_wait3A_86 : memref<1x48x128xf32, #tpu.memory_space<hbm>> -> memref<48x128xf32, #tpu.memory_space<hbm>>
      %dma_wait3A_88 = arith.constant 0 : i32
      %dma_wait3A_89 = arith.constant 0 : i32
      %dma_wait3A_90 = tpu.memref_slice %arg10[%dma_wait3A_88, %dma_wait3A_89] : memref<80x128xf32, #tpu.memory_space<vmem>> -> memref<48x128xf32, #tpu.memory_space<vmem>>
      tpu.wait_dma2 semaphore(%run_scoped3A : memref<!tpu.dma_semaphore, #tpu.memory_space<semaphore_mem>>) src(%dma_wait3A_90 : memref<48x128xf32, #tpu.memory_space<vmem>>) dst(%dma_wait3A_87 : memref<48x128xf32, #tpu.memory_space<hbm>>)
      tpu.yield
    }) : () -> ()
    %add3A_62 = arith.constant 576 : i32
    %add3A_63 = arith.addi %mul3A_0, %add3A_62 : i32
    "tpu.region"() ({
      %run_scoped3A = tpu.sem_alloc : memref<!tpu.dma_semaphore, #tpu.memory_space<semaphore_mem>>
      %dma_start3A = arith.constant 0 : i32
      %dma_start3A_69 = arith.constant 0 : i32
      %dma_start3A_70 = tpu.memref_slice %arg10[%dma_start3A, %dma_start3A_69] : memref<80x128xf32, #tpu.memory_space<vmem>> -> memref<48x128xf32, #tpu.memory_space<vmem>>
      %dma_start3A_71 = arith.constant 0 : i32
      %dma_start3A_72 = tpu.memref_slice %arg7[%add3A_63, %dma_start3A_71] : memref<10000x128xf32, #tpu.memory_space<vmem_shared>> -> memref<48x128xf32, #tpu.memory_space<vmem_shared>>
      %dma_start3A_73 = arith.constant 0 : i32
      %dma_start3A_74 = arith.constant 0 : i32
      %dma_start3A_75 = tpu.memref_slice %arg10[%dma_start3A_73, %dma_start3A_74] : memref<80x128xf32, #tpu.memory_space<vmem>> -> memref<48x128xf32, #tpu.memory_space<vmem>>
      %dma_start3A_76 = arith.constant 0 : i32
      %dma_start3A_77 = tpu.memref_slice %arg7[%add3A_63, %dma_start3A_76] : memref<10000x128xf32, #tpu.memory_space<vmem_shared>> -> memref<48x128xf32, #tpu.memory_space<vmem_shared>>
      tpu.enqueue_dma source(%dma_start3A_77 : memref<48x128xf32, #tpu.memory_space<vmem_shared>>) target(%dma_start3A_75 : memref<48x128xf32, #tpu.memory_space<vmem>>) target_semaphore(%run_scoped3A : memref<!tpu.dma_semaphore, #tpu.memory_space<semaphore_mem>>)
      %dma_wait3A = arith.constant 0 : i32
      %dma_wait3A_78 = arith.constant 0 : i32
      %dma_wait3A_79 = tpu.memref_slice %arg10[%dma_wait3A, %dma_wait3A_78] : memref<80x128xf32, #tpu.memory_space<vmem>> -> memref<48x128xf32, #tpu.memory_space<vmem>>
      %dma_wait3A_80 = arith.constant 0 : i32
      %dma_wait3A_81 = tpu.memref_slice %arg7[%add3A_63, %dma_wait3A_80] : memref<10000x128xf32, #tpu.memory_space<vmem_shared>> -> memref<48x128xf32, #tpu.memory_space<vmem_shared>>
      %dma_wait3A_82 = arith.constant 0 : i32
      %dma_wait3A_83 = arith.constant 0 : i32
      %dma_wait3A_84 = tpu.memref_slice %arg10[%dma_wait3A_82, %dma_wait3A_83] : memref<80x128xf32, #tpu.memory_space<vmem>> -> memref<48x128xf32, #tpu.memory_space<vmem>>
      %dma_wait3A_85 = arith.constant 0 : i32
      %dma_wait3A_86 = tpu.memref_slice %arg7[%add3A_63, %dma_wait3A_85] : memref<10000x128xf32, #tpu.memory_space<vmem_shared>> -> memref<48x128xf32, #tpu.memory_space<vmem_shared>>
      tpu.wait_dma2 semaphore(%run_scoped3A : memref<!tpu.dma_semaphore, #tpu.memory_space<semaphore_mem>>) src(%dma_wait3A_86 : memref<48x128xf32, #tpu.memory_space<vmem_shared>>) dst(%dma_wait3A_84 : memref<48x128xf32, #tpu.memory_space<vmem>>)
      tpu.yield
    }) : () -> ()
    "tpu.region"() ({
      %run_scoped3A = tpu.sem_alloc : memref<!tpu.dma_semaphore, #tpu.memory_space<semaphore_mem>>
      %dma_start3A = arith.constant 0 : i32
      %dma_start3A_69 = arith.constant 0 : i32
      %dma_start3A_70 = tpu.memref_slice %arg10[%dma_start3A, %dma_start3A_69] : memref<80x128xf32, #tpu.memory_space<vmem>> -> memref<48x128xf32, #tpu.memory_space<vmem>>
      %dma_start3A_71 = arith.constant 0 : i32
      %dma_start3A_72 = tpu.memref_slice %arg6[%arg0, %add3A_63, %dma_start3A_71] : memref<2x10000x128xf32, #tpu.memory_space<hbm>> -> memref<1x48x128xf32, #tpu.memory_space<hbm>>
      %dma_start3A_73 = tpu.memref_squeeze %dma_start3A_72 : memref<1x48x128xf32, #tpu.memory_space<hbm>> -> memref<48x128xf32, #tpu.memory_space<hbm>>
      %dma_start3A_74 = arith.constant 0 : i32
      %dma_start3A_75 = tpu.memref_slice %arg6[%arg0, %add3A_63, %dma_start3A_74] : memref<2x10000x128xf32, #tpu.memory_space<hbm>> -> memref<1x48x128xf32, #tpu.memory_space<hbm>>
      %dma_start3A_76 = tpu.memref_squeeze %dma_start3A_75 : memref<1x48x128xf32, #tpu.memory_space<hbm>> -> memref<48x128xf32, #tpu.memory_space<hbm>>
      %dma_start3A_77 = arith.constant 0 : i32
      %dma_start3A_78 = arith.constant 0 : i32
      %dma_start3A_79 = tpu.memref_slice %arg10[%dma_start3A_77, %dma_start3A_78] : memref<80x128xf32, #tpu.memory_space<vmem>> -> memref<48x128xf32, #tpu.memory_space<vmem>>
      tpu.enqueue_dma source(%dma_start3A_79 : memref<48x128xf32, #tpu.memory_space<vmem>>) target(%dma_start3A_76 : memref<48x128xf32, #tpu.memory_space<hbm>>) target_semaphore(%run_scoped3A : memref<!tpu.dma_semaphore, #tpu.memory_space<semaphore_mem>>)
      %dma_wait3A = arith.constant 0 : i32
      %dma_wait3A_80 = arith.constant 0 : i32
      %dma_wait3A_81 = tpu.memref_slice %arg10[%dma_wait3A, %dma_wait3A_80] : memref<80x128xf32, #tpu.memory_space<vmem>> -> memref<48x128xf32, #tpu.memory_space<vmem>>
      %dma_wait3A_82 = arith.constant 0 : i32
      %dma_wait3A_83 = tpu.memref_slice %arg6[%arg0, %add3A_63, %dma_wait3A_82] : memref<2x10000x128xf32, #tpu.memory_space<hbm>> -> memref<1x48x128xf32, #tpu.memory_space<hbm>>
      %dma_wait3A_84 = tpu.memref_squeeze %dma_wait3A_83 : memref<1x48x128xf32, #tpu.memory_space<hbm>> -> memref<48x128xf32, #tpu.memory_space<hbm>>
      %dma_wait3A_85 = arith.constant 0 : i32
      %dma_wait3A_86 = tpu.memref_slice %arg6[%arg0, %add3A_63, %dma_wait3A_85] : memref<2x10000x128xf32, #tpu.memory_space<hbm>> -> memref<1x48x128xf32, #tpu.memory_space<hbm>>
      %dma_wait3A_87 = tpu.memref_squeeze %dma_wait3A_86 : memref<1x48x128xf32, #tpu.memory_space<hbm>> -> memref<48x128xf32, #tpu.memory_space<hbm>>
      %dma_wait3A_88 = arith.constant 0 : i32
      %dma_wait3A_89 = arith.constant 0 : i32
      %dma_wait3A_90 = tpu.memref_slice %arg10[%dma_wait3A_88, %dma_wait3A_89] : memref<80x128xf32, #tpu.memory_space<vmem>> -> memref<48x128xf32, #tpu.memory_space<vmem>>
      tpu.wait_dma2 semaphore(%run_scoped3A : memref<!tpu.dma_semaphore, #tpu.memory_space<semaphore_mem>>) src(%dma_wait3A_90 : memref<48x128xf32, #tpu.memory_space<vmem>>) dst(%dma_wait3A_87 : memref<48x128xf32, #tpu.memory_space<hbm>>)
      tpu.yield
    }) : () -> ()
    %eq3A_64 = arith.constant 15 : i32
    %eq3A_65 = arith.cmpi eq, %arg1, %eq3A_64 : i32
    %convert_element_type3A_66 = arith.extui %eq3A_65 : i1 to i32
    %cond3A_67 = arith.constant 0 : i32
    %cond3A_68 = arith.cmpi ne, %convert_element_type3A_66, %cond3A_67 : i32
    scf.if %cond3A_68 {
      "tpu.region"() ({
        %run_scoped3A = tpu.sem_alloc : memref<!tpu.dma_semaphore, #tpu.memory_space<semaphore_mem>>
        %dma_start3A = arith.constant 0 : i32
        %dma_start3A_69 = arith.constant 0 : i32
        %dma_start3A_70 = tpu.memref_slice %arg10[%dma_start3A, %dma_start3A_69] : memref<80x128xf32, #tpu.memory_space<vmem>> -> memref<16x128xf32, #tpu.memory_space<vmem>>
        %dma_start3A_71 = arith.constant 9984 : i32
        %dma_start3A_72 = arith.constant 0 : i32
        %dma_start3A_73 = tpu.memref_slice %arg7[%dma_start3A_71, %dma_start3A_72] : memref<10000x128xf32, #tpu.memory_space<vmem_shared>> -> memref<16x128xf32, #tpu.memory_space<vmem_shared>>
        %dma_start3A_74 = arith.constant 0 : i32
        %dma_start3A_75 = arith.constant 0 : i32
        %dma_start3A_76 = tpu.memref_slice %arg10[%dma_start3A_74, %dma_start3A_75] : memref<80x128xf32, #tpu.memory_space<vmem>> -> memref<16x128xf32, #tpu.memory_space<vmem>>
        %dma_start3A_77 = arith.constant 9984 : i32
        %dma_start3A_78 = arith.constant 0 : i32
        %dma_start3A_79 = tpu.memref_slice %arg7[%dma_start3A_77, %dma_start3A_78] : memref<10000x128xf32, #tpu.memory_space<vmem_shared>> -> memref<16x128xf32, #tpu.memory_space<vmem_shared>>
        tpu.enqueue_dma source(%dma_start3A_79 : memref<16x128xf32, #tpu.memory_space<vmem_shared>>) target(%dma_start3A_76 : memref<16x128xf32, #tpu.memory_space<vmem>>) target_semaphore(%run_scoped3A : memref<!tpu.dma_semaphore, #tpu.memory_space<semaphore_mem>>)
        %dma_wait3A = arith.constant 0 : i32
        %dma_wait3A_80 = arith.constant 0 : i32
        %dma_wait3A_81 = tpu.memref_slice %arg10[%dma_wait3A, %dma_wait3A_80] : memref<80x128xf32, #tpu.memory_space<vmem>> -> memref<16x128xf32, #tpu.memory_space<vmem>>
        %dma_wait3A_82 = arith.constant 9984 : i32
        %dma_wait3A_83 = arith.constant 0 : i32
        %dma_wait3A_84 = tpu.memref_slice %arg7[%dma_wait3A_82, %dma_wait3A_83] : memref<10000x128xf32, #tpu.memory_space<vmem_shared>> -> memref<16x128xf32, #tpu.memory_space<vmem_shared>>
        %dma_wait3A_85 = arith.constant 0 : i32
        %dma_wait3A_86 = arith.constant 0 : i32
        %dma_wait3A_87 = tpu.memref_slice %arg10[%dma_wait3A_85, %dma_wait3A_86] : memref<80x128xf32, #tpu.memory_space<vmem>> -> memref<16x128xf32, #tpu.memory_space<vmem>>
        %dma_wait3A_88 = arith.constant 9984 : i32
        %dma_wait3A_89 = arith.constant 0 : i32
        %dma_wait3A_90 = tpu.memref_slice %arg7[%dma_wait3A_88, %dma_wait3A_89] : memref<10000x128xf32, #tpu.memory_space<vmem_shared>> -> memref<16x128xf32, #tpu.memory_space<vmem_shared>>
        tpu.wait_dma2 semaphore(%run_scoped3A : memref<!tpu.dma_semaphore, #tpu.memory_space<semaphore_mem>>) src(%dma_wait3A_90 : memref<16x128xf32, #tpu.memory_space<vmem_shared>>) dst(%dma_wait3A_87 : memref<16x128xf32, #tpu.memory_space<vmem>>)
        tpu.yield
      }) : () -> ()
      "tpu.region"() ({
        %run_scoped3A = tpu.sem_alloc : memref<!tpu.dma_semaphore, #tpu.memory_space<semaphore_mem>>
        %dma_start3A = arith.constant 0 : i32
        %dma_start3A_69 = arith.constant 0 : i32
        %dma_start3A_70 = tpu.memref_slice %arg10[%dma_start3A, %dma_start3A_69] : memref<80x128xf32, #tpu.memory_space<vmem>> -> memref<16x128xf32, #tpu.memory_space<vmem>>
        %dma_start3A_71 = arith.constant 9984 : i32
        %dma_start3A_72 = arith.constant 0 : i32
        %dma_start3A_73 = tpu.memref_slice %arg6[%arg0, %dma_start3A_71, %dma_start3A_72] : memref<2x10000x128xf32, #tpu.memory_space<hbm>> -> memref<1x16x128xf32, #tpu.memory_space<hbm>>
        %dma_start3A_74 = tpu.memref_squeeze %dma_start3A_73 : memref<1x16x128xf32, #tpu.memory_space<hbm>> -> memref<16x128xf32, #tpu.memory_space<hbm>>
        %dma_start3A_75 = arith.constant 9984 : i32
        %dma_start3A_76 = arith.constant 0 : i32
        %dma_start3A_77 = tpu.memref_slice %arg6[%arg0, %dma_start3A_75, %dma_start3A_76] : memref<2x10000x128xf32, #tpu.memory_space<hbm>> -> memref<1x16x128xf32, #tpu.memory_space<hbm>>
        %dma_start3A_78 = tpu.memref_squeeze %dma_start3A_77 : memref<1x16x128xf32, #tpu.memory_space<hbm>> -> memref<16x128xf32, #tpu.memory_space<hbm>>
        %dma_start3A_79 = arith.constant 0 : i32
        %dma_start3A_80 = arith.constant 0 : i32
        %dma_start3A_81 = tpu.memref_slice %arg10[%dma_start3A_79, %dma_start3A_80] : memref<80x128xf32, #tpu.memory_space<vmem>> -> memref<16x128xf32, #tpu.memory_space<vmem>>
        tpu.enqueue_dma source(%dma_start3A_81 : memref<16x128xf32, #tpu.memory_space<vmem>>) target(%dma_start3A_78 : memref<16x128xf32, #tpu.memory_space<hbm>>) target_semaphore(%run_scoped3A : memref<!tpu.dma_semaphore, #tpu.memory_space<semaphore_mem>>)
        %dma_wait3A = arith.constant 0 : i32
        %dma_wait3A_82 = arith.constant 0 : i32
        %dma_wait3A_83 = tpu.memref_slice %arg10[%dma_wait3A, %dma_wait3A_82] : memref<80x128xf32, #tpu.memory_space<vmem>> -> memref<16x128xf32, #tpu.memory_space<vmem>>
        %dma_wait3A_84 = arith.constant 9984 : i32
        %dma_wait3A_85 = arith.constant 0 : i32
        %dma_wait3A_86 = tpu.memref_slice %arg6[%arg0, %dma_wait3A_84, %dma_wait3A_85] : memref<2x10000x128xf32, #tpu.memory_space<hbm>> -> memref<1x16x128xf32, #tpu.memory_space<hbm>>
        %dma_wait3A_87 = tpu.memref_squeeze %dma_wait3A_86 : memref<1x16x128xf32, #tpu.memory_space<hbm>> -> memref<16x128xf32, #tpu.memory_space<hbm>>
        %dma_wait3A_88 = arith.constant 9984 : i32
        %dma_wait3A_89 = arith.constant 0 : i32
        %dma_wait3A_90 = tpu.memref_slice %arg6[%arg0, %dma_wait3A_88, %dma_wait3A_89] : memref<2x10000x128xf32, #tpu.memory_space<hbm>> -> memref<1x16x128xf32, #tpu.memory_space<hbm>>
        %dma_wait3A_91 = tpu.memref_squeeze %dma_wait3A_90 : memref<1x16x128xf32, #tpu.memory_space<hbm>> -> memref<16x128xf32, #tpu.memory_space<hbm>>
        %dma_wait3A_92 = arith.constant 0 : i32
        %dma_wait3A_93 = arith.constant 0 : i32
        %dma_wait3A_94 = tpu.memref_slice %arg10[%dma_wait3A_92, %dma_wait3A_93] : memref<80x128xf32, #tpu.memory_space<vmem>> -> memref<16x128xf32, #tpu.memory_space<vmem>>
        tpu.wait_dma2 semaphore(%run_scoped3A : memref<!tpu.dma_semaphore, #tpu.memory_space<semaphore_mem>>) src(%dma_wait3A_94 : memref<16x128xf32, #tpu.memory_space<vmem>>) dst(%dma_wait3A_91 : memref<16x128xf32, #tpu.memory_space<hbm>>)
        tpu.yield
      }) : () -> ()
    } else {
    }
    return
  }
}

module attributes {stable_mosaic.version = 14 : i64} {
  func.func @_tc_bn_g_body(%arg0: i32, %arg1: memref<1000x256xf32, #tpu.memory_space<vmem>>, %arg2: memref<8x256xf32, #tpu.memory_space<vmem>>, %arg3: memref<1x256xf32, #tpu.memory_space<vmem>>, %arg4: memref<1x256xf32, #tpu.memory_space<vmem>>, %arg5: memref<256x128xf32, #tpu.memory_space<vmem>>, %arg6: memref<256x128xf32, #tpu.memory_space<vmem>>, %arg7: memref<1000x128xf32, #tpu.memory_space<vmem>>, %arg8: memref<1000x128xf32, #tpu.memory_space<vmem>>) attributes {dimension_semantics = [#tpu.dimension_semantics<arbitrary>], iteration_bounds = array<i64: 10>, scalar_prefetch = 0 : i64, scratch_operands = 0 : i64, tpu.core_type = #tpu.core_type<tc>, window_params = [{transform_indices = @transform_0, window_bounds = array<i64: 1000, 256>}, {pipeline_mode = #tpu.pipeline_mode<synchronous>, transform_indices = @transform_1, window_bounds = array<i64: 8, 256>}, {pipeline_mode = #tpu.pipeline_mode<synchronous>, transform_indices = @transform_2, window_bounds = array<i64: 1, 256>}, {pipeline_mode = #tpu.pipeline_mode<synchronous>, transform_indices = @transform_3, window_bounds = array<i64: 1, 256>}, {pipeline_mode = #tpu.pipeline_mode<synchronous>, transform_indices = @transform_4, window_bounds = array<i64: 256, 128>}, {pipeline_mode = #tpu.pipeline_mode<synchronous>, transform_indices = @transform_5, window_bounds = array<i64: 256, 128>}, {transform_indices = @transform_6, window_bounds = array<i64: 1000, 128>}, {transform_indices = @transform_7, window_bounds = array<i64: 1000, 128>}]} {
    %get3A = arith.constant 0 : index
    %get3A_0 = arith.constant 0 : index
    %get3A_1 = vector.load %arg2[%get3A, %get3A_0] : memref<8x256xf32, #tpu.memory_space<vmem>>, vector<1x256xf32>
    %div3A = arith.constant 1.000000e+04 : f32
    %div3A_2 = vector.broadcast %div3A : f32 to vector<1x256xf32>
    %div3A_3 = arith.divf %get3A_1, %div3A_2 : vector<1x256xf32>
    %get3A_4 = arith.constant 1 : index
    %get3A_5 = arith.constant 0 : index
    %get3A_6 = vector.load %arg2[%get3A_4, %get3A_5] : memref<8x256xf32, #tpu.memory_space<vmem>>, vector<1x256xf32>
    %div3A_7 = arith.constant 1.000000e+04 : f32
    %div3A_8 = vector.broadcast %div3A_7 : f32 to vector<1x256xf32>
    %div3A_9 = arith.divf %get3A_6, %div3A_8 : vector<1x256xf32>
    %mul3A = arith.mulf %div3A_3, %div3A_3 : vector<1x256xf32>
    %sub3A = arith.subf %div3A_9, %mul3A : vector<1x256xf32>
    %get3A_10 = arith.constant 0 : index
    %get3A_11 = arith.constant 0 : index
    %get3A_12 = vector.load %arg3[%get3A_10, %get3A_11] : memref<1x256xf32, #tpu.memory_space<vmem>>, vector<1x256xf32>
    %add3A = arith.constant 9.99999974E-6 : f32
    %add3A_13 = vector.broadcast %add3A : f32 to vector<1x256xf32>
    %add3A_14 = arith.addf %sub3A, %add3A_13 : vector<1x256xf32>
    %sqrt3A = math.sqrt %add3A_14 : vector<1x256xf32>
    %div3A_15 = arith.divf %get3A_12, %sqrt3A : vector<1x256xf32>
    %get3A_16 = arith.constant 0 : index
    %get3A_17 = arith.constant 0 : index
    %get3A_18 = vector.load %arg1[%get3A_16, %get3A_17] : memref<1000x256xf32, #tpu.memory_space<vmem>>, vector<1000x256xf32>
    %sub3A_19 = vector.broadcast %div3A_3 : vector<1x256xf32> to vector<1000x256xf32>
    %sub3A_20 = arith.subf %get3A_18, %sub3A_19 : vector<1000x256xf32>
    %mul3A_21 = vector.broadcast %div3A_15 : vector<1x256xf32> to vector<1000x256xf32>
    %mul3A_22 = arith.mulf %sub3A_20, %mul3A_21 : vector<1000x256xf32>
    %get3A_23 = arith.constant 0 : index
    %get3A_24 = arith.constant 0 : index
    %get3A_25 = vector.load %arg4[%get3A_23, %get3A_24] : memref<1x256xf32, #tpu.memory_space<vmem>>, vector<1x256xf32>
    %add3A_26 = vector.broadcast %get3A_25 : vector<1x256xf32> to vector<1000x256xf32>
    %add3A_27 = arith.addf %mul3A_22, %add3A_26 : vector<1000x256xf32>
    %max3A = arith.constant 0.000000e+00 : f32
    %max3A_28 = vector.broadcast %max3A : f32 to vector<1000x256xf32>
    %max3A_29 = arith.maximumf %add3A_27, %max3A_28 : vector<1000x256xf32>
    %get3A_30 = arith.constant 0 : index
    %get3A_31 = arith.constant 0 : index
    %get3A_32 = vector.load %arg5[%get3A_30, %get3A_31] : memref<256x128xf32, #tpu.memory_space<vmem>>, vector<256x128xf32>
    %dot_general3A = arith.constant dense<0.000000e+00> : vector<1000x128xf32>
    %dot_general3A_33 = tpu.matmul %max3A_29, %get3A_32, %dot_general3A {dimension_numbers = #tpu.dot_dimension_numbers<[1], [0], [0], [1], [0, 0, 1, 1], [], []>, transpose_lhs_hint = false} : vector<1000x256xf32>, vector<256x128xf32>, vector<1000x128xf32> -> vector<1000x128xf32>
    %swap3A = arith.constant 0 : index
    %swap3A_34 = arith.constant 0 : index
    %swap3A_35 = vector.load %arg7[%swap3A, %swap3A_34] : memref<1000x128xf32, #tpu.memory_space<vmem>>, vector<1000x128xf32>
    tpu.vector_store %arg7[%swap3A, %swap3A_34], %dot_general3A_33 {strides = array<i32>} : memref<1000x128xf32, #tpu.memory_space<vmem>>, vector<1000x128xf32>,
    %get3A_36 = arith.constant 0 : index
    %get3A_37 = arith.constant 0 : index
    %get3A_38 = vector.load %arg6[%get3A_36, %get3A_37] : memref<256x128xf32, #tpu.memory_space<vmem>>, vector<256x128xf32>
    %dot_general3A_39 = arith.constant dense<0.000000e+00> : vector<1000x128xf32>
    %dot_general3A_40 = tpu.matmul %max3A_29, %get3A_38, %dot_general3A_39 {dimension_numbers = #tpu.dot_dimension_numbers<[1], [0], [0], [1], [0, 0, 1, 1], [], []>, transpose_lhs_hint = false} : vector<1000x256xf32>, vector<256x128xf32>, vector<1000x128xf32> -> vector<1000x128xf32>
    %swap3A_41 = arith.constant 0 : index
    %swap3A_42 = arith.constant 0 : index
    %swap3A_43 = vector.load %arg8[%swap3A_41, %swap3A_42] : memref<1000x128xf32, #tpu.memory_space<vmem>>, vector<1000x128xf32>
    tpu.vector_store %arg8[%swap3A_41, %swap3A_42], %dot_general3A_40 {strides = array<i32>} : memref<1000x128xf32, #tpu.memory_space<vmem>>, vector<1000x128xf32>,
    return
  }
  func.func @transform_0(%arg0: i32) -> (i32, i32) {
    %c0_i32 = arith.constant 0 : i32
    %c0_i32_0 = arith.constant 0 : i32
    return %arg0, %c0_i32 : i32, i32
  }
  func.func @transform_1(%arg0: i32) -> (i32, i32) {
    %c0_i32 = arith.constant 0 : i32
    %c0_i32_0 = arith.constant 0 : i32
    %c0_i32_1 = arith.constant 0 : i32
    return %c0_i32, %c0_i32_0 : i32, i32
  }
  func.func @transform_2(%arg0: i32) -> (i32, i32) {
    %c0_i32 = arith.constant 0 : i32
    %c0_i32_0 = arith.constant 0 : i32
    %c0_i32_1 = arith.constant 0 : i32
    return %c0_i32, %c0_i32_0 : i32, i32
  }
  func.func @transform_3(%arg0: i32) -> (i32, i32) {
    %c0_i32 = arith.constant 0 : i32
    %c0_i32_0 = arith.constant 0 : i32
    %c0_i32_1 = arith.constant 0 : i32
    return %c0_i32, %c0_i32_0 : i32, i32
  }
  func.func @transform_4(%arg0: i32) -> (i32, i32) {
    %c0_i32 = arith.constant 0 : i32
    %c0_i32_0 = arith.constant 0 : i32
    %c0_i32_1 = arith.constant 0 : i32
    return %c0_i32, %c0_i32_0 : i32, i32
  }
  func.func @transform_5(%arg0: i32) -> (i32, i32) {
    %c0_i32 = arith.constant 0 : i32
    %c0_i32_0 = arith.constant 0 : i32
    %c0_i32_1 = arith.constant 0 : i32
    return %c0_i32, %c0_i32_0 : i32, i32
  }
  func.func @transform_6(%arg0: i32) -> (i32, i32) {
    %c0_i32 = arith.constant 0 : i32
    %c0_i32_0 = arith.constant 0 : i32
    return %arg0, %c0_i32 : i32, i32
  }
  func.func @transform_7(%arg0: i32) -> (i32, i32) {
    %c0_i32 = arith.constant 0 : i32
    %c0_i32_0 = arith.constant 0 : i32
    return %arg0, %c0_i32 : i32, i32
  }
}

module attributes {stable_mosaic.version = 14 : i64} {
  func.func @_tc_pre_bn_body(%arg0: i32, %arg1: memref<1x1000x128xf32, #tpu.memory_space<vmem>>, %arg2: memref<1x1000x128xf32, #tpu.memory_space<vmem>>, %arg3: memref<1x1000x128xf32, #tpu.memory_space<vmem>>, %arg4: memref<1x1000x128xf32, #tpu.memory_space<vmem>>, %arg5: memref<1000x128xf32, #tpu.memory_space<vmem>>, %arg6: memref<128x256xf32, #tpu.memory_space<vmem>>, %arg7: memref<1x256xf32, #tpu.memory_space<vmem>>, %arg8: memref<128x256xf32, #tpu.memory_space<vmem>>, %arg9: memref<1000x256xf32, #tpu.memory_space<vmem>>, %arg10: memref<1000x8xf32, #tpu.memory_space<vmem>>, %arg11: memref<8x256xf32, #tpu.memory_space<vmem>>, %arg12: memref<8x256xf32, #tpu.memory_space<vmem>>) attributes {dimension_semantics = [#tpu.dimension_semantics<arbitrary>], iteration_bounds = array<i64: 10>, scalar_prefetch = 0 : i64, scratch_operands = 1 : i64, tpu.core_type = #tpu.core_type<tc>, window_params = [{transform_indices = @transform_0, window_bounds = array<i64: 1, 1000, 128>}, {transform_indices = @transform_1, window_bounds = array<i64: 1, 1000, 128>}, {transform_indices = @transform_2, window_bounds = array<i64: 1, 1000, 128>}, {transform_indices = @transform_3, window_bounds = array<i64: 1, 1000, 128>}, {transform_indices = @transform_4, window_bounds = array<i64: 1000, 128>}, {pipeline_mode = #tpu.pipeline_mode<synchronous>, transform_indices = @transform_5, window_bounds = array<i64: 128, 256>}, {pipeline_mode = #tpu.pipeline_mode<synchronous>, transform_indices = @transform_6, window_bounds = array<i64: 1, 256>}, {pipeline_mode = #tpu.pipeline_mode<synchronous>, transform_indices = @transform_7, window_bounds = array<i64: 128, 256>}, {transform_indices = @transform_8, window_bounds = array<i64: 1000, 256>}, {transform_indices = @transform_9, window_bounds = array<i64: 1000, 8>}, {pipeline_mode = #tpu.pipeline_mode<synchronous>, transform_indices = @transform_10, window_bounds = array<i64: 8, 256>}]} {
    %get3A = arith.constant 0 : index
    %get3A_0 = arith.constant 0 : index
    %get3A_1 = arith.constant 0 : index
    %get3A_2 = vector.load %arg3[%get3A, %get3A_0, %get3A_1] : memref<1x1000x128xf32, #tpu.memory_space<vmem>>, vector<1x1000x128xf32>
    %get3A_3 = vector.shape_cast %get3A_2 : vector<1x1000x128xf32> to vector<1000x128xf32>
    %slice3A = vector.extract_strided_slice %get3A_3 {offsets = [0, 0], sizes = [1000, 1], strides = [1, 1]} : vector<1000x128xf32> to vector<1000x1xf32>
    %get3A_4 = arith.constant 0 : index
    %get3A_5 = arith.constant 0 : index
    %get3A_6 = arith.constant 0 : index
    %get3A_7 = vector.load %arg4[%get3A_4, %get3A_5, %get3A_6] : memref<1x1000x128xf32, #tpu.memory_space<vmem>>, vector<1x1000x128xf32>
    %get3A_8 = vector.shape_cast %get3A_7 : vector<1x1000x128xf32> to vector<1000x128xf32>
    %slice3A_9 = vector.extract_strided_slice %get3A_8 {offsets = [0, 0], sizes = [1000, 1], strides = [1, 1]} : vector<1000x128xf32> to vector<1000x1xf32>
    %add3A = arith.addf %slice3A, %slice3A_9 : vector<1000x1xf32>
    %max3A = arith.constant 1.000000e+00 : f32
    %max3A_10 = vector.broadcast %max3A : f32 to vector<1000x1xf32>
    %max3A_11 = arith.maximumf %add3A, %max3A_10 : vector<1000x1xf32>
    %div3A = arith.constant 1.000000e+00 : f32
    %div3A_12 = vector.broadcast %div3A : f32 to vector<1000x1xf32>
    %div3A_13 = arith.divf %div3A_12, %max3A_11 : vector<1000x1xf32>
    %get3A_14 = arith.constant 0 : index
    %get3A_15 = arith.constant 0 : index
    %get3A_16 = arith.constant 0 : index
    %get3A_17 = vector.load %arg1[%get3A_14, %get3A_15, %get3A_16] : memref<1x1000x128xf32, #tpu.memory_space<vmem>>, vector<1x1000x128xf32>
    %get3A_18 = vector.shape_cast %get3A_17 : vector<1x1000x128xf32> to vector<1000x128xf32>
    %get3A_19 = arith.constant 0 : index
    %get3A_20 = arith.constant 0 : index
    %get3A_21 = arith.constant 0 : index
    %get3A_22 = vector.load %arg2[%get3A_19, %get3A_20, %get3A_21] : memref<1x1000x128xf32, #tpu.memory_space<vmem>>, vector<1x1000x128xf32>
    %get3A_23 = vector.shape_cast %get3A_22 : vector<1x1000x128xf32> to vector<1000x128xf32>
    %add3A_24 = arith.addf %get3A_18, %get3A_23 : vector<1000x128xf32>
    %mul3A = vector.broadcast %div3A_13 : vector<1000x1xf32> to vector<1000x128xf32>
    %mul3A_25 = arith.mulf %add3A_24, %mul3A : vector<1000x128xf32>
    %get3A_26 = arith.constant 0 : index
    %get3A_27 = arith.constant 0 : index
    %get3A_28 = vector.load %arg6[%get3A_26, %get3A_27] : memref<128x256xf32, #tpu.memory_space<vmem>>, vector<128x256xf32>
    %dot_general3A = arith.constant dense<0.000000e+00> : vector<1000x256xf32>
    %dot_general3A_29 = tpu.matmul %mul3A_25, %get3A_28, %dot_general3A {dimension_numbers = #tpu.dot_dimension_numbers<[1], [0], [0], [1], [0, 0, 1, 1], [], []>, transpose_lhs_hint = false} : vector<1000x128xf32>, vector<128x256xf32>, vector<1000x256xf32> -> vector<1000x256xf32>
    %get3A_30 = arith.constant 0 : index
    %get3A_31 = arith.constant 0 : index
    %get3A_32 = vector.load %arg7[%get3A_30, %get3A_31] : memref<1x256xf32, #tpu.memory_space<vmem>>, vector<1x256xf32>
    %add3A_33 = vector.broadcast %get3A_32 : vector<1x256xf32> to vector<1000x256xf32>
    %add3A_34 = arith.addf %dot_general3A_29, %add3A_33 : vector<1000x256xf32>
    %get3A_35 = arith.constant 0 : index
    %get3A_36 = arith.constant 0 : index
    %get3A_37 = vector.load %arg5[%get3A_35, %get3A_36] : memref<1000x128xf32, #tpu.memory_space<vmem>>, vector<1000x128xf32>
    %get3A_38 = arith.constant 0 : index
    %get3A_39 = arith.constant 0 : index
    %get3A_40 = vector.load %arg8[%get3A_38, %get3A_39] : memref<128x256xf32, #tpu.memory_space<vmem>>, vector<128x256xf32>
    %dot_general3A_41 = arith.constant dense<0.000000e+00> : vector<1000x256xf32>
    %dot_general3A_42 = tpu.matmul %get3A_37, %get3A_40, %dot_general3A_41 {dimension_numbers = #tpu.dot_dimension_numbers<[1], [0], [0], [1], [0, 0, 1, 1], [], []>, transpose_lhs_hint = false} : vector<1000x128xf32>, vector<128x256xf32>, vector<1000x256xf32> -> vector<1000x256xf32>
    %add3A_43 = arith.addf %add3A_34, %dot_general3A_42 : vector<1000x256xf32>
    %swap3A = arith.constant 0 : index
    %swap3A_44 = arith.constant 0 : index
    %swap3A_45 = vector.load %arg9[%swap3A, %swap3A_44] : memref<1000x256xf32, #tpu.memory_space<vmem>>, vector<1000x256xf32>
    tpu.vector_store %arg9[%swap3A, %swap3A_44], %add3A_43 {strides = array<i32>} : memref<1000x256xf32, #tpu.memory_space<vmem>>, vector<1000x256xf32>,
    %broadcast_in_dim3A = vector.shape_cast %div3A_13 : vector<1000x1xf32> to vector<1000x1xf32>
    %broadcast_in_dim3A_46 = vector.broadcast %broadcast_in_dim3A : vector<1000x1xf32> to vector<1000x8xf32>
    %swap3A_47 = arith.constant 0 : index
    %swap3A_48 = arith.constant 0 : index
    %swap3A_49 = vector.load %arg10[%swap3A_47, %swap3A_48] : memref<1000x8xf32, #tpu.memory_space<vmem>>, vector<1000x8xf32>
    tpu.vector_store %arg10[%swap3A_47, %swap3A_48], %broadcast_in_dim3A_46 {strides = array<i32>} : memref<1000x8xf32, #tpu.memory_space<vmem>>, vector<1000x8xf32>,
    %eq3A = arith.constant 0 : i32
    %eq3A_50 = arith.cmpi eq, %arg0, %eq3A : i32
    %convert_element_type3A = arith.extui %eq3A_50 : i1 to i32
    %cond3A = arith.constant 0 : i32
    %cond3A_51 = arith.cmpi ne, %convert_element_type3A, %cond3A : i32
    scf.if %cond3A_51 {
      %broadcast_in_dim3A_77 = arith.constant 0.000000e+00 : f32
      %broadcast_in_dim3A_78 = vector.broadcast %broadcast_in_dim3A_77 : f32 to vector<8x256xf32>
      %swap3A_79 = arith.constant 0 : index
      %swap3A_80 = arith.constant 0 : index
      %swap3A_81 = vector.load %arg12[%swap3A_79, %swap3A_80] : memref<8x256xf32, #tpu.memory_space<vmem>>, vector<8x256xf32>
      tpu.vector_store %arg12[%swap3A_79, %swap3A_80], %broadcast_in_dim3A_78 {strides = array<i32>} : memref<8x256xf32, #tpu.memory_space<vmem>>, vector<8x256xf32>,
    } else {
    }
    %get3A_52 = arith.constant 0 : index
    %get3A_53 = arith.constant 0 : index
    %get3A_54 = vector.load %arg12[%get3A_52, %get3A_53] : memref<8x256xf32, #tpu.memory_space<vmem>>, vector<1x256xf32>
    %reduce_sum3A = arith.constant dense<0.000000e+00> : vector<256xf32>
    %reduce_sum3A_55 = vector.multi_reduction <add>, %add3A_43, %reduce_sum3A [0] : vector<1000x256xf32> to vector<256xf32>
    %broadcast_in_dim3A_56 = vector.shape_cast %reduce_sum3A_55 : vector<256xf32> to vector<1x256xf32>
    %add3A_57 = arith.addf %get3A_54, %broadcast_in_dim3A_56 : vector<1x256xf32>
    %swap3A_58 = arith.constant 0 : index
    %swap3A_59 = arith.constant 0 : index
    %swap3A_60 = vector.load %arg12[%swap3A_58, %swap3A_59] : memref<8x256xf32, #tpu.memory_space<vmem>>, vector<1x256xf32>
    tpu.vector_store %arg12[%swap3A_58, %swap3A_59], %add3A_57 {strides = array<i32>} : memref<8x256xf32, #tpu.memory_space<vmem>>, vector<1x256xf32>,
    %get3A_61 = arith.constant 1 : index
    %get3A_62 = arith.constant 0 : index
    %get3A_63 = vector.load %arg12[%get3A_61, %get3A_62] : memref<8x256xf32, #tpu.memory_space<vmem>>, vector<1x256xf32>
    %mul3A_64 = arith.mulf %add3A_43, %add3A_43 : vector<1000x256xf32>
    %reduce_sum3A_65 = arith.constant dense<0.000000e+00> : vector<256xf32>
    %reduce_sum3A_66 = vector.multi_reduction <add>, %mul3A_64, %reduce_sum3A_65 [0] : vector<1000x256xf32> to vector<256xf32>
    %broadcast_in_dim3A_67 = vector.shape_cast %reduce_sum3A_66 : vector<256xf32> to vector<1x256xf32>
    %add3A_68 = arith.addf %get3A_63, %broadcast_in_dim3A_67 : vector<1x256xf32>
    %swap3A_69 = arith.constant 1 : index
    %swap3A_70 = arith.constant 0 : index
    %swap3A_71 = vector.load %arg12[%swap3A_69, %swap3A_70] : memref<8x256xf32, #tpu.memory_space<vmem>>, vector<1x256xf32>
    tpu.vector_store %arg12[%swap3A_69, %swap3A_70], %add3A_68 {strides = array<i32>} : memref<8x256xf32, #tpu.memory_space<vmem>>, vector<1x256xf32>,
    %eq3A_72 = arith.constant 9 : i32
    %eq3A_73 = arith.cmpi eq, %arg0, %eq3A_72 : i32
    %convert_element_type3A_74 = arith.extui %eq3A_73 : i1 to i32
    %cond3A_75 = arith.constant 0 : i32
    %cond3A_76 = arith.cmpi ne, %convert_element_type3A_74, %cond3A_75 : i32
    scf.if %cond3A_76 {
      %get3A_77 = arith.constant 0 : index
      %get3A_78 = arith.constant 0 : index
      %get3A_79 = vector.load %arg12[%get3A_77, %get3A_78] : memref<8x256xf32, #tpu.memory_space<vmem>>, vector<8x256xf32>
      %swap3A_80 = arith.constant 0 : index
      %swap3A_81 = arith.constant 0 : index
      %swap3A_82 = vector.load %arg11[%swap3A_80, %swap3A_81] : memref<8x256xf32, #tpu.memory_space<vmem>>, vector<8x256xf32>
      tpu.vector_store %arg11[%swap3A_80, %swap3A_81], %get3A_79 {strides = array<i32>} : memref<8x256xf32, #tpu.memory_space<vmem>>, vector<8x256xf32>,
    } else {
    }
    return
  }
  func.func @transform_0(%arg0: i32) -> (i32, i32, i32) {
    %c0_i32 = arith.constant 0 : i32
    %c0_i32_0 = arith.constant 0 : i32
    %c0_i32_1 = arith.constant 0 : i32
    return %c0_i32, %arg0, %c0_i32_0 : i32, i32, i32
  }
  func.func @transform_1(%arg0: i32) -> (i32, i32, i32) {
    %c1_i32 = arith.constant 1 : i32
    %c0_i32 = arith.constant 0 : i32
    %c0_i32_0 = arith.constant 0 : i32
    return %c1_i32, %arg0, %c0_i32 : i32, i32, i32
  }
  func.func @transform_2(%arg0: i32) -> (i32, i32, i32) {
    %c0_i32 = arith.constant 0 : i32
    %c0_i32_0 = arith.constant 0 : i32
    %c0_i32_1 = arith.constant 0 : i32
    return %c0_i32, %arg0, %c0_i32_0 : i32, i32, i32
  }
  func.func @transform_3(%arg0: i32) -> (i32, i32, i32) {
    %c1_i32 = arith.constant 1 : i32
    %c0_i32 = arith.constant 0 : i32
    %c0_i32_0 = arith.constant 0 : i32
    return %c1_i32, %arg0, %c0_i32 : i32, i32, i32
  }
  func.func @transform_4(%arg0: i32) -> (i32, i32) {
    %c0_i32 = arith.constant 0 : i32
    %c0_i32_0 = arith.constant 0 : i32
    return %arg0, %c0_i32 : i32, i32
  }
  func.func @transform_5(%arg0: i32) -> (i32, i32) {
    %c0_i32 = arith.constant 0 : i32
    %c0_i32_0 = arith.constant 0 : i32
    %c0_i32_1 = arith.constant 0 : i32
    return %c0_i32, %c0_i32_0 : i32, i32
  }
  func.func @transform_6(%arg0: i32) -> (i32, i32) {
    %c0_i32 = arith.constant 0 : i32
    %c0_i32_0 = arith.constant 0 : i32
    %c0_i32_1 = arith.constant 0 : i32
    return %c0_i32, %c0_i32_0 : i32, i32
  }
  func.func @transform_7(%arg0: i32) -> (i32, i32) {
    %c0_i32 = arith.constant 0 : i32
    %c0_i32_0 = arith.constant 0 : i32
    %c0_i32_1 = arith.constant 0 : i32
    return %c0_i32, %c0_i32_0 : i32, i32
  }
  func.func @transform_8(%arg0: i32) -> (i32, i32) {
    %c0_i32 = arith.constant 0 : i32
    %c0_i32_0 = arith.constant 0 : i32
    return %arg0, %c0_i32 : i32, i32
  }
  func.func @transform_9(%arg0: i32) -> (i32, i32) {
    %c0_i32 = arith.constant 0 : i32
    %c0_i32_0 = arith.constant 0 : i32
    return %arg0, %c0_i32 : i32, i32
  }
  func.func @transform_10(%arg0: i32) -> (i32, i32) {
    %c0_i32 = arith.constant 0 : i32
    %c0_i32_0 = arith.constant 0 : i32
    %c0_i32_1 = arith.constant 0 : i32
    return %c0_i32, %c0_i32_0 : i32, i32
  }
}

module attributes {stable_mosaic.version = 14 : i64} {
  func.func @_tc_head_body(%arg0: i32, %arg1: memref<1x1000x128xf32, #tpu.memory_space<vmem>>, %arg2: memref<1x1000x128xf32, #tpu.memory_space<vmem>>, %arg3: memref<1000x8xf32, #tpu.memory_space<vmem>>, %arg4: memref<1000x128xf32, #tpu.memory_space<vmem>>, %arg5: memref<1x128xf32, #tpu.memory_space<vmem>>, %arg6: memref<128x128xf32, #tpu.memory_space<vmem>>, %arg7: memref<1x128xf32, #tpu.memory_space<vmem>>, %arg8: memref<128x64xf32, #tpu.memory_space<vmem>>, %arg9: memref<1x64xf32, #tpu.memory_space<vmem>>, %arg10: memref<1000x128xf32, #tpu.memory_space<vmem>>, %arg11: memref<1000x64xf32, #tpu.memory_space<vmem>>) attributes {dimension_semantics = [#tpu.dimension_semantics<arbitrary>], iteration_bounds = array<i64: 10>, scalar_prefetch = 0 : i64, scratch_operands = 0 : i64, tpu.core_type = #tpu.core_type<tc>, window_params = [{transform_indices = @transform_0, window_bounds = array<i64: 1, 1000, 128>}, {transform_indices = @transform_1, window_bounds = array<i64: 1, 1000, 128>}, {transform_indices = @transform_2, window_bounds = array<i64: 1000, 8>}, {transform_indices = @transform_3, window_bounds = array<i64: 1000, 128>}, {pipeline_mode = #tpu.pipeline_mode<synchronous>, transform_indices = @transform_4, window_bounds = array<i64: 1, 128>}, {pipeline_mode = #tpu.pipeline_mode<synchronous>, transform_indices = @transform_5, window_bounds = array<i64: 128, 128>}, {pipeline_mode = #tpu.pipeline_mode<synchronous>, transform_indices = @transform_6, window_bounds = array<i64: 1, 128>}, {pipeline_mode = #tpu.pipeline_mode<synchronous>, transform_indices = @transform_7, window_bounds = array<i64: 128, 64>}, {pipeline_mode = #tpu.pipeline_mode<synchronous>, transform_indices = @transform_8, window_bounds = array<i64: 1, 64>}, {transform_indices = @transform_9, window_bounds = array<i64: 1000, 128>}, {transform_indices = @transform_10, window_bounds = array<i64: 1000, 64>}]} {
    %get3A = arith.constant 0 : index
    %get3A_0 = arith.constant 0 : index
    %get3A_1 = vector.load %arg3[%get3A, %get3A_0] : memref<1000x8xf32, #tpu.memory_space<vmem>>, vector<1000x1xf32>
    %get3A_2 = arith.constant 0 : index
    %get3A_3 = arith.constant 0 : index
    %get3A_4 = arith.constant 0 : index
    %get3A_5 = vector.load %arg1[%get3A_2, %get3A_3, %get3A_4] : memref<1x1000x128xf32, #tpu.memory_space<vmem>>, vector<1x1000x128xf32>
    %get3A_6 = vector.shape_cast %get3A_5 : vector<1x1000x128xf32> to vector<1000x128xf32>
    %get3A_7 = arith.constant 0 : index
    %get3A_8 = arith.constant 0 : index
    %get3A_9 = arith.constant 0 : index
    %get3A_10 = vector.load %arg2[%get3A_7, %get3A_8, %get3A_9] : memref<1x1000x128xf32, #tpu.memory_space<vmem>>, vector<1x1000x128xf32>
    %get3A_11 = vector.shape_cast %get3A_10 : vector<1x1000x128xf32> to vector<1000x128xf32>
    %add3A = arith.addf %get3A_6, %get3A_11 : vector<1000x128xf32>
    %mul3A = vector.broadcast %get3A_1 : vector<1000x1xf32> to vector<1000x128xf32>
    %mul3A_12 = arith.mulf %add3A, %mul3A : vector<1000x128xf32>
    %get3A_13 = arith.constant 0 : index
    %get3A_14 = arith.constant 0 : index
    %get3A_15 = vector.load %arg5[%get3A_13, %get3A_14] : memref<1x128xf32, #tpu.memory_space<vmem>>, vector<1x128xf32>
    %add3A_16 = vector.broadcast %get3A_15 : vector<1x128xf32> to vector<1000x128xf32>
    %add3A_17 = arith.addf %mul3A_12, %add3A_16 : vector<1000x128xf32>
    %get3A_18 = arith.constant 0 : index
    %get3A_19 = arith.constant 0 : index
    %get3A_20 = vector.load %arg4[%get3A_18, %get3A_19] : memref<1000x128xf32, #tpu.memory_space<vmem>>, vector<1000x128xf32>
    %add3A_21 = arith.addf %add3A_17, %get3A_20 : vector<1000x128xf32>
    %swap3A = arith.constant 0 : index
    %swap3A_22 = arith.constant 0 : index
    %swap3A_23 = vector.load %arg10[%swap3A, %swap3A_22] : memref<1000x128xf32, #tpu.memory_space<vmem>>, vector<1000x128xf32>
    tpu.vector_store %arg10[%swap3A, %swap3A_22], %add3A_21 {strides = array<i32>} : memref<1000x128xf32, #tpu.memory_space<vmem>>, vector<1000x128xf32>,
    %get3A_24 = arith.constant 0 : index
    %get3A_25 = arith.constant 0 : index
    %get3A_26 = vector.load %arg6[%get3A_24, %get3A_25] : memref<128x128xf32, #tpu.memory_space<vmem>>, vector<128x128xf32>
    %dot_general3A = arith.constant dense<0.000000e+00> : vector<1000x128xf32>
    %dot_general3A_27 = tpu.matmul %add3A_21, %get3A_26, %dot_general3A {dimension_numbers = #tpu.dot_dimension_numbers<[1], [0], [0], [1], [0, 0, 1, 1], [], []>, transpose_lhs_hint = false} : vector<1000x128xf32>, vector<128x128xf32>, vector<1000x128xf32> -> vector<1000x128xf32>
    %get3A_28 = arith.constant 0 : index
    %get3A_29 = arith.constant 0 : index
    %get3A_30 = vector.load %arg7[%get3A_28, %get3A_29] : memref<1x128xf32, #tpu.memory_space<vmem>>, vector<1x128xf32>
    %add3A_31 = vector.broadcast %get3A_30 : vector<1x128xf32> to vector<1000x128xf32>
    %add3A_32 = arith.addf %dot_general3A_27, %add3A_31 : vector<1000x128xf32>
    %max3A = arith.constant 0.000000e+00 : f32
    %max3A_33 = vector.broadcast %max3A : f32 to vector<1000x128xf32>
    %max3A_34 = arith.maximumf %add3A_32, %max3A_33 : vector<1000x128xf32>
    %get3A_35 = arith.constant 0 : index
    %get3A_36 = arith.constant 0 : index
    %get3A_37 = vector.load %arg8[%get3A_35, %get3A_36] : memref<128x64xf32, #tpu.memory_space<vmem>>, vector<128x64xf32>
    %dot_general3A_38 = arith.constant dense<0.000000e+00> : vector<1000x64xf32>
    %dot_general3A_39 = tpu.matmul %max3A_34, %get3A_37, %dot_general3A_38 {dimension_numbers = #tpu.dot_dimension_numbers<[1], [0], [0], [1], [0, 0, 1, 1], [], []>, transpose_lhs_hint = false} : vector<1000x128xf32>, vector<128x64xf32>, vector<1000x64xf32> -> vector<1000x64xf32>
    %get3A_40 = arith.constant 0 : index
    %get3A_41 = arith.constant 0 : index
    %get3A_42 = vector.load %arg9[%get3A_40, %get3A_41] : memref<1x64xf32, #tpu.memory_space<vmem>>, vector<1x64xf32>
    %add3A_43 = vector.broadcast %get3A_42 : vector<1x64xf32> to vector<1000x64xf32>
    %add3A_44 = arith.addf %dot_general3A_39, %add3A_43 : vector<1000x64xf32>
    %swap3A_45 = arith.constant 0 : index
    %swap3A_46 = arith.constant 0 : index
    %swap3A_47 = vector.load %arg11[%swap3A_45, %swap3A_46] : memref<1000x64xf32, #tpu.memory_space<vmem>>, vector<1000x64xf32>
    tpu.vector_store %arg11[%swap3A_45, %swap3A_46], %add3A_44 {strides = array<i32>} : memref<1000x64xf32, #tpu.memory_space<vmem>>, vector<1000x64xf32>,
    return
  }
  func.func @transform_0(%arg0: i32) -> (i32, i32, i32) {
    %c0_i32 = arith.constant 0 : i32
    %c0_i32_0 = arith.constant 0 : i32
    %c0_i32_1 = arith.constant 0 : i32
    return %c0_i32, %arg0, %c0_i32_0 : i32, i32, i32
  }
  func.func @transform_1(%arg0: i32) -> (i32, i32, i32) {
    %c1_i32 = arith.constant 1 : i32
    %c0_i32 = arith.constant 0 : i32
    %c0_i32_0 = arith.constant 0 : i32
    return %c1_i32, %arg0, %c0_i32 : i32, i32, i32
  }
  func.func @transform_2(%arg0: i32) -> (i32, i32) {
    %c0_i32 = arith.constant 0 : i32
    %c0_i32_0 = arith.constant 0 : i32
    return %arg0, %c0_i32 : i32, i32
  }
  func.func @transform_3(%arg0: i32) -> (i32, i32) {
    %c0_i32 = arith.constant 0 : i32
    %c0_i32_0 = arith.constant 0 : i32
    return %arg0, %c0_i32 : i32, i32
  }
  func.func @transform_4(%arg0: i32) -> (i32, i32) {
    %c0_i32 = arith.constant 0 : i32
    %c0_i32_0 = arith.constant 0 : i32
    %c0_i32_1 = arith.constant 0 : i32
    return %c0_i32, %c0_i32_0 : i32, i32
  }
  func.func @transform_5(%arg0: i32) -> (i32, i32) {
    %c0_i32 = arith.constant 0 : i32
    %c0_i32_0 = arith.constant 0 : i32
    %c0_i32_1 = arith.constant 0 : i32
    return %c0_i32, %c0_i32_0 : i32, i32
  }
  func.func @transform_6(%arg0: i32) -> (i32, i32) {
    %c0_i32 = arith.constant 0 : i32
    %c0_i32_0 = arith.constant 0 : i32
    %c0_i32_1 = arith.constant 0 : i32
    return %c0_i32, %c0_i32_0 : i32, i32
  }
  func.func @transform_7(%arg0: i32) -> (i32, i32) {
    %c0_i32 = arith.constant 0 : i32
    %c0_i32_0 = arith.constant 0 : i32
    %c0_i32_1 = arith.constant 0 : i32
    return %c0_i32, %c0_i32_0 : i32, i32
  }
  func.func @transform_8(%arg0: i32) -> (i32, i32) {
    %c0_i32 = arith.constant 0 : i32
    %c0_i32_0 = arith.constant 0 : i32
    %c0_i32_1 = arith.constant 0 : i32
    return %c0_i32, %c0_i32_0 : i32, i32
  }
  func.func @transform_9(%arg0: i32) -> (i32, i32) {
    %c0_i32 = arith.constant 0 : i32
    %c0_i32_0 = arith.constant 0 : i32
    return %arg0, %c0_i32 : i32, i32
  }
  func.func @transform_10(%arg0: i32) -> (i32, i32) {
    %c0_i32 = arith.constant 0 : i32
    %c0_i32_0 = arith.constant 0 : i32
    return %arg0, %c0_i32 : i32, i32
  }
}

</mosaic_0001>

<sc_bundles>
// kernel: sc_cnt_partial.3.cloned.1.call-start
scs
__scs_entry_jumppad:
0x0: {  	(pc) =	sbr.rel $0x88, $3  }
0x1: {  	(tag) =	ssettag $0x0;
	lr =	simm.s32 $0x1  }
0x2: {  	[smem:$0x3F93] =	sst lr;
	_ =	strace $0xD0000000  }
0x3: {  	_ = 	snop  }
0x4: {  	_ = 	snop  }
0x5: {  	_ = 	snop  }
0x6: {  	_ = 	snop  }
0x7: {  	_ = 	snop  }
__scs_overlays_trampoline_lowered:
0x8: {  	[smem:$0x3FA2] =	sst s0  }
0x9: {  	[smem:$0x3FA3] =	sst s1  }
0xa: {  	[smem:$0x3FA4] =	sst s2  }
0xb: {  	[smem:$0x3FA5] =	sst s3  }
0xc: {  	[smem:$0x3FA6] =	sst s4  }
0xd: {  	[smem:$0x3FA7] =	sst s5  }
0xe: {  	[smem:$0x3FA8] =	sst s6  }
0xf: {  	[smem:$0x3FA9] =	sst s7  }
0x10: {  	[smem:$0x3FAA] =	sst s8  }
0x11: {  	[smem:$0x3FAB] =	sst s9;
	s0 =	simm.s32 @!p0 $0x0  }
0x12: {  	s1 =	sld [smem:$0x3F91];
	s0 =	simm.s32 @p0 $0x1  }
0x13: {  	[smem:$0x3FAC] =	sst s0;
	s0 =	simm.s32 @!p1 $0x0  }
0x14: {  	s2 =	sld [smem:$0x3F90];
	s0 =	simm.s32 @p1 $0x1  }
0x15: {  	[smem:$0x3FAD] =	sst s0;
	s0 =	simm.s32 @!p2 $0x0  }
0x16: {  	s3 =	sld [smem:$0x3FDB];
	s0 =	simm.s32 @p2 $0x1  }
0x17: {  	s4 =	simm.s32 $0x1BF5;
	[smem:$0x3FAF] =	sst s0  }
0x18: {  	s0 =	sld [smem:$0x3F92];
	_ =	swait.ge [sflag:s4], $0x0  }
0x19: {  	s7 =	sld [smem:$0x3F93]  }
0x1a: {  	s8 =	sadd.s32 $0xFFFFE003, lr  }
0x1b: {  	s9 =	sadd.s32 $0xFFFFFEF7, lr;
	s5 =	simm.s32 $0xFFFFFFFF;
	p2 =	slt.u32 s8, $0xFFFFF086  }
0x1c: {  	p1 =	slt.u32 s9, $0xF7A;
	s5 =	simm.s32 @!p2 $0x0  }
0x1d: {  	s5 =	simm.s32 @p1 $0x1;
	p0 =	seq.s32 s7, s2  }
0x1e: {  	s7 =	smul.u32 @!p0 $0xF7A, s2;
	p2 =	seq.s32 @!p0 s5, $0x0  }
0x1f: {  	s9 =	smul.u32 $0xF7A, s1;
	s8 =	simm.s32 @!p0 $0x1BF5;
	p2 =	por !p2, p0  }
0x20: {  	[sflag:s8] =	ssyncset.s32 @!p0 $0xFFFFF086;
	s6 =	sadd.s32 @!p0 s3, s7;
	s7 =	simm.s32 @!p0 $0x108  }
0x21: {  	s3 =	sadd.s32 s3, s9;
	s6 =	sadd.s32 @!p0 $0x88, s6;
	s7 =	simm.s32 @p2 $0x1082  }
0x22: {  	[simem:s7], [sflag:s8] =	dma.local @!p0 [hbm:s6], $0xF7A  }
0x23: {  	s9 =	sor.u32 $0xD0000000, s2;
	s6 =	simm.s32 $0x108;
	_ =	swait.ge @!p0 [sflag:s8], $0x0  }
0x24: {  	s3 =	sadd.s32 $0x88, s3;
	s6 =	simm.s32 @!p1 $0x1082;
	[sflag:s4] =	ssyncset.s32 $0xFFFFF086  }
0x25: {  	[simem:s6], [sflag:s4] =	dma.local [hbm:s3], $0xF7A  }
0x26: {  	[smem:$0x3F93] =	sst s1;
	(tag) =	ssettag s2;
	_ =	strace s9  }
0x27: {  	s1 =	sld [smem:$0x3FA3]  }
0x28: {  	s2 =	sld [smem:$0x3FA4]  }
0x29: {  	s4 =	sld [smem:$0x3FA6]  }
0x2a: {  	p0 =	seq.s32 s5, $0x0;
	s5 =	sld [smem:$0x3FA7]  }
0x2b: {  	s6 =	sld [smem:$0x3FA8]  }
0x2c: {  	s7 =	sld [smem:$0x3FA9]  }
0x2d: {  	s3 =	simm.s32 $0x108;
	s8 =	sld [smem:$0x3FAA]  }
0x2e: {  	s3 =	simm.s32 @!p0 $0x1082;
	s9 =	sld [smem:$0x3FAB]  }
0x2f: {  	lr =	sadd.s32 s0, s3;
	s0 =	sld [smem:$0x3FA2]  }
0x30: {  	s3 =	sld [smem:$0x3FA5]  }
0x31: {  	[smem:$0x3FAE] =	sst s10  }
0x32: {  	s10 =	sld [smem:$0x3FAC];
	_ =	sdelay $0x3  }
0x33: {  	p0 =	seq.s32 s10, $0x1;
	s10 =	sld [smem:$0x3FAE];
	_ =	sdelay $0x3  }
0x34: {  	[smem:$0x3FAE] =	sst s10  }
0x35: {  	s10 =	sld [smem:$0x3FAD];
	_ =	sdelay $0x3  }
0x36: {  	p1 =	seq.s32 s10, $0x1;
	s10 =	sld [smem:$0x3FAE];
	_ =	sdelay $0x3  }
0x37: {  	[smem:$0x3FAE] =	sst s10  }
0x38: {  	s10 =	sld [smem:$0x3FAF]  }
0x39: {  	_ = 	snop;
	(pc) =	sbr.ind lr, $3  }
0x3a: {  	_ = 	snop  }
0x3b: {  	_ = 	snop  }
0x3c: {  	p2 =	seq.s32 s10, $0x1;
	s10 =	sld [smem:$0x3FAE]  }
0x3d: {  	_ =	shalt  }
0x3e: {  	_ =	shalt  }
0x3f: {  	_ =	shalt  }
0x40: {  	_ =	shalt  }
0x41: {  	_ =	shalt  }
0x42: {  	_ =	shalt  }
0x43: {  	_ =	shalt  }
0x44: {  	_ =	shalt  }
0x45: {  	_ =	shalt  }
0x46: {  	_ =	shalt  }
0x47: {  	_ =	shalt  }
0x48: {  	_ =	shalt  }
0x49: {  	_ =	shalt  }
0x4a: {  	_ =	shalt  }
0x4b: {  	_ =	shalt  }
0x4c: {  	_ =	shalt  }
0x4d: {  	_ =	shalt  }
0x4e: {  	_ =	shalt  }
0x4f: {  	_ =	shalt  }
0x50: {  	_ =	shalt  }
0x51: {  	_ =	shalt  }
0x52: {  	_ =	shalt  }
0x53: {  	_ =	shalt  }
0x54: {  	_ =	shalt  }
0x55: {  	_ =	shalt  }
0x56: {  	_ =	shalt  }
0x57: {  	_ =	shalt  }
0x58: {  	_ =	shalt  }
0x59: {  	_ =	shalt  }
0x5a: {  	_ =	shalt  }
0x5b: {  	_ =	shalt  }
0x5c: {  	_ =	shalt  }
0x5d: {  	_ =	shalt  }
0x5e: {  	_ =	shalt  }
0x5f: {  	_ =	shalt  }
0x60: {  	_ =	shalt  }
0x61: {  	_ =	shalt  }
0x62: {  	_ =	shalt  }
0x63: {  	_ =	shalt  }
0x64: {  	_ =	shalt  }
0x65: {  	_ =	shalt  }
0x66: {  	_ =	shalt  }
0x67: {  	_ =	shalt  }
0x68: {  	_ =	shalt  }
0x69: {  	_ =	shalt  }
0x6a: {  	_ =	shalt  }
0x6b: {  	_ =	shalt  }
0x6c: {  	_ =	shalt  }
0x6d: {  	_ =	shalt  }
0x6e: {  	_ =	shalt  }
0x6f: {  	_ =	shalt  }
0x70: {  	_ =	shalt  }
0x71: {  	_ =	shalt  }
0x72: {  	_ =	shalt  }
0x73: {  	_ =	shalt  }
0x74: {  	_ =	shalt  }
0x75: {  	_ =	shalt  }
0x76: {  	_ =	shalt  }
0x77: {  	_ =	shalt  }
0x78: {  	_ =	shalt  }
0x79: {  	_ =	shalt  }
0x7a: {  	_ =	shalt  }
0x7b: {  	_ =	shalt  }
0x7c: {  	_ =	shalt  }
0x7d: {  	_ =	shalt  }
0x7e: {  	_ =	shalt  }
0x7f: {  	_ =	shalt  }
0x80: {  	_ =	shalt  }
0x81: {  	_ =	shalt  }
0x82: {  	_ =	shalt  }
0x83: {  	_ =	shalt  }
0x84: {  	_ =	shalt  }
0x85: {  	_ =	shalt  }
0x86: {  	_ =	shalt  }
0x87: {  	_ =	shalt  }
.Lfunc_end0:
.L_simem_size_0:
called_computation.1_lowered:
.L_overlay_start_0:
0x88: {  	s2 =	sld [smem:$0x3FD9]  }
0x89: {  	s3 =	sld [smem:$0x3FFE];
	_ =	sdelay $0x1  }
0x8a: {  	s1 =	srdreg.scid  }
0x8b: {  	s0 =	sand.u32 $0x1, s1  }
0x8c: {  	s15 =	sshll.u32 s0, $0xA;
	s2 =	sadd.s32 s3, s2  }
0x8d: {  	s2 =	sadd.s32 s2, s15  }
0x8e: {  	[smem:$0x3FBA] =	sst s2  }
0x8f: {  	_ = 	snop  }
0x90: {  	s2 =	sld [smem:$0x3FD0];
	_ =	sdelay $0x2  }
0x91: {  	s4 =	simm.s32 $0xB;
	s16 =	simm.s32 $0x10  }
0x92: {  	[smem:s16], [sflag:s4] =	dma.local [hbm:s2], $0x1  }
0x93: {  	_ =	swait.eq [sflag:s4], $0x1  }
0x94: {  	[sflag:s4] =	ssyncset.done $0x0  }
0x95: {  	s17 =	sld [smem:$0x10];
	[sflag:s4] =	ssyncadd.s32 $0xFFFFFFFF  }
0x96: {  	s18 =	sld [smem:$0x11];
	(tm) =	ssettm $0x1  }
0x97: {  	s19 =	sld [smem:$0x3FFB];
	_ =	sdelay $0x3  }
0x98: {  	_ =	strace s19  }
0x99: {  	s2 =	sld [smem:$0x3FFC];
	_ =	sdelay $0x3  }
0x9a: {  	_ =	strace s2  }
0x9b: {  	s2 =	sld [smem:$0x3FFD];
	_ =	sdelay $0x3  }
0x9c: {  	_ =	strace s2  }
0x9d: {  	_ =	strace $0x8FFFFFFF  }
0x9e: {  	s20 =	sld [smem:$0x3FDB];
	_ =	sdelay $0x1  }
0x9f: {  	s5 =	simm.s32 $_scs_section_size  }
0xa0: {  	s6 =	simm.s32 $_size__tile_overlayer_lowered;
	s7 =	simm.s32 $_tile_overlayer_lowered  }
0xa1: {  	s8 =	simm.s32 $0x1BFF;
	s21 =	sshll.u32 s7, $0x1;
	s5 =	sadd.s32 s5, s20  }
0xa2: {  	s22 =	simm.s32 $0x0;
	s6 =	sshll.u32 s6, $0x1;
	s7 =	sadd.s32 s21, s5  }
0xa3: {  	[timem:s22], [sflag:s8] =	dma.local [hbm:s7], s6  }
0xa4: {  	_ =	swait.ge [sflag:s8], s6  }
0xa5: {  	s6 =	ssub.s32 $0x0, s6;
	[sflag:s8] =	ssyncset.done $0x0  }
0xa6: {  	[sflag:s8] =	ssyncadd.s32 s6;
	_ =	sdelay $0x1  }
0xa7: {  	s23 =	simm.s32 $0x1B8B  }
0xa8: {  	_ =	swait.ge [sflag:s23], $0x1  }
0xa9: {  	[sflag:s23] =	ssyncset.done $0x0  }
0xaa: {  	[sflag:s23] =	ssyncadd.s32 $0xFFFFFFFF  }
0xab: {  	s6 =	sld [smem:$0x0]  }
0xac: {  	s7 =	sand.u32 $0xFFFFFFFE, s1  }
0xad: {  	p0 =	sne.s32 s1, s7  }
0xae: {  	s7 =	sshll.u32 @p0 s7, $0xE  }
0xaf: {  	s7 =	sadd.s32 @p0 $0x11B8D, s7;
	s8 =	sshll.u32 @p0 s6, $0x11  }
0xb0: {  	s7 =	sor.u32 @p0 s8, s7  }
0xb1: {  	[sflag:s7] =	ssyncadd.remote.s32 @p0 $0x1;
	_ =	sdelay $0x1  }
0xb2: {  	s7 =	simm.s32 @p0 $0x1B8D  }
0xb3: {  	_ =	swait.eq @p0 [sflag:s7], $0x1  }
0xb4: {  	[sflag:s7] =	ssyncadd.s32 @p0 $0xFFFFFFFF  }
0xb5: {  	s8 =	sshll.u32 @!p0 s1, $0xE  }
0xb6: {  	s8 =	sor.u32 @!p0 $0x4000, s8;
	s7 =	simm.s32 @!p0 $0x1B8D  }
0xb7: {  	s6 =	sshll.u32 @!p0 s6, $0x11;
	s8 =	sadd.s32 @!p0 $0x11B8D, s8;
	_ =	swait.eq @!p0 [sflag:s7], $0x1  }
0xb8: {  	s6 =	sor.u32 @!p0 s6, s8;
	[sflag:s7] =	ssyncadd.s32 @!p0 $0xFFFFFFFF  }
0xb9: {  	s25 =	simm.s32 $0x1B8E;
	s24 =	sld [smem:$0x3FFE];
	[sflag:s6] =	ssyncadd.remote.s32 @!p0 $0x1  }
0xba: {  	s26 =	simm.s32 $execute0_lowered;
	[smem:$0x3FD2] =	sst s25  }
0xbb: {  	s7 =	sshll.u32 s26, $0x1;
	_ =	strace $0x80000049;
	[dreg:$0x1] =	wrdreg $0xFFFFFFFF  }
0xbc: {  	s28 =	simm.s32 $_size_execute0_lowered;
	s5 =	sadd.s32 s5, s7;
	[dreg:$0x0] =	wrdreg $0x0  }
0xbd: {  	s7 =	sshll.u32 s28, $0x1;
	[dreg:$0x2] =	wrdreg s5  }
0xbe: {  	[dreg:$0x3] =	wrdreg s7  }
0xbf: {  	[dreg:$0x4] =	wrdreg $0xC0  }
0xc0: {  	_ =	task [dreg:s22], $0x5FFFF  }
0xc1: {  	[dreg:$0x1] =	wrdreg $0xFFFFFFFF  }
0xc2: {  	[dreg:$0x0] =	wrdreg $0x60  }
0xc3: {  	[dreg:$0x2] =	wrdreg s18  }
0xc4: {  	[dreg:$0x3] =	wrdreg s17  }
0xc5: {  	[dreg:$0x4] =	wrdreg s24  }
0xc6: {  	[dreg:$0x5] =	wrdreg $0x0  }
0xc7: {  	[dreg:$0x6] =	wrdreg $0xA  }
0xc8: {  	_ =	task.clear_ibuf [dreg:s22], $0x7FFFF;
	_ =	strace $0x90000049  }
0xc9: {  	s29 =	simm.s32 $0xA;
	_ =	strace $0x8000004B  }
0xca: {  	_ =	swait.ge [sflag:s29], $0x1  }
0xcb: {  	[sflag:s29] =	ssyncadd.s32 $0xFFFFFFFF  }
0xcc: {  	_ =	strace $0x9000004B  }
0xcd: {  	_ =	sfence  }
0xce: {  	s30 =	sld [smem:$0x0];
	_ =	sdelay $0x2  }
0xcf: {  	s31 =	sshll.u32 s1, $0xD;
	s1 =	sshrl.u32 s1, $0x2  }
0xd0: {  	s4 =	sand.u32 $0x4000, s31;
	s1 =	sadd.s32 s1, s30  }
0xd1: {  	s0 =	sor.u32 s4, s0;
	s1 =	sshll.u32 s1, $0x11  }
0xd2: {  	s0 =	sor.u32 s1, s0  }
0xd3: {  	s0 =	sadd.s32 $0x8F2B, s0  }
0xd4: {  	[sflag:s0] =	ssyncadd.remote.s32 $0x1  }
0xd5: {  	_ =	sfence.sel $0xFFFF  }
0xd6: {  	[dreg:$0x0] =	wrdreg $0xFFFFFFFF;
	(pc) =	sbr.abs _section_cstart, $3  }
0xd7: {  	[dreg:$0x1] =	wrdreg $0xFFFFFFFF  }
0xd8: {  	_ =	task.clear_ibuf [dreg:s22], $0x2FFFF;
	_ =	strace $0x9FFFFFFF  }
0xd9: {  	(tm) =	ssettm $0x7FFFFFFF  }
tec
execute0_lowered:
.L_overlay_start_1:
0x0: {  	(tag) =	ssettag $0x1  }
0x1: {  	s0 =	srdreg.scid  }
0x2: {  	s19 =	rddreg [dreg:$0x2];
	s3 =	stileid.u32;
	s1 =	simm.s32 $0x0  }
0x3: {  	s14 =	stileid.u32;
	s10 =	sand.u32 $0x1, s0;
	s11 =	smul.u32 $0x13800, s3  }
0x4: {  	[smem:$0x7FF] =	sst s1;
	s18 =	sadd.s32 $0x5B400, s19;
	s14 =	smul.u32 $0x2710, s14  }
0x5: {  	s19 =	sadd.s32 $0xCE00, s19;
	s0 =	ssub.s32 $0x2, s10;
	s17 =	smul.u32 $0x138800, s10  }
0x6: {  	s10 =	smul.u32 $0x27100, s10;
	s2 =	sshrl.u32 s0, $0x1;
	s3 =	sadd.s32 $0x1800, s11  }
0x7: {  	s4 =	sadd.s32 $0x3000, s11;
	s5 =	sadd.s32 $0x4800, s11;
	s6 =	sadd.s32 $0x6000, s11  }
0x8: {  	s7 =	sadd.s32 $0x7800, s11;
	s8 =	sadd.s32 $0x9000, s11;
	s9 =	sadd.s32 $0xA800, s11  }
0x9: {  	s15 =	sadd.s32 $0xC000, s11;
	s16 =	sadd.s32 $0xD800, s11;
	s31 =	sadd.s32 $0xF000, s11  }
0xa: {  	s0 =	ssub.s32 s0, s2;
	s2 =	sadd.s32 $0x12000, s11;
	s12 =	sadd.s32 s17, s3  }
0xb: {  	s13 =	sadd.s32 s17, s4;
	s25 =	sadd.s32 s17, s5;
	s26 =	sadd.s32 s17, s6  }
0xc: {  	s22 =	sadd.s32 s17, s7;
	s10 =	sadd.s32 s14, s10;
	s14 =	sadd.s32 s17, s31  }
0xd: {  	[dreg:$0x11] =	wrdreg s0;
	s0 =	sadd.s32 $0x10800, s11;
	s11 =	sadd.s32 s11, s17  }
0xe: {  	s12 =	sshrl.u32 s12, $0x3;
	s24 =	sshrl.u32 s13, $0x3;
	s13 =	sshrl.u32 s26, $0x3  }
0xf: {  	s10 =	sshrl.u32 s10, $0x3;
	s11 =	sshrl.u32 s11, $0x3;
	s23 =	sadd.s32 s18, s12  }
0x10: {  	s12 =	sshrl.u32 s25, $0x3;
	s21 =	sadd.s32 s18, s13;
	[dreg:$0x6] =	wrdreg s23  }
0x11: {  	s13 =	sadd.s32 s17, s16;
	s11 =	sadd.s32 s18, s11;
	[dreg:$0x9] =	wrdreg s21  }
0x12: {  	s20 =	sadd.s32 s18, s12;
	s23 =	sadd.s32 s17, s8;
	[dreg:$0x5] =	wrdreg s11  }
0x13: {  	s21 =	sshrl.u32 s14, $0x3;
	s11 =	sadd.s32 s18, s24;
	[dreg:$0x8] =	wrdreg s20  }
0x14: {  	s12 =	sshrl.u32 s23, $0x3;
	s24 =	sadd.s32 s17, s9;
	s23 =	sadd.s32 s17, s2  }
0x15: {  	[dreg:$0x7] =	wrdreg s11;
	s11 =	sshrl.u32 s22, $0x3;
	s25 =	sadd.s32 s18, s12  }
0x16: {  	s26 =	sshrl.u32 s24, $0x3;
	s12 =	sadd.s32 s17, s15;
	s22 =	sadd.s32 s17, s0  }
0x17: {  	s24 =	sshrl.u32 s23, $0x3;
	s11 =	sadd.s32 s18, s11;
	[dreg:$0xb] =	wrdreg s25  }
0x18: {  	s14 =	sadd.s32 s18, s24;
	s25 =	sshrl.u32 s17, $0x3;
	s17 =	rddreg [dreg:$0x3]  }
0x19: {  	[dreg:$0xa] =	wrdreg s11;
	s11 =	sadd.s32 s18, s26;
	s23 =	sadd.s32 s5, s17  }
0x1a: {  	s24 =	sadd.s32 s6, s17;
	s28 =	sadd.s32 s9, s17;
	s29 =	sadd.s32 s15, s17  }
0x1b: {  	s30 =	sadd.s32 s16, s17;
	s31 =	sadd.s32 s31, s17;
	s15 =	sadd.s32 s0, s17  }
0x1c: {  	s0 =	sadd.s32 s2, s17;
	[dreg:$0xc] =	wrdreg s11;
	s11 =	sshrl.u32 s12, $0x3  }
0x1d: {  	s5 =	simm.s32 $0x1;
	s12 =	sshrl.u32 s13, $0x3;
	s11 =	sadd.s32 s18, s11  }
0x1e: {  	s6 =	simm.s32 $0x13900;
	s20 =	sadd.s32 s18, s12;
	[dreg:$0xd] =	wrdreg s11  }
0x1f: {  	s9 =	simm.s32 $0x0;
	s12 =	stileid.u32;
	[dreg:$0xe] =	wrdreg s20  }
0x20: {  	s11 =	sadd.s32 s18, s21;
	s20 =	rddreg [dreg:$0x0];
	s21 =	smul.u32 $0x4E000, s12  }
0x21: {  	p0 =	sne.s32 s12, $0xF;
	[dreg:$0xf] =	wrdreg s11;
	s11 =	sshrl.u32 s22, $0x3  }
0x22: {  	s22 =	sadd.s32 s4, s17;
	s4 =	simm.s32 $0x16100;
	s11 =	sadd.s32 s18, s11  }
0x23: {  	s26 =	sshrl.u32 s21, $0x2;
	s21 =	sadd.s32 s3, s17;
	s3 =	sadd.s32 $0x138000, s17  }
0x24: {  	[dreg:$0x10] =	wrdreg s11;
	s11 =	sadd.s32 s18, s25;
	s18 =	sadd.s32 s10, s20  }
0x25: {  	s20 =	sadd.s32 s26, s17;
	s25 =	sadd.s32 s7, s17;
	_ =	strace $0x8000004A  }
0x26: {  	s26 =	sadd.s32 s8, s17;
	s7 =	simm.s32 $0x13880;
	s13 =	rddreg [dreg:$0x11]  }
0x27: {  	s8 =	simm.s32 $0x50;
	s16 =	sadd.s32 $0x27000, s11;
	s2 =	smax.u32 s13, $0x1  }
.LBB2_1:
0x28: {  	[tilespmem:s4], [sflag:$0x1] =	stream.linear.gather [hbm4b:s19+s1], $0x1800, $0x38;
	[tilespmem:$0x17900] =	vst v63  }
0x29: {  	_ =	swait.ge [sflag:s5], $0x1800  }
0x2a: {  	[sflag:s5] =	ssyncset.done $0x0  }
0x2b: {  	[sflag:s5] =	ssyncadd.s32 $0xFFFFE800  }
0x2c: {  	s10 =	rddreg [dreg:$0x1]  }
0x2d: {  	[tilespmem:s6], [sflag:$0x1] =	stream.linear.gather [hbm4b:s10+s1], $0x2800, $0x38;
	[tilespmem:$0x17900] =	vst v63  }
0x2e: {  	_ =	swait.ge [sflag:s5], $0x2800  }
0x2f: {  	[sflag:s5] =	ssyncset.done $0x0  }
0x30: {  	[sflag:s5] =	ssyncadd.s32 $0xFFFFD800  }
0x31: {  	[spmem:s20] =	stream.linear.scatter [tilespmem:s4], [sflag:$0x1], $0x1800, $0x38;
	[tilespmem:$0x17900] =	vst v63  }
0x32: {  	_ =	swait.ge [sflag:s5], $0x1800  }
0x33: {  	[sflag:s5] =	ssyncset.done $0x0  }
0x34: {  	[sflag:s5] =	ssyncadd.s32 $0xFFFFE800  }
0x35: {  	[spmem:s21] =	stream.linear.scatter [tilespmem:s4], [sflag:$0x1], $0x1800, $0x38;
	[tilespmem:$0x17900] =	vst v63  }
0x36: {  	_ =	swait.ge [sflag:s5], $0x1800  }
0x37: {  	[sflag:s5] =	ssyncset.done $0x0  }
0x38: {  	[sflag:s5] =	ssyncadd.s32 $0xFFFFE800  }
0x39: {  	[spmem:s22] =	stream.linear.scatter [tilespmem:s4], [sflag:$0x1], $0x1800, $0x38;
	[tilespmem:$0x17900] =	vst v63  }
0x3a: {  	_ =	swait.ge [sflag:s5], $0x1800  }
0x3b: {  	[sflag:s5] =	ssyncset.done $0x0  }
0x3c: {  	[sflag:s5] =	ssyncadd.s32 $0xFFFFE800  }
0x3d: {  	[spmem:s23] =	stream.linear.scatter [tilespmem:s4], [sflag:$0x1], $0x1800, $0x38;
	[tilespmem:$0x17900] =	vst v63  }
0x3e: {  	_ =	swait.ge [sflag:s5], $0x1800  }
0x3f: {  	[sflag:s5] =	ssyncset.done $0x0  }
0x40: {  	[sflag:s5] =	ssyncadd.s32 $0xFFFFE800  }
0x41: {  	[spmem:s24] =	stream.linear.scatter [tilespmem:s4], [sflag:$0x1], $0x1800, $0x38;
	[tilespmem:$0x17900] =	vst v63  }
0x42: {  	_ =	swait.ge [sflag:s5], $0x1800  }
0x43: {  	[sflag:s5] =	ssyncset.done $0x0  }
0x44: {  	[sflag:s5] =	ssyncadd.s32 $0xFFFFE800  }
0x45: {  	[spmem:s25] =	stream.linear.scatter [tilespmem:s4], [sflag:$0x1], $0x1800, $0x38;
	[tilespmem:$0x17900] =	vst v63  }
0x46: {  	_ =	swait.ge [sflag:s5], $0x1800  }
0x47: {  	[sflag:s5] =	ssyncset.done $0x0  }
0x48: {  	[sflag:s5] =	ssyncadd.s32 $0xFFFFE800  }
0x49: {  	[spmem:s26] =	stream.linear.scatter [tilespmem:s4], [sflag:$0x1], $0x1800, $0x38;
	[tilespmem:$0x17900] =	vst v63  }
0x4a: {  	_ =	swait.ge [sflag:s5], $0x1800  }
0x4b: {  	[sflag:s5] =	ssyncset.done $0x0  }
0x4c: {  	[sflag:s5] =	ssyncadd.s32 $0xFFFFE800  }
0x4d: {  	[spmem:s28] =	stream.linear.scatter [tilespmem:s4], [sflag:$0x1], $0x1800, $0x38;
	[tilespmem:$0x17900] =	vst v63  }
0x4e: {  	_ =	swait.ge [sflag:s5], $0x1800  }
0x4f: {  	[sflag:s5] =	ssyncset.done $0x0  }
0x50: {  	[sflag:s5] =	ssyncadd.s32 $0xFFFFE800  }
0x51: {  	[spmem:s29] =	stream.linear.scatter [tilespmem:s4], [sflag:$0x1], $0x1800, $0x38;
	[tilespmem:$0x17900] =	vst v63  }
0x52: {  	_ =	swait.ge [sflag:s5], $0x1800  }
0x53: {  	[sflag:s5] =	ssyncset.done $0x0  }
0x54: {  	[sflag:s5] =	ssyncadd.s32 $0xFFFFE800  }
0x55: {  	[spmem:s30] =	stream.linear.scatter [tilespmem:s4], [sflag:$0x1], $0x1800, $0x38;
	[tilespmem:$0x17900] =	vst v63  }
0x56: {  	_ =	swait.ge [sflag:s5], $0x1800  }
0x57: {  	[sflag:s5] =	ssyncset.done $0x0  }
0x58: {  	[sflag:s5] =	ssyncadd.s32 $0xFFFFE800  }
0x59: {  	[spmem:s31] =	stream.linear.scatter [tilespmem:s4], [sflag:$0x1], $0x1800, $0x38;
	[tilespmem:$0x17900] =	vst v63  }
0x5a: {  	_ =	swait.ge [sflag:s5], $0x1800  }
0x5b: {  	[sflag:s5] =	ssyncset.done $0x0  }
0x5c: {  	[sflag:s5] =	ssyncadd.s32 $0xFFFFE800  }
0x5d: {  	[spmem:s15] =	stream.linear.scatter [tilespmem:s4], [sflag:$0x1], $0x1800, $0x38;
	[tilespmem:$0x17900] =	vst v63  }
0x5e: {  	_ =	swait.ge [sflag:s5], $0x1800  }
0x5f: {  	[sflag:s5] =	ssyncset.done $0x0  }
0x60: {  	[sflag:s5] =	ssyncadd.s32 $0xFFFFE800  }
0x61: {  	[spmem:s0] =	stream.linear.scatter [tilespmem:s4], [sflag:$0x1], $0x1800, $0x38;
	[tilespmem:$0x17900] =	vst v63  }
0x62: {  	_ =	swait.ge [sflag:s5], $0x1800  }
0x63: {  	[sflag:s5] =	ssyncset.done $0x0  }
0x64: {  	s10 =	simm.s32 @!p0 $0x16100;
	[sflag:s5] =	ssyncadd.s32 $0xFFFFE800  }
0x65: {  	[spmem:s3] =	stream.linear.scatter @!p0 [tilespmem:s10], [sflag:$0x1], $0x800, $0x38;
	[tilespmem:$0x17900] =	vst v63  }
0x66: {  	s10 =	simm.s32 @!p0 $0x1  }
0x67: {  	_ =	swait.ge @!p0 [sflag:s10], $0x800  }
0x68: {  	[sflag:s10] =	ssyncset.done @!p0 $0x0  }
0x69: {  	[sflag:s10] =	ssyncadd.s32 @!p0 $0xFFFFF800  }
0x6a: {  	s13 =	sadd.s32 $0x0, s18;
	[bflag:$0x0] =	sbarrier.arrive $0xFFFF  }
0x6b: {  	[tilespmem:s7], [sflag:$0x1] =	stream.linear.gather [hbm4b:s13+s1], $0x50, $0x38;
	[tilespmem:$0x17900] =	vst v63  }
0x6c: {  	_ =	swait.ge [sflag:s5], $0x50  }
0x6d: {  	[sflag:s5] =	ssyncset.done $0x0  }
0x6e: {  	[sflag:s5] =	ssyncadd.s32 $0xFFFFFFB0  }
0x6f: {  	[spmem:s17] =	stream.indirect.scatter.add.f32 [tilespmem:s6], [sflag:$0x1], $0x80, s7, s8, $0xb8;
	[tilespmem:$0x17900] =	vst v63  }
0x70: {  	_ =	swait.ge [sflag:s5], $0x2800  }
0x71: {  	s11 =	simm.s32 $0x14;
	s10 =	simm.s32 $0xA;
	[sflag:s5] =	ssyncset.done $0x0  }
.LBB2_2:
0x72: {  	s12 =	sadd.s32 s10, s18  }
0x73: {  	[sflag:s5] =	ssyncadd.s32 $0xFFFFD800;
	s10 =	smov.u32 s11;
	s13 =	sadd.s32 $0xA, s11  }
0x74: {  	[tilespmem:s7], [sflag:$0x1] =	stream.linear.gather [hbm4b:s12+s1], $0x50, $0x38;
	[tilespmem:$0x17900] =	vst v63  }
0x75: {  	p1 =	sne.s32 s11, $0x4D8;
	_ =	swait.ge [sflag:s5], $0x50  }
.Ltmp0:
0x76: {  	[sflag:s5] =	ssyncset.done $0x0;
	(pc) =	sbr.rel @p1 .LBB2_2-.Ltmp0, $4  }
0x77: {  	[sflag:s5] =	ssyncadd.s32 $0xFFFFFFB0  }
0x78: {  	[spmem:s17] =	stream.indirect.scatter.add.f32 [tilespmem:s6], [sflag:$0x1], $0x80, s7, s8, $0xb8;
	[tilespmem:$0x17900] =	vst v63  }
0x79: {  	_ =	swait.ge [sflag:s5], $0x2800  }
0x7a: {  	s11 =	smov.u32 s13;
	[sflag:s5] =	ssyncset.done $0x0  }
0x7b: {  	s10 =	sadd.s32 s10, s18;
	[sflag:s5] =	ssyncadd.s32 $0xFFFFD800  }
0x7c: {  	[tilespmem:s7], [sflag:$0x1] =	stream.linear.gather [hbm4b:s10+s1], $0x50, $0x38;
	[tilespmem:$0x17900] =	vst v63  }
0x7d: {  	_ =	swait.ge [sflag:s5], $0x50  }
0x7e: {  	[sflag:s5] =	ssyncset.done $0x0  }
0x7f: {  	[sflag:s5] =	ssyncadd.s32 $0xFFFFFFB0  }
0x80: {  	[spmem:s17] =	stream.indirect.scatter.add.f32 [tilespmem:s6], [sflag:$0x1], $0x80, s7, s8, $0xb8;
	[tilespmem:$0x17900] =	vst v63  }
0x81: {  	_ =	swait.ge [sflag:s5], $0x2800  }
0x82: {  	[sflag:s5] =	ssyncset.done $0x0  }
0x83: {  	[sflag:s5] =	ssyncadd.s32 $0xFFFFD800  }
0x84: {  	[bflag:$0x0] =	sbarrier.arrive $0xFFFF  }
0x85: {  	[tilespmem:s4], [sflag:$0x1] =	stream.linear.gather [spmem:s20], $0x1800, $0x38;
	[tilespmem:$0x17900] =	vst v63  }
0x86: {  	_ =	swait.ge [sflag:s5], $0x1800  }
0x87: {  	[sflag:s5] =	ssyncset.done $0x0  }
0x88: {  	s11 =	rddreg [dreg:$0x5];
	[sflag:s5] =	ssyncadd.s32 $0xFFFFE800  }
0x89: {  	[hbm4b:s11+s1] =	stream.linear.scatter [tilespmem:s4], [sflag:$0x1], $0x1800, $0x38;
	[tilespmem:$0x17900] =	vst v63  }
0x8a: {  	_ =	swait.ge [sflag:s5], $0x1800  }
0x8b: {  	[sflag:s5] =	ssyncset.done $0x0  }
0x8c: {  	[sflag:s5] =	ssyncadd.s32 $0xFFFFE800  }
0x8d: {  	[tilespmem:s4], [sflag:$0x1] =	stream.linear.gather [spmem:s21], $0x1800, $0x38;
	[tilespmem:$0x17900] =	vst v63  }
0x8e: {  	_ =	swait.ge [sflag:s5], $0x1800  }
0x8f: {  	[sflag:s5] =	ssyncset.done $0x0  }
0x90: {  	s12 =	rddreg [dreg:$0x6];
	[sflag:s5] =	ssyncadd.s32 $0xFFFFE800  }
0x91: {  	[hbm4b:s12+s1] =	stream.linear.scatter [tilespmem:s4], [sflag:$0x1], $0x1800, $0x38;
	[tilespmem:$0x17900] =	vst v63  }
0x92: {  	_ =	swait.ge [sflag:s5], $0x1800  }
0x93: {  	[sflag:s5] =	ssyncset.done $0x0  }
0x94: {  	[sflag:s5] =	ssyncadd.s32 $0xFFFFE800  }
0x95: {  	[tilespmem:s4], [sflag:$0x1] =	stream.linear.gather [spmem:s22], $0x1800, $0x38;
	[tilespmem:$0x17900] =	vst v63  }
0x96: {  	_ =	swait.ge [sflag:s5], $0x1800  }
0x97: {  	[sflag:s5] =	ssyncset.done $0x0  }
0x98: {  	s13 =	rddreg [dreg:$0x7];
	[sflag:s5] =	ssyncadd.s32 $0xFFFFE800  }
0x99: {  	[hbm4b:s13+s1] =	stream.linear.scatter [tilespmem:s4], [sflag:$0x1], $0x1800, $0x38;
	[tilespmem:$0x17900] =	vst v63  }
0x9a: {  	_ =	swait.ge [sflag:s5], $0x1800  }
0x9b: {  	[sflag:s5] =	ssyncset.done $0x0  }
0x9c: {  	[sflag:s5] =	ssyncadd.s32 $0xFFFFE800  }
0x9d: {  	[tilespmem:s4], [sflag:$0x1] =	stream.linear.gather [spmem:s23], $0x1800, $0x38;
	[tilespmem:$0x17900] =	vst v63  }
0x9e: {  	_ =	swait.ge [sflag:s5], $0x1800  }
0x9f: {  	[sflag:s5] =	ssyncset.done $0x0  }
0xa0: {  	s11 =	rddreg [dreg:$0x8];
	[sflag:s5] =	ssyncadd.s32 $0xFFFFE800  }
0xa1: {  	[hbm4b:s11+s1] =	stream.linear.scatter [tilespmem:s4], [sflag:$0x1], $0x1800, $0x38;
	[tilespmem:$0x17900] =	vst v63  }
0xa2: {  	_ =	swait.ge [sflag:s5], $0x1800  }
0xa3: {  	[sflag:s5] =	ssyncset.done $0x0  }
0xa4: {  	[sflag:s5] =	ssyncadd.s32 $0xFFFFE800  }
0xa5: {  	[tilespmem:s4], [sflag:$0x1] =	stream.linear.gather [spmem:s24], $0x1800, $0x38;
	[tilespmem:$0x17900] =	vst v63  }
0xa6: {  	_ =	swait.ge [sflag:s5], $0x1800  }
0xa7: {  	[sflag:s5] =	ssyncset.done $0x0  }
0xa8: {  	s12 =	rddreg [dreg:$0x9];
	[sflag:s5] =	ssyncadd.s32 $0xFFFFE800  }
0xa9: {  	[hbm4b:s12+s1] =	stream.linear.scatter [tilespmem:s4], [sflag:$0x1], $0x1800, $0x38;
	[tilespmem:$0x17900] =	vst v63  }
0xaa: {  	_ =	swait.ge [sflag:s5], $0x1800  }
0xab: {  	[sflag:s5] =	ssyncset.done $0x0  }
0xac: {  	[sflag:s5] =	ssyncadd.s32 $0xFFFFE800  }
0xad: {  	[tilespmem:s4], [sflag:$0x1] =	stream.linear.gather [spmem:s25], $0x1800, $0x38;
	[tilespmem:$0x17900] =	vst v63  }
0xae: {  	_ =	swait.ge [sflag:s5], $0x1800  }
0xaf: {  	[sflag:s5] =	ssyncset.done $0x0  }
0xb0: {  	s13 =	rddreg [dreg:$0xa];
	[sflag:s5] =	ssyncadd.s32 $0xFFFFE800  }
0xb1: {  	[hbm4b:s13+s1] =	stream.linear.scatter [tilespmem:s4], [sflag:$0x1], $0x1800, $0x38;
	[tilespmem:$0x17900] =	vst v63  }
0xb2: {  	_ =	swait.ge [sflag:s5], $0x1800  }
0xb3: {  	[sflag:s5] =	ssyncset.done $0x0  }
0xb4: {  	[sflag:s5] =	ssyncadd.s32 $0xFFFFE800  }
0xb5: {  	[tilespmem:s4], [sflag:$0x1] =	stream.linear.gather [spmem:s26], $0x1800, $0x38;
	[tilespmem:$0x17900] =	vst v63  }
0xb6: {  	_ =	swait.ge [sflag:s5], $0x1800  }
0xb7: {  	[sflag:s5] =	ssyncset.done $0x0  }
0xb8: {  	s11 =	rddreg [dreg:$0xb];
	[sflag:s5] =	ssyncadd.s32 $0xFFFFE800  }
0xb9: {  	[hbm4b:s11+s1] =	stream.linear.scatter [tilespmem:s4], [sflag:$0x1], $0x1800, $0x38;
	[tilespmem:$0x17900] =	vst v63  }
0xba: {  	_ =	swait.ge [sflag:s5], $0x1800  }
0xbb: {  	[sflag:s5] =	ssyncset.done $0x0  }
0xbc: {  	[sflag:s5] =	ssyncadd.s32 $0xFFFFE800  }
0xbd: {  	[tilespmem:s4], [sflag:$0x1] =	stream.linear.gather [spmem:s28], $0x1800, $0x38;
	[tilespmem:$0x17900] =	vst v63  }
0xbe: {  	_ =	swait.ge [sflag:s5], $0x1800  }
0xbf: {  	[sflag:s5] =	ssyncset.done $0x0  }
0xc0: {  	s12 =	rddreg [dreg:$0xc];
	[sflag:s5] =	ssyncadd.s32 $0xFFFFE800  }
0xc1: {  	[hbm4b:s12+s1] =	stream.linear.scatter [tilespmem:s4], [sflag:$0x1], $0x1800, $0x38;
	[tilespmem:$0x17900] =	vst v63  }
0xc2: {  	_ =	swait.ge [sflag:s5], $0x1800  }
0xc3: {  	[sflag:s5] =	ssyncset.done $0x0  }
0xc4: {  	[sflag:s5] =	ssyncadd.s32 $0xFFFFE800  }
0xc5: {  	[tilespmem:s4], [sflag:$0x1] =	stream.linear.gather [spmem:s29], $0x1800, $0x38;
	[tilespmem:$0x17900] =	vst v63  }
0xc6: {  	_ =	swait.ge [sflag:s5], $0x1800  }
0xc7: {  	[sflag:s5] =	ssyncset.done $0x0  }
0xc8: {  	s13 =	rddreg [dreg:$0xd];
	[sflag:s5] =	ssyncadd.s32 $0xFFFFE800  }
0xc9: {  	[hbm4b:s13+s1] =	stream.linear.scatter [tilespmem:s4], [sflag:$0x1], $0x1800, $0x38;
	[tilespmem:$0x17900] =	vst v63  }
0xca: {  	_ =	swait.ge [sflag:s5], $0x1800  }
0xcb: {  	[sflag:s5] =	ssyncset.done $0x0  }
0xcc: {  	[sflag:s5] =	ssyncadd.s32 $0xFFFFE800  }
0xcd: {  	[tilespmem:s4], [sflag:$0x1] =	stream.linear.gather [spmem:s30], $0x1800, $0x38;
	[tilespmem:$0x17900] =	vst v63  }
0xce: {  	_ =	swait.ge [sflag:s5], $0x1800  }
0xcf: {  	[sflag:s5] =	ssyncset.done $0x0  }
0xd0: {  	s11 =	rddreg [dreg:$0xe];
	[sflag:s5] =	ssyncadd.s32 $0xFFFFE800  }
0xd1: {  	[hbm4b:s11+s1] =	stream.linear.scatter [tilespmem:s4], [sflag:$0x1], $0x1800, $0x38;
	[tilespmem:$0x17900] =	vst v63  }
0xd2: {  	_ =	swait.ge [sflag:s5], $0x1800  }
0xd3: {  	[sflag:s5] =	ssyncset.done $0x0  }
0xd4: {  	[sflag:s5] =	ssyncadd.s32 $0xFFFFE800  }
0xd5: {  	[tilespmem:s4], [sflag:$0x1] =	stream.linear.gather [spmem:s31], $0x1800, $0x38;
	[tilespmem:$0x17900] =	vst v63  }
0xd6: {  	_ =	swait.ge [sflag:s5], $0x1800  }
0xd7: {  	[sflag:s5] =	ssyncset.done $0x0  }
0xd8: {  	s12 =	rddreg [dreg:$0xf];
	[sflag:s5] =	ssyncadd.s32 $0xFFFFE800  }
0xd9: {  	[hbm4b:s12+s1] =	stream.linear.scatter [tilespmem:s4], [sflag:$0x1], $0x1800, $0x38;
	[tilespmem:$0x17900] =	vst v63  }
0xda: {  	_ =	swait.ge [sflag:s5], $0x1800  }
0xdb: {  	[sflag:s5] =	ssyncset.done $0x0  }
0xdc: {  	[sflag:s5] =	ssyncadd.s32 $0xFFFFE800  }
0xdd: {  	[tilespmem:s4], [sflag:$0x1] =	stream.linear.gather [spmem:s15], $0x1800, $0x38;
	[tilespmem:$0x17900] =	vst v63  }
0xde: {  	_ =	swait.ge [sflag:s5], $0x1800  }
0xdf: {  	[sflag:s5] =	ssyncset.done $0x0  }
0xe0: {  	s13 =	rddreg [dreg:$0x10];
	[sflag:s5] =	ssyncadd.s32 $0xFFFFE800  }
0xe1: {  	[hbm4b:s13+s1] =	stream.linear.scatter [tilespmem:s4], [sflag:$0x1], $0x1800, $0x38;
	[tilespmem:$0x17900] =	vst v63  }
0xe2: {  	_ =	swait.ge [sflag:s5], $0x1800  }
0xe3: {  	[sflag:s5] =	ssyncset.done $0x0  }
0xe4: {  	[sflag:s5] =	ssyncadd.s32 $0xFFFFE800  }
0xe5: {  	[tilespmem:s4], [sflag:$0x1] =	stream.linear.gather [spmem:s0], $0x1800, $0x38;
	[tilespmem:$0x17900] =	vst v63  }
0xe6: {  	_ =	swait.ge [sflag:s5], $0x1800  }
0xe7: {  	[sflag:s5] =	ssyncset.done $0x0  }
0xe8: {  	[sflag:s5] =	ssyncadd.s32 $0xFFFFE800  }
0xe9: {  	[hbm4b:s14+s1] =	stream.linear.scatter [tilespmem:s4], [sflag:$0x1], $0x1800, $0x38;
	[tilespmem:$0x17900] =	vst v63  }
0xea: {  	_ =	swait.ge [sflag:s5], $0x1800  }
0xeb: {  	[sflag:s5] =	ssyncset.done $0x0  }
0xec: {  	s10 =	simm.s32 @!p0 $0x16100;
	s11 =	simm.s32 @!p0 $0x1;
	[sflag:s5] =	ssyncadd.s32 $0xFFFFE800  }
0xed: {  	[tilespmem:s10], [sflag:$0x1] =	stream.linear.gather @!p0 [spmem:s3], $0x800, $0x38;
	[tilespmem:$0x17900] =	vst v63  }
0xee: {  	s9 =	sadd.s32 $0x1, s9;
	_ =	swait.ge @!p0 [sflag:s11], $0x800  }
0xef: {  	p1 =	sne.s32 s9, s2;
	[sflag:s11] =	ssyncset.done @!p0 $0x0  }
.Ltmp1:
0xf0: {  	s12 =	simm.s32 @!p0 $0x0;
	[sflag:s11] =	ssyncadd.s32 @!p0 $0xFFFFF800;
	(pc) =	sbr.rel @p1 .LBB2_1-.Ltmp1, $4  }
0xf1: {  	[hbm4b:s16+s12] =	stream.linear.scatter @!p0 [tilespmem:s10], [sflag:$0x1], $0x800, $0x38;
	[tilespmem:$0x17900] =	vst v63  }
0xf2: {  	_ =	swait.ge @!p0 [sflag:s11], $0x800  }
0xf3: {  	[sflag:s11] =	ssyncset.done @!p0 $0x0  }
0xf4: {  	[sflag:s11] =	ssyncadd.s32 @!p0 $0xFFFFF800  }
0xf5: {  	_ =	sfence.sel $0x180000  }
0xf6: {  	[bflag:$0x0] =	sbarrier.arrive $0xFFFF  }
0xf7: {  	_ =	strace $0x9000004A  }
0xf8: {  	s0 =	stileid.u32;
	[bflag:$0x2] =	sbarrier.arrive $0xFFFF  }
0xf9: {  	p0 =	sne.s32 s0, $0x0;
	s0 =	rddreg [dreg:$0x4]  }
0xfa: {  	s0 =	sadd.s32 @!p0 $0x100000, s0  }
0xfb: {  	[sflag:s0] =	ssyncadd.tile.s32 @!p0 $0x1;
	_ =	shalt  }
.Lfunc_end2:
_tile_overlayer_lowered:
.L_overlay_start_2:
0xfc: {  	(tag) =	ssettag $0x2  }
0xfd: {  	s0 =	rddreg [dreg:$0x0];
	s2 =	stileid.u32  }
0xfe: {  	s1 =	rddreg [dreg:$0x1];
	p0 =	sne.s32 s2, $0x0  }
0xff: {  	s3 =	rddreg [dreg:$0x2];
	[bflag:$0x3] =	sbarrier.arrive $0xFFFF;
	s2 =	simm.s32 @!p0 $0x1C01  }
0x100: {  	[timem:s3], [sflag:s2] =	dma.local @!p0 [hbm:s0], s1  }
0x101: {  	s0 =	simm.s32 @!p0 $0x1  }
0x102: {  	_ =	swait.ge @!p0 [sflag:s0], s1  }
0x103: {  	s1 =	ssub.s32 @!p0 $0x0, s1;
	[sflag:s0] =	ssyncset.done @!p0 $0x0  }
0x104: {  	[sflag:s0] =	ssyncadd.s32 @!p0 s1  }
0x105: {  	[bflag:$0x3] =	sbarrier.arrive $0xFFFF  }
0x106: {  	_ =	shalt  }

// kernel: sc_seg_partial.4.cloned.1.call-start
scs
__scs_entry_jumppad:
0x0: {  	(pc) =	sbr.rel $0x88, $3  }
0x1: {  	(tag) =	ssettag $0x0;
	lr =	simm.s32 $0x1  }
0x2: {  	[smem:$0x3F93] =	sst lr;
	_ =	strace $0xD0000000  }
0x3: {  	_ = 	snop  }
0x4: {  	_ = 	snop  }
0x5: {  	_ = 	snop  }
0x6: {  	_ = 	snop  }
0x7: {  	_ = 	snop  }
__scs_overlays_trampoline_lowered:
0x8: {  	[smem:$0x3FA2] =	sst s0  }
0x9: {  	[smem:$0x3FA3] =	sst s1  }
0xa: {  	[smem:$0x3FA4] =	sst s2  }
0xb: {  	[smem:$0x3FA5] =	sst s3  }
0xc: {  	[smem:$0x3FA6] =	sst s4  }
0xd: {  	[smem:$0x3FA7] =	sst s5  }
0xe: {  	[smem:$0x3FA8] =	sst s6  }
0xf: {  	[smem:$0x3FA9] =	sst s7  }
0x10: {  	[smem:$0x3FAA] =	sst s8  }
0x11: {  	[smem:$0x3FAB] =	sst s9;
	s0 =	simm.s32 @!p0 $0x0  }
0x12: {  	s1 =	sld [smem:$0x3F91];
	s0 =	simm.s32 @p0 $0x1  }
0x13: {  	[smem:$0x3FAC] =	sst s0;
	s0 =	simm.s32 @!p1 $0x0  }
0x14: {  	s2 =	sld [smem:$0x3F90];
	s0 =	simm.s32 @p1 $0x1  }
0x15: {  	[smem:$0x3FAD] =	sst s0;
	s0 =	simm.s32 @!p2 $0x0  }
0x16: {  	s3 =	sld [smem:$0x3FDB];
	s0 =	simm.s32 @p2 $0x1  }
0x17: {  	s4 =	simm.s32 $0x1BF5;
	[smem:$0x3FAF] =	sst s0  }
0x18: {  	s0 =	sld [smem:$0x3F92];
	_ =	swait.ge [sflag:s4], $0x0  }
0x19: {  	s7 =	sld [smem:$0x3F93]  }
0x1a: {  	s8 =	sadd.s32 $0xFFFFE003, lr  }
0x1b: {  	s9 =	sadd.s32 $0xFFFFFEF7, lr;
	s5 =	simm.s32 $0xFFFFFFFF;
	p2 =	slt.u32 s8, $0xFFFFF086  }
0x1c: {  	p1 =	slt.u32 s9, $0xF7A;
	s5 =	simm.s32 @!p2 $0x0  }
0x1d: {  	s5 =	simm.s32 @p1 $0x1;
	p0 =	seq.s32 s7, s2  }
0x1e: {  	s7 =	smul.u32 @!p0 $0xF7A, s2;
	p2 =	seq.s32 @!p0 s5, $0x0  }
0x1f: {  	s9 =	smul.u32 $0xF7A, s1;
	s8 =	simm.s32 @!p0 $0x1BF5;
	p2 =	por !p2, p0  }
0x20: {  	[sflag:s8] =	ssyncset.s32 @!p0 $0xFFFFF086;
	s6 =	sadd.s32 @!p0 s3, s7;
	s7 =	simm.s32 @!p0 $0x108  }
0x21: {  	s3 =	sadd.s32 s3, s9;
	s6 =	sadd.s32 @!p0 $0x88, s6;
	s7 =	simm.s32 @p2 $0x1082  }
0x22: {  	[simem:s7], [sflag:s8] =	dma.local @!p0 [hbm:s6], $0xF7A  }
0x23: {  	s9 =	sor.u32 $0xD0000000, s2;
	s6 =	simm.s32 $0x108;
	_ =	swait.ge @!p0 [sflag:s8], $0x0  }
0x24: {  	s3 =	sadd.s32 $0x88, s3;
	s6 =	simm.s32 @!p1 $0x1082;
	[sflag:s4] =	ssyncset.s32 $0xFFFFF086  }
0x25: {  	[simem:s6], [sflag:s4] =	dma.local [hbm:s3], $0xF7A  }
0x26: {  	[smem:$0x3F93] =	sst s1;
	(tag) =	ssettag s2;
	_ =	strace s9  }
0x27: {  	s1 =	sld [smem:$0x3FA3]  }
0x28: {  	s2 =	sld [smem:$0x3FA4]  }
0x29: {  	s4 =	sld [smem:$0x3FA6]  }
0x2a: {  	p0 =	seq.s32 s5, $0x0;
	s5 =	sld [smem:$0x3FA7]  }
0x2b: {  	s6 =	sld [smem:$0x3FA8]  }
0x2c: {  	s7 =	sld [smem:$0x3FA9]  }
0x2d: {  	s3 =	simm.s32 $0x108;
	s8 =	sld [smem:$0x3FAA]  }
0x2e: {  	s3 =	simm.s32 @!p0 $0x1082;
	s9 =	sld [smem:$0x3FAB]  }
0x2f: {  	lr =	sadd.s32 s0, s3;
	s0 =	sld [smem:$0x3FA2]  }
0x30: {  	s3 =	sld [smem:$0x3FA5]  }
0x31: {  	[smem:$0x3FAE] =	sst s10  }
0x32: {  	s10 =	sld [smem:$0x3FAC];
	_ =	sdelay $0x3  }
0x33: {  	p0 =	seq.s32 s10, $0x1;
	s10 =	sld [smem:$0x3FAE];
	_ =	sdelay $0x3  }
0x34: {  	[smem:$0x3FAE] =	sst s10  }
0x35: {  	s10 =	sld [smem:$0x3FAD];
	_ =	sdelay $0x3  }
0x36: {  	p1 =	seq.s32 s10, $0x1;
	s10 =	sld [smem:$0x3FAE];
	_ =	sdelay $0x3  }
0x37: {  	[smem:$0x3FAE] =	sst s10  }
0x38: {  	s10 =	sld [smem:$0x3FAF]  }
0x39: {  	_ = 	snop;
	(pc) =	sbr.ind lr, $3  }
0x3a: {  	_ = 	snop  }
0x3b: {  	_ = 	snop  }
0x3c: {  	p2 =	seq.s32 s10, $0x1;
	s10 =	sld [smem:$0x3FAE]  }
0x3d: {  	_ =	shalt  }
0x3e: {  	_ =	shalt  }
0x3f: {  	_ =	shalt  }
0x40: {  	_ =	shalt  }
0x41: {  	_ =	shalt  }
0x42: {  	_ =	shalt  }
0x43: {  	_ =	shalt  }
0x44: {  	_ =	shalt  }
0x45: {  	_ =	shalt  }
0x46: {  	_ =	shalt  }
0x47: {  	_ =	shalt  }
0x48: {  	_ =	shalt  }
0x49: {  	_ =	shalt  }
0x4a: {  	_ =	shalt  }
0x4b: {  	_ =	shalt  }
0x4c: {  	_ =	shalt  }
0x4d: {  	_ =	shalt  }
0x4e: {  	_ =	shalt  }
0x4f: {  	_ =	shalt  }
0x50: {  	_ =	shalt  }
0x51: {  	_ =	shalt  }
0x52: {  	_ =	shalt  }
0x53: {  	_ =	shalt  }
0x54: {  	_ =	shalt  }
0x55: {  	_ =	shalt  }
0x56: {  	_ =	shalt  }
0x57: {  	_ =	shalt  }
0x58: {  	_ =	shalt  }
0x59: {  	_ =	shalt  }
0x5a: {  	_ =	shalt  }
0x5b: {  	_ =	shalt  }
0x5c: {  	_ =	shalt  }
0x5d: {  	_ =	shalt  }
0x5e: {  	_ =	shalt  }
0x5f: {  	_ =	shalt  }
0x60: {  	_ =	shalt  }
0x61: {  	_ =	shalt  }
0x62: {  	_ =	shalt  }
0x63: {  	_ =	shalt  }
0x64: {  	_ =	shalt  }
0x65: {  	_ =	shalt  }
0x66: {  	_ =	shalt  }
0x67: {  	_ =	shalt  }
0x68: {  	_ =	shalt  }
0x69: {  	_ =	shalt  }
0x6a: {  	_ =	shalt  }
0x6b: {  	_ =	shalt  }
0x6c: {  	_ =	shalt  }
0x6d: {  	_ =	shalt  }
0x6e: {  	_ =	shalt  }
0x6f: {  	_ =	shalt  }
0x70: {  	_ =	shalt  }
0x71: {  	_ =	shalt  }
0x72: {  	_ =	shalt  }
0x73: {  	_ =	shalt  }
0x74: {  	_ =	shalt  }
0x75: {  	_ =	shalt  }
0x76: {  	_ =	shalt  }
0x77: {  	_ =	shalt  }
0x78: {  	_ =	shalt  }
0x79: {  	_ =	shalt  }
0x7a: {  	_ =	shalt  }
0x7b: {  	_ =	shalt  }
0x7c: {  	_ =	shalt  }
0x7d: {  	_ =	shalt  }
0x7e: {  	_ =	shalt  }
0x7f: {  	_ =	shalt  }
0x80: {  	_ =	shalt  }
0x81: {  	_ =	shalt  }
0x82: {  	_ =	shalt  }
0x83: {  	_ =	shalt  }
0x84: {  	_ =	shalt  }
0x85: {  	_ =	shalt  }
0x86: {  	_ =	shalt  }
0x87: {  	_ =	shalt  }
.Lfunc_end0:
.L_simem_size_0:
called_computation_lowered:
.L_overlay_start_0:
0x88: {  	s2 =	sld [smem:$0x3FD9]  }
0x89: {  	s3 =	sld [smem:$0x3FFE];
	_ =	sdelay $0x1  }
0x8a: {  	s1 =	srdreg.scid  }
0x8b: {  	s0 =	sand.u32 $0x1, s1  }
0x8c: {  	s14 =	sshll.u32 s0, $0xA;
	s2 =	sadd.s32 s3, s2  }
0x8d: {  	s2 =	sadd.s32 s2, s14  }
0x8e: {  	[smem:$0x3FBA] =	sst s2  }
0x8f: {  	_ = 	snop  }
0x90: {  	s2 =	sld [smem:$0x3FD0];
	_ =	sdelay $0x2  }
0x91: {  	s4 =	simm.s32 $0xB;
	s5 =	simm.s32 $0x10;
	s15 =	sld [smem:$0x3FC9]  }
0x92: {  	[smem:s5], [sflag:s4] =	dma.local [hbm:s2], $0x1  }
0x93: {  	_ =	swait.eq [sflag:s4], $0x1  }
0x94: {  	[sflag:s4] =	ssyncset.done $0x0  }
0x95: {  	[sflag:s4] =	ssyncadd.s32 $0xFFFFFFFF  }
0x96: {  	s16 =	sld [smem:$0x11];
	(tm) =	ssettm $0x1  }
0x97: {  	s17 =	sld [smem:$0x3FFB];
	_ =	sdelay $0x3  }
0x98: {  	_ =	strace s17  }
0x99: {  	s4 =	sld [smem:$0x3FFC];
	_ =	sdelay $0x3  }
0x9a: {  	_ =	strace s4  }
0x9b: {  	s4 =	sld [smem:$0x3FFD];
	_ =	sdelay $0x3  }
0x9c: {  	_ =	strace s4  }
0x9d: {  	_ =	strace $0x8FFFFFFF  }
0x9e: {  	s18 =	sld [smem:$0x3FDB];
	_ =	sdelay $0x1  }
0x9f: {  	s19 =	simm.s32 $_scs_section_size  }
0xa0: {  	s6 =	simm.s32 $_size__tile_overlayer_lowered;
	s7 =	simm.s32 $_tile_overlayer_lowered  }
0xa1: {  	s22 =	simm.s32 $0x1BFF;
	s21 =	sshll.u32 s7, $0x1;
	s4 =	sadd.s32 s19, s18  }
0xa2: {  	s8 =	simm.s32 $0x0;
	s20 =	sshll.u32 s6, $0x1;
	s6 =	sadd.s32 s21, s4  }
0xa3: {  	[timem:s8], [sflag:s22] =	dma.local [hbm:s6], s20  }
0xa4: {  	_ =	swait.ge [sflag:s22], s20  }
0xa5: {  	s5 =	ssub.s32 $0x0, s20;
	[sflag:s22] =	ssyncset.done $0x0  }
0xa6: {  	[sflag:s22] =	ssyncadd.s32 s5;
	_ =	sdelay $0x1  }
0xa7: {  	s23 =	simm.s32 $0x1B8B  }
0xa8: {  	_ =	swait.ge [sflag:s23], $0x1  }
0xa9: {  	[sflag:s23] =	ssyncset.done $0x0  }
0xaa: {  	s25 =	simm.s32 $0x1B8E;
	s24 =	sld [smem:$0x3FFE];
	[sflag:s23] =	ssyncadd.s32 $0xFFFFFFFF  }
0xab: {  	s26 =	simm.s32 $execute0_lowered;
	[smem:$0x3FD2] =	sst s25  }
0xac: {  	s6 =	sshll.u32 s26, $0x1;
	_ =	strace $0x80000046;
	[dreg:$0x1] =	wrdreg $0xFFFFFFFF  }
0xad: {  	s28 =	simm.s32 $_size_execute0_lowered;
	s4 =	sadd.s32 s4, s6;
	[dreg:$0x0] =	wrdreg $0x0  }
0xae: {  	s6 =	sshll.u32 s28, $0x1;
	[dreg:$0x2] =	wrdreg s4  }
0xaf: {  	[dreg:$0x3] =	wrdreg s6  }
0xb0: {  	[dreg:$0x4] =	wrdreg $0xC0  }
0xb1: {  	_ =	task [dreg:s8], $0x5FFFF  }
0xb2: {  	[dreg:$0x1] =	wrdreg $0xFFFFFFFF  }
0xb3: {  	[dreg:$0x0] =	wrdreg $0x60  }
0xb4: {  	[dreg:$0x2] =	wrdreg s15  }
0xb5: {  	[dreg:$0x3] =	wrdreg s24  }
0xb6: {  	[dreg:$0x4] =	wrdreg s16  }
0xb7: {  	[dreg:$0x5] =	wrdreg $0x0  }
0xb8: {  	[dreg:$0x6] =	wrdreg $0x9  }
0xb9: {  	_ =	task.clear_ibuf [dreg:s8], $0x7FFFF;
	_ =	strace $0x90000046  }
0xba: {  	s29 =	simm.s32 $0x9;
	_ =	strace $0x80000048  }
0xbb: {  	_ =	swait.ge [sflag:s29], $0x1  }
0xbc: {  	[sflag:s29] =	ssyncadd.s32 $0xFFFFFFFF  }
0xbd: {  	_ =	strace $0x90000048  }
0xbe: {  	_ =	sfence  }
0xbf: {  	s30 =	sld [smem:$0x0];
	_ =	sdelay $0x2  }
0xc0: {  	s31 =	sshll.u32 s1, $0xD;
	s1 =	sshrl.u32 s1, $0x2  }
0xc1: {  	s3 =	sand.u32 $0x4000, s31;
	s1 =	sadd.s32 s1, s30  }
0xc2: {  	s0 =	sor.u32 s3, s0;
	s1 =	sshll.u32 s1, $0x11  }
0xc3: {  	s0 =	sor.u32 s1, s0  }
0xc4: {  	s0 =	sadd.s32 $0x8F2B, s0  }
0xc5: {  	[sflag:s0] =	ssyncadd.remote.s32 $0x1  }
0xc6: {  	_ =	sfence.sel $0xFFFF  }
0xc7: {  	[dreg:$0x0] =	wrdreg $0xFFFFFFFF;
	(pc) =	sbr.abs _section_cstart, $3  }
0xc8: {  	[dreg:$0x1] =	wrdreg $0xFFFFFFFF  }
0xc9: {  	_ =	task.clear_ibuf [dreg:s8], $0x2FFFF;
	_ =	strace $0x9FFFFFFF  }
0xca: {  	(tm) =	ssettm $0x7FFFFFFF  }
0xcb: {  	_ =	shalt  }
tec
execute0_lowered:
.L_overlay_start_1:
0x0: {  	(tag) =	ssettag $0x1  }
0x1: {  	s1 =	srdreg.scid;
	s0 =	stileid.u32  }
0x2: {  	s20 =	rddreg [dreg:$0x1];
	s8 =	sand.u32 $0x1, s1;
	s3 =	smul.u32 $0x2710, s0  }
0x3: {  	s1 =	simm.s32 $0x0;
	s13 =	smul.u32 $0x13800, s0;
	s15 =	sadd.s32 $0xD200, s20  }
0x4: {  	s2 =	smul.u32 $0x27100, s8;
	s4 =	ssub.s32 $0x2, s8;
	[smem:$0x7FF] =	sst s1  }
0x5: {  	s17 =	smul.u32 $0x138800, s8;
	s5 =	sshrl.u32 s4, $0x1;
	s6 =	sadd.s32 $0x6000, s13  }
0x6: {  	s7 =	sadd.s32 $0x7800, s13;
	s8 =	sadd.s32 $0x9000, s13;
	s9 =	sadd.s32 $0xA800, s13  }
0x7: {  	s10 =	sadd.s32 $0xC000, s13;
	s11 =	sadd.s32 $0xD800, s13;
	s12 =	sadd.s32 $0xF000, s13  }
0x8: {  	s16 =	sadd.s32 $0x10800, s13;
	s0 =	sadd.s32 $0x12000, s13;
	s14 =	sadd.s32 s3, s2  }
0x9: {  	s21 =	ssub.s32 s4, s5;
	s2 =	sadd.s32 $0x1800, s13;
	s4 =	sadd.s32 $0x3000, s13  }
0xa: {  	s5 =	sadd.s32 $0x4800, s13;
	s18 =	sadd.s32 s13, s17;
	s26 =	sadd.s32 s17, s6  }
0xb: {  	[dreg:$0x15] =	wrdreg s21;
	s18 =	sshrl.u32 s18, $0x3;
	s19 =	sadd.s32 s17, s2  }
0xc: {  	s24 =	sadd.s32 s17, s4;
	s25 =	sadd.s32 s17, s5;
	s21 =	sadd.s32 s17, s8  }
0xd: {  	s14 =	sshrl.u32 s14, $0x3;
	s22 =	sadd.s32 s15, s18;
	s23 =	sshrl.u32 s19, $0x3  }
0xe: {  	s18 =	sshrl.u32 s25, $0x3;
	s19 =	sadd.s32 s17, s7;
	s25 =	sadd.s32 s17, s10  }
0xf: {  	[dreg:$0x5] =	wrdreg s22;
	s13 =	sadd.s32 s15, s23;
	s3 =	sadd.s32 s15, s18  }
0x10: {  	s18 =	sshrl.u32 s26, $0x3;
	s22 =	sadd.s32 s17, s9;
	[dreg:$0x6] =	wrdreg s13  }
0x11: {  	s26 =	sadd.s32 s17, s11;
	s13 =	sshrl.u32 s24, $0x3;
	[dreg:$0x8] =	wrdreg s3  }
0x12: {  	s24 =	sshrl.u32 s22, $0x3;
	s3 =	sadd.s32 s17, s12;
	s13 =	sadd.s32 s15, s13  }
0x13: {  	s22 =	sadd.s32 s17, s0;
	[dreg:$0x7] =	wrdreg s13;
	s13 =	sadd.s32 s15, s18  }
0x14: {  	s18 =	sshrl.u32 s21, $0x3;
	s21 =	sadd.s32 s17, s16;
	[dreg:$0x9] =	wrdreg s13  }
0x15: {  	s13 =	sshrl.u32 s19, $0x3;
	s23 =	sadd.s32 s15, s18;
	s18 =	sshrl.u32 s26, $0x3  }
0x16: {  	s19 =	sshrl.u32 s3, $0x3;
	s13 =	sadd.s32 s15, s13;
	[dreg:$0xb] =	wrdreg s23  }
0x17: {  	s3 =	stileid.u32;
	s18 =	sadd.s32 s15, s18;
	[dreg:$0xa] =	wrdreg s13  }
0x18: {  	s26 =	sadd.s32 $0xCE00, s20;
	s23 =	sshrl.u32 s21, $0x3;
	[dreg:$0xe] =	wrdreg s18  }
0x19: {  	s21 =	smul.u32 $0x4E000, s3;
	s13 =	sadd.s32 s15, s24;
	s24 =	rddreg [dreg:$0x2]  }
0x1a: {  	p0 =	sne.s32 s3, $0xF;
	s18 =	sshrl.u32 s22, $0x3;
	[dreg:$0xc] =	wrdreg s13  }
0x1b: {  	s13 =	sshrl.u32 s25, $0x3;
	s18 =	sadd.s32 s15, s18;
	s25 =	sshrl.u32 s17, $0x3  }
0x1c: {  	s17 =	rddreg [dreg:$0x3];
	s21 =	sshrl.u32 s21, $0x2;
	s13 =	sadd.s32 s15, s13  }
0x1d: {  	[dreg:$0x11] =	wrdreg s18;
	s18 =	sadd.s32 s14, s24;
	s14 =	sadd.s32 s14, s20  }
0x1e: {  	s20 =	sadd.s32 s21, s17;
	s21 =	sadd.s32 s2, s17;
	s22 =	sadd.s32 s4, s17  }
0x1f: {  	s24 =	sadd.s32 s6, s17;
	s28 =	sadd.s32 s9, s17;
	s29 =	sadd.s32 s10, s17  }
0x20: {  	s30 =	sadd.s32 s11, s17;
	s31 =	sadd.s32 s12, s17;
	s16 =	sadd.s32 s16, s17  }
0x21: {  	s0 =	sadd.s32 s0, s17;
	s6 =	simm.s32 $0x13980;
	s9 =	simm.s32 $0x13900  }
0x22: {  	s10 =	simm.s32 $0x50;
	[dreg:$0xd] =	wrdreg s13;
	s13 =	sadd.s32 s15, s19  }
0x23: {  	s11 =	simm.s32 $0x1;
	s12 =	simm.s32 $0x0;
	[dreg:$0xf] =	wrdreg s13  }
0x24: {  	s19 =	sadd.s32 s15, s23;
	s15 =	sadd.s32 s15, s25;
	s13 =	rddreg [dreg:$0x0]  }
0x25: {  	s23 =	sadd.s32 s5, s17;
	s25 =	sadd.s32 s7, s17;
	[dreg:$0x10] =	wrdreg s19  }
0x26: {  	s4 =	sadd.s32 $0x3000, s14;
	_ =	strace $0x80000047;
	[dreg:$0x12] =	wrdreg s26  }
0x27: {  	s5 =	sadd.s32 $0x138000, s17;
	s15 =	sadd.s32 $0x27000, s15;
	s19 =	rddreg [dreg:$0x15]  }
0x28: {  	s7 =	simm.s32 $0x2;
	[dreg:$0x13] =	wrdreg s15;
	s2 =	smax.u32 s19, $0x1  }
0x29: {  	s26 =	sadd.s32 s8, s17;
	s8 =	simm.s32 $0x13880;
	[dreg:$0x14] =	wrdreg s2  }
.LBB2_1:
0x2a: {  	s2 =	rddreg [dreg:$0x12]  }
0x2b: {  	[tilespmem:s6], [sflag:$0x2] =	stream.linear.gather [hbm4b:s2+s1], $0x1800, $0x38;
	[tilespmem:$0x16180] =	vst v63  }
0x2c: {  	_ =	swait.ge [sflag:s7], $0x1800  }
0x2d: {  	[sflag:s7] =	ssyncset.done $0x0  }
0x2e: {  	[sflag:s7] =	ssyncadd.s32 $0xFFFFE800  }
0x2f: {  	[spmem:s20] =	stream.linear.scatter [tilespmem:s6], [sflag:$0x2], $0x1800, $0x38;
	[tilespmem:$0x16180] =	vst v63  }
0x30: {  	_ =	swait.ge [sflag:s7], $0x1800  }
0x31: {  	[sflag:s7] =	ssyncset.done $0x0  }
0x32: {  	[sflag:s7] =	ssyncadd.s32 $0xFFFFE800  }
0x33: {  	[spmem:s21] =	stream.linear.scatter [tilespmem:s6], [sflag:$0x2], $0x1800, $0x38;
	[tilespmem:$0x16180] =	vst v63  }
0x34: {  	_ =	swait.ge [sflag:s7], $0x1800  }
0x35: {  	[sflag:s7] =	ssyncset.done $0x0  }
0x36: {  	[sflag:s7] =	ssyncadd.s32 $0xFFFFE800  }
0x37: {  	[spmem:s22] =	stream.linear.scatter [tilespmem:s6], [sflag:$0x2], $0x1800, $0x38;
	[tilespmem:$0x16180] =	vst v63  }
0x38: {  	_ =	swait.ge [sflag:s7], $0x1800  }
0x39: {  	[sflag:s7] =	ssyncset.done $0x0  }
0x3a: {  	[sflag:s7] =	ssyncadd.s32 $0xFFFFE800  }
0x3b: {  	[spmem:s23] =	stream.linear.scatter [tilespmem:s6], [sflag:$0x2], $0x1800, $0x38;
	[tilespmem:$0x16180] =	vst v63  }
0x3c: {  	_ =	swait.ge [sflag:s7], $0x1800  }
0x3d: {  	[sflag:s7] =	ssyncset.done $0x0  }
0x3e: {  	[sflag:s7] =	ssyncadd.s32 $0xFFFFE800  }
0x3f: {  	[spmem:s24] =	stream.linear.scatter [tilespmem:s6], [sflag:$0x2], $0x1800, $0x38;
	[tilespmem:$0x16180] =	vst v63  }
0x40: {  	_ =	swait.ge [sflag:s7], $0x1800  }
0x41: {  	[sflag:s7] =	ssyncset.done $0x0  }
0x42: {  	[sflag:s7] =	ssyncadd.s32 $0xFFFFE800  }
0x43: {  	[spmem:s25] =	stream.linear.scatter [tilespmem:s6], [sflag:$0x2], $0x1800, $0x38;
	[tilespmem:$0x16180] =	vst v63  }
0x44: {  	_ =	swait.ge [sflag:s7], $0x1800  }
0x45: {  	[sflag:s7] =	ssyncset.done $0x0  }
0x46: {  	[sflag:s7] =	ssyncadd.s32 $0xFFFFE800  }
0x47: {  	[spmem:s26] =	stream.linear.scatter [tilespmem:s6], [sflag:$0x2], $0x1800, $0x38;
	[tilespmem:$0x16180] =	vst v63  }
0x48: {  	_ =	swait.ge [sflag:s7], $0x1800  }
0x49: {  	[sflag:s7] =	ssyncset.done $0x0  }
0x4a: {  	[sflag:s7] =	ssyncadd.s32 $0xFFFFE800  }
0x4b: {  	[spmem:s28] =	stream.linear.scatter [tilespmem:s6], [sflag:$0x2], $0x1800, $0x38;
	[tilespmem:$0x16180] =	vst v63  }
0x4c: {  	_ =	swait.ge [sflag:s7], $0x1800  }
0x4d: {  	[sflag:s7] =	ssyncset.done $0x0  }
0x4e: {  	[sflag:s7] =	ssyncadd.s32 $0xFFFFE800  }
0x4f: {  	[spmem:s29] =	stream.linear.scatter [tilespmem:s6], [sflag:$0x2], $0x1800, $0x38;
	[tilespmem:$0x16180] =	vst v63  }
0x50: {  	_ =	swait.ge [sflag:s7], $0x1800  }
0x51: {  	[sflag:s7] =	ssyncset.done $0x0  }
0x52: {  	[sflag:s7] =	ssyncadd.s32 $0xFFFFE800  }
0x53: {  	[spmem:s30] =	stream.linear.scatter [tilespmem:s6], [sflag:$0x2], $0x1800, $0x38;
	[tilespmem:$0x16180] =	vst v63  }
0x54: {  	_ =	swait.ge [sflag:s7], $0x1800  }
0x55: {  	[sflag:s7] =	ssyncset.done $0x0  }
0x56: {  	[sflag:s7] =	ssyncadd.s32 $0xFFFFE800  }
0x57: {  	[spmem:s31] =	stream.linear.scatter [tilespmem:s6], [sflag:$0x2], $0x1800, $0x38;
	[tilespmem:$0x16180] =	vst v63  }
0x58: {  	_ =	swait.ge [sflag:s7], $0x1800  }
0x59: {  	[sflag:s7] =	ssyncset.done $0x0  }
0x5a: {  	[sflag:s7] =	ssyncadd.s32 $0xFFFFE800  }
0x5b: {  	[spmem:s16] =	stream.linear.scatter [tilespmem:s6], [sflag:$0x2], $0x1800, $0x38;
	[tilespmem:$0x16180] =	vst v63  }
0x5c: {  	_ =	swait.ge [sflag:s7], $0x1800  }
0x5d: {  	[sflag:s7] =	ssyncset.done $0x0  }
0x5e: {  	[sflag:s7] =	ssyncadd.s32 $0xFFFFE800  }
0x5f: {  	[spmem:s0] =	stream.linear.scatter [tilespmem:s6], [sflag:$0x2], $0x1800, $0x38;
	[tilespmem:$0x16180] =	vst v63  }
0x60: {  	_ =	swait.ge [sflag:s7], $0x1800  }
0x61: {  	[sflag:s7] =	ssyncset.done $0x0  }
0x62: {  	s14 =	simm.s32 @!p0 $0x13980;
	[sflag:s7] =	ssyncadd.s32 $0xFFFFE800  }
0x63: {  	[spmem:s5] =	stream.linear.scatter @!p0 [tilespmem:s14], [sflag:$0x2], $0x800, $0x38;
	[tilespmem:$0x16180] =	vst v63  }
0x64: {  	s14 =	simm.s32 @!p0 $0x2  }
0x65: {  	_ =	swait.ge @!p0 [sflag:s14], $0x800  }
0x66: {  	[sflag:s14] =	ssyncset.done @!p0 $0x0  }
0x67: {  	[sflag:s14] =	ssyncadd.s32 @!p0 $0xFFFFF800  }
0x68: {  	s15 =	sadd.s32 $0x0, s4;
	[bflag:$0x0] =	sbarrier.arrive $0xFFFF  }
0x69: {  	[tilespmem:s8], [sflag:$0x2] =	stream.linear.gather [hbm4b:s15+s1], $0x50, $0x38;
	[tilespmem:$0x16180] =	vst v63  }
0x6a: {  	_ =	swait.ge [sflag:s7], $0x50  }
0x6b: {  	[sflag:s7] =	ssyncset.done $0x0  }
0x6c: {  	s19 =	sadd.s32 $0x0, s18;
	[sflag:s7] =	ssyncadd.s32 $0xFFFFFFB0  }
0x6d: {  	[tilespmem:s9], [sflag:$0x2] =	stream.linear.gather [hbm4b:s19+s1], $0x50, $0x38;
	[tilespmem:$0x16180] =	vst v63  }
0x6e: {  	_ =	swait.ge [sflag:s7], $0x50  }
0x6f: {  	[sflag:s7] =	ssyncset.done $0x0  }
0x70: {  	[sflag:s7] =	ssyncadd.s32 $0xFFFFFFB0  }
0x71: {  	[tilespmem:s6], [sflag:$0x1] =	stream.indirect.gather [hbm4b:s13+s10], $0x80, s8, s10, $0xb8;
	[tilespmem:$0x16180] =	vst v63  }
0x72: {  	_ =	swait.ge [sflag:s11], $0x2800  }
0x73: {  	[sflag:s11] =	ssyncset.done $0x0  }
0x74: {  	[sflag:s11] =	ssyncadd.s32 $0xFFFFD800  }
0x75: {  	[spmem:s17] =	stream.indirect.scatter.add.f32 [tilespmem:s6], [sflag:$0x2], $0x80, s9, s10, $0xb8;
	[tilespmem:$0x16180] =	vst v63  }
0x76: {  	_ =	swait.ge [sflag:s7], $0x2800  }
0x77: {  	s14 =	simm.s32 $0xA;
	s15 =	simm.s32 $0x14;
	[sflag:s7] =	ssyncset.done $0x0  }
.LBB2_2:
0x78: {  	s19 =	sadd.s32 s14, s4  }
0x79: {  	[sflag:s7] =	ssyncadd.s32 $0xFFFFD800;
	s2 =	smov.u32 s15;
	s3 =	sadd.s32 $0xA, s15  }
0x7a: {  	[tilespmem:s8], [sflag:$0x2] =	stream.linear.gather [hbm4b:s19+s1], $0x50, $0x38;
	[tilespmem:$0x16180] =	vst v63  }
0x7b: {  	p1 =	sne.s32 s15, $0x4D8;
	_ =	swait.ge [sflag:s7], $0x50  }
0x7c: {  	[sflag:s7] =	ssyncset.done $0x0  }
0x7d: {  	s15 =	sadd.s32 s14, s18;
	s14 =	smov.u32 s2;
	[sflag:s7] =	ssyncadd.s32 $0xFFFFFFB0  }
0x7e: {  	[tilespmem:s9], [sflag:$0x2] =	stream.linear.gather [hbm4b:s15+s1], $0x50, $0x38;
	[tilespmem:$0x16180] =	vst v63  }
0x7f: {  	_ =	swait.ge [sflag:s7], $0x50  }
0x80: {  	[sflag:s7] =	ssyncset.done $0x0  }
0x81: {  	[sflag:s7] =	ssyncadd.s32 $0xFFFFFFB0  }
0x82: {  	[tilespmem:s6], [sflag:$0x1] =	stream.indirect.gather [hbm4b:s13+s10], $0x80, s8, s10, $0xb8;
	[tilespmem:$0x16180] =	vst v63  }
0x83: {  	_ =	swait.ge [sflag:s11], $0x2800  }
.Ltmp0:
0x84: {  	[sflag:s11] =	ssyncset.done $0x0;
	(pc) =	sbr.rel @p1 .LBB2_2-.Ltmp0, $4  }
0x85: {  	[sflag:s11] =	ssyncadd.s32 $0xFFFFD800  }
0x86: {  	[spmem:s17] =	stream.indirect.scatter.add.f32 [tilespmem:s6], [sflag:$0x2], $0x80, s9, s10, $0xb8;
	[tilespmem:$0x16180] =	vst v63  }
0x87: {  	_ =	swait.ge [sflag:s7], $0x2800  }
0x88: {  	s15 =	smov.u32 s3;
	[sflag:s7] =	ssyncset.done $0x0  }
0x89: {  	s2 =	sadd.s32 s14, s4;
	[sflag:s7] =	ssyncadd.s32 $0xFFFFD800  }
0x8a: {  	[tilespmem:s8], [sflag:$0x2] =	stream.linear.gather [hbm4b:s2+s1], $0x50, $0x38;
	[tilespmem:$0x16180] =	vst v63  }
0x8b: {  	_ =	swait.ge [sflag:s7], $0x50  }
0x8c: {  	[sflag:s7] =	ssyncset.done $0x0  }
0x8d: {  	s14 =	sadd.s32 s14, s18;
	[sflag:s7] =	ssyncadd.s32 $0xFFFFFFB0  }
0x8e: {  	[tilespmem:s9], [sflag:$0x2] =	stream.linear.gather [hbm4b:s14+s1], $0x50, $0x38;
	[tilespmem:$0x16180] =	vst v63  }
0x8f: {  	_ =	swait.ge [sflag:s7], $0x50  }
0x90: {  	[sflag:s7] =	ssyncset.done $0x0  }
0x91: {  	[sflag:s7] =	ssyncadd.s32 $0xFFFFFFB0  }
0x92: {  	[tilespmem:s6], [sflag:$0x1] =	stream.indirect.gather [hbm4b:s13+s10], $0x80, s8, s10, $0xb8;
	[tilespmem:$0x16180] =	vst v63  }
0x93: {  	_ =	swait.ge [sflag:s11], $0x2800  }
0x94: {  	[sflag:s11] =	ssyncset.done $0x0  }
0x95: {  	[sflag:s11] =	ssyncadd.s32 $0xFFFFD800  }
0x96: {  	[spmem:s17] =	stream.indirect.scatter.add.f32 [tilespmem:s6], [sflag:$0x2], $0x80, s9, s10, $0xb8;
	[tilespmem:$0x16180] =	vst v63  }
0x97: {  	_ =	swait.ge [sflag:s7], $0x2800  }
0x98: {  	[sflag:s7] =	ssyncset.done $0x0  }
0x99: {  	[sflag:s7] =	ssyncadd.s32 $0xFFFFD800  }
0x9a: {  	[bflag:$0x0] =	sbarrier.arrive $0xFFFF  }
0x9b: {  	[tilespmem:s6], [sflag:$0x2] =	stream.linear.gather [spmem:s20], $0x1800, $0x38;
	[tilespmem:$0x16180] =	vst v63  }
0x9c: {  	_ =	swait.ge [sflag:s7], $0x1800  }
0x9d: {  	[sflag:s7] =	ssyncset.done $0x0  }
0x9e: {  	s15 =	rddreg [dreg:$0x5];
	[sflag:s7] =	ssyncadd.s32 $0xFFFFE800  }
0x9f: {  	[hbm4b:s15+s1] =	stream.linear.scatter [tilespmem:s6], [sflag:$0x2], $0x1800, $0x38;
	[tilespmem:$0x16180] =	vst v63  }
0xa0: {  	_ =	swait.ge [sflag:s7], $0x1800  }
0xa1: {  	[sflag:s7] =	ssyncset.done $0x0  }
0xa2: {  	[sflag:s7] =	ssyncadd.s32 $0xFFFFE800  }
0xa3: {  	[tilespmem:s6], [sflag:$0x2] =	stream.linear.gather [spmem:s21], $0x1800, $0x38;
	[tilespmem:$0x16180] =	vst v63  }
0xa4: {  	_ =	swait.ge [sflag:s7], $0x1800  }
0xa5: {  	[sflag:s7] =	ssyncset.done $0x0  }
0xa6: {  	s19 =	rddreg [dreg:$0x6];
	[sflag:s7] =	ssyncadd.s32 $0xFFFFE800  }
0xa7: {  	[hbm4b:s19+s1] =	stream.linear.scatter [tilespmem:s6], [sflag:$0x2], $0x1800, $0x38;
	[tilespmem:$0x16180] =	vst v63  }
0xa8: {  	_ =	swait.ge [sflag:s7], $0x1800  }
0xa9: {  	[sflag:s7] =	ssyncset.done $0x0  }
0xaa: {  	[sflag:s7] =	ssyncadd.s32 $0xFFFFE800  }
0xab: {  	[tilespmem:s6], [sflag:$0x2] =	stream.linear.gather [spmem:s22], $0x1800, $0x38;
	[tilespmem:$0x16180] =	vst v63  }
0xac: {  	_ =	swait.ge [sflag:s7], $0x1800  }
0xad: {  	[sflag:s7] =	ssyncset.done $0x0  }
0xae: {  	s3 =	rddreg [dreg:$0x7];
	[sflag:s7] =	ssyncadd.s32 $0xFFFFE800  }
0xaf: {  	[hbm4b:s3+s1] =	stream.linear.scatter [tilespmem:s6], [sflag:$0x2], $0x1800, $0x38;
	[tilespmem:$0x16180] =	vst v63  }
0xb0: {  	_ =	swait.ge [sflag:s7], $0x1800  }
0xb1: {  	[sflag:s7] =	ssyncset.done $0x0  }
0xb2: {  	[sflag:s7] =	ssyncadd.s32 $0xFFFFE800  }
0xb3: {  	[tilespmem:s6], [sflag:$0x2] =	stream.linear.gather [spmem:s23], $0x1800, $0x38;
	[tilespmem:$0x16180] =	vst v63  }
0xb4: {  	_ =	swait.ge [sflag:s7], $0x1800  }
0xb5: {  	[sflag:s7] =	ssyncset.done $0x0  }
0xb6: {  	s14 =	rddreg [dreg:$0x8];
	[sflag:s7] =	ssyncadd.s32 $0xFFFFE800  }
0xb7: {  	[hbm4b:s14+s1] =	stream.linear.scatter [tilespmem:s6], [sflag:$0x2], $0x1800, $0x38;
	[tilespmem:$0x16180] =	vst v63  }
0xb8: {  	_ =	swait.ge [sflag:s7], $0x1800  }
0xb9: {  	[sflag:s7] =	ssyncset.done $0x0  }
0xba: {  	[sflag:s7] =	ssyncadd.s32 $0xFFFFE800  }
0xbb: {  	[tilespmem:s6], [sflag:$0x2] =	stream.linear.gather [spmem:s24], $0x1800, $0x38;
	[tilespmem:$0x16180] =	vst v63  }
0xbc: {  	_ =	swait.ge [sflag:s7], $0x1800  }
0xbd: {  	[sflag:s7] =	ssyncset.done $0x0  }
0xbe: {  	s15 =	rddreg [dreg:$0x9];
	[sflag:s7] =	ssyncadd.s32 $0xFFFFE800  }
0xbf: {  	[hbm4b:s15+s1] =	stream.linear.scatter [tilespmem:s6], [sflag:$0x2], $0x1800, $0x38;
	[tilespmem:$0x16180] =	vst v63  }
0xc0: {  	_ =	swait.ge [sflag:s7], $0x1800  }
0xc1: {  	[sflag:s7] =	ssyncset.done $0x0  }
0xc2: {  	[sflag:s7] =	ssyncadd.s32 $0xFFFFE800  }
0xc3: {  	[tilespmem:s6], [sflag:$0x2] =	stream.linear.gather [spmem:s25], $0x1800, $0x38;
	[tilespmem:$0x16180] =	vst v63  }
0xc4: {  	_ =	swait.ge [sflag:s7], $0x1800  }
0xc5: {  	[sflag:s7] =	ssyncset.done $0x0  }
0xc6: {  	s19 =	rddreg [dreg:$0xa];
	[sflag:s7] =	ssyncadd.s32 $0xFFFFE800  }
0xc7: {  	[hbm4b:s19+s1] =	stream.linear.scatter [tilespmem:s6], [sflag:$0x2], $0x1800, $0x38;
	[tilespmem:$0x16180] =	vst v63  }
0xc8: {  	_ =	swait.ge [sflag:s7], $0x1800  }
0xc9: {  	[sflag:s7] =	ssyncset.done $0x0  }
0xca: {  	[sflag:s7] =	ssyncadd.s32 $0xFFFFE800  }
0xcb: {  	[tilespmem:s6], [sflag:$0x2] =	stream.linear.gather [spmem:s26], $0x1800, $0x38;
	[tilespmem:$0x16180] =	vst v63  }
0xcc: {  	_ =	swait.ge [sflag:s7], $0x1800  }
0xcd: {  	[sflag:s7] =	ssyncset.done $0x0  }
0xce: {  	s3 =	rddreg [dreg:$0xb];
	[sflag:s7] =	ssyncadd.s32 $0xFFFFE800  }
0xcf: {  	[hbm4b:s3+s1] =	stream.linear.scatter [tilespmem:s6], [sflag:$0x2], $0x1800, $0x38;
	[tilespmem:$0x16180] =	vst v63  }
0xd0: {  	_ =	swait.ge [sflag:s7], $0x1800  }
0xd1: {  	[sflag:s7] =	ssyncset.done $0x0  }
0xd2: {  	[sflag:s7] =	ssyncadd.s32 $0xFFFFE800  }
0xd3: {  	[tilespmem:s6], [sflag:$0x2] =	stream.linear.gather [spmem:s28], $0x1800, $0x38;
	[tilespmem:$0x16180] =	vst v63  }
0xd4: {  	_ =	swait.ge [sflag:s7], $0x1800  }
0xd5: {  	[sflag:s7] =	ssyncset.done $0x0  }
0xd6: {  	s14 =	rddreg [dreg:$0xc];
	[sflag:s7] =	ssyncadd.s32 $0xFFFFE800  }
0xd7: {  	[hbm4b:s14+s1] =	stream.linear.scatter [tilespmem:s6], [sflag:$0x2], $0x1800, $0x38;
	[tilespmem:$0x16180] =	vst v63  }
0xd8: {  	_ =	swait.ge [sflag:s7], $0x1800  }
0xd9: {  	[sflag:s7] =	ssyncset.done $0x0  }
0xda: {  	[sflag:s7] =	ssyncadd.s32 $0xFFFFE800  }
0xdb: {  	[tilespmem:s6], [sflag:$0x2] =	stream.linear.gather [spmem:s29], $0x1800, $0x38;
	[tilespmem:$0x16180] =	vst v63  }
0xdc: {  	_ =	swait.ge [sflag:s7], $0x1800  }
0xdd: {  	[sflag:s7] =	ssyncset.done $0x0  }
0xde: {  	s15 =	rddreg [dreg:$0xd];
	[sflag:s7] =	ssyncadd.s32 $0xFFFFE800  }
0xdf: {  	[hbm4b:s15+s1] =	stream.linear.scatter [tilespmem:s6], [sflag:$0x2], $0x1800, $0x38;
	[tilespmem:$0x16180] =	vst v63  }
0xe0: {  	_ =	swait.ge [sflag:s7], $0x1800  }
0xe1: {  	[sflag:s7] =	ssyncset.done $0x0  }
0xe2: {  	[sflag:s7] =	ssyncadd.s32 $0xFFFFE800  }
0xe3: {  	[tilespmem:s6], [sflag:$0x2] =	stream.linear.gather [spmem:s30], $0x1800, $0x38;
	[tilespmem:$0x16180] =	vst v63  }
0xe4: {  	_ =	swait.ge [sflag:s7], $0x1800  }
0xe5: {  	[sflag:s7] =	ssyncset.done $0x0  }
0xe6: {  	s19 =	rddreg [dreg:$0xe];
	[sflag:s7] =	ssyncadd.s32 $0xFFFFE800  }
0xe7: {  	[hbm4b:s19+s1] =	stream.linear.scatter [tilespmem:s6], [sflag:$0x2], $0x1800, $0x38;
	[tilespmem:$0x16180] =	vst v63  }
0xe8: {  	_ =	swait.ge [sflag:s7], $0x1800  }
0xe9: {  	[sflag:s7] =	ssyncset.done $0x0  }
0xea: {  	[sflag:s7] =	ssyncadd.s32 $0xFFFFE800  }
0xeb: {  	[tilespmem:s6], [sflag:$0x2] =	stream.linear.gather [spmem:s31], $0x1800, $0x38;
	[tilespmem:$0x16180] =	vst v63  }
0xec: {  	_ =	swait.ge [sflag:s7], $0x1800  }
0xed: {  	[sflag:s7] =	ssyncset.done $0x0  }
0xee: {  	s3 =	rddreg [dreg:$0xf];
	[sflag:s7] =	ssyncadd.s32 $0xFFFFE800  }
0xef: {  	[hbm4b:s3+s1] =	stream.linear.scatter [tilespmem:s6], [sflag:$0x2], $0x1800, $0x38;
	[tilespmem:$0x16180] =	vst v63  }
0xf0: {  	_ =	swait.ge [sflag:s7], $0x1800  }
0xf1: {  	[sflag:s7] =	ssyncset.done $0x0  }
0xf2: {  	[sflag:s7] =	ssyncadd.s32 $0xFFFFE800  }
0xf3: {  	[tilespmem:s6], [sflag:$0x2] =	stream.linear.gather [spmem:s16], $0x1800, $0x38;
	[tilespmem:$0x16180] =	vst v63  }
0xf4: {  	_ =	swait.ge [sflag:s7], $0x1800  }
0xf5: {  	[sflag:s7] =	ssyncset.done $0x0  }
0xf6: {  	s14 =	rddreg [dreg:$0x10];
	[sflag:s7] =	ssyncadd.s32 $0xFFFFE800  }
0xf7: {  	[hbm4b:s14+s1] =	stream.linear.scatter [tilespmem:s6], [sflag:$0x2], $0x1800, $0x38;
	[tilespmem:$0x16180] =	vst v63  }
0xf8: {  	_ =	swait.ge [sflag:s7], $0x1800  }
0xf9: {  	[sflag:s7] =	ssyncset.done $0x0  }
0xfa: {  	[sflag:s7] =	ssyncadd.s32 $0xFFFFE800  }
0xfb: {  	[tilespmem:s6], [sflag:$0x2] =	stream.linear.gather [spmem:s0], $0x1800, $0x38;
	[tilespmem:$0x16180] =	vst v63  }
0xfc: {  	_ =	swait.ge [sflag:s7], $0x1800  }
0xfd: {  	[sflag:s7] =	ssyncset.done $0x0  }
0xfe: {  	s15 =	rddreg [dreg:$0x11];
	[sflag:s7] =	ssyncadd.s32 $0xFFFFE800  }
0xff: {  	[hbm4b:s15+s1] =	stream.linear.scatter [tilespmem:s6], [sflag:$0x2], $0x1800, $0x38;
	[tilespmem:$0x16180] =	vst v63  }
0x100: {  	_ =	swait.ge [sflag:s7], $0x1800  }
0x101: {  	[sflag:s7] =	ssyncset.done $0x0  }
0x102: {  	s2 =	simm.s32 @!p0 $0x13980;
	s3 =	simm.s32 @!p0 $0x2;
	[sflag:s7] =	ssyncadd.s32 $0xFFFFE800  }
0x103: {  	[tilespmem:s2], [sflag:$0x2] =	stream.linear.gather @!p0 [spmem:s5], $0x800, $0x38;
	[tilespmem:$0x16180] =	vst v63  }
0x104: {  	_ =	swait.ge @!p0 [sflag:s3], $0x800  }
0x105: {  	[sflag:s3] =	ssyncset.done @!p0 $0x0  }
0x106: {  	s14 =	simm.s32 @!p0 $0x0;
	s15 =	rddreg [dreg:$0x13];
	[sflag:s3] =	ssyncadd.s32 @!p0 $0xFFFFF800  }
0x107: {  	[hbm4b:s15+s14] =	stream.linear.scatter @!p0 [tilespmem:s2], [sflag:$0x2], $0x800, $0x38;
	[tilespmem:$0x16180] =	vst v63  }
0x108: {  	_ =	swait.ge @!p0 [sflag:s3], $0x800  }
0x109: {  	s12 =	sadd.s32 $0x1, s12;
	s19 =	rddreg [dreg:$0x14]  }
0x10a: {  	p1 =	sne.s32 s12, s19  }
.Ltmp1:
0x10b: {  	_ = 	snop;
	(pc) =	sbr.rel @p1 .LBB2_1-.Ltmp1, $3  }
0x10c: {  	_ =	sdelay $0x1  }
0x10d: {  	[sflag:s3] =	ssyncset.done @!p0 $0x0  }
0x10e: {  	[sflag:s3] =	ssyncadd.s32 @!p0 $0xFFFFF800  }
0x10f: {  	_ =	sfence.sel $0x180000  }
0x110: {  	[bflag:$0x0] =	sbarrier.arrive $0xFFFF  }
0x111: {  	_ =	strace $0x90000047  }
0x112: {  	s0 =	stileid.u32;
	[bflag:$0x2] =	sbarrier.arrive $0xFFFF  }
0x113: {  	p0 =	sne.s32 s0, $0x0;
	s0 =	rddreg [dreg:$0x4]  }
0x114: {  	s0 =	sadd.s32 @!p0 $0x100000, s0  }
0x115: {  	[sflag:s0] =	ssyncadd.tile.s32 @!p0 $0x1;
	_ =	shalt  }
.Lfunc_end2:
_tile_overlayer_lowered:
.L_overlay_start_2:
0x116: {  	(tag) =	ssettag $0x2  }
0x117: {  	s0 =	rddreg [dreg:$0x0];
	s2 =	stileid.u32  }
0x118: {  	s1 =	rddreg [dreg:$0x1];
	p0 =	sne.s32 s2, $0x0  }
0x119: {  	s3 =	rddreg [dreg:$0x2];
	[bflag:$0x3] =	sbarrier.arrive $0xFFFF;
	s2 =	simm.s32 @!p0 $0x1C02  }
0x11a: {  	[timem:s3], [sflag:s2] =	dma.local @!p0 [hbm:s0], s1  }
0x11b: {  	s0 =	simm.s32 @!p0 $0x2  }
0x11c: {  	_ =	swait.ge @!p0 [sflag:s0], s1  }
0x11d: {  	s1 =	ssub.s32 @!p0 $0x0, s1;
	[sflag:s0] =	ssyncset.done @!p0 $0x0  }
0x11e: {  	[sflag:s0] =	ssyncadd.s32 @!p0 s1  }
0x11f: {  	[bflag:$0x3] =	sbarrier.arrive $0xFFFF  }
0x120: {  	_ =	shalt  }

// kernel: sc_seg_partial.7.cloned.1.call-start
scs
__scs_entry_jumppad:
0x0: {  	(pc) =	sbr.rel $0x88, $3  }
0x1: {  	(tag) =	ssettag $0x0;
	lr =	simm.s32 $0x1  }
0x2: {  	[smem:$0x3F93] =	sst lr;
	_ =	strace $0xD0000000  }
0x3: {  	_ = 	snop  }
0x4: {  	_ = 	snop  }
0x5: {  	_ = 	snop  }
0x6: {  	_ = 	snop  }
0x7: {  	_ = 	snop  }
__scs_overlays_trampoline_lowered:
0x8: {  	[smem:$0x3FA2] =	sst s0  }
0x9: {  	[smem:$0x3FA3] =	sst s1  }
0xa: {  	[smem:$0x3FA4] =	sst s2  }
0xb: {  	[smem:$0x3FA5] =	sst s3  }
0xc: {  	[smem:$0x3FA6] =	sst s4  }
0xd: {  	[smem:$0x3FA7] =	sst s5  }
0xe: {  	[smem:$0x3FA8] =	sst s6  }
0xf: {  	[smem:$0x3FA9] =	sst s7  }
0x10: {  	[smem:$0x3FAA] =	sst s8  }
0x11: {  	[smem:$0x3FAB] =	sst s9;
	s0 =	simm.s32 @!p0 $0x0  }
0x12: {  	s1 =	sld [smem:$0x3F91];
	s0 =	simm.s32 @p0 $0x1  }
0x13: {  	[smem:$0x3FAC] =	sst s0;
	s0 =	simm.s32 @!p1 $0x0  }
0x14: {  	s2 =	sld [smem:$0x3F90];
	s0 =	simm.s32 @p1 $0x1  }
0x15: {  	[smem:$0x3FAD] =	sst s0;
	s0 =	simm.s32 @!p2 $0x0  }
0x16: {  	s3 =	sld [smem:$0x3FDB];
	s0 =	simm.s32 @p2 $0x1  }
0x17: {  	s4 =	simm.s32 $0x1BF5;
	[smem:$0x3FAF] =	sst s0  }
0x18: {  	s0 =	sld [smem:$0x3F92];
	_ =	swait.ge [sflag:s4], $0x0  }
0x19: {  	s7 =	sld [smem:$0x3F93]  }
0x1a: {  	s8 =	sadd.s32 $0xFFFFE003, lr  }
0x1b: {  	s9 =	sadd.s32 $0xFFFFFEF7, lr;
	s5 =	simm.s32 $0xFFFFFFFF;
	p2 =	slt.u32 s8, $0xFFFFF086  }
0x1c: {  	p1 =	slt.u32 s9, $0xF7A;
	s5 =	simm.s32 @!p2 $0x0  }
0x1d: {  	s5 =	simm.s32 @p1 $0x1;
	p0 =	seq.s32 s7, s2  }
0x1e: {  	s7 =	smul.u32 @!p0 $0xF7A, s2;
	p2 =	seq.s32 @!p0 s5, $0x0  }
0x1f: {  	s9 =	smul.u32 $0xF7A, s1;
	s8 =	simm.s32 @!p0 $0x1BF5;
	p2 =	por !p2, p0  }
0x20: {  	[sflag:s8] =	ssyncset.s32 @!p0 $0xFFFFF086;
	s6 =	sadd.s32 @!p0 s3, s7;
	s7 =	simm.s32 @!p0 $0x108  }
0x21: {  	s3 =	sadd.s32 s3, s9;
	s6 =	sadd.s32 @!p0 $0x88, s6;
	s7 =	simm.s32 @p2 $0x1082  }
0x22: {  	[simem:s7], [sflag:s8] =	dma.local @!p0 [hbm:s6], $0xF7A  }
0x23: {  	s9 =	sor.u32 $0xD0000000, s2;
	s6 =	simm.s32 $0x108;
	_ =	swait.ge @!p0 [sflag:s8], $0x0  }
0x24: {  	s3 =	sadd.s32 $0x88, s3;
	s6 =	simm.s32 @!p1 $0x1082;
	[sflag:s4] =	ssyncset.s32 $0xFFFFF086  }
0x25: {  	[simem:s6], [sflag:s4] =	dma.local [hbm:s3], $0xF7A  }
0x26: {  	[smem:$0x3F93] =	sst s1;
	(tag) =	ssettag s2;
	_ =	strace s9  }
0x27: {  	s1 =	sld [smem:$0x3FA3]  }
0x28: {  	s2 =	sld [smem:$0x3FA4]  }
0x29: {  	s4 =	sld [smem:$0x3FA6]  }
0x2a: {  	p0 =	seq.s32 s5, $0x0;
	s5 =	sld [smem:$0x3FA7]  }
0x2b: {  	s6 =	sld [smem:$0x3FA8]  }
0x2c: {  	s7 =	sld [smem:$0x3FA9]  }
0x2d: {  	s3 =	simm.s32 $0x108;
	s8 =	sld [smem:$0x3FAA]  }
0x2e: {  	s3 =	simm.s32 @!p0 $0x1082;
	s9 =	sld [smem:$0x3FAB]  }
0x2f: {  	lr =	sadd.s32 s0, s3;
	s0 =	sld [smem:$0x3FA2]  }
0x30: {  	s3 =	sld [smem:$0x3FA5]  }
0x31: {  	[smem:$0x3FAE] =	sst s10  }
0x32: {  	s10 =	sld [smem:$0x3FAC];
	_ =	sdelay $0x3  }
0x33: {  	p0 =	seq.s32 s10, $0x1;
	s10 =	sld [smem:$0x3FAE];
	_ =	sdelay $0x3  }
0x34: {  	[smem:$0x3FAE] =	sst s10  }
0x35: {  	s10 =	sld [smem:$0x3FAD];
	_ =	sdelay $0x3  }
0x36: {  	p1 =	seq.s32 s10, $0x1;
	s10 =	sld [smem:$0x3FAE];
	_ =	sdelay $0x3  }
0x37: {  	[smem:$0x3FAE] =	sst s10  }
0x38: {  	s10 =	sld [smem:$0x3FAF]  }
0x39: {  	_ = 	snop;
	(pc) =	sbr.ind lr, $3  }
0x3a: {  	_ = 	snop  }
0x3b: {  	_ = 	snop  }
0x3c: {  	p2 =	seq.s32 s10, $0x1;
	s10 =	sld [smem:$0x3FAE]  }
0x3d: {  	_ =	shalt  }
0x3e: {  	_ =	shalt  }
0x3f: {  	_ =	shalt  }
0x40: {  	_ =	shalt  }
0x41: {  	_ =	shalt  }
0x42: {  	_ =	shalt  }
0x43: {  	_ =	shalt  }
0x44: {  	_ =	shalt  }
0x45: {  	_ =	shalt  }
0x46: {  	_ =	shalt  }
0x47: {  	_ =	shalt  }
0x48: {  	_ =	shalt  }
0x49: {  	_ =	shalt  }
0x4a: {  	_ =	shalt  }
0x4b: {  	_ =	shalt  }
0x4c: {  	_ =	shalt  }
0x4d: {  	_ =	shalt  }
0x4e: {  	_ =	shalt  }
0x4f: {  	_ =	shalt  }
0x50: {  	_ =	shalt  }
0x51: {  	_ =	shalt  }
0x52: {  	_ =	shalt  }
0x53: {  	_ =	shalt  }
0x54: {  	_ =	shalt  }
0x55: {  	_ =	shalt  }
0x56: {  	_ =	shalt  }
0x57: {  	_ =	shalt  }
0x58: {  	_ =	shalt  }
0x59: {  	_ =	shalt  }
0x5a: {  	_ =	shalt  }
0x5b: {  	_ =	shalt  }
0x5c: {  	_ =	shalt  }
0x5d: {  	_ =	shalt  }
0x5e: {  	_ =	shalt  }
0x5f: {  	_ =	shalt  }
0x60: {  	_ =	shalt  }
0x61: {  	_ =	shalt  }
0x62: {  	_ =	shalt  }
0x63: {  	_ =	shalt  }
0x64: {  	_ =	shalt  }
0x65: {  	_ =	shalt  }
0x66: {  	_ =	shalt  }
0x67: {  	_ =	shalt  }
0x68: {  	_ =	shalt  }
0x69: {  	_ =	shalt  }
0x6a: {  	_ =	shalt  }
0x6b: {  	_ =	shalt  }
0x6c: {  	_ =	shalt  }
0x6d: {  	_ =	shalt  }
0x6e: {  	_ =	shalt  }
0x6f: {  	_ =	shalt  }
0x70: {  	_ =	shalt  }
0x71: {  	_ =	shalt  }
0x72: {  	_ =	shalt  }
0x73: {  	_ =	shalt  }
0x74: {  	_ =	shalt  }
0x75: {  	_ =	shalt  }
0x76: {  	_ =	shalt  }
0x77: {  	_ =	shalt  }
0x78: {  	_ =	shalt  }
0x79: {  	_ =	shalt  }
0x7a: {  	_ =	shalt  }
0x7b: {  	_ =	shalt  }
0x7c: {  	_ =	shalt  }
0x7d: {  	_ =	shalt  }
0x7e: {  	_ =	shalt  }
0x7f: {  	_ =	shalt  }
0x80: {  	_ =	shalt  }
0x81: {  	_ =	shalt  }
0x82: {  	_ =	shalt  }
0x83: {  	_ =	shalt  }
0x84: {  	_ =	shalt  }
0x85: {  	_ =	shalt  }
0x86: {  	_ =	shalt  }
0x87: {  	_ =	shalt  }
.Lfunc_end0:
.L_simem_size_0:
called_computation.2_lowered:
.L_overlay_start_0:
0x88: {  	s2 =	sld [smem:$0x3FD9]  }
0x89: {  	s3 =	sld [smem:$0x3FFE];
	_ =	sdelay $0x1  }
0x8a: {  	s1 =	srdreg.scid  }
0x8b: {  	s0 =	sand.u32 $0x1, s1  }
0x8c: {  	s14 =	sshll.u32 s0, $0xA;
	s2 =	sadd.s32 s3, s2  }
0x8d: {  	s2 =	sadd.s32 s2, s14  }
0x8e: {  	[smem:$0x3FBA] =	sst s2  }
0x8f: {  	_ = 	snop  }
0x90: {  	s2 =	sld [smem:$0x3FD0];
	_ =	sdelay $0x2  }
0x91: {  	s15 =	simm.s32 $0xB;
	s4 =	simm.s32 $0x10  }
0x92: {  	[smem:s4], [sflag:s15] =	dma.local [hbm:s2], $0x1  }
0x93: {  	_ =	swait.eq [sflag:s15], $0x1  }
0x94: {  	[sflag:s15] =	ssyncset.done $0x0  }
0x95: {  	s16 =	sld [smem:$0x10];
	[sflag:s15] =	ssyncadd.s32 $0xFFFFFFFF  }
0x96: {  	s17 =	sld [smem:$0x11];
	(tm) =	ssettm $0x1  }
0x97: {  	s18 =	sld [smem:$0x3FFB];
	_ =	sdelay $0x3  }
0x98: {  	_ =	strace s18  }
0x99: {  	s4 =	sld [smem:$0x3FFC];
	_ =	sdelay $0x3  }
0x9a: {  	_ =	strace s4  }
0x9b: {  	s4 =	sld [smem:$0x3FFD];
	_ =	sdelay $0x3  }
0x9c: {  	_ =	strace s4  }
0x9d: {  	_ =	strace $0x8FFFFFFF  }
0x9e: {  	s19 =	sld [smem:$0x3FDB];
	_ =	sdelay $0x1  }
0x9f: {  	s5 =	simm.s32 $_scs_section_size  }
0xa0: {  	s6 =	simm.s32 $_size__tile_overlayer_lowered;
	s7 =	simm.s32 $_tile_overlayer_lowered  }
0xa1: {  	s22 =	simm.s32 $0x1BFF;
	s21 =	sshll.u32 s7, $0x1;
	s4 =	sadd.s32 s5, s19  }
0xa2: {  	s8 =	simm.s32 $0x0;
	s20 =	sshll.u32 s6, $0x1;
	s6 =	sadd.s32 s21, s4  }
0xa3: {  	[timem:s8], [sflag:s22] =	dma.local [hbm:s6], s20  }
0xa4: {  	_ =	swait.ge [sflag:s22], s20  }
0xa5: {  	s5 =	ssub.s32 $0x0, s20;
	[sflag:s22] =	ssyncset.done $0x0  }
0xa6: {  	[sflag:s22] =	ssyncadd.s32 s5;
	_ =	sdelay $0x1  }
0xa7: {  	s23 =	simm.s32 $0x1B8B  }
0xa8: {  	_ =	swait.ge [sflag:s23], $0x1  }
0xa9: {  	[sflag:s23] =	ssyncset.done $0x0  }
0xaa: {  	s25 =	simm.s32 $0x1B8E;
	s24 =	sld [smem:$0x3FFE];
	[sflag:s23] =	ssyncadd.s32 $0xFFFFFFFF  }
0xab: {  	s26 =	simm.s32 $execute0_lowered;
	[smem:$0x3FD2] =	sst s25  }
0xac: {  	s6 =	sshll.u32 s26, $0x1;
	_ =	strace $0x8000004C;
	[dreg:$0x1] =	wrdreg $0xFFFFFFFF  }
0xad: {  	s28 =	simm.s32 $_size_execute0_lowered;
	s4 =	sadd.s32 s4, s6;
	[dreg:$0x0] =	wrdreg $0x0  }
0xae: {  	s6 =	sshll.u32 s28, $0x1;
	[dreg:$0x2] =	wrdreg s4  }
0xaf: {  	[dreg:$0x3] =	wrdreg s6  }
0xb0: {  	[dreg:$0x4] =	wrdreg $0xC0  }
0xb1: {  	_ =	task [dreg:s8], $0x5FFFF  }
0xb2: {  	[dreg:$0x1] =	wrdreg $0xFFFFFFFF  }
0xb3: {  	[dreg:$0x0] =	wrdreg $0x60  }
0xb4: {  	[dreg:$0x2] =	wrdreg s16  }
0xb5: {  	[dreg:$0x3] =	wrdreg s24  }
0xb6: {  	[dreg:$0x4] =	wrdreg s17  }
0xb7: {  	[dreg:$0x5] =	wrdreg $0x0  }
0xb8: {  	[dreg:$0x6] =	wrdreg $0x9  }
0xb9: {  	_ =	task.clear_ibuf [dreg:s8], $0x7FFFF;
	_ =	strace $0x9000004C  }
0xba: {  	s29 =	simm.s32 $0x9;
	_ =	strace $0x8000004E  }
0xbb: {  	_ =	swait.ge [sflag:s29], $0x1  }
0xbc: {  	[sflag:s29] =	ssyncadd.s32 $0xFFFFFFFF  }
0xbd: {  	_ =	strace $0x9000004E  }
0xbe: {  	_ =	sfence  }
0xbf: {  	s30 =	sld [smem:$0x0];
	_ =	sdelay $0x2  }
0xc0: {  	s31 =	sshll.u32 s1, $0xD;
	s1 =	sshrl.u32 s1, $0x2  }
0xc1: {  	s3 =	sand.u32 $0x4000, s31;
	s1 =	sadd.s32 s1, s30  }
0xc2: {  	s0 =	sor.u32 s3, s0;
	s1 =	sshll.u32 s1, $0x11  }
0xc3: {  	s0 =	sor.u32 s1, s0  }
0xc4: {  	s0 =	sadd.s32 $0x8F2B, s0  }
0xc5: {  	[sflag:s0] =	ssyncadd.remote.s32 $0x1  }
0xc6: {  	_ =	sfence.sel $0xFFFF  }
0xc7: {  	[dreg:$0x0] =	wrdreg $0xFFFFFFFF;
	(pc) =	sbr.abs _section_cstart, $3  }
0xc8: {  	[dreg:$0x1] =	wrdreg $0xFFFFFFFF  }
0xc9: {  	_ =	task.clear_ibuf [dreg:s8], $0x2FFFF;
	_ =	strace $0x9FFFFFFF  }
0xca: {  	(tm) =	ssettm $0x7FFFFFFF  }
0xcb: {  	_ =	shalt  }
tec
execute0_lowered:
.L_overlay_start_1:
0x0: {  	(tag) =	ssettag $0x1  }
0x1: {  	s1 =	srdreg.scid;
	s0 =	stileid.u32  }
0x2: {  	s20 =	rddreg [dreg:$0x1];
	s8 =	sand.u32 $0x1, s1;
	s3 =	smul.u32 $0x2710, s0  }
0x3: {  	s1 =	simm.s32 $0x0;
	s13 =	smul.u32 $0x13800, s0;
	s15 =	sadd.s32 $0x34400, s20  }
0x4: {  	s2 =	smul.u32 $0x27100, s8;
	s4 =	ssub.s32 $0x2, s8;
	[smem:$0x7FF] =	sst s1  }
0x5: {  	s17 =	smul.u32 $0x138800, s8;
	s5 =	sshrl.u32 s4, $0x1;
	s6 =	sadd.s32 $0x6000, s13  }
0x6: {  	s7 =	sadd.s32 $0x7800, s13;
	s8 =	sadd.s32 $0x9000, s13;
	s9 =	sadd.s32 $0xA800, s13  }
0x7: {  	s10 =	sadd.s32 $0xC000, s13;
	s11 =	sadd.s32 $0xD800, s13;
	s12 =	sadd.s32 $0xF000, s13  }
0x8: {  	s16 =	sadd.s32 $0x10800, s13;
	s0 =	sadd.s32 $0x12000, s13;
	s14 =	sadd.s32 s3, s2  }
0x9: {  	s21 =	ssub.s32 s4, s5;
	s2 =	sadd.s32 $0x1800, s13;
	s4 =	sadd.s32 $0x3000, s13  }
0xa: {  	s5 =	sadd.s32 $0x4800, s13;
	s18 =	sadd.s32 s13, s17;
	s26 =	sadd.s32 s17, s6  }
0xb: {  	[dreg:$0x15] =	wrdreg s21;
	s18 =	sshrl.u32 s18, $0x3;
	s19 =	sadd.s32 s17, s2  }
0xc: {  	s24 =	sadd.s32 s17, s4;
	s25 =	sadd.s32 s17, s5;
	s21 =	sadd.s32 s17, s8  }
0xd: {  	s14 =	sshrl.u32 s14, $0x3;
	s22 =	sadd.s32 s15, s18;
	s23 =	sshrl.u32 s19, $0x3  }
0xe: {  	s18 =	sshrl.u32 s25, $0x3;
	s19 =	sadd.s32 s17, s7;
	s25 =	sadd.s32 s17, s10  }
0xf: {  	[dreg:$0x5] =	wrdreg s22;
	s13 =	sadd.s32 s15, s23;
	s3 =	sadd.s32 s15, s18  }
0x10: {  	s18 =	sshrl.u32 s26, $0x3;
	s22 =	sadd.s32 s17, s9;
	[dreg:$0x6] =	wrdreg s13  }
0x11: {  	s26 =	sadd.s32 s17, s11;
	s13 =	sshrl.u32 s24, $0x3;
	[dreg:$0x8] =	wrdreg s3  }
0x12: {  	s24 =	sshrl.u32 s22, $0x3;
	s3 =	sadd.s32 s17, s12;
	s13 =	sadd.s32 s15, s13  }
0x13: {  	s22 =	sadd.s32 s17, s0;
	[dreg:$0x7] =	wrdreg s13;
	s13 =	sadd.s32 s15, s18  }
0x14: {  	s18 =	sshrl.u32 s21, $0x3;
	s21 =	sadd.s32 s17, s16;
	[dreg:$0x9] =	wrdreg s13  }
0x15: {  	s13 =	sshrl.u32 s19, $0x3;
	s23 =	sadd.s32 s15, s18;
	s18 =	sshrl.u32 s26, $0x3  }
0x16: {  	s19 =	sshrl.u32 s3, $0x3;
	s13 =	sadd.s32 s15, s13;
	[dreg:$0xb] =	wrdreg s23  }
0x17: {  	s3 =	stileid.u32;
	s18 =	sadd.s32 s15, s18;
	[dreg:$0xa] =	wrdreg s13  }
0x18: {  	s26 =	sadd.s32 $0xCE00, s20;
	s23 =	sshrl.u32 s21, $0x3;
	[dreg:$0xe] =	wrdreg s18  }
0x19: {  	s21 =	smul.u32 $0x4E000, s3;
	s13 =	sadd.s32 s15, s24;
	s24 =	rddreg [dreg:$0x2]  }
0x1a: {  	p0 =	sne.s32 s3, $0xF;
	s18 =	sshrl.u32 s22, $0x3;
	[dreg:$0xc] =	wrdreg s13  }
0x1b: {  	s13 =	sshrl.u32 s25, $0x3;
	s18 =	sadd.s32 s15, s18;
	s25 =	sshrl.u32 s17, $0x3  }
0x1c: {  	s17 =	rddreg [dreg:$0x3];
	s21 =	sshrl.u32 s21, $0x2;
	s13 =	sadd.s32 s15, s13  }
0x1d: {  	[dreg:$0x11] =	wrdreg s18;
	s18 =	sadd.s32 s14, s24;
	s14 =	sadd.s32 s14, s20  }
0x1e: {  	s20 =	sadd.s32 s21, s17;
	s21 =	sadd.s32 s2, s17;
	s22 =	sadd.s32 s4, s17  }
0x1f: {  	s24 =	sadd.s32 s6, s17;
	s28 =	sadd.s32 s9, s17;
	s29 =	sadd.s32 s10, s17  }
0x20: {  	s30 =	sadd.s32 s11, s17;
	s31 =	sadd.s32 s12, s17;
	s16 =	sadd.s32 s16, s17  }
0x21: {  	s0 =	sadd.s32 s0, s17;
	s6 =	simm.s32 $0x13980;
	s9 =	simm.s32 $0x13900  }
0x22: {  	s10 =	simm.s32 $0x50;
	[dreg:$0xd] =	wrdreg s13;
	s13 =	sadd.s32 s15, s19  }
0x23: {  	s11 =	simm.s32 $0x1;
	s12 =	simm.s32 $0x0;
	[dreg:$0xf] =	wrdreg s13  }
0x24: {  	s19 =	sadd.s32 s15, s23;
	s15 =	sadd.s32 s15, s25;
	s13 =	rddreg [dreg:$0x0]  }
0x25: {  	s23 =	sadd.s32 s5, s17;
	s25 =	sadd.s32 s7, s17;
	[dreg:$0x10] =	wrdreg s19  }
0x26: {  	s4 =	sadd.s32 $0x3000, s14;
	_ =	strace $0x8000004D;
	[dreg:$0x12] =	wrdreg s26  }
0x27: {  	s5 =	sadd.s32 $0x138000, s17;
	s15 =	sadd.s32 $0x27000, s15;
	s19 =	rddreg [dreg:$0x15]  }
0x28: {  	s7 =	simm.s32 $0x2;
	[dreg:$0x13] =	wrdreg s15;
	s2 =	smax.u32 s19, $0x1  }
0x29: {  	s26 =	sadd.s32 s8, s17;
	s8 =	simm.s32 $0x13880;
	[dreg:$0x14] =	wrdreg s2  }
.LBB2_1:
0x2a: {  	s2 =	rddreg [dreg:$0x12]  }
0x2b: {  	[tilespmem:s6], [sflag:$0x2] =	stream.linear.gather [hbm4b:s2+s1], $0x1800, $0x38;
	[tilespmem:$0x16180] =	vst v63  }
0x2c: {  	_ =	swait.ge [sflag:s7], $0x1800  }
0x2d: {  	[sflag:s7] =	ssyncset.done $0x0  }
0x2e: {  	[sflag:s7] =	ssyncadd.s32 $0xFFFFE800  }
0x2f: {  	[spmem:s20] =	stream.linear.scatter [tilespmem:s6], [sflag:$0x2], $0x1800, $0x38;
	[tilespmem:$0x16180] =	vst v63  }
0x30: {  	_ =	swait.ge [sflag:s7], $0x1800  }
0x31: {  	[sflag:s7] =	ssyncset.done $0x0  }
0x32: {  	[sflag:s7] =	ssyncadd.s32 $0xFFFFE800  }
0x33: {  	[spmem:s21] =	stream.linear.scatter [tilespmem:s6], [sflag:$0x2], $0x1800, $0x38;
	[tilespmem:$0x16180] =	vst v63  }
0x34: {  	_ =	swait.ge [sflag:s7], $0x1800  }
0x35: {  	[sflag:s7] =	ssyncset.done $0x0  }
0x36: {  	[sflag:s7] =	ssyncadd.s32 $0xFFFFE800  }
0x37: {  	[spmem:s22] =	stream.linear.scatter [tilespmem:s6], [sflag:$0x2], $0x1800, $0x38;
	[tilespmem:$0x16180] =	vst v63  }
0x38: {  	_ =	swait.ge [sflag:s7], $0x1800  }
0x39: {  	[sflag:s7] =	ssyncset.done $0x0  }
0x3a: {  	[sflag:s7] =	ssyncadd.s32 $0xFFFFE800  }
0x3b: {  	[spmem:s23] =	stream.linear.scatter [tilespmem:s6], [sflag:$0x2], $0x1800, $0x38;
	[tilespmem:$0x16180] =	vst v63  }
0x3c: {  	_ =	swait.ge [sflag:s7], $0x1800  }
0x3d: {  	[sflag:s7] =	ssyncset.done $0x0  }
0x3e: {  	[sflag:s7] =	ssyncadd.s32 $0xFFFFE800  }
0x3f: {  	[spmem:s24] =	stream.linear.scatter [tilespmem:s6], [sflag:$0x2], $0x1800, $0x38;
	[tilespmem:$0x16180] =	vst v63  }
0x40: {  	_ =	swait.ge [sflag:s7], $0x1800  }
0x41: {  	[sflag:s7] =	ssyncset.done $0x0  }
0x42: {  	[sflag:s7] =	ssyncadd.s32 $0xFFFFE800  }
0x43: {  	[spmem:s25] =	stream.linear.scatter [tilespmem:s6], [sflag:$0x2], $0x1800, $0x38;
	[tilespmem:$0x16180] =	vst v63  }
0x44: {  	_ =	swait.ge [sflag:s7], $0x1800  }
0x45: {  	[sflag:s7] =	ssyncset.done $0x0  }
0x46: {  	[sflag:s7] =	ssyncadd.s32 $0xFFFFE800  }
0x47: {  	[spmem:s26] =	stream.linear.scatter [tilespmem:s6], [sflag:$0x2], $0x1800, $0x38;
	[tilespmem:$0x16180] =	vst v63  }
0x48: {  	_ =	swait.ge [sflag:s7], $0x1800  }
0x49: {  	[sflag:s7] =	ssyncset.done $0x0  }
0x4a: {  	[sflag:s7] =	ssyncadd.s32 $0xFFFFE800  }
0x4b: {  	[spmem:s28] =	stream.linear.scatter [tilespmem:s6], [sflag:$0x2], $0x1800, $0x38;
	[tilespmem:$0x16180] =	vst v63  }
0x4c: {  	_ =	swait.ge [sflag:s7], $0x1800  }
0x4d: {  	[sflag:s7] =	ssyncset.done $0x0  }
0x4e: {  	[sflag:s7] =	ssyncadd.s32 $0xFFFFE800  }
0x4f: {  	[spmem:s29] =	stream.linear.scatter [tilespmem:s6], [sflag:$0x2], $0x1800, $0x38;
	[tilespmem:$0x16180] =	vst v63  }
0x50: {  	_ =	swait.ge [sflag:s7], $0x1800  }
0x51: {  	[sflag:s7] =	ssyncset.done $0x0  }
0x52: {  	[sflag:s7] =	ssyncadd.s32 $0xFFFFE800  }
0x53: {  	[spmem:s30] =	stream.linear.scatter [tilespmem:s6], [sflag:$0x2], $0x1800, $0x38;
	[tilespmem:$0x16180] =	vst v63  }
0x54: {  	_ =	swait.ge [sflag:s7], $0x1800  }
0x55: {  	[sflag:s7] =	ssyncset.done $0x0  }
0x56: {  	[sflag:s7] =	ssyncadd.s32 $0xFFFFE800  }
0x57: {  	[spmem:s31] =	stream.linear.scatter [tilespmem:s6], [sflag:$0x2], $0x1800, $0x38;
	[tilespmem:$0x16180] =	vst v63  }
0x58: {  	_ =	swait.ge [sflag:s7], $0x1800  }
0x59: {  	[sflag:s7] =	ssyncset.done $0x0  }
0x5a: {  	[sflag:s7] =	ssyncadd.s32 $0xFFFFE800  }
0x5b: {  	[spmem:s16] =	stream.linear.scatter [tilespmem:s6], [sflag:$0x2], $0x1800, $0x38;
	[tilespmem:$0x16180] =	vst v63  }
0x5c: {  	_ =	swait.ge [sflag:s7], $0x1800  }
0x5d: {  	[sflag:s7] =	ssyncset.done $0x0  }
0x5e: {  	[sflag:s7] =	ssyncadd.s32 $0xFFFFE800  }
0x5f: {  	[spmem:s0] =	stream.linear.scatter [tilespmem:s6], [sflag:$0x2], $0x1800, $0x38;
	[tilespmem:$0x16180] =	vst v63  }
0x60: {  	_ =	swait.ge [sflag:s7], $0x1800  }
0x61: {  	[sflag:s7] =	ssyncset.done $0x0  }
0x62: {  	s14 =	simm.s32 @!p0 $0x13980;
	[sflag:s7] =	ssyncadd.s32 $0xFFFFE800  }
0x63: {  	[spmem:s5] =	stream.linear.scatter @!p0 [tilespmem:s14], [sflag:$0x2], $0x800, $0x38;
	[tilespmem:$0x16180] =	vst v63  }
0x64: {  	s14 =	simm.s32 @!p0 $0x2  }
0x65: {  	_ =	swait.ge @!p0 [sflag:s14], $0x800  }
0x66: {  	[sflag:s14] =	ssyncset.done @!p0 $0x0  }
0x67: {  	[sflag:s14] =	ssyncadd.s32 @!p0 $0xFFFFF800  }
0x68: {  	s15 =	sadd.s32 $0x0, s4;
	[bflag:$0x0] =	sbarrier.arrive $0xFFFF  }
0x69: {  	[tilespmem:s8], [sflag:$0x2] =	stream.linear.gather [hbm4b:s15+s1], $0x50, $0x38;
	[tilespmem:$0x16180] =	vst v63  }
0x6a: {  	_ =	swait.ge [sflag:s7], $0x50  }
0x6b: {  	[sflag:s7] =	ssyncset.done $0x0  }
0x6c: {  	s19 =	sadd.s32 $0x0, s18;
	[sflag:s7] =	ssyncadd.s32 $0xFFFFFFB0  }
0x6d: {  	[tilespmem:s9], [sflag:$0x2] =	stream.linear.gather [hbm4b:s19+s1], $0x50, $0x38;
	[tilespmem:$0x16180] =	vst v63  }
0x6e: {  	_ =	swait.ge [sflag:s7], $0x50  }
0x6f: {  	[sflag:s7] =	ssyncset.done $0x0  }
0x70: {  	[sflag:s7] =	ssyncadd.s32 $0xFFFFFFB0  }
0x71: {  	[tilespmem:s6], [sflag:$0x1] =	stream.indirect.gather [hbm4b:s13+s10], $0x80, s8, s10, $0xb8;
	[tilespmem:$0x16180] =	vst v63  }
0x72: {  	_ =	swait.ge [sflag:s11], $0x2800  }
0x73: {  	[sflag:s11] =	ssyncset.done $0x0  }
0x74: {  	[sflag:s11] =	ssyncadd.s32 $0xFFFFD800  }
0x75: {  	[spmem:s17] =	stream.indirect.scatter.add.f32 [tilespmem:s6], [sflag:$0x2], $0x80, s9, s10, $0xb8;
	[tilespmem:$0x16180] =	vst v63  }
0x76: {  	_ =	swait.ge [sflag:s7], $0x2800  }
0x77: {  	s14 =	simm.s32 $0xA;
	s15 =	simm.s32 $0x14;
	[sflag:s7] =	ssyncset.done $0x0  }
.LBB2_2:
0x78: {  	s19 =	sadd.s32 s14, s4  }
0x79: {  	[sflag:s7] =	ssyncadd.s32 $0xFFFFD800;
	s2 =	smov.u32 s15;
	s3 =	sadd.s32 $0xA, s15  }
0x7a: {  	[tilespmem:s8], [sflag:$0x2] =	stream.linear.gather [hbm4b:s19+s1], $0x50, $0x38;
	[tilespmem:$0x16180] =	vst v63  }
0x7b: {  	p1 =	sne.s32 s15, $0x4D8;
	_ =	swait.ge [sflag:s7], $0x50  }
0x7c: {  	[sflag:s7] =	ssyncset.done $0x0  }
0x7d: {  	s15 =	sadd.s32 s14, s18;
	s14 =	smov.u32 s2;
	[sflag:s7] =	ssyncadd.s32 $0xFFFFFFB0  }
0x7e: {  	[tilespmem:s9], [sflag:$0x2] =	stream.linear.gather [hbm4b:s15+s1], $0x50, $0x38;
	[tilespmem:$0x16180] =	vst v63  }
0x7f: {  	_ =	swait.ge [sflag:s7], $0x50  }
0x80: {  	[sflag:s7] =	ssyncset.done $0x0  }
0x81: {  	[sflag:s7] =	ssyncadd.s32 $0xFFFFFFB0  }
0x82: {  	[tilespmem:s6], [sflag:$0x1] =	stream.indirect.gather [hbm4b:s13+s10], $0x80, s8, s10, $0xb8;
	[tilespmem:$0x16180] =	vst v63  }
0x83: {  	_ =	swait.ge [sflag:s11], $0x2800  }
.Ltmp0:
0x84: {  	[sflag:s11] =	ssyncset.done $0x0;
	(pc) =	sbr.rel @p1 .LBB2_2-.Ltmp0, $4  }
0x85: {  	[sflag:s11] =	ssyncadd.s32 $0xFFFFD800  }
0x86: {  	[spmem:s17] =	stream.indirect.scatter.add.f32 [tilespmem:s6], [sflag:$0x2], $0x80, s9, s10, $0xb8;
	[tilespmem:$0x16180] =	vst v63  }
0x87: {  	_ =	swait.ge [sflag:s7], $0x2800  }
0x88: {  	s15 =	smov.u32 s3;
	[sflag:s7] =	ssyncset.done $0x0  }
0x89: {  	s2 =	sadd.s32 s14, s4;
	[sflag:s7] =	ssyncadd.s32 $0xFFFFD800  }
0x8a: {  	[tilespmem:s8], [sflag:$0x2] =	stream.linear.gather [hbm4b:s2+s1], $0x50, $0x38;
	[tilespmem:$0x16180] =	vst v63  }
0x8b: {  	_ =	swait.ge [sflag:s7], $0x50  }
0x8c: {  	[sflag:s7] =	ssyncset.done $0x0  }
0x8d: {  	s14 =	sadd.s32 s14, s18;
	[sflag:s7] =	ssyncadd.s32 $0xFFFFFFB0  }
0x8e: {  	[tilespmem:s9], [sflag:$0x2] =	stream.linear.gather [hbm4b:s14+s1], $0x50, $0x38;
	[tilespmem:$0x16180] =	vst v63  }
0x8f: {  	_ =	swait.ge [sflag:s7], $0x50  }
0x90: {  	[sflag:s7] =	ssyncset.done $0x0  }
0x91: {  	[sflag:s7] =	ssyncadd.s32 $0xFFFFFFB0  }
0x92: {  	[tilespmem:s6], [sflag:$0x1] =	stream.indirect.gather [hbm4b:s13+s10], $0x80, s8, s10, $0xb8;
	[tilespmem:$0x16180] =	vst v63  }
0x93: {  	_ =	swait.ge [sflag:s11], $0x2800  }
0x94: {  	[sflag:s11] =	ssyncset.done $0x0  }
0x95: {  	[sflag:s11] =	ssyncadd.s32 $0xFFFFD800  }
0x96: {  	[spmem:s17] =	stream.indirect.scatter.add.f32 [tilespmem:s6], [sflag:$0x2], $0x80, s9, s10, $0xb8;
	[tilespmem:$0x16180] =	vst v63  }
0x97: {  	_ =	swait.ge [sflag:s7], $0x2800  }
0x98: {  	[sflag:s7] =	ssyncset.done $0x0  }
0x99: {  	[sflag:s7] =	ssyncadd.s32 $0xFFFFD800  }
0x9a: {  	[bflag:$0x0] =	sbarrier.arrive $0xFFFF  }
0x9b: {  	[tilespmem:s6], [sflag:$0x2] =	stream.linear.gather [spmem:s20], $0x1800, $0x38;
	[tilespmem:$0x16180] =	vst v63  }
0x9c: {  	_ =	swait.ge [sflag:s7], $0x1800  }
0x9d: {  	[sflag:s7] =	ssyncset.done $0x0  }
0x9e: {  	s15 =	rddreg [dreg:$0x5];
	[sflag:s7] =	ssyncadd.s32 $0xFFFFE800  }
0x9f: {  	[hbm4b:s15+s1] =	stream.linear.scatter [tilespmem:s6], [sflag:$0x2], $0x1800, $0x38;
	[tilespmem:$0x16180] =	vst v63  }
0xa0: {  	_ =	swait.ge [sflag:s7], $0x1800  }
0xa1: {  	[sflag:s7] =	ssyncset.done $0x0  }
0xa2: {  	[sflag:s7] =	ssyncadd.s32 $0xFFFFE800  }
0xa3: {  	[tilespmem:s6], [sflag:$0x2] =	stream.linear.gather [spmem:s21], $0x1800, $0x38;
	[tilespmem:$0x16180] =	vst v63  }
0xa4: {  	_ =	swait.ge [sflag:s7], $0x1800  }
0xa5: {  	[sflag:s7] =	ssyncset.done $0x0  }
0xa6: {  	s19 =	rddreg [dreg:$0x6];
	[sflag:s7] =	ssyncadd.s32 $0xFFFFE800  }
0xa7: {  	[hbm4b:s19+s1] =	stream.linear.scatter [tilespmem:s6], [sflag:$0x2], $0x1800, $0x38;
	[tilespmem:$0x16180] =	vst v63  }
0xa8: {  	_ =	swait.ge [sflag:s7], $0x1800  }
0xa9: {  	[sflag:s7] =	ssyncset.done $0x0  }
0xaa: {  	[sflag:s7] =	ssyncadd.s32 $0xFFFFE800  }
0xab: {  	[tilespmem:s6], [sflag:$0x2] =	stream.linear.gather [spmem:s22], $0x1800, $0x38;
	[tilespmem:$0x16180] =	vst v63  }
0xac: {  	_ =	swait.ge [sflag:s7], $0x1800  }
0xad: {  	[sflag:s7] =	ssyncset.done $0x0  }
0xae: {  	s3 =	rddreg [dreg:$0x7];
	[sflag:s7] =	ssyncadd.s32 $0xFFFFE800  }
0xaf: {  	[hbm4b:s3+s1] =	stream.linear.scatter [tilespmem:s6], [sflag:$0x2], $0x1800, $0x38;
	[tilespmem:$0x16180] =	vst v63  }
0xb0: {  	_ =	swait.ge [sflag:s7], $0x1800  }
0xb1: {  	[sflag:s7] =	ssyncset.done $0x0  }
0xb2: {  	[sflag:s7] =	ssyncadd.s32 $0xFFFFE800  }
0xb3: {  	[tilespmem:s6], [sflag:$0x2] =	stream.linear.gather [spmem:s23], $0x1800, $0x38;
	[tilespmem:$0x16180] =	vst v63  }
0xb4: {  	_ =	swait.ge [sflag:s7], $0x1800  }
0xb5: {  	[sflag:s7] =	ssyncset.done $0x0  }
0xb6: {  	s14 =	rddreg [dreg:$0x8];
	[sflag:s7] =	ssyncadd.s32 $0xFFFFE800  }
0xb7: {  	[hbm4b:s14+s1] =	stream.linear.scatter [tilespmem:s6], [sflag:$0x2], $0x1800, $0x38;
	[tilespmem:$0x16180] =	vst v63  }
0xb8: {  	_ =	swait.ge [sflag:s7], $0x1800  }
0xb9: {  	[sflag:s7] =	ssyncset.done $0x0  }
0xba: {  	[sflag:s7] =	ssyncadd.s32 $0xFFFFE800  }
0xbb: {  	[tilespmem:s6], [sflag:$0x2] =	stream.linear.gather [spmem:s24], $0x1800, $0x38;
	[tilespmem:$0x16180] =	vst v63  }
0xbc: {  	_ =	swait.ge [sflag:s7], $0x1800  }
0xbd: {  	[sflag:s7] =	ssyncset.done $0x0  }
0xbe: {  	s15 =	rddreg [dreg:$0x9];
	[sflag:s7] =	ssyncadd.s32 $0xFFFFE800  }
0xbf: {  	[hbm4b:s15+s1] =	stream.linear.scatter [tilespmem:s6], [sflag:$0x2], $0x1800, $0x38;
	[tilespmem:$0x16180] =	vst v63  }
0xc0: {  	_ =	swait.ge [sflag:s7], $0x1800  }
0xc1: {  	[sflag:s7] =	ssyncset.done $0x0  }
0xc2: {  	[sflag:s7] =	ssyncadd.s32 $0xFFFFE800  }
0xc3: {  	[tilespmem:s6], [sflag:$0x2] =	stream.linear.gather [spmem:s25], $0x1800, $0x38;
	[tilespmem:$0x16180] =	vst v63  }
0xc4: {  	_ =	swait.ge [sflag:s7], $0x1800  }
0xc5: {  	[sflag:s7] =	ssyncset.done $0x0  }
0xc6: {  	s19 =	rddreg [dreg:$0xa];
	[sflag:s7] =	ssyncadd.s32 $0xFFFFE800  }
0xc7: {  	[hbm4b:s19+s1] =	stream.linear.scatter [tilespmem:s6], [sflag:$0x2], $0x1800, $0x38;
	[tilespmem:$0x16180] =	vst v63  }
0xc8: {  	_ =	swait.ge [sflag:s7], $0x1800  }
0xc9: {  	[sflag:s7] =	ssyncset.done $0x0  }
0xca: {  	[sflag:s7] =	ssyncadd.s32 $0xFFFFE800  }
0xcb: {  	[tilespmem:s6], [sflag:$0x2] =	stream.linear.gather [spmem:s26], $0x1800, $0x38;
	[tilespmem:$0x16180] =	vst v63  }
0xcc: {  	_ =	swait.ge [sflag:s7], $0x1800  }
0xcd: {  	[sflag:s7] =	ssyncset.done $0x0  }
0xce: {  	s3 =	rddreg [dreg:$0xb];
	[sflag:s7] =	ssyncadd.s32 $0xFFFFE800  }
0xcf: {  	[hbm4b:s3+s1] =	stream.linear.scatter [tilespmem:s6], [sflag:$0x2], $0x1800, $0x38;
	[tilespmem:$0x16180] =	vst v63  }
0xd0: {  	_ =	swait.ge [sflag:s7], $0x1800  }
0xd1: {  	[sflag:s7] =	ssyncset.done $0x0  }
0xd2: {  	[sflag:s7] =	ssyncadd.s32 $0xFFFFE800  }
0xd3: {  	[tilespmem:s6], [sflag:$0x2] =	stream.linear.gather [spmem:s28], $0x1800, $0x38;
	[tilespmem:$0x16180] =	vst v63  }
0xd4: {  	_ =	swait.ge [sflag:s7], $0x1800  }
0xd5: {  	[sflag:s7] =	ssyncset.done $0x0  }
0xd6: {  	s14 =	rddreg [dreg:$0xc];
	[sflag:s7] =	ssyncadd.s32 $0xFFFFE800  }
0xd7: {  	[hbm4b:s14+s1] =	stream.linear.scatter [tilespmem:s6], [sflag:$0x2], $0x1800, $0x38;
	[tilespmem:$0x16180] =	vst v63  }
0xd8: {  	_ =	swait.ge [sflag:s7], $0x1800  }
0xd9: {  	[sflag:s7] =	ssyncset.done $0x0  }
0xda: {  	[sflag:s7] =	ssyncadd.s32 $0xFFFFE800  }
0xdb: {  	[tilespmem:s6], [sflag:$0x2] =	stream.linear.gather [spmem:s29], $0x1800, $0x38;
	[tilespmem:$0x16180] =	vst v63  }
0xdc: {  	_ =	swait.ge [sflag:s7], $0x1800  }
0xdd: {  	[sflag:s7] =	ssyncset.done $0x0  }
0xde: {  	s15 =	rddreg [dreg:$0xd];
	[sflag:s7] =	ssyncadd.s32 $0xFFFFE800  }
0xdf: {  	[hbm4b:s15+s1] =	stream.linear.scatter [tilespmem:s6], [sflag:$0x2], $0x1800, $0x38;
	[tilespmem:$0x16180] =	vst v63  }
0xe0: {  	_ =	swait.ge [sflag:s7], $0x1800  }
0xe1: {  	[sflag:s7] =	ssyncset.done $0x0  }
0xe2: {  	[sflag:s7] =	ssyncadd.s32 $0xFFFFE800  }
0xe3: {  	[tilespmem:s6], [sflag:$0x2] =	stream.linear.gather [spmem:s30], $0x1800, $0x38;
	[tilespmem:$0x16180] =	vst v63  }
0xe4: {  	_ =	swait.ge [sflag:s7], $0x1800  }
0xe5: {  	[sflag:s7] =	ssyncset.done $0x0  }
0xe6: {  	s19 =	rddreg [dreg:$0xe];
	[sflag:s7] =	ssyncadd.s32 $0xFFFFE800  }
0xe7: {  	[hbm4b:s19+s1] =	stream.linear.scatter [tilespmem:s6], [sflag:$0x2], $0x1800, $0x38;
	[tilespmem:$0x16180] =	vst v63  }
0xe8: {  	_ =	swait.ge [sflag:s7], $0x1800  }
0xe9: {  	[sflag:s7] =	ssyncset.done $0x0  }
0xea: {  	[sflag:s7] =	ssyncadd.s32 $0xFFFFE800  }
0xeb: {  	[tilespmem:s6], [sflag:$0x2] =	stream.linear.gather [spmem:s31], $0x1800, $0x38;
	[tilespmem:$0x16180] =	vst v63  }
0xec: {  	_ =	swait.ge [sflag:s7], $0x1800  }
0xed: {  	[sflag:s7] =	ssyncset.done $0x0  }
0xee: {  	s3 =	rddreg [dreg:$0xf];
	[sflag:s7] =	ssyncadd.s32 $0xFFFFE800  }
0xef: {  	[hbm4b:s3+s1] =	stream.linear.scatter [tilespmem:s6], [sflag:$0x2], $0x1800, $0x38;
	[tilespmem:$0x16180] =	vst v63  }
0xf0: {  	_ =	swait.ge [sflag:s7], $0x1800  }
0xf1: {  	[sflag:s7] =	ssyncset.done $0x0  }
0xf2: {  	[sflag:s7] =	ssyncadd.s32 $0xFFFFE800  }
0xf3: {  	[tilespmem:s6], [sflag:$0x2] =	stream.linear.gather [spmem:s16], $0x1800, $0x38;
	[tilespmem:$0x16180] =	vst v63  }
0xf4: {  	_ =	swait.ge [sflag:s7], $0x1800  }
0xf5: {  	[sflag:s7] =	ssyncset.done $0x0  }
0xf6: {  	s14 =	rddreg [dreg:$0x10];
	[sflag:s7] =	ssyncadd.s32 $0xFFFFE800  }
0xf7: {  	[hbm4b:s14+s1] =	stream.linear.scatter [tilespmem:s6], [sflag:$0x2], $0x1800, $0x38;
	[tilespmem:$0x16180] =	vst v63  }
0xf8: {  	_ =	swait.ge [sflag:s7], $0x1800  }
0xf9: {  	[sflag:s7] =	ssyncset.done $0x0  }
0xfa: {  	[sflag:s7] =	ssyncadd.s32 $0xFFFFE800  }
0xfb: {  	[tilespmem:s6], [sflag:$0x2] =	stream.linear.gather [spmem:s0], $0x1800, $0x38;
	[tilespmem:$0x16180] =	vst v63  }
0xfc: {  	_ =	swait.ge [sflag:s7], $0x1800  }
0xfd: {  	[sflag:s7] =	ssyncset.done $0x0  }
0xfe: {  	s15 =	rddreg [dreg:$0x11];
	[sflag:s7] =	ssyncadd.s32 $0xFFFFE800  }
0xff: {  	[hbm4b:s15+s1] =	stream.linear.scatter [tilespmem:s6], [sflag:$0x2], $0x1800, $0x38;
	[tilespmem:$0x16180] =	vst v63  }
0x100: {  	_ =	swait.ge [sflag:s7], $0x1800  }
0x101: {  	[sflag:s7] =	ssyncset.done $0x0  }
0x102: {  	s2 =	simm.s32 @!p0 $0x13980;
	s3 =	simm.s32 @!p0 $0x2;
	[sflag:s7] =	ssyncadd.s32 $0xFFFFE800  }
0x103: {  	[tilespmem:s2], [sflag:$0x2] =	stream.linear.gather @!p0 [spmem:s5], $0x800, $0x38;
	[tilespmem:$0x16180] =	vst v63  }
0x104: {  	_ =	swait.ge @!p0 [sflag:s3], $0x800  }
0x105: {  	[sflag:s3] =	ssyncset.done @!p0 $0x0  }
0x106: {  	s14 =	simm.s32 @!p0 $0x0;
	s15 =	rddreg [dreg:$0x13];
	[sflag:s3] =	ssyncadd.s32 @!p0 $0xFFFFF800  }
0x107: {  	[hbm4b:s15+s14] =	stream.linear.scatter @!p0 [tilespmem:s2], [sflag:$0x2], $0x800, $0x38;
	[tilespmem:$0x16180] =	vst v63  }
0x108: {  	_ =	swait.ge @!p0 [sflag:s3], $0x800  }
0x109: {  	s12 =	sadd.s32 $0x1, s12;
	s19 =	rddreg [dreg:$0x14]  }
0x10a: {  	p1 =	sne.s32 s12, s19  }
.Ltmp1:
0x10b: {  	_ = 	snop;
	(pc) =	sbr.rel @p1 .LBB2_1-.Ltmp1, $3  }
0x10c: {  	_ =	sdelay $0x1  }
0x10d: {  	[sflag:s3] =	ssyncset.done @!p0 $0x0  }
0x10e: {  	[sflag:s3] =	ssyncadd.s32 @!p0 $0xFFFFF800  }
0x10f: {  	_ =	sfence.sel $0x180000  }
0x110: {  	[bflag:$0x0] =	sbarrier.arrive $0xFFFF  }
0x111: {  	_ =	strace $0x9000004D  }
0x112: {  	s0 =	stileid.u32;
	[bflag:$0x2] =	sbarrier.arrive $0xFFFF  }
0x113: {  	p0 =	sne.s32 s0, $0x0;
	s0 =	rddreg [dreg:$0x4]  }
0x114: {  	s0 =	sadd.s32 @!p0 $0x100000, s0  }
0x115: {  	[sflag:s0] =	ssyncadd.tile.s32 @!p0 $0x1;
	_ =	shalt  }
.Lfunc_end2:
_tile_overlayer_lowered:
.L_overlay_start_2:
0x116: {  	(tag) =	ssettag $0x2  }
0x117: {  	s0 =	rddreg [dreg:$0x0];
	s2 =	stileid.u32  }
0x118: {  	s1 =	rddreg [dreg:$0x1];
	p0 =	sne.s32 s2, $0x0  }
0x119: {  	s3 =	rddreg [dreg:$0x2];
	[bflag:$0x3] =	sbarrier.arrive $0xFFFF;
	s2 =	simm.s32 @!p0 $0x1C02  }
0x11a: {  	[timem:s3], [sflag:s2] =	dma.local @!p0 [hbm:s0], s1  }
0x11b: {  	s0 =	simm.s32 @!p0 $0x2  }
0x11c: {  	_ =	swait.ge @!p0 [sflag:s0], s1  }
0x11d: {  	s1 =	ssub.s32 @!p0 $0x0, s1;
	[sflag:s0] =	ssyncset.done @!p0 $0x0  }
0x11e: {  	[sflag:s0] =	ssyncadd.s32 @!p0 s1  }
0x11f: {  	[bflag:$0x3] =	sbarrier.arrive $0xFFFF  }
0x120: {  	_ =	shalt  }

</sc_bundles>
